<compile_context>
chip_gen: v7x
topology: tpu7x:2x2x1
jax: 0.10.2.dev20260603
libtpu: 0.0.44.dev20260713+nightly
codegen_flags: <defaults>
</compile_context>

<pallas_src>
import jax
import jax.numpy as jnp
from jax import lax
from jax.experimental import pallas as pl
from jax.experimental.pallas import tpu as pltpu
from jax.experimental.pallas import tpu_sc as plsc

_NC = 2
_NS = 16
_NW = _NC * _NS
_CH = 128
_WIN = 10
_SPARE = 16


def _pad_edges(e):
    gran = _CH * _WIN
    ew = -(-e // _NW)
    return -(-ew // gran) * gran


def _make_sc_conv(n, d, ew):
    nchunk = ew // _CH
    nwin = nchunk // _WIN
    npad = n + _SPARE
    _NT = 10
    rpt = n // _NT
    assert nchunk * _CH == ew and nwin * _WIN == nchunk
    assert rpt % 8 == 0 and _NT * rpt == n

    mesh = plsc.VectorSubcoreMesh(core_axis_name="c", subcore_axis_name="s")

    def body(h_hbm, src_hbm, dst_hbm, z_hbm, out_hbm,
             src_v, dst_v, rows_v, g0, g1, acc_sh):
        gsem = [g0, g1]
        c = lax.axis_index("c")
        s = lax.axis_index("s")
        w = s * _NC + c
        base = s * rpt

        @pl.when(s < _NT)
        def _zero_acc():
            pltpu.sync_copy(z_hbm.at[pl.ds(base, rpt)],
                            acc_sh.at[pl.ds(base, rpt)])

        plsc.subcore_barrier()

        def _win(wi, carry):
            pltpu.sync_copy(src_hbm.at[w * nwin + wi], src_v)
            pltpu.sync_copy(dst_hbm.at[w * nwin + wi], dst_v)
            pltpu.async_copy(h_hbm.at[src_v.at[0]], rows_v.at[0], gsem[0])
            for j in range(_WIN):
                b = j % 2
                pltpu.make_async_copy(h_hbm.at[src_v.at[j]],
                                      rows_v.at[b], gsem[b]).wait()
                if j + 1 < _WIN:
                    pltpu.async_copy(h_hbm.at[src_v.at[j + 1]],
                                     rows_v.at[1 - b], gsem[1 - b])
                pltpu.sync_copy(rows_v.at[b],
                                acc_sh.at[dst_v.at[j]], add=True)
            return carry
        lax.fori_loop(0, nwin, _win, 0)

        plsc.subcore_barrier()

        @pl.when(s < _NT)
        def _readout():
            pltpu.sync_copy(acc_sh.at[pl.ds(base, rpt)],
                            out_hbm.at[pl.ds(c * n + base, rpt)])

    return pl.kernel(
        body, out_type=jax.ShapeDtypeStruct((_NC * n, d), jnp.float32),
        mesh=mesh,
        scratch_types=[
            pltpu.VMEM((_WIN, _CH), jnp.int32),
            pltpu.VMEM((_WIN, _CH), jnp.int32),
            pltpu.VMEM((2, _CH, d), jnp.float32),
            pltpu.SemaphoreType.DMA,
            pltpu.SemaphoreType.DMA,
            pltpu.VMEM_SHARED((npad, d), jnp.float32),
        ])


def _make_sc_deg(n, d, ew):
    nchunk = ew // _CH
    nwin = nchunk // _WIN
    npad = n + _SPARE
    _NT = 10
    rpt = n // _NT
    assert nwin * _WIN == nchunk

    mesh = plsc.VectorSubcoreMesh(core_axis_name="c", subcore_axis_name="s")

    def body(dst_hbm, z_hbm, ones_hbm, out_hbm, dst_v, ones_v, acc_sh, sem):
        c = lax.axis_index("c")
        s = lax.axis_index("s")
        w = s * _NC + c
        base = s * rpt

        @pl.when(s < _NT)
        def _zero_acc():
            pltpu.sync_copy(z_hbm.at[pl.ds(base, rpt)],
                            acc_sh.at[pl.ds(base, rpt)])
        pltpu.sync_copy(ones_hbm, ones_v)

        plsc.subcore_barrier()

        def _win(wi, carry):
            pltpu.sync_copy(dst_hbm.at[w * nwin + wi], dst_v)
            sd = [None] * _WIN
            for j in range(_WIN):
                sd[j] = pltpu.async_copy(
                    ones_v, acc_sh.at[dst_v.at[j]], sem, add=True)
            for j in range(_WIN):
                sd[j].wait()
            return carry
        lax.fori_loop(0, nwin, _win, 0)

        plsc.subcore_barrier()

        @pl.when(s < _NT)
        def _readout():
            pltpu.sync_copy(acc_sh.at[pl.ds(base, rpt)],
                            out_hbm.at[pl.ds(c * n + base, rpt)])

    return pl.kernel(
        body, out_type=jax.ShapeDtypeStruct((_NC * n, d), jnp.float32),
        mesh=mesh,
        scratch_types=[
            pltpu.VMEM((_WIN, _CH), jnp.int32),
            pltpu.VMEM((_CH, d), jnp.float32),
            pltpu.VMEM_SHARED((npad, d), jnp.float32),
            pltpu.SemaphoreType.DMA,
        ])


def _lin_body(x_ref, w_ref, b_ref, o_ref):
    o_ref[...] = (jnp.dot(x_ref[...], w_ref[...],
                          preferred_element_type=jnp.float32) + b_ref[...])


def _combine_body(h_ref, p_ref, g_ref, o_ref, r_ref):
    deg = g_ref[0, :, 0:1] + g_ref[1, :, 0:1]
    rdeg = 1.0 / jnp.maximum(deg, 1.0)
    mean = (p_ref[0] + p_ref[1]) * rdeg
    o_ref[...] = jnp.maximum(0.5 * (h_ref[...] + mean), 0.0)
    r_ref[...] = jnp.broadcast_to(rdeg, h_ref.shape)


def _combine_mm_body(h_ref, p_ref, r_ref, w_ref, b_ref, o_ref):
    t = 0.5 * (h_ref[...] + (p_ref[0] + p_ref[1]) * r_ref[...])
    o_ref[...] = jnp.maximum(
        jnp.dot(t, w_ref[...], preferred_element_type=jnp.float32)
        + b_ref[...], 0.0)


def kernel(x, edge_index, W1, b1, W2, b2, W3, b3):
    n, d = x.shape
    e = edge_index.shape[1]
    ew = _pad_edges(e)
    base_ew = e // _NW
    pad = ew - base_ew
    src0 = edge_index[0].astype(jnp.int32).reshape(_NW, base_ew)
    dst0 = edge_index[1].astype(jnp.int32).reshape(_NW, base_ew)
    if pad:
        psrc = jnp.broadcast_to((jnp.arange(pad, dtype=jnp.int32) * 37) % n,
                                (_NW, pad))
        pdst = jnp.broadcast_to(n + (jnp.arange(pad, dtype=jnp.int32)
                                     % _SPARE), (_NW, pad))
        src0 = jnp.concatenate([src0, psrc], axis=1)
        dst0 = jnp.concatenate([dst0, pdst], axis=1)
    nwin = (ew // _CH) // _WIN
    src = src0.reshape(_NW * nwin, _WIN, _CH)
    dst = dst0.reshape(_NW * nwin, _WIN, _CH)
    z_nd = jnp.zeros((n, d), jnp.float32)
    ones_chd = jnp.ones((_CH, d), jnp.float32)

    deg_k = _make_sc_deg(n, d, ew)
    conv = _make_sc_conv(n, d, ew)

    blk = 1000
    grid = (n // blk,)
    f32 = jnp.float32

    def _spec_h(i):
        return (i, 0)

    def _spec_w(i):
        return (0, 0)

    def _spec_p(i):
        return (0, i, 0)

    lin1 = pl.pallas_call(
        _lin_body, grid=grid,
        in_specs=[pl.BlockSpec((blk, d), _spec_h),
                  pl.BlockSpec((d, d), _spec_w),
                  pl.BlockSpec((1, d), _spec_w)],
        out_specs=pl.BlockSpec((blk, d), _spec_h),
        out_shape=jax.ShapeDtypeStruct((n, d), f32))

    combine = pl.pallas_call(
        _combine_body, grid=grid,
        in_specs=[pl.BlockSpec((blk, d), _spec_h),
                  pl.BlockSpec((_NC, blk, d), _spec_p),
                  pl.BlockSpec((_NC, blk, d), _spec_p)],
        out_specs=[pl.BlockSpec((blk, d), _spec_h),
                   pl.BlockSpec((blk, d), _spec_h)],
        out_shape=[jax.ShapeDtypeStruct((n, d), f32),
                   jax.ShapeDtypeStruct((n, d), f32)])

    combine_mm = pl.pallas_call(
        _combine_mm_body, grid=grid,
        in_specs=[pl.BlockSpec((blk, d), _spec_h),
                  pl.BlockSpec((_NC, blk, d), _spec_p),
                  pl.BlockSpec((blk, d), _spec_h),
                  pl.BlockSpec((d, d), _spec_w),
                  pl.BlockSpec((1, d), _spec_w)],
        out_specs=pl.BlockSpec((blk, d), _spec_h),
        out_shape=jax.ShapeDtypeStruct((n, d), f32))

    h0 = lin1(x, W1, b1.reshape(1, d))
    degp = deg_k(dst, z_nd, ones_chd)
    p1 = conv(h0, src, dst, z_nd)
    h1, rdeg = combine(h0, p1.reshape(_NC, n, d), degp.reshape(_NC, n, d))
    p2 = conv(h1, src, dst, z_nd)
    h2 = combine_mm(h1, p2.reshape(_NC, n, d), rdeg, W2, b2.reshape(1, d))
    p3 = conv(h2, src, dst, z_nd)
    h3 = combine_mm(h2, p3.reshape(_NC, n, d), rdeg, W3, b3.reshape(1, d))
    return h3

# --- scband reference (transcript-rebuilt; emitter-appended) ---
"""Pipeline reference for scband-encoder-wlconv-continuous-80015240725024 (READ-ONLY COPY).

The authoritative reference and input builder live on the scoring server;
editing this copy changes nothing except your own understanding.
"""

import jax, jax.numpy as jnp
import numpy as np

N = 10000
E = 320000
D = 128
UNIQUE_USER = 128
HIDDEN = 128


def _wl_conv(x, src, dst, n):
    # WLConvContinuous: out_i = 0.5 * (x_i + mean_{j in N(i)} x_j)
    agg = jax.ops.segment_sum(x[src], dst, num_segments=n)
    deg = jax.ops.segment_sum(jnp.ones((dst.shape[0],), dtype=x.dtype), dst, num_segments=n)
    mean = agg / jnp.clip(deg, 1.0)[:, None]
    return 0.5 * (x + mean)


def setup_inputs(seed: int = 0):
    key = jax.random.key(seed)
    ks = jax.random.split(key, 8)
    x = jax.random.normal(ks[0], (N, D), dtype=jnp.float32)
    edge_index = jax.random.randint(ks[1], (2, E), 0, N)
    W1 = jax.random.normal(ks[2], (D, UNIQUE_USER), dtype=jnp.float32) * 0.05
    b1 = jnp.zeros((UNIQUE_USER,), dtype=jnp.float32)
    W2 = jax.random.normal(ks[3], (UNIQUE_USER, HIDDEN), dtype=jnp.float32) * 0.05
    b2 = jnp.zeros((HIDDEN,), dtype=jnp.float32)
    W3 = jax.random.normal(ks[4], (HIDDEN, HIDDEN), dtype=jnp.float32) * 0.05
    b3 = jnp.zeros((HIDDEN,), dtype=jnp.float32)
    return {"x": x, "edge_index": edge_index, "W1": W1, "b1": b1, "W2": W2, "b2": b2, "W3": W3, "b3": b3}


def reference(x, edge_index, W1, b1, W2, b2, W3, b3):
    src = edge_index[0]
    dst = edge_index[1]
    n = x.shape[0]
    # h = conv1(lin1(x)); relu
    h = x @ W1 + b1
    h = _wl_conv(h, src, dst, n)
    h = jax.nn.relu(h)
    # h = lin2(conv1(h)); relu
    h = _wl_conv(h, src, dst, n)
    h = h @ W2 + b2
    h = jax.nn.relu(h)
    # h = lin3(conv1(h)); relu
    h = _wl_conv(h, src, dst, n)
    h = h @ W3 + b3
    h = jax.nn.relu(h)
    return h

if __name__ == "__main__":
    import jax
    _d = setup_inputs()
    print(jax.jit(kernel)(*tuple(_d.values())))

</pallas_src>

<mosaic_0001>
#map = affine_map<(d0, d1) -> (0, 0)>
#map1 = affine_map<(d0, d1) -> (0, 0, 0)>
module attributes {stable_mosaic.version = 14 : i64} {
  func.func @body(%arg0: i32, %arg1: i32, %arg2: memref<10000x128xf32, #tpu.memory_space<hbm>>, %arg3: memref<256x10x128xi32, #tpu.memory_space<hbm>>, %arg4: memref<256x10x128xi32, #tpu.memory_space<hbm>>, %arg5: memref<10000x128xf32, #tpu.memory_space<hbm>>, %arg6: memref<20000x128xf32, #tpu.memory_space<hbm>>, %arg7: memref<10x128xi32, #tpu.memory_space<vmem>>, %arg8: memref<10x128xi32, #tpu.memory_space<vmem>>, %arg9: memref<2x128x128xf32, #tpu.memory_space<vmem>>, %arg10: memref<!tpu.dma_semaphore, #tpu.memory_space<semaphore_mem>>, %arg11: memref<!tpu.dma_semaphore, #tpu.memory_space<semaphore_mem>>, %arg12: memref<10016x128xf32, #tpu.memory_space<vmem_shared>>) attributes {dimension_semantics = [#tpu.dimension_semantics<core_parallel>, #tpu.dimension_semantics<subcore_parallel>], iteration_bounds = array<i64: 2, 16>, scalar_prefetch = 0 : i64, scratch_operands = 6 : i64, tpu.core_type = #tpu.core_type<sc_vector_subcore>, window_params = [{transform_indices = #map}, {transform_indices = #map1}, {transform_indices = #map1}, {transform_indices = #map}, {transform_indices = #map}]} {
    %mul3A = arith.constant 2 : i32
    %mul3A_0 = arith.muli %arg1, %mul3A : i32
    %add3A = arith.addi %mul3A_0, %arg0 : i32
    %mul3A_1 = arith.constant 1000 : i32
    %mul3A_2 = arith.muli %arg1, %mul3A_1 : i32
    %lt3A = arith.constant 10 : i32
    %lt3A_3 = arith.cmpi slt, %arg1, %lt3A : i32
    %convert_element_type3A = arith.extui %lt3A_3 : i1 to i32
    %cond3A = arith.constant 0 : i32
    %cond3A_4 = arith.cmpi ne, %convert_element_type3A, %cond3A : i32
    scf.if %cond3A_4 {
      "tpu.region"() ({
        %run_scoped3A = tpu.sem_alloc : memref<!tpu.dma_semaphore, #tpu.memory_space<semaphore_mem>>
        %dma_start3A = arith.constant 0 : i32
        %dma_start3A_16 = tpu.memref_slice %arg12[%mul3A_2, %dma_start3A] : memref<10016x128xf32, #tpu.memory_space<vmem_shared>> -> memref<1000x128xf32, #tpu.memory_space<vmem_shared>>
        %dma_start3A_17 = arith.constant 0 : i32
        %dma_start3A_18 = tpu.memref_slice %arg5[%mul3A_2, %dma_start3A_17] : memref<10000x128xf32, #tpu.memory_space<hbm>> -> memref<1000x128xf32, #tpu.memory_space<hbm>>
        tpu.enqueue_dma source(%dma_start3A_18 : memref<1000x128xf32, #tpu.memory_space<hbm>>) target(%dma_start3A_16 : memref<1000x128xf32, #tpu.memory_space<vmem_shared>>) target_semaphore(%run_scoped3A : memref<!tpu.dma_semaphore, #tpu.memory_space<semaphore_mem>>)
        %dma_wait3A = arith.constant 0 : i32
        %dma_wait3A_19 = tpu.memref_slice %arg12[%mul3A_2, %dma_wait3A] : memref<10016x128xf32, #tpu.memory_space<vmem_shared>> -> memref<1000x128xf32, #tpu.memory_space<vmem_shared>>
        %dma_wait3A_20 = arith.constant 0 : i32
        %dma_wait3A_21 = tpu.memref_slice %arg5[%mul3A_2, %dma_wait3A_20] : memref<10000x128xf32, #tpu.memory_space<hbm>> -> memref<1000x128xf32, #tpu.memory_space<hbm>>
        tpu.wait_dma2 semaphore(%run_scoped3A : memref<!tpu.dma_semaphore, #tpu.memory_space<semaphore_mem>>) src(%dma_wait3A_21 : memref<1000x128xf32, #tpu.memory_space<hbm>>) dst(%dma_wait3A_19 : memref<1000x128xf32, #tpu.memory_space<vmem_shared>>)
        tpu.yield
      }) : () -> ()
    } else {
    }
    %barrier3A = arith.constant 0 : index
    tpu.barrier barrier_id(%barrier3A)
    %scan3A = arith.constant 0 : i32
    %scan3A_5 = arith.constant 0 : i32
    %scan3A_6 = arith.constant 8 : i32
    %scan3A_7 = arith.addi %scan3A_5, %scan3A_6 : i32
    %scan3A_8 = arith.constant 1 : i32
    scf.for %scan3A_16 = %scan3A_5 to %scan3A_7 step %scan3A_8  : i32 {
      %mul3A_17 = arith.constant 8 : i32
      %mul3A_18 = arith.muli %add3A, %mul3A_17 : i32
      %add3A_19 = arith.addi %mul3A_18, %scan3A_16 : i32
      "tpu.region"() ({
        %run_scoped3A_280 = tpu.sem_alloc : memref<!tpu.dma_semaphore, #tpu.memory_space<semaphore_mem>>
        %dma_start3A_281 = arith.constant 0 : i32
        %dma_start3A_282 = arith.constant 0 : i32
        %dma_start3A_283 = tpu.memref_slice %arg3[%add3A_19, %dma_start3A_281, %dma_start3A_282] : memref<256x10x128xi32, #tpu.memory_space<hbm>> -> memref<1x10x128xi32, #tpu.memory_space<hbm>>
        %dma_start3A_284 = tpu.memref_squeeze %dma_start3A_283 : memref<1x10x128xi32, #tpu.memory_space<hbm>> -> memref<10x128xi32, #tpu.memory_space<hbm>>
        %dma_start3A_285 = arith.constant 0 : i32
        %dma_start3A_286 = arith.constant 0 : i32
        %dma_start3A_287 = tpu.memref_slice %arg3[%add3A_19, %dma_start3A_285, %dma_start3A_286] : memref<256x10x128xi32, #tpu.memory_space<hbm>> -> memref<1x10x128xi32, #tpu.memory_space<hbm>>
        %dma_start3A_288 = tpu.memref_squeeze %dma_start3A_287 : memref<1x10x128xi32, #tpu.memory_space<hbm>> -> memref<10x128xi32, #tpu.memory_space<hbm>>
        tpu.enqueue_dma source(%dma_start3A_288 : memref<10x128xi32, #tpu.memory_space<hbm>>) target(%arg7 : memref<10x128xi32, #tpu.memory_space<vmem>>) target_semaphore(%run_scoped3A_280 : memref<!tpu.dma_semaphore, #tpu.memory_space<semaphore_mem>>)
        %dma_wait3A_289 = arith.constant 0 : i32
        %dma_wait3A_290 = arith.constant 0 : i32
        %dma_wait3A_291 = tpu.memref_slice %arg3[%add3A_19, %dma_wait3A_289, %dma_wait3A_290] : memref<256x10x128xi32, #tpu.memory_space<hbm>> -> memref<1x10x128xi32, #tpu.memory_space<hbm>>
        %dma_wait3A_292 = tpu.memref_squeeze %dma_wait3A_291 : memref<1x10x128xi32, #tpu.memory_space<hbm>> -> memref<10x128xi32, #tpu.memory_space<hbm>>
        %dma_wait3A_293 = arith.constant 0 : i32
        %dma_wait3A_294 = arith.constant 0 : i32
        %dma_wait3A_295 = tpu.memref_slice %arg3[%add3A_19, %dma_wait3A_293, %dma_wait3A_294] : memref<256x10x128xi32, #tpu.memory_space<hbm>> -> memref<1x10x128xi32, #tpu.memory_space<hbm>>
        %dma_wait3A_296 = tpu.memref_squeeze %dma_wait3A_295 : memref<1x10x128xi32, #tpu.memory_space<hbm>> -> memref<10x128xi32, #tpu.memory_space<hbm>>
        tpu.wait_dma2 semaphore(%run_scoped3A_280 : memref<!tpu.dma_semaphore, #tpu.memory_space<semaphore_mem>>) src(%dma_wait3A_296 : memref<10x128xi32, #tpu.memory_space<hbm>>) dst(%arg7 : memref<10x128xi32, #tpu.memory_space<vmem>>)
        tpu.yield
      }) : () -> ()
      %mul3A_20 = arith.constant 8 : i32
      %mul3A_21 = arith.muli %add3A, %mul3A_20 : i32
      %add3A_22 = arith.addi %mul3A_21, %scan3A_16 : i32
      "tpu.region"() ({
        %run_scoped3A_280 = tpu.sem_alloc : memref<!tpu.dma_semaphore, #tpu.memory_space<semaphore_mem>>
        %dma_start3A_281 = arith.constant 0 : i32
        %dma_start3A_282 = arith.constant 0 : i32
        %dma_start3A_283 = tpu.memref_slice %arg4[%add3A_22, %dma_start3A_281, %dma_start3A_282] : memref<256x10x128xi32, #tpu.memory_space<hbm>> -> memref<1x10x128xi32, #tpu.memory_space<hbm>>
        %dma_start3A_284 = tpu.memref_squeeze %dma_start3A_283 : memref<1x10x128xi32, #tpu.memory_space<hbm>> -> memref<10x128xi32, #tpu.memory_space<hbm>>
        %dma_start3A_285 = arith.constant 0 : i32
        %dma_start3A_286 = arith.constant 0 : i32
        %dma_start3A_287 = tpu.memref_slice %arg4[%add3A_22, %dma_start3A_285, %dma_start3A_286] : memref<256x10x128xi32, #tpu.memory_space<hbm>> -> memref<1x10x128xi32, #tpu.memory_space<hbm>>
        %dma_start3A_288 = tpu.memref_squeeze %dma_start3A_287 : memref<1x10x128xi32, #tpu.memory_space<hbm>> -> memref<10x128xi32, #tpu.memory_space<hbm>>
        tpu.enqueue_dma source(%dma_start3A_288 : memref<10x128xi32, #tpu.memory_space<hbm>>) target(%arg8 : memref<10x128xi32, #tpu.memory_space<vmem>>) target_semaphore(%run_scoped3A_280 : memref<!tpu.dma_semaphore, #tpu.memory_space<semaphore_mem>>)
        %dma_wait3A_289 = arith.constant 0 : i32
        %dma_wait3A_290 = arith.constant 0 : i32
        %dma_wait3A_291 = tpu.memref_slice %arg4[%add3A_22, %dma_wait3A_289, %dma_wait3A_290] : memref<256x10x128xi32, #tpu.memory_space<hbm>> -> memref<1x10x128xi32, #tpu.memory_space<hbm>>
        %dma_wait3A_292 = tpu.memref_squeeze %dma_wait3A_291 : memref<1x10x128xi32, #tpu.memory_space<hbm>> -> memref<10x128xi32, #tpu.memory_space<hbm>>
        %dma_wait3A_293 = arith.constant 0 : i32
        %dma_wait3A_294 = arith.constant 0 : i32
        %dma_wait3A_295 = tpu.memref_slice %arg4[%add3A_22, %dma_wait3A_293, %dma_wait3A_294] : memref<256x10x128xi32, #tpu.memory_space<hbm>> -> memref<1x10x128xi32, #tpu.memory_space<hbm>>
        %dma_wait3A_296 = tpu.memref_squeeze %dma_wait3A_295 : memref<1x10x128xi32, #tpu.memory_space<hbm>> -> memref<10x128xi32, #tpu.memory_space<hbm>>
        tpu.wait_dma2 semaphore(%run_scoped3A_280 : memref<!tpu.dma_semaphore, #tpu.memory_space<semaphore_mem>>) src(%dma_wait3A_296 : memref<10x128xi32, #tpu.memory_space<hbm>>) dst(%arg8 : memref<10x128xi32, #tpu.memory_space<vmem>>)
        tpu.yield
      }) : () -> ()
      %dma_start3A = arith.constant 0 : i32
      %dma_start3A_23 = arith.constant 0 : i32
      %dma_start3A_24 = arith.constant 0 : i32
      %dma_start3A_25 = arith.constant 0 : i32
      %dma_start3A_26 = tpu.memref_slice %arg9[%dma_start3A_23, %dma_start3A_24, %dma_start3A_25] : memref<2x128x128xf32, #tpu.memory_space<vmem>> -> memref<1x128x128xf32, #tpu.memory_space<vmem>>
      %dma_start3A_27 = tpu.memref_squeeze %dma_start3A_26 : memref<1x128x128xf32, #tpu.memory_space<vmem>> -> memref<128x128xf32, #tpu.memory_space<vmem>>
      %dma_start3A_28 = arith.constant 0 : i32
      %dma_start3A_29 = tpu.memref_slice %arg7[%dma_start3A, %dma_start3A_28] : memref<10x128xi32, #tpu.memory_space<vmem>> -> memref<1x128xi32, #tpu.memory_space<vmem>>
      %dma_start3A_30 = tpu.memref_squeeze %dma_start3A_29 : memref<1x128xi32, #tpu.memory_space<vmem>> -> memref<128xi32, #tpu.memory_space<vmem>>
      %dma_start3A_31 = arith.constant 0 : i32
      %dma_start3A_32 = arith.constant 0 : i32
      %dma_start3A_33 = tpu.memref_slice %arg2[%dma_start3A_31, %dma_start3A_32] : memref<10000x128xf32, #tpu.memory_space<hbm>> -> memref<10000x128xf32, #tpu.memory_space<hbm>>
      tpu.enqueue_indirect_dma source(%dma_start3A_33 : memref<10000x128xf32, #tpu.memory_space<hbm>>) target(%dma_start3A_27 : memref<128x128xf32, #tpu.memory_space<vmem>>) offsets(%dma_start3A_30 : memref<128xi32, #tpu.memory_space<vmem>>) semaphore(%arg10 : memref<!tpu.dma_semaphore, #tpu.memory_space<semaphore_mem>>)
      %dma_wait3A = arith.constant 0 : i32
      %dma_wait3A_34 = arith.constant 0 : i32
      %dma_wait3A_35 = arith.constant 0 : i32
      %dma_wait3A_36 = arith.constant 0 : i32
      %dma_wait3A_37 = tpu.memref_slice %arg9[%dma_wait3A_34, %dma_wait3A_35, %dma_wait3A_36] : memref<2x128x128xf32, #tpu.memory_space<vmem>> -> memref<1x128x128xf32, #tpu.memory_space<vmem>>
      %dma_wait3A_38 = tpu.memref_squeeze %dma_wait3A_37 : memref<1x128x128xf32, #tpu.memory_space<vmem>> -> memref<128x128xf32, #tpu.memory_space<vmem>>
      %dma_wait3A_39 = arith.constant 0 : i32
      %dma_wait3A_40 = tpu.memref_slice %arg7[%dma_wait3A, %dma_wait3A_39] : memref<10x128xi32, #tpu.memory_space<vmem>> -> memref<1x128xi32, #tpu.memory_space<vmem>>
      %dma_wait3A_41 = tpu.memref_squeeze %dma_wait3A_40 : memref<1x128xi32, #tpu.memory_space<vmem>> -> memref<128xi32, #tpu.memory_space<vmem>>
      %dma_wait3A_42 = arith.constant 0 : i32
      %dma_wait3A_43 = arith.constant 0 : i32
      %dma_wait3A_44 = tpu.memref_slice %arg2[%dma_wait3A_42, %dma_wait3A_43] : memref<10000x128xf32, #tpu.memory_space<hbm>> -> memref<10000x128xf32, #tpu.memory_space<hbm>>
      tpu.wait_indirect_dma semaphore(%arg10 : memref<!tpu.dma_semaphore, #tpu.memory_space<semaphore_mem>>) src(%dma_wait3A_44 : memref<10000x128xf32, #tpu.memory_space<hbm>>) dst(%dma_wait3A_38 : memref<128x128xf32, #tpu.memory_space<vmem>>)
      %dma_start3A_45 = arith.constant 1 : i32
      %dma_start3A_46 = arith.constant 1 : i32
      %dma_start3A_47 = arith.constant 0 : i32
      %dma_start3A_48 = arith.constant 0 : i32
      %dma_start3A_49 = tpu.memref_slice %arg9[%dma_start3A_46, %dma_start3A_47, %dma_start3A_48] : memref<2x128x128xf32, #tpu.memory_space<vmem>> -> memref<1x128x128xf32, #tpu.memory_space<vmem>>
      %dma_start3A_50 = tpu.memref_squeeze %dma_start3A_49 : memref<1x128x128xf32, #tpu.memory_space<vmem>> -> memref<128x128xf32, #tpu.memory_space<vmem>>
      %dma_start3A_51 = arith.constant 0 : i32
      %dma_start3A_52 = tpu.memref_slice %arg7[%dma_start3A_45, %dma_start3A_51] : memref<10x128xi32, #tpu.memory_space<vmem>> -> memref<1x128xi32, #tpu.memory_space<vmem>>
      %dma_start3A_53 = tpu.memref_squeeze %dma_start3A_52 : memref<1x128xi32, #tpu.memory_space<vmem>> -> memref<128xi32, #tpu.memory_space<vmem>>
      %dma_start3A_54 = arith.constant 0 : i32
      %dma_start3A_55 = arith.constant 0 : i32
      %dma_start3A_56 = tpu.memref_slice %arg2[%dma_start3A_54, %dma_start3A_55] : memref<10000x128xf32, #tpu.memory_space<hbm>> -> memref<10000x128xf32, #tpu.memory_space<hbm>>
      tpu.enqueue_indirect_dma source(%dma_start3A_56 : memref<10000x128xf32, #tpu.memory_space<hbm>>) target(%dma_start3A_50 : memref<128x128xf32, #tpu.memory_space<vmem>>) offsets(%dma_start3A_53 : memref<128xi32, #tpu.memory_space<vmem>>) semaphore(%arg11 : memref<!tpu.dma_semaphore, #tpu.memory_space<semaphore_mem>>)
      %run_scoped3A = arith.constant 0 : i32
      %run_scoped3A_57 = arith.constant 0 : i32
      "tpu.region"() ({
        %run_scoped3A_280 = tpu.sem_alloc : memref<!tpu.dma_semaphore, #tpu.memory_space<semaphore_mem>>
        %dma_start3A_281 = arith.constant 0 : i32
        %dma_start3A_282 = arith.constant 0 : i32
        %dma_start3A_283 = tpu.memref_slice %arg9[%run_scoped3A, %dma_start3A_281, %dma_start3A_282] : memref<2x128x128xf32, #tpu.memory_space<vmem>> -> memref<1x128x128xf32, #tpu.memory_space<vmem>>
        %dma_start3A_284 = tpu.memref_squeeze %dma_start3A_283 : memref<1x128x128xf32, #tpu.memory_space<vmem>> -> memref<128x128xf32, #tpu.memory_space<vmem>>
        %dma_start3A_285 = arith.constant 0 : i32
        %dma_start3A_286 = tpu.memref_slice %arg8[%run_scoped3A_57, %dma_start3A_285] : memref<10x128xi32, #tpu.memory_space<vmem>> -> memref<1x128xi32, #tpu.memory_space<vmem>>
        %dma_start3A_287 = tpu.memref_squeeze %dma_start3A_286 : memref<1x128xi32, #tpu.memory_space<vmem>> -> memref<128xi32, #tpu.memory_space<vmem>>
        %dma_start3A_288 = arith.constant 0 : i32
        %dma_start3A_289 = arith.constant 0 : i32
        %dma_start3A_290 = tpu.memref_slice %arg12[%dma_start3A_288, %dma_start3A_289] : memref<10016x128xf32, #tpu.memory_space<vmem_shared>> -> memref<10016x128xf32, #tpu.memory_space<vmem_shared>>
        tpu.enqueue_indirect_dma source(%dma_start3A_284 : memref<128x128xf32, #tpu.memory_space<vmem>>) target(%dma_start3A_290 : memref<10016x128xf32, #tpu.memory_space<vmem_shared>>) offsets(%dma_start3A_287 : memref<128xi32, #tpu.memory_space<vmem>>) semaphore(%run_scoped3A_280 : memref<!tpu.dma_semaphore, #tpu.memory_space<semaphore_mem>>) {add = true}
        %dma_wait3A_291 = arith.constant 0 : i32
        %dma_wait3A_292 = arith.constant 0 : i32
        %dma_wait3A_293 = tpu.memref_slice %arg9[%run_scoped3A, %dma_wait3A_291, %dma_wait3A_292] : memref<2x128x128xf32, #tpu.memory_space<vmem>> -> memref<1x128x128xf32, #tpu.memory_space<vmem>>
        %dma_wait3A_294 = tpu.memref_squeeze %dma_wait3A_293 : memref<1x128x128xf32, #tpu.memory_space<vmem>> -> memref<128x128xf32, #tpu.memory_space<vmem>>
        %dma_wait3A_295 = arith.constant 0 : i32
        %dma_wait3A_296 = tpu.memref_slice %arg8[%run_scoped3A_57, %dma_wait3A_295] : memref<10x128xi32, #tpu.memory_space<vmem>> -> memref<1x128xi32, #tpu.memory_space<vmem>>
        %dma_wait3A_297 = tpu.memref_squeeze %dma_wait3A_296 : memref<1x128xi32, #tpu.memory_space<vmem>> -> memref<128xi32, #tpu.memory_space<vmem>>
        %dma_wait3A_298 = arith.constant 0 : i32
        %dma_wait3A_299 = arith.constant 0 : i32
        %dma_wait3A_300 = tpu.memref_slice %arg12[%dma_wait3A_298, %dma_wait3A_299] : memref<10016x128xf32, #tpu.memory_space<vmem_shared>> -> memref<10016x128xf32, #tpu.memory_space<vmem_shared>>
        tpu.wait_indirect_dma semaphore(%run_scoped3A_280 : memref<!tpu.dma_semaphore, #tpu.memory_space<semaphore_mem>>) src(%dma_wait3A_294 : memref<128x128xf32, #tpu.memory_space<vmem>>) dst(%dma_wait3A_300 : memref<10016x128xf32, #tpu.memory_space<vmem_shared>>)
        tpu.yield
      }) : () -> ()
      %dma_wait3A_58 = arith.constant 1 : i32
      %dma_wait3A_59 = arith.constant 1 : i32
      %dma_wait3A_60 = arith.constant 0 : i32
      %dma_wait3A_61 = arith.constant 0 : i32
      %dma_wait3A_62 = tpu.memref_slice %arg9[%dma_wait3A_59, %dma_wait3A_60, %dma_wait3A_61] : memref<2x128x128xf32, #tpu.memory_space<vmem>> -> memref<1x128x128xf32, #tpu.memory_space<vmem>>
      %dma_wait3A_63 = tpu.memref_squeeze %dma_wait3A_62 : memref<1x128x128xf32, #tpu.memory_space<vmem>> -> memref<128x128xf32, #tpu.memory_space<vmem>>
      %dma_wait3A_64 = arith.constant 0 : i32
      %dma_wait3A_65 = tpu.memref_slice %arg7[%dma_wait3A_58, %dma_wait3A_64] : memref<10x128xi32, #tpu.memory_space<vmem>> -> memref<1x128xi32, #tpu.memory_space<vmem>>
      %dma_wait3A_66 = tpu.memref_squeeze %dma_wait3A_65 : memref<1x128xi32, #tpu.memory_space<vmem>> -> memref<128xi32, #tpu.memory_space<vmem>>
      %dma_wait3A_67 = arith.constant 0 : i32
      %dma_wait3A_68 = arith.constant 0 : i32
      %dma_wait3A_69 = tpu.memref_slice %arg2[%dma_wait3A_67, %dma_wait3A_68] : memref<10000x128xf32, #tpu.memory_space<hbm>> -> memref<10000x128xf32, #tpu.memory_space<hbm>>
      tpu.wait_indirect_dma semaphore(%arg11 : memref<!tpu.dma_semaphore, #tpu.memory_space<semaphore_mem>>) src(%dma_wait3A_69 : memref<10000x128xf32, #tpu.memory_space<hbm>>) dst(%dma_wait3A_63 : memref<128x128xf32, #tpu.memory_space<vmem>>)
      %dma_start3A_70 = arith.constant 2 : i32
      %dma_start3A_71 = arith.constant 0 : i32
      %dma_start3A_72 = arith.constant 0 : i32
      %dma_start3A_73 = arith.constant 0 : i32
      %dma_start3A_74 = tpu.memref_slice %arg9[%dma_start3A_71, %dma_start3A_72, %dma_start3A_73] : memref<2x128x128xf32, #tpu.memory_space<vmem>> -> memref<1x128x128xf32, #tpu.memory_space<vmem>>
      %dma_start3A_75 = tpu.memref_squeeze %dma_start3A_74 : memref<1x128x128xf32, #tpu.memory_space<vmem>> -> memref<128x128xf32, #tpu.memory_space<vmem>>
      %dma_start3A_76 = arith.constant 0 : i32
      %dma_start3A_77 = tpu.memref_slice %arg7[%dma_start3A_70, %dma_start3A_76] : memref<10x128xi32, #tpu.memory_space<vmem>> -> memref<1x128xi32, #tpu.memory_space<vmem>>
      %dma_start3A_78 = tpu.memref_squeeze %dma_start3A_77 : memref<1x128xi32, #tpu.memory_space<vmem>> -> memref<128xi32, #tpu.memory_space<vmem>>
      %dma_start3A_79 = arith.constant 0 : i32
      %dma_start3A_80 = arith.constant 0 : i32
      %dma_start3A_81 = tpu.memref_slice %arg2[%dma_start3A_79, %dma_start3A_80] : memref<10000x128xf32, #tpu.memory_space<hbm>> -> memref<10000x128xf32, #tpu.memory_space<hbm>>
      tpu.enqueue_indirect_dma source(%dma_start3A_81 : memref<10000x128xf32, #tpu.memory_space<hbm>>) target(%dma_start3A_75 : memref<128x128xf32, #tpu.memory_space<vmem>>) offsets(%dma_start3A_78 : memref<128xi32, #tpu.memory_space<vmem>>) semaphore(%arg10 : memref<!tpu.dma_semaphore, #tpu.memory_space<semaphore_mem>>)
      %run_scoped3A_82 = arith.constant 1 : i32
      %run_scoped3A_83 = arith.constant 1 : i32
      "tpu.region"() ({
        %run_scoped3A_280 = tpu.sem_alloc : memref<!tpu.dma_semaphore, #tpu.memory_space<semaphore_mem>>
        %dma_start3A_281 = arith.constant 0 : i32
        %dma_start3A_282 = arith.constant 0 : i32
        %dma_start3A_283 = tpu.memref_slice %arg9[%run_scoped3A_82, %dma_start3A_281, %dma_start3A_282] : memref<2x128x128xf32, #tpu.memory_space<vmem>> -> memref<1x128x128xf32, #tpu.memory_space<vmem>>
        %dma_start3A_284 = tpu.memref_squeeze %dma_start3A_283 : memref<1x128x128xf32, #tpu.memory_space<vmem>> -> memref<128x128xf32, #tpu.memory_space<vmem>>
        %dma_start3A_285 = arith.constant 0 : i32
        %dma_start3A_286 = tpu.memref_slice %arg8[%run_scoped3A_83, %dma_start3A_285] : memref<10x128xi32, #tpu.memory_space<vmem>> -> memref<1x128xi32, #tpu.memory_space<vmem>>
        %dma_start3A_287 = tpu.memref_squeeze %dma_start3A_286 : memref<1x128xi32, #tpu.memory_space<vmem>> -> memref<128xi32, #tpu.memory_space<vmem>>
        %dma_start3A_288 = arith.constant 0 : i32
        %dma_start3A_289 = arith.constant 0 : i32
        %dma_start3A_290 = tpu.memref_slice %arg12[%dma_start3A_288, %dma_start3A_289] : memref<10016x128xf32, #tpu.memory_space<vmem_shared>> -> memref<10016x128xf32, #tpu.memory_space<vmem_shared>>
        tpu.enqueue_indirect_dma source(%dma_start3A_284 : memref<128x128xf32, #tpu.memory_space<vmem>>) target(%dma_start3A_290 : memref<10016x128xf32, #tpu.memory_space<vmem_shared>>) offsets(%dma_start3A_287 : memref<128xi32, #tpu.memory_space<vmem>>) semaphore(%run_scoped3A_280 : memref<!tpu.dma_semaphore, #tpu.memory_space<semaphore_mem>>) {add = true}
        %dma_wait3A_291 = arith.constant 0 : i32
        %dma_wait3A_292 = arith.constant 0 : i32
        %dma_wait3A_293 = tpu.memref_slice %arg9[%run_scoped3A_82, %dma_wait3A_291, %dma_wait3A_292] : memref<2x128x128xf32, #tpu.memory_space<vmem>> -> memref<1x128x128xf32, #tpu.memory_space<vmem>>
        %dma_wait3A_294 = tpu.memref_squeeze %dma_wait3A_293 : memref<1x128x128xf32, #tpu.memory_space<vmem>> -> memref<128x128xf32, #tpu.memory_space<vmem>>
        %dma_wait3A_295 = arith.constant 0 : i32
        %dma_wait3A_296 = tpu.memref_slice %arg8[%run_scoped3A_83, %dma_wait3A_295] : memref<10x128xi32, #tpu.memory_space<vmem>> -> memref<1x128xi32, #tpu.memory_space<vmem>>
        %dma_wait3A_297 = tpu.memref_squeeze %dma_wait3A_296 : memref<1x128xi32, #tpu.memory_space<vmem>> -> memref<128xi32, #tpu.memory_space<vmem>>
        %dma_wait3A_298 = arith.constant 0 : i32
        %dma_wait3A_299 = arith.constant 0 : i32
        %dma_wait3A_300 = tpu.memref_slice %arg12[%dma_wait3A_298, %dma_wait3A_299] : memref<10016x128xf32, #tpu.memory_space<vmem_shared>> -> memref<10016x128xf32, #tpu.memory_space<vmem_shared>>
        tpu.wait_indirect_dma semaphore(%run_scoped3A_280 : memref<!tpu.dma_semaphore, #tpu.memory_space<semaphore_mem>>) src(%dma_wait3A_294 : memref<128x128xf32, #tpu.memory_space<vmem>>) dst(%dma_wait3A_300 : memref<10016x128xf32, #tpu.memory_space<vmem_shared>>)
        tpu.yield
      }) : () -> ()
      %dma_wait3A_84 = arith.constant 2 : i32
      %dma_wait3A_85 = arith.constant 0 : i32
      %dma_wait3A_86 = arith.constant 0 : i32
      %dma_wait3A_87 = arith.constant 0 : i32
      %dma_wait3A_88 = tpu.memref_slice %arg9[%dma_wait3A_85, %dma_wait3A_86, %dma_wait3A_87] : memref<2x128x128xf32, #tpu.memory_space<vmem>> -> memref<1x128x128xf32, #tpu.memory_space<vmem>>
      %dma_wait3A_89 = tpu.memref_squeeze %dma_wait3A_88 : memref<1x128x128xf32, #tpu.memory_space<vmem>> -> memref<128x128xf32, #tpu.memory_space<vmem>>
      %dma_wait3A_90 = arith.constant 0 : i32
      %dma_wait3A_91 = tpu.memref_slice %arg7[%dma_wait3A_84, %dma_wait3A_90] : memref<10x128xi32, #tpu.memory_space<vmem>> -> memref<1x128xi32, #tpu.memory_space<vmem>>
      %dma_wait3A_92 = tpu.memref_squeeze %dma_wait3A_91 : memref<1x128xi32, #tpu.memory_space<vmem>> -> memref<128xi32, #tpu.memory_space<vmem>>
      %dma_wait3A_93 = arith.constant 0 : i32
      %dma_wait3A_94 = arith.constant 0 : i32
      %dma_wait3A_95 = tpu.memref_slice %arg2[%dma_wait3A_93, %dma_wait3A_94] : memref<10000x128xf32, #tpu.memory_space<hbm>> -> memref<10000x128xf32, #tpu.memory_space<hbm>>
      tpu.wait_indirect_dma semaphore(%arg10 : memref<!tpu.dma_semaphore, #tpu.memory_space<semaphore_mem>>) src(%dma_wait3A_95 : memref<10000x128xf32, #tpu.memory_space<hbm>>) dst(%dma_wait3A_89 : memref<128x128xf32, #tpu.memory_space<vmem>>)
      %dma_start3A_96 = arith.constant 3 : i32
      %dma_start3A_97 = arith.constant 1 : i32
      %dma_start3A_98 = arith.constant 0 : i32
      %dma_start3A_99 = arith.constant 0 : i32
      %dma_start3A_100 = tpu.memref_slice %arg9[%dma_start3A_97, %dma_start3A_98, %dma_start3A_99] : memref<2x128x128xf32, #tpu.memory_space<vmem>> -> memref<1x128x128xf32, #tpu.memory_space<vmem>>
      %dma_start3A_101 = tpu.memref_squeeze %dma_start3A_100 : memref<1x128x128xf32, #tpu.memory_space<vmem>> -> memref<128x128xf32, #tpu.memory_space<vmem>>
      %dma_start3A_102 = arith.constant 0 : i32
      %dma_start3A_103 = tpu.memref_slice %arg7[%dma_start3A_96, %dma_start3A_102] : memref<10x128xi32, #tpu.memory_space<vmem>> -> memref<1x128xi32, #tpu.memory_space<vmem>>
      %dma_start3A_104 = tpu.memref_squeeze %dma_start3A_103 : memref<1x128xi32, #tpu.memory_space<vmem>> -> memref<128xi32, #tpu.memory_space<vmem>>
      %dma_start3A_105 = arith.constant 0 : i32
      %dma_start3A_106 = arith.constant 0 : i32
      %dma_start3A_107 = tpu.memref_slice %arg2[%dma_start3A_105, %dma_start3A_106] : memref<10000x128xf32, #tpu.memory_space<hbm>> -> memref<10000x128xf32, #tpu.memory_space<hbm>>
      tpu.enqueue_indirect_dma source(%dma_start3A_107 : memref<10000x128xf32, #tpu.memory_space<hbm>>) target(%dma_start3A_101 : memref<128x128xf32, #tpu.memory_space<vmem>>) offsets(%dma_start3A_104 : memref<128xi32, #tpu.memory_space<vmem>>) semaphore(%arg11 : memref<!tpu.dma_semaphore, #tpu.memory_space<semaphore_mem>>)
      %run_scoped3A_108 = arith.constant 0 : i32
      %run_scoped3A_109 = arith.constant 2 : i32
      "tpu.region"() ({
        %run_scoped3A_280 = tpu.sem_alloc : memref<!tpu.dma_semaphore, #tpu.memory_space<semaphore_mem>>
        %dma_start3A_281 = arith.constant 0 : i32
        %dma_start3A_282 = arith.constant 0 : i32
        %dma_start3A_283 = tpu.memref_slice %arg9[%run_scoped3A_108, %dma_start3A_281, %dma_start3A_282] : memref<2x128x128xf32, #tpu.memory_space<vmem>> -> memref<1x128x128xf32, #tpu.memory_space<vmem>>
        %dma_start3A_284 = tpu.memref_squeeze %dma_start3A_283 : memref<1x128x128xf32, #tpu.memory_space<vmem>> -> memref<128x128xf32, #tpu.memory_space<vmem>>
        %dma_start3A_285 = arith.constant 0 : i32
        %dma_start3A_286 = tpu.memref_slice %arg8[%run_scoped3A_109, %dma_start3A_285] : memref<10x128xi32, #tpu.memory_space<vmem>> -> memref<1x128xi32, #tpu.memory_space<vmem>>
        %dma_start3A_287 = tpu.memref_squeeze %dma_start3A_286 : memref<1x128xi32, #tpu.memory_space<vmem>> -> memref<128xi32, #tpu.memory_space<vmem>>
        %dma_start3A_288 = arith.constant 0 : i32
        %dma_start3A_289 = arith.constant 0 : i32
        %dma_start3A_290 = tpu.memref_slice %arg12[%dma_start3A_288, %dma_start3A_289] : memref<10016x128xf32, #tpu.memory_space<vmem_shared>> -> memref<10016x128xf32, #tpu.memory_space<vmem_shared>>
        tpu.enqueue_indirect_dma source(%dma_start3A_284 : memref<128x128xf32, #tpu.memory_space<vmem>>) target(%dma_start3A_290 : memref<10016x128xf32, #tpu.memory_space<vmem_shared>>) offsets(%dma_start3A_287 : memref<128xi32, #tpu.memory_space<vmem>>) semaphore(%run_scoped3A_280 : memref<!tpu.dma_semaphore, #tpu.memory_space<semaphore_mem>>) {add = true}
        %dma_wait3A_291 = arith.constant 0 : i32
        %dma_wait3A_292 = arith.constant 0 : i32
        %dma_wait3A_293 = tpu.memref_slice %arg9[%run_scoped3A_108, %dma_wait3A_291, %dma_wait3A_292] : memref<2x128x128xf32, #tpu.memory_space<vmem>> -> memref<1x128x128xf32, #tpu.memory_space<vmem>>
        %dma_wait3A_294 = tpu.memref_squeeze %dma_wait3A_293 : memref<1x128x128xf32, #tpu.memory_space<vmem>> -> memref<128x128xf32, #tpu.memory_space<vmem>>
        %dma_wait3A_295 = arith.constant 0 : i32
        %dma_wait3A_296 = tpu.memref_slice %arg8[%run_scoped3A_109, %dma_wait3A_295] : memref<10x128xi32, #tpu.memory_space<vmem>> -> memref<1x128xi32, #tpu.memory_space<vmem>>
        %dma_wait3A_297 = tpu.memref_squeeze %dma_wait3A_296 : memref<1x128xi32, #tpu.memory_space<vmem>> -> memref<128xi32, #tpu.memory_space<vmem>>
        %dma_wait3A_298 = arith.constant 0 : i32
        %dma_wait3A_299 = arith.constant 0 : i32
        %dma_wait3A_300 = tpu.memref_slice %arg12[%dma_wait3A_298, %dma_wait3A_299] : memref<10016x128xf32, #tpu.memory_space<vmem_shared>> -> memref<10016x128xf32, #tpu.memory_space<vmem_shared>>
        tpu.wait_indirect_dma semaphore(%run_scoped3A_280 : memref<!tpu.dma_semaphore, #tpu.memory_space<semaphore_mem>>) src(%dma_wait3A_294 : memref<128x128xf32, #tpu.memory_space<vmem>>) dst(%dma_wait3A_300 : memref<10016x128xf32, #tpu.memory_space<vmem_shared>>)
        tpu.yield
      }) : () -> ()
      %dma_wait3A_110 = arith.constant 3 : i32
      %dma_wait3A_111 = arith.constant 1 : i32
      %dma_wait3A_112 = arith.constant 0 : i32
      %dma_wait3A_113 = arith.constant 0 : i32
      %dma_wait3A_114 = tpu.memref_slice %arg9[%dma_wait3A_111, %dma_wait3A_112, %dma_wait3A_113] : memref<2x128x128xf32, #tpu.memory_space<vmem>> -> memref<1x128x128xf32, #tpu.memory_space<vmem>>
      %dma_wait3A_115 = tpu.memref_squeeze %dma_wait3A_114 : memref<1x128x128xf32, #tpu.memory_space<vmem>> -> memref<128x128xf32, #tpu.memory_space<vmem>>
      %dma_wait3A_116 = arith.constant 0 : i32
      %dma_wait3A_117 = tpu.memref_slice %arg7[%dma_wait3A_110, %dma_wait3A_116] : memref<10x128xi32, #tpu.memory_space<vmem>> -> memref<1x128xi32, #tpu.memory_space<vmem>>
      %dma_wait3A_118 = tpu.memref_squeeze %dma_wait3A_117 : memref<1x128xi32, #tpu.memory_space<vmem>> -> memref<128xi32, #tpu.memory_space<vmem>>
      %dma_wait3A_119 = arith.constant 0 : i32
      %dma_wait3A_120 = arith.constant 0 : i32
      %dma_wait3A_121 = tpu.memref_slice %arg2[%dma_wait3A_119, %dma_wait3A_120] : memref<10000x128xf32, #tpu.memory_space<hbm>> -> memref<10000x128xf32, #tpu.memory_space<hbm>>
      tpu.wait_indirect_dma semaphore(%arg11 : memref<!tpu.dma_semaphore, #tpu.memory_space<semaphore_mem>>) src(%dma_wait3A_121 : memref<10000x128xf32, #tpu.memory_space<hbm>>) dst(%dma_wait3A_115 : memref<128x128xf32, #tpu.memory_space<vmem>>)
      %dma_start3A_122 = arith.constant 4 : i32
      %dma_start3A_123 = arith.constant 0 : i32
      %dma_start3A_124 = arith.constant 0 : i32
      %dma_start3A_125 = arith.constant 0 : i32
      %dma_start3A_126 = tpu.memref_slice %arg9[%dma_start3A_123, %dma_start3A_124, %dma_start3A_125] : memref<2x128x128xf32, #tpu.memory_space<vmem>> -> memref<1x128x128xf32, #tpu.memory_space<vmem>>
      %dma_start3A_127 = tpu.memref_squeeze %dma_start3A_126 : memref<1x128x128xf32, #tpu.memory_space<vmem>> -> memref<128x128xf32, #tpu.memory_space<vmem>>
      %dma_start3A_128 = arith.constant 0 : i32
      %dma_start3A_129 = tpu.memref_slice %arg7[%dma_start3A_122, %dma_start3A_128] : memref<10x128xi32, #tpu.memory_space<vmem>> -> memref<1x128xi32, #tpu.memory_space<vmem>>
      %dma_start3A_130 = tpu.memref_squeeze %dma_start3A_129 : memref<1x128xi32, #tpu.memory_space<vmem>> -> memref<128xi32, #tpu.memory_space<vmem>>
      %dma_start3A_131 = arith.constant 0 : i32
      %dma_start3A_132 = arith.constant 0 : i32
      %dma_start3A_133 = tpu.memref_slice %arg2[%dma_start3A_131, %dma_start3A_132] : memref<10000x128xf32, #tpu.memory_space<hbm>> -> memref<10000x128xf32, #tpu.memory_space<hbm>>
      tpu.enqueue_indirect_dma source(%dma_start3A_133 : memref<10000x128xf32, #tpu.memory_space<hbm>>) target(%dma_start3A_127 : memref<128x128xf32, #tpu.memory_space<vmem>>) offsets(%dma_start3A_130 : memref<128xi32, #tpu.memory_space<vmem>>) semaphore(%arg10 : memref<!tpu.dma_semaphore, #tpu.memory_space<semaphore_mem>>)
      %run_scoped3A_134 = arith.constant 1 : i32
      %run_scoped3A_135 = arith.constant 3 : i32
      "tpu.region"() ({
        %run_scoped3A_280 = tpu.sem_alloc : memref<!tpu.dma_semaphore, #tpu.memory_space<semaphore_mem>>
        %dma_start3A_281 = arith.constant 0 : i32
        %dma_start3A_282 = arith.constant 0 : i32
        %dma_start3A_283 = tpu.memref_slice %arg9[%run_scoped3A_134, %dma_start3A_281, %dma_start3A_282] : memref<2x128x128xf32, #tpu.memory_space<vmem>> -> memref<1x128x128xf32, #tpu.memory_space<vmem>>
        %dma_start3A_284 = tpu.memref_squeeze %dma_start3A_283 : memref<1x128x128xf32, #tpu.memory_space<vmem>> -> memref<128x128xf32, #tpu.memory_space<vmem>>
        %dma_start3A_285 = arith.constant 0 : i32
        %dma_start3A_286 = tpu.memref_slice %arg8[%run_scoped3A_135, %dma_start3A_285] : memref<10x128xi32, #tpu.memory_space<vmem>> -> memref<1x128xi32, #tpu.memory_space<vmem>>
        %dma_start3A_287 = tpu.memref_squeeze %dma_start3A_286 : memref<1x128xi32, #tpu.memory_space<vmem>> -> memref<128xi32, #tpu.memory_space<vmem>>
        %dma_start3A_288 = arith.constant 0 : i32
        %dma_start3A_289 = arith.constant 0 : i32
        %dma_start3A_290 = tpu.memref_slice %arg12[%dma_start3A_288, %dma_start3A_289] : memref<10016x128xf32, #tpu.memory_space<vmem_shared>> -> memref<10016x128xf32, #tpu.memory_space<vmem_shared>>
        tpu.enqueue_indirect_dma source(%dma_start3A_284 : memref<128x128xf32, #tpu.memory_space<vmem>>) target(%dma_start3A_290 : memref<10016x128xf32, #tpu.memory_space<vmem_shared>>) offsets(%dma_start3A_287 : memref<128xi32, #tpu.memory_space<vmem>>) semaphore(%run_scoped3A_280 : memref<!tpu.dma_semaphore, #tpu.memory_space<semaphore_mem>>) {add = true}
        %dma_wait3A_291 = arith.constant 0 : i32
        %dma_wait3A_292 = arith.constant 0 : i32
        %dma_wait3A_293 = tpu.memref_slice %arg9[%run_scoped3A_134, %dma_wait3A_291, %dma_wait3A_292] : memref<2x128x128xf32, #tpu.memory_space<vmem>> -> memref<1x128x128xf32, #tpu.memory_space<vmem>>
        %dma_wait3A_294 = tpu.memref_squeeze %dma_wait3A_293 : memref<1x128x128xf32, #tpu.memory_space<vmem>> -> memref<128x128xf32, #tpu.memory_space<vmem>>
        %dma_wait3A_295 = arith.constant 0 : i32
        %dma_wait3A_296 = tpu.memref_slice %arg8[%run_scoped3A_135, %dma_wait3A_295] : memref<10x128xi32, #tpu.memory_space<vmem>> -> memref<1x128xi32, #tpu.memory_space<vmem>>
        %dma_wait3A_297 = tpu.memref_squeeze %dma_wait3A_296 : memref<1x128xi32, #tpu.memory_space<vmem>> -> memref<128xi32, #tpu.memory_space<vmem>>
        %dma_wait3A_298 = arith.constant 0 : i32
        %dma_wait3A_299 = arith.constant 0 : i32
        %dma_wait3A_300 = tpu.memref_slice %arg12[%dma_wait3A_298, %dma_wait3A_299] : memref<10016x128xf32, #tpu.memory_space<vmem_shared>> -> memref<10016x128xf32, #tpu.memory_space<vmem_shared>>
        tpu.wait_indirect_dma semaphore(%run_scoped3A_280 : memref<!tpu.dma_semaphore, #tpu.memory_space<semaphore_mem>>) src(%dma_wait3A_294 : memref<128x128xf32, #tpu.memory_space<vmem>>) dst(%dma_wait3A_300 : memref<10016x128xf32, #tpu.memory_space<vmem_shared>>)
        tpu.yield
      }) : () -> ()
      %dma_wait3A_136 = arith.constant 4 : i32
      %dma_wait3A_137 = arith.constant 0 : i32
      %dma_wait3A_138 = arith.constant 0 : i32
      %dma_wait3A_139 = arith.constant 0 : i32
      %dma_wait3A_140 = tpu.memref_slice %arg9[%dma_wait3A_137, %dma_wait3A_138, %dma_wait3A_139] : memref<2x128x128xf32, #tpu.memory_space<vmem>> -> memref<1x128x128xf32, #tpu.memory_space<vmem>>
      %dma_wait3A_141 = tpu.memref_squeeze %dma_wait3A_140 : memref<1x128x128xf32, #tpu.memory_space<vmem>> -> memref<128x128xf32, #tpu.memory_space<vmem>>
      %dma_wait3A_142 = arith.constant 0 : i32
      %dma_wait3A_143 = tpu.memref_slice %arg7[%dma_wait3A_136, %dma_wait3A_142] : memref<10x128xi32, #tpu.memory_space<vmem>> -> memref<1x128xi32, #tpu.memory_space<vmem>>
      %dma_wait3A_144 = tpu.memref_squeeze %dma_wait3A_143 : memref<1x128xi32, #tpu.memory_space<vmem>> -> memref<128xi32, #tpu.memory_space<vmem>>
      %dma_wait3A_145 = arith.constant 0 : i32
      %dma_wait3A_146 = arith.constant 0 : i32
      %dma_wait3A_147 = tpu.memref_slice %arg2[%dma_wait3A_145, %dma_wait3A_146] : memref<10000x128xf32, #tpu.memory_space<hbm>> -> memref<10000x128xf32, #tpu.memory_space<hbm>>
      tpu.wait_indirect_dma semaphore(%arg10 : memref<!tpu.dma_semaphore, #tpu.memory_space<semaphore_mem>>) src(%dma_wait3A_147 : memref<10000x128xf32, #tpu.memory_space<hbm>>) dst(%dma_wait3A_141 : memref<128x128xf32, #tpu.memory_space<vmem>>)
      %dma_start3A_148 = arith.constant 5 : i32
      %dma_start3A_149 = arith.constant 1 : i32
      %dma_start3A_150 = arith.constant 0 : i32
      %dma_start3A_151 = arith.constant 0 : i32
      %dma_start3A_152 = tpu.memref_slice %arg9[%dma_start3A_149, %dma_start3A_150, %dma_start3A_151] : memref<2x128x128xf32, #tpu.memory_space<vmem>> -> memref<1x128x128xf32, #tpu.memory_space<vmem>>
      %dma_start3A_153 = tpu.memref_squeeze %dma_start3A_152 : memref<1x128x128xf32, #tpu.memory_space<vmem>> -> memref<128x128xf32, #tpu.memory_space<vmem>>
      %dma_start3A_154 = arith.constant 0 : i32
      %dma_start3A_155 = tpu.memref_slice %arg7[%dma_start3A_148, %dma_start3A_154] : memref<10x128xi32, #tpu.memory_space<vmem>> -> memref<1x128xi32, #tpu.memory_space<vmem>>
      %dma_start3A_156 = tpu.memref_squeeze %dma_start3A_155 : memref<1x128xi32, #tpu.memory_space<vmem>> -> memref<128xi32, #tpu.memory_space<vmem>>
      %dma_start3A_157 = arith.constant 0 : i32
      %dma_start3A_158 = arith.constant 0 : i32
      %dma_start3A_159 = tpu.memref_slice %arg2[%dma_start3A_157, %dma_start3A_158] : memref<10000x128xf32, #tpu.memory_space<hbm>> -> memref<10000x128xf32, #tpu.memory_space<hbm>>
      tpu.enqueue_indirect_dma source(%dma_start3A_159 : memref<10000x128xf32, #tpu.memory_space<hbm>>) target(%dma_start3A_153 : memref<128x128xf32, #tpu.memory_space<vmem>>) offsets(%dma_start3A_156 : memref<128xi32, #tpu.memory_space<vmem>>) semaphore(%arg11 : memref<!tpu.dma_semaphore, #tpu.memory_space<semaphore_mem>>)
      %run_scoped3A_160 = arith.constant 0 : i32
      %run_scoped3A_161 = arith.constant 4 : i32
      "tpu.region"() ({
        %run_scoped3A_280 = tpu.sem_alloc : memref<!tpu.dma_semaphore, #tpu.memory_space<semaphore_mem>>
        %dma_start3A_281 = arith.constant 0 : i32
        %dma_start3A_282 = arith.constant 0 : i32
        %dma_start3A_283 = tpu.memref_slice %arg9[%run_scoped3A_160, %dma_start3A_281, %dma_start3A_282] : memref<2x128x128xf32, #tpu.memory_space<vmem>> -> memref<1x128x128xf32, #tpu.memory_space<vmem>>
        %dma_start3A_284 = tpu.memref_squeeze %dma_start3A_283 : memref<1x128x128xf32, #tpu.memory_space<vmem>> -> memref<128x128xf32, #tpu.memory_space<vmem>>
        %dma_start3A_285 = arith.constant 0 : i32
        %dma_start3A_286 = tpu.memref_slice %arg8[%run_scoped3A_161, %dma_start3A_285] : memref<10x128xi32, #tpu.memory_space<vmem>> -> memref<1x128xi32, #tpu.memory_space<vmem>>
        %dma_start3A_287 = tpu.memref_squeeze %dma_start3A_286 : memref<1x128xi32, #tpu.memory_space<vmem>> -> memref<128xi32, #tpu.memory_space<vmem>>
        %dma_start3A_288 = arith.constant 0 : i32
        %dma_start3A_289 = arith.constant 0 : i32
        %dma_start3A_290 = tpu.memref_slice %arg12[%dma_start3A_288, %dma_start3A_289] : memref<10016x128xf32, #tpu.memory_space<vmem_shared>> -> memref<10016x128xf32, #tpu.memory_space<vmem_shared>>
        tpu.enqueue_indirect_dma source(%dma_start3A_284 : memref<128x128xf32, #tpu.memory_space<vmem>>) target(%dma_start3A_290 : memref<10016x128xf32, #tpu.memory_space<vmem_shared>>) offsets(%dma_start3A_287 : memref<128xi32, #tpu.memory_space<vmem>>) semaphore(%run_scoped3A_280 : memref<!tpu.dma_semaphore, #tpu.memory_space<semaphore_mem>>) {add = true}
        %dma_wait3A_291 = arith.constant 0 : i32
        %dma_wait3A_292 = arith.constant 0 : i32
        %dma_wait3A_293 = tpu.memref_slice %arg9[%run_scoped3A_160, %dma_wait3A_291, %dma_wait3A_292] : memref<2x128x128xf32, #tpu.memory_space<vmem>> -> memref<1x128x128xf32, #tpu.memory_space<vmem>>
        %dma_wait3A_294 = tpu.memref_squeeze %dma_wait3A_293 : memref<1x128x128xf32, #tpu.memory_space<vmem>> -> memref<128x128xf32, #tpu.memory_space<vmem>>
        %dma_wait3A_295 = arith.constant 0 : i32
        %dma_wait3A_296 = tpu.memref_slice %arg8[%run_scoped3A_161, %dma_wait3A_295] : memref<10x128xi32, #tpu.memory_space<vmem>> -> memref<1x128xi32, #tpu.memory_space<vmem>>
        %dma_wait3A_297 = tpu.memref_squeeze %dma_wait3A_296 : memref<1x128xi32, #tpu.memory_space<vmem>> -> memref<128xi32, #tpu.memory_space<vmem>>
        %dma_wait3A_298 = arith.constant 0 : i32
        %dma_wait3A_299 = arith.constant 0 : i32
        %dma_wait3A_300 = tpu.memref_slice %arg12[%dma_wait3A_298, %dma_wait3A_299] : memref<10016x128xf32, #tpu.memory_space<vmem_shared>> -> memref<10016x128xf32, #tpu.memory_space<vmem_shared>>
        tpu.wait_indirect_dma semaphore(%run_scoped3A_280 : memref<!tpu.dma_semaphore, #tpu.memory_space<semaphore_mem>>) src(%dma_wait3A_294 : memref<128x128xf32, #tpu.memory_space<vmem>>) dst(%dma_wait3A_300 : memref<10016x128xf32, #tpu.memory_space<vmem_shared>>)
        tpu.yield
      }) : () -> ()
      %dma_wait3A_162 = arith.constant 5 : i32
      %dma_wait3A_163 = arith.constant 1 : i32
      %dma_wait3A_164 = arith.constant 0 : i32
      %dma_wait3A_165 = arith.constant 0 : i32
      %dma_wait3A_166 = tpu.memref_slice %arg9[%dma_wait3A_163, %dma_wait3A_164, %dma_wait3A_165] : memref<2x128x128xf32, #tpu.memory_space<vmem>> -> memref<1x128x128xf32, #tpu.memory_space<vmem>>
      %dma_wait3A_167 = tpu.memref_squeeze %dma_wait3A_166 : memref<1x128x128xf32, #tpu.memory_space<vmem>> -> memref<128x128xf32, #tpu.memory_space<vmem>>
      %dma_wait3A_168 = arith.constant 0 : i32
      %dma_wait3A_169 = tpu.memref_slice %arg7[%dma_wait3A_162, %dma_wait3A_168] : memref<10x128xi32, #tpu.memory_space<vmem>> -> memref<1x128xi32, #tpu.memory_space<vmem>>
      %dma_wait3A_170 = tpu.memref_squeeze %dma_wait3A_169 : memref<1x128xi32, #tpu.memory_space<vmem>> -> memref<128xi32, #tpu.memory_space<vmem>>
      %dma_wait3A_171 = arith.constant 0 : i32
      %dma_wait3A_172 = arith.constant 0 : i32
      %dma_wait3A_173 = tpu.memref_slice %arg2[%dma_wait3A_171, %dma_wait3A_172] : memref<10000x128xf32, #tpu.memory_space<hbm>> -> memref<10000x128xf32, #tpu.memory_space<hbm>>
      tpu.wait_indirect_dma semaphore(%arg11 : memref<!tpu.dma_semaphore, #tpu.memory_space<semaphore_mem>>) src(%dma_wait3A_173 : memref<10000x128xf32, #tpu.memory_space<hbm>>) dst(%dma_wait3A_167 : memref<128x128xf32, #tpu.memory_space<vmem>>)
      %dma_start3A_174 = arith.constant 6 : i32
      %dma_start3A_175 = arith.constant 0 : i32
      %dma_start3A_176 = arith.constant 0 : i32
      %dma_start3A_177 = arith.constant 0 : i32
      %dma_start3A_178 = tpu.memref_slice %arg9[%dma_start3A_175, %dma_start3A_176, %dma_start3A_177] : memref<2x128x128xf32, #tpu.memory_space<vmem>> -> memref<1x128x128xf32, #tpu.memory_space<vmem>>
      %dma_start3A_179 = tpu.memref_squeeze %dma_start3A_178 : memref<1x128x128xf32, #tpu.memory_space<vmem>> -> memref<128x128xf32, #tpu.memory_space<vmem>>
      %dma_start3A_180 = arith.constant 0 : i32
      %dma_start3A_181 = tpu.memref_slice %arg7[%dma_start3A_174, %dma_start3A_180] : memref<10x128xi32, #tpu.memory_space<vmem>> -> memref<1x128xi32, #tpu.memory_space<vmem>>
      %dma_start3A_182 = tpu.memref_squeeze %dma_start3A_181 : memref<1x128xi32, #tpu.memory_space<vmem>> -> memref<128xi32, #tpu.memory_space<vmem>>
      %dma_start3A_183 = arith.constant 0 : i32
      %dma_start3A_184 = arith.constant 0 : i32
      %dma_start3A_185 = tpu.memref_slice %arg2[%dma_start3A_183, %dma_start3A_184] : memref<10000x128xf32, #tpu.memory_space<hbm>> -> memref<10000x128xf32, #tpu.memory_space<hbm>>
      tpu.enqueue_indirect_dma source(%dma_start3A_185 : memref<10000x128xf32, #tpu.memory_space<hbm>>) target(%dma_start3A_179 : memref<128x128xf32, #tpu.memory_space<vmem>>) offsets(%dma_start3A_182 : memref<128xi32, #tpu.memory_space<vmem>>) semaphore(%arg10 : memref<!tpu.dma_semaphore, #tpu.memory_space<semaphore_mem>>)
      %run_scoped3A_186 = arith.constant 1 : i32
      %run_scoped3A_187 = arith.constant 5 : i32
      "tpu.region"() ({
        %run_scoped3A_280 = tpu.sem_alloc : memref<!tpu.dma_semaphore, #tpu.memory_space<semaphore_mem>>
        %dma_start3A_281 = arith.constant 0 : i32
        %dma_start3A_282 = arith.constant 0 : i32
        %dma_start3A_283 = tpu.memref_slice %arg9[%run_scoped3A_186, %dma_start3A_281, %dma_start3A_282] : memref<2x128x128xf32, #tpu.memory_space<vmem>> -> memref<1x128x128xf32, #tpu.memory_space<vmem>>
        %dma_start3A_284 = tpu.memref_squeeze %dma_start3A_283 : memref<1x128x128xf32, #tpu.memory_space<vmem>> -> memref<128x128xf32, #tpu.memory_space<vmem>>
        %dma_start3A_285 = arith.constant 0 : i32
        %dma_start3A_286 = tpu.memref_slice %arg8[%run_scoped3A_187, %dma_start3A_285] : memref<10x128xi32, #tpu.memory_space<vmem>> -> memref<1x128xi32, #tpu.memory_space<vmem>>
        %dma_start3A_287 = tpu.memref_squeeze %dma_start3A_286 : memref<1x128xi32, #tpu.memory_space<vmem>> -> memref<128xi32, #tpu.memory_space<vmem>>
        %dma_start3A_288 = arith.constant 0 : i32
        %dma_start3A_289 = arith.constant 0 : i32
        %dma_start3A_290 = tpu.memref_slice %arg12[%dma_start3A_288, %dma_start3A_289] : memref<10016x128xf32, #tpu.memory_space<vmem_shared>> -> memref<10016x128xf32, #tpu.memory_space<vmem_shared>>
        tpu.enqueue_indirect_dma source(%dma_start3A_284 : memref<128x128xf32, #tpu.memory_space<vmem>>) target(%dma_start3A_290 : memref<10016x128xf32, #tpu.memory_space<vmem_shared>>) offsets(%dma_start3A_287 : memref<128xi32, #tpu.memory_space<vmem>>) semaphore(%run_scoped3A_280 : memref<!tpu.dma_semaphore, #tpu.memory_space<semaphore_mem>>) {add = true}
        %dma_wait3A_291 = arith.constant 0 : i32
        %dma_wait3A_292 = arith.constant 0 : i32
        %dma_wait3A_293 = tpu.memref_slice %arg9[%run_scoped3A_186, %dma_wait3A_291, %dma_wait3A_292] : memref<2x128x128xf32, #tpu.memory_space<vmem>> -> memref<1x128x128xf32, #tpu.memory_space<vmem>>
        %dma_wait3A_294 = tpu.memref_squeeze %dma_wait3A_293 : memref<1x128x128xf32, #tpu.memory_space<vmem>> -> memref<128x128xf32, #tpu.memory_space<vmem>>
        %dma_wait3A_295 = arith.constant 0 : i32
        %dma_wait3A_296 = tpu.memref_slice %arg8[%run_scoped3A_187, %dma_wait3A_295] : memref<10x128xi32, #tpu.memory_space<vmem>> -> memref<1x128xi32, #tpu.memory_space<vmem>>
        %dma_wait3A_297 = tpu.memref_squeeze %dma_wait3A_296 : memref<1x128xi32, #tpu.memory_space<vmem>> -> memref<128xi32, #tpu.memory_space<vmem>>
        %dma_wait3A_298 = arith.constant 0 : i32
        %dma_wait3A_299 = arith.constant 0 : i32
        %dma_wait3A_300 = tpu.memref_slice %arg12[%dma_wait3A_298, %dma_wait3A_299] : memref<10016x128xf32, #tpu.memory_space<vmem_shared>> -> memref<10016x128xf32, #tpu.memory_space<vmem_shared>>
        tpu.wait_indirect_dma semaphore(%run_scoped3A_280 : memref<!tpu.dma_semaphore, #tpu.memory_space<semaphore_mem>>) src(%dma_wait3A_294 : memref<128x128xf32, #tpu.memory_space<vmem>>) dst(%dma_wait3A_300 : memref<10016x128xf32, #tpu.memory_space<vmem_shared>>)
        tpu.yield
      }) : () -> ()
      %dma_wait3A_188 = arith.constant 6 : i32
      %dma_wait3A_189 = arith.constant 0 : i32
      %dma_wait3A_190 = arith.constant 0 : i32
      %dma_wait3A_191 = arith.constant 0 : i32
      %dma_wait3A_192 = tpu.memref_slice %arg9[%dma_wait3A_189, %dma_wait3A_190, %dma_wait3A_191] : memref<2x128x128xf32, #tpu.memory_space<vmem>> -> memref<1x128x128xf32, #tpu.memory_space<vmem>>
      %dma_wait3A_193 = tpu.memref_squeeze %dma_wait3A_192 : memref<1x128x128xf32, #tpu.memory_space<vmem>> -> memref<128x128xf32, #tpu.memory_space<vmem>>
      %dma_wait3A_194 = arith.constant 0 : i32
      %dma_wait3A_195 = tpu.memref_slice %arg7[%dma_wait3A_188, %dma_wait3A_194] : memref<10x128xi32, #tpu.memory_space<vmem>> -> memref<1x128xi32, #tpu.memory_space<vmem>>
      %dma_wait3A_196 = tpu.memref_squeeze %dma_wait3A_195 : memref<1x128xi32, #tpu.memory_space<vmem>> -> memref<128xi32, #tpu.memory_space<vmem>>
      %dma_wait3A_197 = arith.constant 0 : i32
      %dma_wait3A_198 = arith.constant 0 : i32
      %dma_wait3A_199 = tpu.memref_slice %arg2[%dma_wait3A_197, %dma_wait3A_198] : memref<10000x128xf32, #tpu.memory_space<hbm>> -> memref<10000x128xf32, #tpu.memory_space<hbm>>
      tpu.wait_indirect_dma semaphore(%arg10 : memref<!tpu.dma_semaphore, #tpu.memory_space<semaphore_mem>>) src(%dma_wait3A_199 : memref<10000x128xf32, #tpu.memory_space<hbm>>) dst(%dma_wait3A_193 : memref<128x128xf32, #tpu.memory_space<vmem>>)
      %dma_start3A_200 = arith.constant 7 : i32
      %dma_start3A_201 = arith.constant 1 : i32
      %dma_start3A_202 = arith.constant 0 : i32
      %dma_start3A_203 = arith.constant 0 : i32
      %dma_start3A_204 = tpu.memref_slice %arg9[%dma_start3A_201, %dma_start3A_202, %dma_start3A_203] : memref<2x128x128xf32, #tpu.memory_space<vmem>> -> memref<1x128x128xf32, #tpu.memory_space<vmem>>
      %dma_start3A_205 = tpu.memref_squeeze %dma_start3A_204 : memref<1x128x128xf32, #tpu.memory_space<vmem>> -> memref<128x128xf32, #tpu.memory_space<vmem>>
      %dma_start3A_206 = arith.constant 0 : i32
      %dma_start3A_207 = tpu.memref_slice %arg7[%dma_start3A_200, %dma_start3A_206] : memref<10x128xi32, #tpu.memory_space<vmem>> -> memref<1x128xi32, #tpu.memory_space<vmem>>
      %dma_start3A_208 = tpu.memref_squeeze %dma_start3A_207 : memref<1x128xi32, #tpu.memory_space<vmem>> -> memref<128xi32, #tpu.memory_space<vmem>>
      %dma_start3A_209 = arith.constant 0 : i32
      %dma_start3A_210 = arith.constant 0 : i32
      %dma_start3A_211 = tpu.memref_slice %arg2[%dma_start3A_209, %dma_start3A_210] : memref<10000x128xf32, #tpu.memory_space<hbm>> -> memref<10000x128xf32, #tpu.memory_space<hbm>>
      tpu.enqueue_indirect_dma source(%dma_start3A_211 : memref<10000x128xf32, #tpu.memory_space<hbm>>) target(%dma_start3A_205 : memref<128x128xf32, #tpu.memory_space<vmem>>) offsets(%dma_start3A_208 : memref<128xi32, #tpu.memory_space<vmem>>) semaphore(%arg11 : memref<!tpu.dma_semaphore, #tpu.memory_space<semaphore_mem>>)
      %run_scoped3A_212 = arith.constant 0 : i32
      %run_scoped3A_213 = arith.constant 6 : i32
      "tpu.region"() ({
        %run_scoped3A_280 = tpu.sem_alloc : memref<!tpu.dma_semaphore, #tpu.memory_space<semaphore_mem>>
        %dma_start3A_281 = arith.constant 0 : i32
        %dma_start3A_282 = arith.constant 0 : i32
        %dma_start3A_283 = tpu.memref_slice %arg9[%run_scoped3A_212, %dma_start3A_281, %dma_start3A_282] : memref<2x128x128xf32, #tpu.memory_space<vmem>> -> memref<1x128x128xf32, #tpu.memory_space<vmem>>
        %dma_start3A_284 = tpu.memref_squeeze %dma_start3A_283 : memref<1x128x128xf32, #tpu.memory_space<vmem>> -> memref<128x128xf32, #tpu.memory_space<vmem>>
        %dma_start3A_285 = arith.constant 0 : i32
        %dma_start3A_286 = tpu.memref_slice %arg8[%run_scoped3A_213, %dma_start3A_285] : memref<10x128xi32, #tpu.memory_space<vmem>> -> memref<1x128xi32, #tpu.memory_space<vmem>>
        %dma_start3A_287 = tpu.memref_squeeze %dma_start3A_286 : memref<1x128xi32, #tpu.memory_space<vmem>> -> memref<128xi32, #tpu.memory_space<vmem>>
        %dma_start3A_288 = arith.constant 0 : i32
        %dma_start3A_289 = arith.constant 0 : i32
        %dma_start3A_290 = tpu.memref_slice %arg12[%dma_start3A_288, %dma_start3A_289] : memref<10016x128xf32, #tpu.memory_space<vmem_shared>> -> memref<10016x128xf32, #tpu.memory_space<vmem_shared>>
        tpu.enqueue_indirect_dma source(%dma_start3A_284 : memref<128x128xf32, #tpu.memory_space<vmem>>) target(%dma_start3A_290 : memref<10016x128xf32, #tpu.memory_space<vmem_shared>>) offsets(%dma_start3A_287 : memref<128xi32, #tpu.memory_space<vmem>>) semaphore(%run_scoped3A_280 : memref<!tpu.dma_semaphore, #tpu.memory_space<semaphore_mem>>) {add = true}
        %dma_wait3A_291 = arith.constant 0 : i32
        %dma_wait3A_292 = arith.constant 0 : i32
        %dma_wait3A_293 = tpu.memref_slice %arg9[%run_scoped3A_212, %dma_wait3A_291, %dma_wait3A_292] : memref<2x128x128xf32, #tpu.memory_space<vmem>> -> memref<1x128x128xf32, #tpu.memory_space<vmem>>
        %dma_wait3A_294 = tpu.memref_squeeze %dma_wait3A_293 : memref<1x128x128xf32, #tpu.memory_space<vmem>> -> memref<128x128xf32, #tpu.memory_space<vmem>>
        %dma_wait3A_295 = arith.constant 0 : i32
        %dma_wait3A_296 = tpu.memref_slice %arg8[%run_scoped3A_213, %dma_wait3A_295] : memref<10x128xi32, #tpu.memory_space<vmem>> -> memref<1x128xi32, #tpu.memory_space<vmem>>
        %dma_wait3A_297 = tpu.memref_squeeze %dma_wait3A_296 : memref<1x128xi32, #tpu.memory_space<vmem>> -> memref<128xi32, #tpu.memory_space<vmem>>
        %dma_wait3A_298 = arith.constant 0 : i32
        %dma_wait3A_299 = arith.constant 0 : i32
        %dma_wait3A_300 = tpu.memref_slice %arg12[%dma_wait3A_298, %dma_wait3A_299] : memref<10016x128xf32, #tpu.memory_space<vmem_shared>> -> memref<10016x128xf32, #tpu.memory_space<vmem_shared>>
        tpu.wait_indirect_dma semaphore(%run_scoped3A_280 : memref<!tpu.dma_semaphore, #tpu.memory_space<semaphore_mem>>) src(%dma_wait3A_294 : memref<128x128xf32, #tpu.memory_space<vmem>>) dst(%dma_wait3A_300 : memref<10016x128xf32, #tpu.memory_space<vmem_shared>>)
        tpu.yield
      }) : () -> ()
      %dma_wait3A_214 = arith.constant 7 : i32
      %dma_wait3A_215 = arith.constant 1 : i32
      %dma_wait3A_216 = arith.constant 0 : i32
      %dma_wait3A_217 = arith.constant 0 : i32
      %dma_wait3A_218 = tpu.memref_slice %arg9[%dma_wait3A_215, %dma_wait3A_216, %dma_wait3A_217] : memref<2x128x128xf32, #tpu.memory_space<vmem>> -> memref<1x128x128xf32, #tpu.memory_space<vmem>>
      %dma_wait3A_219 = tpu.memref_squeeze %dma_wait3A_218 : memref<1x128x128xf32, #tpu.memory_space<vmem>> -> memref<128x128xf32, #tpu.memory_space<vmem>>
      %dma_wait3A_220 = arith.constant 0 : i32
      %dma_wait3A_221 = tpu.memref_slice %arg7[%dma_wait3A_214, %dma_wait3A_220] : memref<10x128xi32, #tpu.memory_space<vmem>> -> memref<1x128xi32, #tpu.memory_space<vmem>>
      %dma_wait3A_222 = tpu.memref_squeeze %dma_wait3A_221 : memref<1x128xi32, #tpu.memory_space<vmem>> -> memref<128xi32, #tpu.memory_space<vmem>>
      %dma_wait3A_223 = arith.constant 0 : i32
      %dma_wait3A_224 = arith.constant 0 : i32
      %dma_wait3A_225 = tpu.memref_slice %arg2[%dma_wait3A_223, %dma_wait3A_224] : memref<10000x128xf32, #tpu.memory_space<hbm>> -> memref<10000x128xf32, #tpu.memory_space<hbm>>
      tpu.wait_indirect_dma semaphore(%arg11 : memref<!tpu.dma_semaphore, #tpu.memory_space<semaphore_mem>>) src(%dma_wait3A_225 : memref<10000x128xf32, #tpu.memory_space<hbm>>) dst(%dma_wait3A_219 : memref<128x128xf32, #tpu.memory_space<vmem>>)
      %dma_start3A_226 = arith.constant 8 : i32
      %dma_start3A_227 = arith.constant 0 : i32
      %dma_start3A_228 = arith.constant 0 : i32
      %dma_start3A_229 = arith.constant 0 : i32
      %dma_start3A_230 = tpu.memref_slice %arg9[%dma_start3A_227, %dma_start3A_228, %dma_start3A_229] : memref<2x128x128xf32, #tpu.memory_space<vmem>> -> memref<1x128x128xf32, #tpu.memory_space<vmem>>
      %dma_start3A_231 = tpu.memref_squeeze %dma_start3A_230 : memref<1x128x128xf32, #tpu.memory_space<vmem>> -> memref<128x128xf32, #tpu.memory_space<vmem>>
      %dma_start3A_232 = arith.constant 0 : i32
      %dma_start3A_233 = tpu.memref_slice %arg7[%dma_start3A_226, %dma_start3A_232] : memref<10x128xi32, #tpu.memory_space<vmem>> -> memref<1x128xi32, #tpu.memory_space<vmem>>
      %dma_start3A_234 = tpu.memref_squeeze %dma_start3A_233 : memref<1x128xi32, #tpu.memory_space<vmem>> -> memref<128xi32, #tpu.memory_space<vmem>>
      %dma_start3A_235 = arith.constant 0 : i32
      %dma_start3A_236 = arith.constant 0 : i32
      %dma_start3A_237 = tpu.memref_slice %arg2[%dma_start3A_235, %dma_start3A_236] : memref<10000x128xf32, #tpu.memory_space<hbm>> -> memref<10000x128xf32, #tpu.memory_space<hbm>>
      tpu.enqueue_indirect_dma source(%dma_start3A_237 : memref<10000x128xf32, #tpu.memory_space<hbm>>) target(%dma_start3A_231 : memref<128x128xf32, #tpu.memory_space<vmem>>) offsets(%dma_start3A_234 : memref<128xi32, #tpu.memory_space<vmem>>) semaphore(%arg10 : memref<!tpu.dma_semaphore, #tpu.memory_space<semaphore_mem>>)
      %run_scoped3A_238 = arith.constant 1 : i32
      %run_scoped3A_239 = arith.constant 7 : i32
      "tpu.region"() ({
        %run_scoped3A_280 = tpu.sem_alloc : memref<!tpu.dma_semaphore, #tpu.memory_space<semaphore_mem>>
        %dma_start3A_281 = arith.constant 0 : i32
        %dma_start3A_282 = arith.constant 0 : i32
        %dma_start3A_283 = tpu.memref_slice %arg9[%run_scoped3A_238, %dma_start3A_281, %dma_start3A_282] : memref<2x128x128xf32, #tpu.memory_space<vmem>> -> memref<1x128x128xf32, #tpu.memory_space<vmem>>
        %dma_start3A_284 = tpu.memref_squeeze %dma_start3A_283 : memref<1x128x128xf32, #tpu.memory_space<vmem>> -> memref<128x128xf32, #tpu.memory_space<vmem>>
        %dma_start3A_285 = arith.constant 0 : i32
        %dma_start3A_286 = tpu.memref_slice %arg8[%run_scoped3A_239, %dma_start3A_285] : memref<10x128xi32, #tpu.memory_space<vmem>> -> memref<1x128xi32, #tpu.memory_space<vmem>>
        %dma_start3A_287 = tpu.memref_squeeze %dma_start3A_286 : memref<1x128xi32, #tpu.memory_space<vmem>> -> memref<128xi32, #tpu.memory_space<vmem>>
        %dma_start3A_288 = arith.constant 0 : i32
        %dma_start3A_289 = arith.constant 0 : i32
        %dma_start3A_290 = tpu.memref_slice %arg12[%dma_start3A_288, %dma_start3A_289] : memref<10016x128xf32, #tpu.memory_space<vmem_shared>> -> memref<10016x128xf32, #tpu.memory_space<vmem_shared>>
        tpu.enqueue_indirect_dma source(%dma_start3A_284 : memref<128x128xf32, #tpu.memory_space<vmem>>) target(%dma_start3A_290 : memref<10016x128xf32, #tpu.memory_space<vmem_shared>>) offsets(%dma_start3A_287 : memref<128xi32, #tpu.memory_space<vmem>>) semaphore(%run_scoped3A_280 : memref<!tpu.dma_semaphore, #tpu.memory_space<semaphore_mem>>) {add = true}
        %dma_wait3A_291 = arith.constant 0 : i32
        %dma_wait3A_292 = arith.constant 0 : i32
        %dma_wait3A_293 = tpu.memref_slice %arg9[%run_scoped3A_238, %dma_wait3A_291, %dma_wait3A_292] : memref<2x128x128xf32, #tpu.memory_space<vmem>> -> memref<1x128x128xf32, #tpu.memory_space<vmem>>
        %dma_wait3A_294 = tpu.memref_squeeze %dma_wait3A_293 : memref<1x128x128xf32, #tpu.memory_space<vmem>> -> memref<128x128xf32, #tpu.memory_space<vmem>>
        %dma_wait3A_295 = arith.constant 0 : i32
        %dma_wait3A_296 = tpu.memref_slice %arg8[%run_scoped3A_239, %dma_wait3A_295] : memref<10x128xi32, #tpu.memory_space<vmem>> -> memref<1x128xi32, #tpu.memory_space<vmem>>
        %dma_wait3A_297 = tpu.memref_squeeze %dma_wait3A_296 : memref<1x128xi32, #tpu.memory_space<vmem>> -> memref<128xi32, #tpu.memory_space<vmem>>
        %dma_wait3A_298 = arith.constant 0 : i32
        %dma_wait3A_299 = arith.constant 0 : i32
        %dma_wait3A_300 = tpu.memref_slice %arg12[%dma_wait3A_298, %dma_wait3A_299] : memref<10016x128xf32, #tpu.memory_space<vmem_shared>> -> memref<10016x128xf32, #tpu.memory_space<vmem_shared>>
        tpu.wait_indirect_dma semaphore(%run_scoped3A_280 : memref<!tpu.dma_semaphore, #tpu.memory_space<semaphore_mem>>) src(%dma_wait3A_294 : memref<128x128xf32, #tpu.memory_space<vmem>>) dst(%dma_wait3A_300 : memref<10016x128xf32, #tpu.memory_space<vmem_shared>>)
        tpu.yield
      }) : () -> ()
      %dma_wait3A_240 = arith.constant 8 : i32
      %dma_wait3A_241 = arith.constant 0 : i32
      %dma_wait3A_242 = arith.constant 0 : i32
      %dma_wait3A_243 = arith.constant 0 : i32
      %dma_wait3A_244 = tpu.memref_slice %arg9[%dma_wait3A_241, %dma_wait3A_242, %dma_wait3A_243] : memref<2x128x128xf32, #tpu.memory_space<vmem>> -> memref<1x128x128xf32, #tpu.memory_space<vmem>>
      %dma_wait3A_245 = tpu.memref_squeeze %dma_wait3A_244 : memref<1x128x128xf32, #tpu.memory_space<vmem>> -> memref<128x128xf32, #tpu.memory_space<vmem>>
      %dma_wait3A_246 = arith.constant 0 : i32
      %dma_wait3A_247 = tpu.memref_slice %arg7[%dma_wait3A_240, %dma_wait3A_246] : memref<10x128xi32, #tpu.memory_space<vmem>> -> memref<1x128xi32, #tpu.memory_space<vmem>>
      %dma_wait3A_248 = tpu.memref_squeeze %dma_wait3A_247 : memref<1x128xi32, #tpu.memory_space<vmem>> -> memref<128xi32, #tpu.memory_space<vmem>>
      %dma_wait3A_249 = arith.constant 0 : i32
      %dma_wait3A_250 = arith.constant 0 : i32
      %dma_wait3A_251 = tpu.memref_slice %arg2[%dma_wait3A_249, %dma_wait3A_250] : memref<10000x128xf32, #tpu.memory_space<hbm>> -> memref<10000x128xf32, #tpu.memory_space<hbm>>
      tpu.wait_indirect_dma semaphore(%arg10 : memref<!tpu.dma_semaphore, #tpu.memory_space<semaphore_mem>>) src(%dma_wait3A_251 : memref<10000x128xf32, #tpu.memory_space<hbm>>) dst(%dma_wait3A_245 : memref<128x128xf32, #tpu.memory_space<vmem>>)
      %dma_start3A_252 = arith.constant 9 : i32
      %dma_start3A_253 = arith.constant 1 : i32
      %dma_start3A_254 = arith.constant 0 : i32
      %dma_start3A_255 = arith.constant 0 : i32
      %dma_start3A_256 = tpu.memref_slice %arg9[%dma_start3A_253, %dma_start3A_254, %dma_start3A_255] : memref<2x128x128xf32, #tpu.memory_space<vmem>> -> memref<1x128x128xf32, #tpu.memory_space<vmem>>
      %dma_start3A_257 = tpu.memref_squeeze %dma_start3A_256 : memref<1x128x128xf32, #tpu.memory_space<vmem>> -> memref<128x128xf32, #tpu.memory_space<vmem>>
      %dma_start3A_258 = arith.constant 0 : i32
      %dma_start3A_259 = tpu.memref_slice %arg7[%dma_start3A_252, %dma_start3A_258] : memref<10x128xi32, #tpu.memory_space<vmem>> -> memref<1x128xi32, #tpu.memory_space<vmem>>
      %dma_start3A_260 = tpu.memref_squeeze %dma_start3A_259 : memref<1x128xi32, #tpu.memory_space<vmem>> -> memref<128xi32, #tpu.memory_space<vmem>>
      %dma_start3A_261 = arith.constant 0 : i32
      %dma_start3A_262 = arith.constant 0 : i32
      %dma_start3A_263 = tpu.memref_slice %arg2[%dma_start3A_261, %dma_start3A_262] : memref<10000x128xf32, #tpu.memory_space<hbm>> -> memref<10000x128xf32, #tpu.memory_space<hbm>>
      tpu.enqueue_indirect_dma source(%dma_start3A_263 : memref<10000x128xf32, #tpu.memory_space<hbm>>) target(%dma_start3A_257 : memref<128x128xf32, #tpu.memory_space<vmem>>) offsets(%dma_start3A_260 : memref<128xi32, #tpu.memory_space<vmem>>) semaphore(%arg11 : memref<!tpu.dma_semaphore, #tpu.memory_space<semaphore_mem>>)
      %run_scoped3A_264 = arith.constant 0 : i32
      %run_scoped3A_265 = arith.constant 8 : i32
      "tpu.region"() ({
        %run_scoped3A_280 = tpu.sem_alloc : memref<!tpu.dma_semaphore, #tpu.memory_space<semaphore_mem>>
        %dma_start3A_281 = arith.constant 0 : i32
        %dma_start3A_282 = arith.constant 0 : i32
        %dma_start3A_283 = tpu.memref_slice %arg9[%run_scoped3A_264, %dma_start3A_281, %dma_start3A_282] : memref<2x128x128xf32, #tpu.memory_space<vmem>> -> memref<1x128x128xf32, #tpu.memory_space<vmem>>
        %dma_start3A_284 = tpu.memref_squeeze %dma_start3A_283 : memref<1x128x128xf32, #tpu.memory_space<vmem>> -> memref<128x128xf32, #tpu.memory_space<vmem>>
        %dma_start3A_285 = arith.constant 0 : i32
        %dma_start3A_286 = tpu.memref_slice %arg8[%run_scoped3A_265, %dma_start3A_285] : memref<10x128xi32, #tpu.memory_space<vmem>> -> memref<1x128xi32, #tpu.memory_space<vmem>>
        %dma_start3A_287 = tpu.memref_squeeze %dma_start3A_286 : memref<1x128xi32, #tpu.memory_space<vmem>> -> memref<128xi32, #tpu.memory_space<vmem>>
        %dma_start3A_288 = arith.constant 0 : i32
        %dma_start3A_289 = arith.constant 0 : i32
        %dma_start3A_290 = tpu.memref_slice %arg12[%dma_start3A_288, %dma_start3A_289] : memref<10016x128xf32, #tpu.memory_space<vmem_shared>> -> memref<10016x128xf32, #tpu.memory_space<vmem_shared>>
        tpu.enqueue_indirect_dma source(%dma_start3A_284 : memref<128x128xf32, #tpu.memory_space<vmem>>) target(%dma_start3A_290 : memref<10016x128xf32, #tpu.memory_space<vmem_shared>>) offsets(%dma_start3A_287 : memref<128xi32, #tpu.memory_space<vmem>>) semaphore(%run_scoped3A_280 : memref<!tpu.dma_semaphore, #tpu.memory_space<semaphore_mem>>) {add = true}
        %dma_wait3A_291 = arith.constant 0 : i32
        %dma_wait3A_292 = arith.constant 0 : i32
        %dma_wait3A_293 = tpu.memref_slice %arg9[%run_scoped3A_264, %dma_wait3A_291, %dma_wait3A_292] : memref<2x128x128xf32, #tpu.memory_space<vmem>> -> memref<1x128x128xf32, #tpu.memory_space<vmem>>
        %dma_wait3A_294 = tpu.memref_squeeze %dma_wait3A_293 : memref<1x128x128xf32, #tpu.memory_space<vmem>> -> memref<128x128xf32, #tpu.memory_space<vmem>>
        %dma_wait3A_295 = arith.constant 0 : i32
        %dma_wait3A_296 = tpu.memref_slice %arg8[%run_scoped3A_265, %dma_wait3A_295] : memref<10x128xi32, #tpu.memory_space<vmem>> -> memref<1x128xi32, #tpu.memory_space<vmem>>
        %dma_wait3A_297 = tpu.memref_squeeze %dma_wait3A_296 : memref<1x128xi32, #tpu.memory_space<vmem>> -> memref<128xi32, #tpu.memory_space<vmem>>
        %dma_wait3A_298 = arith.constant 0 : i32
        %dma_wait3A_299 = arith.constant 0 : i32
        %dma_wait3A_300 = tpu.memref_slice %arg12[%dma_wait3A_298, %dma_wait3A_299] : memref<10016x128xf32, #tpu.memory_space<vmem_shared>> -> memref<10016x128xf32, #tpu.memory_space<vmem_shared>>
        tpu.wait_indirect_dma semaphore(%run_scoped3A_280 : memref<!tpu.dma_semaphore, #tpu.memory_space<semaphore_mem>>) src(%dma_wait3A_294 : memref<128x128xf32, #tpu.memory_space<vmem>>) dst(%dma_wait3A_300 : memref<10016x128xf32, #tpu.memory_space<vmem_shared>>)
        tpu.yield
      }) : () -> ()
      %dma_wait3A_266 = arith.constant 9 : i32
      %dma_wait3A_267 = arith.constant 1 : i32
      %dma_wait3A_268 = arith.constant 0 : i32
      %dma_wait3A_269 = arith.constant 0 : i32
      %dma_wait3A_270 = tpu.memref_slice %arg9[%dma_wait3A_267, %dma_wait3A_268, %dma_wait3A_269] : memref<2x128x128xf32, #tpu.memory_space<vmem>> -> memref<1x128x128xf32, #tpu.memory_space<vmem>>
      %dma_wait3A_271 = tpu.memref_squeeze %dma_wait3A_270 : memref<1x128x128xf32, #tpu.memory_space<vmem>> -> memref<128x128xf32, #tpu.memory_space<vmem>>
      %dma_wait3A_272 = arith.constant 0 : i32
      %dma_wait3A_273 = tpu.memref_slice %arg7[%dma_wait3A_266, %dma_wait3A_272] : memref<10x128xi32, #tpu.memory_space<vmem>> -> memref<1x128xi32, #tpu.memory_space<vmem>>
      %dma_wait3A_274 = tpu.memref_squeeze %dma_wait3A_273 : memref<1x128xi32, #tpu.memory_space<vmem>> -> memref<128xi32, #tpu.memory_space<vmem>>
      %dma_wait3A_275 = arith.constant 0 : i32
      %dma_wait3A_276 = arith.constant 0 : i32
      %dma_wait3A_277 = tpu.memref_slice %arg2[%dma_wait3A_275, %dma_wait3A_276] : memref<10000x128xf32, #tpu.memory_space<hbm>> -> memref<10000x128xf32, #tpu.memory_space<hbm>>
      tpu.wait_indirect_dma semaphore(%arg11 : memref<!tpu.dma_semaphore, #tpu.memory_space<semaphore_mem>>) src(%dma_wait3A_277 : memref<10000x128xf32, #tpu.memory_space<hbm>>) dst(%dma_wait3A_271 : memref<128x128xf32, #tpu.memory_space<vmem>>)
      %run_scoped3A_278 = arith.constant 1 : i32
      %run_scoped3A_279 = arith.constant 9 : i32
      "tpu.region"() ({
        %run_scoped3A_280 = tpu.sem_alloc : memref<!tpu.dma_semaphore, #tpu.memory_space<semaphore_mem>>
        %dma_start3A_281 = arith.constant 0 : i32
        %dma_start3A_282 = arith.constant 0 : i32
        %dma_start3A_283 = tpu.memref_slice %arg9[%run_scoped3A_278, %dma_start3A_281, %dma_start3A_282] : memref<2x128x128xf32, #tpu.memory_space<vmem>> -> memref<1x128x128xf32, #tpu.memory_space<vmem>>
        %dma_start3A_284 = tpu.memref_squeeze %dma_start3A_283 : memref<1x128x128xf32, #tpu.memory_space<vmem>> -> memref<128x128xf32, #tpu.memory_space<vmem>>
        %dma_start3A_285 = arith.constant 0 : i32
        %dma_start3A_286 = tpu.memref_slice %arg8[%run_scoped3A_279, %dma_start3A_285] : memref<10x128xi32, #tpu.memory_space<vmem>> -> memref<1x128xi32, #tpu.memory_space<vmem>>
        %dma_start3A_287 = tpu.memref_squeeze %dma_start3A_286 : memref<1x128xi32, #tpu.memory_space<vmem>> -> memref<128xi32, #tpu.memory_space<vmem>>
        %dma_start3A_288 = arith.constant 0 : i32
        %dma_start3A_289 = arith.constant 0 : i32
        %dma_start3A_290 = tpu.memref_slice %arg12[%dma_start3A_288, %dma_start3A_289] : memref<10016x128xf32, #tpu.memory_space<vmem_shared>> -> memref<10016x128xf32, #tpu.memory_space<vmem_shared>>
        tpu.enqueue_indirect_dma source(%dma_start3A_284 : memref<128x128xf32, #tpu.memory_space<vmem>>) target(%dma_start3A_290 : memref<10016x128xf32, #tpu.memory_space<vmem_shared>>) offsets(%dma_start3A_287 : memref<128xi32, #tpu.memory_space<vmem>>) semaphore(%run_scoped3A_280 : memref<!tpu.dma_semaphore, #tpu.memory_space<semaphore_mem>>) {add = true}
        %dma_wait3A_291 = arith.constant 0 : i32
        %dma_wait3A_292 = arith.constant 0 : i32
        %dma_wait3A_293 = tpu.memref_slice %arg9[%run_scoped3A_278, %dma_wait3A_291, %dma_wait3A_292] : memref<2x128x128xf32, #tpu.memory_space<vmem>> -> memref<1x128x128xf32, #tpu.memory_space<vmem>>
        %dma_wait3A_294 = tpu.memref_squeeze %dma_wait3A_293 : memref<1x128x128xf32, #tpu.memory_space<vmem>> -> memref<128x128xf32, #tpu.memory_space<vmem>>
        %dma_wait3A_295 = arith.constant 0 : i32
        %dma_wait3A_296 = tpu.memref_slice %arg8[%run_scoped3A_279, %dma_wait3A_295] : memref<10x128xi32, #tpu.memory_space<vmem>> -> memref<1x128xi32, #tpu.memory_space<vmem>>
        %dma_wait3A_297 = tpu.memref_squeeze %dma_wait3A_296 : memref<1x128xi32, #tpu.memory_space<vmem>> -> memref<128xi32, #tpu.memory_space<vmem>>
        %dma_wait3A_298 = arith.constant 0 : i32
        %dma_wait3A_299 = arith.constant 0 : i32
        %dma_wait3A_300 = tpu.memref_slice %arg12[%dma_wait3A_298, %dma_wait3A_299] : memref<10016x128xf32, #tpu.memory_space<vmem_shared>> -> memref<10016x128xf32, #tpu.memory_space<vmem_shared>>
        tpu.wait_indirect_dma semaphore(%run_scoped3A_280 : memref<!tpu.dma_semaphore, #tpu.memory_space<semaphore_mem>>) src(%dma_wait3A_294 : memref<128x128xf32, #tpu.memory_space<vmem>>) dst(%dma_wait3A_300 : memref<10016x128xf32, #tpu.memory_space<vmem_shared>>)
        tpu.yield
      }) : () -> ()
    }
    %scan3A_9 = arith.constant 8 : i32
    %barrier3A_10 = arith.constant 0 : index
    tpu.barrier barrier_id(%barrier3A_10)
    %lt3A_11 = arith.constant 10 : i32
    %lt3A_12 = arith.cmpi slt, %arg1, %lt3A_11 : i32
    %convert_element_type3A_13 = arith.extui %lt3A_12 : i1 to i32
    %cond3A_14 = arith.constant 0 : i32
    %cond3A_15 = arith.cmpi ne, %convert_element_type3A_13, %cond3A_14 : i32
    scf.if %cond3A_15 {
      %mul3A_16 = arith.constant 10000 : i32
      %mul3A_17 = arith.muli %arg0, %mul3A_16 : i32
      %add3A_18 = arith.addi %mul3A_17, %mul3A_2 : i32
      "tpu.region"() ({
        %run_scoped3A = tpu.sem_alloc : memref<!tpu.dma_semaphore, #tpu.memory_space<semaphore_mem>>
        %dma_start3A = arith.constant 0 : i32
        %dma_start3A_19 = tpu.memref_slice %arg6[%add3A_18, %dma_start3A] : memref<20000x128xf32, #tpu.memory_space<hbm>> -> memref<1000x128xf32, #tpu.memory_space<hbm>>
        %dma_start3A_20 = arith.constant 0 : i32
        %dma_start3A_21 = tpu.memref_slice %arg12[%mul3A_2, %dma_start3A_20] : memref<10016x128xf32, #tpu.memory_space<vmem_shared>> -> memref<1000x128xf32, #tpu.memory_space<vmem_shared>>
        tpu.enqueue_dma source(%dma_start3A_21 : memref<1000x128xf32, #tpu.memory_space<vmem_shared>>) target(%dma_start3A_19 : memref<1000x128xf32, #tpu.memory_space<hbm>>) target_semaphore(%run_scoped3A : memref<!tpu.dma_semaphore, #tpu.memory_space<semaphore_mem>>)
        %dma_wait3A = arith.constant 0 : i32
        %dma_wait3A_22 = tpu.memref_slice %arg6[%add3A_18, %dma_wait3A] : memref<20000x128xf32, #tpu.memory_space<hbm>> -> memref<1000x128xf32, #tpu.memory_space<hbm>>
        %dma_wait3A_23 = arith.constant 0 : i32
        %dma_wait3A_24 = tpu.memref_slice %arg12[%mul3A_2, %dma_wait3A_23] : memref<10016x128xf32, #tpu.memory_space<vmem_shared>> -> memref<1000x128xf32, #tpu.memory_space<vmem_shared>>
        tpu.wait_dma2 semaphore(%run_scoped3A : memref<!tpu.dma_semaphore, #tpu.memory_space<semaphore_mem>>) src(%dma_wait3A_24 : memref<1000x128xf32, #tpu.memory_space<vmem_shared>>) dst(%dma_wait3A_22 : memref<1000x128xf32, #tpu.memory_space<hbm>>)
        tpu.yield
      }) : () -> ()
    } else {
    }
    return
  }
}

#map = affine_map<(d0, d1) -> (0, 0)>
#map1 = affine_map<(d0, d1) -> (0, 0, 0)>
module attributes {stable_mosaic.version = 14 : i64} {
  func.func @body(%arg0: i32, %arg1: i32, %arg2: memref<10000x128xf32, #tpu.memory_space<hbm>>, %arg3: memref<256x10x128xi32, #tpu.memory_space<hbm>>, %arg4: memref<256x10x128xi32, #tpu.memory_space<hbm>>, %arg5: memref<10000x128xf32, #tpu.memory_space<hbm>>, %arg6: memref<20000x128xf32, #tpu.memory_space<hbm>>, %arg7: memref<10x128xi32, #tpu.memory_space<vmem>>, %arg8: memref<10x128xi32, #tpu.memory_space<vmem>>, %arg9: memref<2x128x128xf32, #tpu.memory_space<vmem>>, %arg10: memref<!tpu.dma_semaphore, #tpu.memory_space<semaphore_mem>>, %arg11: memref<!tpu.dma_semaphore, #tpu.memory_space<semaphore_mem>>, %arg12: memref<10016x128xf32, #tpu.memory_space<vmem_shared>>) attributes {dimension_semantics = [#tpu.dimension_semantics<core_parallel>, #tpu.dimension_semantics<subcore_parallel>], iteration_bounds = array<i64: 2, 16>, scalar_prefetch = 0 : i64, scratch_operands = 6 : i64, tpu.core_type = #tpu.core_type<sc_vector_subcore>, window_params = [{transform_indices = #map}, {transform_indices = #map1}, {transform_indices = #map1}, {transform_indices = #map}, {transform_indices = #map}]} {
    %mul3A = arith.constant 2 : i32
    %mul3A_0 = arith.muli %arg1, %mul3A : i32
    %add3A = arith.addi %mul3A_0, %arg0 : i32
    %mul3A_1 = arith.constant 1000 : i32
    %mul3A_2 = arith.muli %arg1, %mul3A_1 : i32
    %lt3A = arith.constant 10 : i32
    %lt3A_3 = arith.cmpi slt, %arg1, %lt3A : i32
    %convert_element_type3A = arith.extui %lt3A_3 : i1 to i32
    %cond3A = arith.constant 0 : i32
    %cond3A_4 = arith.cmpi ne, %convert_element_type3A, %cond3A : i32
    scf.if %cond3A_4 {
      "tpu.region"() ({
        %run_scoped3A = tpu.sem_alloc : memref<!tpu.dma_semaphore, #tpu.memory_space<semaphore_mem>>
        %dma_start3A = arith.constant 0 : i32
        %dma_start3A_16 = tpu.memref_slice %arg12[%mul3A_2, %dma_start3A] : memref<10016x128xf32, #tpu.memory_space<vmem_shared>> -> memref<1000x128xf32, #tpu.memory_space<vmem_shared>>
        %dma_start3A_17 = arith.constant 0 : i32
        %dma_start3A_18 = tpu.memref_slice %arg5[%mul3A_2, %dma_start3A_17] : memref<10000x128xf32, #tpu.memory_space<hbm>> -> memref<1000x128xf32, #tpu.memory_space<hbm>>
        tpu.enqueue_dma source(%dma_start3A_18 : memref<1000x128xf32, #tpu.memory_space<hbm>>) target(%dma_start3A_16 : memref<1000x128xf32, #tpu.memory_space<vmem_shared>>) target_semaphore(%run_scoped3A : memref<!tpu.dma_semaphore, #tpu.memory_space<semaphore_mem>>)
        %dma_wait3A = arith.constant 0 : i32
        %dma_wait3A_19 = tpu.memref_slice %arg12[%mul3A_2, %dma_wait3A] : memref<10016x128xf32, #tpu.memory_space<vmem_shared>> -> memref<1000x128xf32, #tpu.memory_space<vmem_shared>>
        %dma_wait3A_20 = arith.constant 0 : i32
        %dma_wait3A_21 = tpu.memref_slice %arg5[%mul3A_2, %dma_wait3A_20] : memref<10000x128xf32, #tpu.memory_space<hbm>> -> memref<1000x128xf32, #tpu.memory_space<hbm>>
        tpu.wait_dma2 semaphore(%run_scoped3A : memref<!tpu.dma_semaphore, #tpu.memory_space<semaphore_mem>>) src(%dma_wait3A_21 : memref<1000x128xf32, #tpu.memory_space<hbm>>) dst(%dma_wait3A_19 : memref<1000x128xf32, #tpu.memory_space<vmem_shared>>)
        tpu.yield
      }) : () -> ()
    } else {
    }
    %barrier3A = arith.constant 0 : index
    tpu.barrier barrier_id(%barrier3A)
    %scan3A = arith.constant 0 : i32
    %scan3A_5 = arith.constant 0 : i32
    %scan3A_6 = arith.constant 8 : i32
    %scan3A_7 = arith.addi %scan3A_5, %scan3A_6 : i32
    %scan3A_8 = arith.constant 1 : i32
    scf.for %scan3A_16 = %scan3A_5 to %scan3A_7 step %scan3A_8  : i32 {
      %mul3A_17 = arith.constant 8 : i32
      %mul3A_18 = arith.muli %add3A, %mul3A_17 : i32
      %add3A_19 = arith.addi %mul3A_18, %scan3A_16 : i32
      "tpu.region"() ({
        %run_scoped3A_280 = tpu.sem_alloc : memref<!tpu.dma_semaphore, #tpu.memory_space<semaphore_mem>>
        %dma_start3A_281 = arith.constant 0 : i32
        %dma_start3A_282 = arith.constant 0 : i32
        %dma_start3A_283 = tpu.memref_slice %arg3[%add3A_19, %dma_start3A_281, %dma_start3A_282] : memref<256x10x128xi32, #tpu.memory_space<hbm>> -> memref<1x10x128xi32, #tpu.memory_space<hbm>>
        %dma_start3A_284 = tpu.memref_squeeze %dma_start3A_283 : memref<1x10x128xi32, #tpu.memory_space<hbm>> -> memref<10x128xi32, #tpu.memory_space<hbm>>
        %dma_start3A_285 = arith.constant 0 : i32
        %dma_start3A_286 = arith.constant 0 : i32
        %dma_start3A_287 = tpu.memref_slice %arg3[%add3A_19, %dma_start3A_285, %dma_start3A_286] : memref<256x10x128xi32, #tpu.memory_space<hbm>> -> memref<1x10x128xi32, #tpu.memory_space<hbm>>
        %dma_start3A_288 = tpu.memref_squeeze %dma_start3A_287 : memref<1x10x128xi32, #tpu.memory_space<hbm>> -> memref<10x128xi32, #tpu.memory_space<hbm>>
        tpu.enqueue_dma source(%dma_start3A_288 : memref<10x128xi32, #tpu.memory_space<hbm>>) target(%arg7 : memref<10x128xi32, #tpu.memory_space<vmem>>) target_semaphore(%run_scoped3A_280 : memref<!tpu.dma_semaphore, #tpu.memory_space<semaphore_mem>>)
        %dma_wait3A_289 = arith.constant 0 : i32
        %dma_wait3A_290 = arith.constant 0 : i32
        %dma_wait3A_291 = tpu.memref_slice %arg3[%add3A_19, %dma_wait3A_289, %dma_wait3A_290] : memref<256x10x128xi32, #tpu.memory_space<hbm>> -> memref<1x10x128xi32, #tpu.memory_space<hbm>>
        %dma_wait3A_292 = tpu.memref_squeeze %dma_wait3A_291 : memref<1x10x128xi32, #tpu.memory_space<hbm>> -> memref<10x128xi32, #tpu.memory_space<hbm>>
        %dma_wait3A_293 = arith.constant 0 : i32
        %dma_wait3A_294 = arith.constant 0 : i32
        %dma_wait3A_295 = tpu.memref_slice %arg3[%add3A_19, %dma_wait3A_293, %dma_wait3A_294] : memref<256x10x128xi32, #tpu.memory_space<hbm>> -> memref<1x10x128xi32, #tpu.memory_space<hbm>>
        %dma_wait3A_296 = tpu.memref_squeeze %dma_wait3A_295 : memref<1x10x128xi32, #tpu.memory_space<hbm>> -> memref<10x128xi32, #tpu.memory_space<hbm>>
        tpu.wait_dma2 semaphore(%run_scoped3A_280 : memref<!tpu.dma_semaphore, #tpu.memory_space<semaphore_mem>>) src(%dma_wait3A_296 : memref<10x128xi32, #tpu.memory_space<hbm>>) dst(%arg7 : memref<10x128xi32, #tpu.memory_space<vmem>>)
        tpu.yield
      }) : () -> ()
      %mul3A_20 = arith.constant 8 : i32
      %mul3A_21 = arith.muli %add3A, %mul3A_20 : i32
      %add3A_22 = arith.addi %mul3A_21, %scan3A_16 : i32
      "tpu.region"() ({
        %run_scoped3A_280 = tpu.sem_alloc : memref<!tpu.dma_semaphore, #tpu.memory_space<semaphore_mem>>
        %dma_start3A_281 = arith.constant 0 : i32
        %dma_start3A_282 = arith.constant 0 : i32
        %dma_start3A_283 = tpu.memref_slice %arg4[%add3A_22, %dma_start3A_281, %dma_start3A_282] : memref<256x10x128xi32, #tpu.memory_space<hbm>> -> memref<1x10x128xi32, #tpu.memory_space<hbm>>
        %dma_start3A_284 = tpu.memref_squeeze %dma_start3A_283 : memref<1x10x128xi32, #tpu.memory_space<hbm>> -> memref<10x128xi32, #tpu.memory_space<hbm>>
        %dma_start3A_285 = arith.constant 0 : i32
        %dma_start3A_286 = arith.constant 0 : i32
        %dma_start3A_287 = tpu.memref_slice %arg4[%add3A_22, %dma_start3A_285, %dma_start3A_286] : memref<256x10x128xi32, #tpu.memory_space<hbm>> -> memref<1x10x128xi32, #tpu.memory_space<hbm>>
        %dma_start3A_288 = tpu.memref_squeeze %dma_start3A_287 : memref<1x10x128xi32, #tpu.memory_space<hbm>> -> memref<10x128xi32, #tpu.memory_space<hbm>>
        tpu.enqueue_dma source(%dma_start3A_288 : memref<10x128xi32, #tpu.memory_space<hbm>>) target(%arg8 : memref<10x128xi32, #tpu.memory_space<vmem>>) target_semaphore(%run_scoped3A_280 : memref<!tpu.dma_semaphore, #tpu.memory_space<semaphore_mem>>)
        %dma_wait3A_289 = arith.constant 0 : i32
        %dma_wait3A_290 = arith.constant 0 : i32
        %dma_wait3A_291 = tpu.memref_slice %arg4[%add3A_22, %dma_wait3A_289, %dma_wait3A_290] : memref<256x10x128xi32, #tpu.memory_space<hbm>> -> memref<1x10x128xi32, #tpu.memory_space<hbm>>
        %dma_wait3A_292 = tpu.memref_squeeze %dma_wait3A_291 : memref<1x10x128xi32, #tpu.memory_space<hbm>> -> memref<10x128xi32, #tpu.memory_space<hbm>>
        %dma_wait3A_293 = arith.constant 0 : i32
        %dma_wait3A_294 = arith.constant 0 : i32
        %dma_wait3A_295 = tpu.memref_slice %arg4[%add3A_22, %dma_wait3A_293, %dma_wait3A_294] : memref<256x10x128xi32, #tpu.memory_space<hbm>> -> memref<1x10x128xi32, #tpu.memory_space<hbm>>
        %dma_wait3A_296 = tpu.memref_squeeze %dma_wait3A_295 : memref<1x10x128xi32, #tpu.memory_space<hbm>> -> memref<10x128xi32, #tpu.memory_space<hbm>>
        tpu.wait_dma2 semaphore(%run_scoped3A_280 : memref<!tpu.dma_semaphore, #tpu.memory_space<semaphore_mem>>) src(%dma_wait3A_296 : memref<10x128xi32, #tpu.memory_space<hbm>>) dst(%arg8 : memref<10x128xi32, #tpu.memory_space<vmem>>)
        tpu.yield
      }) : () -> ()
      %dma_start3A = arith.constant 0 : i32
      %dma_start3A_23 = arith.constant 0 : i32
      %dma_start3A_24 = arith.constant 0 : i32
      %dma_start3A_25 = arith.constant 0 : i32
      %dma_start3A_26 = tpu.memref_slice %arg9[%dma_start3A_23, %dma_start3A_24, %dma_start3A_25] : memref<2x128x128xf32, #tpu.memory_space<vmem>> -> memref<1x128x128xf32, #tpu.memory_space<vmem>>
      %dma_start3A_27 = tpu.memref_squeeze %dma_start3A_26 : memref<1x128x128xf32, #tpu.memory_space<vmem>> -> memref<128x128xf32, #tpu.memory_space<vmem>>
      %dma_start3A_28 = arith.constant 0 : i32
      %dma_start3A_29 = tpu.memref_slice %arg7[%dma_start3A, %dma_start3A_28] : memref<10x128xi32, #tpu.memory_space<vmem>> -> memref<1x128xi32, #tpu.memory_space<vmem>>
      %dma_start3A_30 = tpu.memref_squeeze %dma_start3A_29 : memref<1x128xi32, #tpu.memory_space<vmem>> -> memref<128xi32, #tpu.memory_space<vmem>>
      %dma_start3A_31 = arith.constant 0 : i32
      %dma_start3A_32 = arith.constant 0 : i32
      %dma_start3A_33 = tpu.memref_slice %arg2[%dma_start3A_31, %dma_start3A_32] : memref<10000x128xf32, #tpu.memory_space<hbm>> -> memref<10000x128xf32, #tpu.memory_space<hbm>>
      tpu.enqueue_indirect_dma source(%dma_start3A_33 : memref<10000x128xf32, #tpu.memory_space<hbm>>) target(%dma_start3A_27 : memref<128x128xf32, #tpu.memory_space<vmem>>) offsets(%dma_start3A_30 : memref<128xi32, #tpu.memory_space<vmem>>) semaphore(%arg10 : memref<!tpu.dma_semaphore, #tpu.memory_space<semaphore_mem>>)
      %dma_wait3A = arith.constant 0 : i32
      %dma_wait3A_34 = arith.constant 0 : i32
      %dma_wait3A_35 = arith.constant 0 : i32
      %dma_wait3A_36 = arith.constant 0 : i32
      %dma_wait3A_37 = tpu.memref_slice %arg9[%dma_wait3A_34, %dma_wait3A_35, %dma_wait3A_36] : memref<2x128x128xf32, #tpu.memory_space<vmem>> -> memref<1x128x128xf32, #tpu.memory_space<vmem>>
      %dma_wait3A_38 = tpu.memref_squeeze %dma_wait3A_37 : memref<1x128x128xf32, #tpu.memory_space<vmem>> -> memref<128x128xf32, #tpu.memory_space<vmem>>
      %dma_wait3A_39 = arith.constant 0 : i32
      %dma_wait3A_40 = tpu.memref_slice %arg7[%dma_wait3A, %dma_wait3A_39] : memref<10x128xi32, #tpu.memory_space<vmem>> -> memref<1x128xi32, #tpu.memory_space<vmem>>
      %dma_wait3A_41 = tpu.memref_squeeze %dma_wait3A_40 : memref<1x128xi32, #tpu.memory_space<vmem>> -> memref<128xi32, #tpu.memory_space<vmem>>
      %dma_wait3A_42 = arith.constant 0 : i32
      %dma_wait3A_43 = arith.constant 0 : i32
      %dma_wait3A_44 = tpu.memref_slice %arg2[%dma_wait3A_42, %dma_wait3A_43] : memref<10000x128xf32, #tpu.memory_space<hbm>> -> memref<10000x128xf32, #tpu.memory_space<hbm>>
      tpu.wait_indirect_dma semaphore(%arg10 : memref<!tpu.dma_semaphore, #tpu.memory_space<semaphore_mem>>) src(%dma_wait3A_44 : memref<10000x128xf32, #tpu.memory_space<hbm>>) dst(%dma_wait3A_38 : memref<128x128xf32, #tpu.memory_space<vmem>>)
      %dma_start3A_45 = arith.constant 1 : i32
      %dma_start3A_46 = arith.constant 1 : i32
      %dma_start3A_47 = arith.constant 0 : i32
      %dma_start3A_48 = arith.constant 0 : i32
      %dma_start3A_49 = tpu.memref_slice %arg9[%dma_start3A_46, %dma_start3A_47, %dma_start3A_48] : memref<2x128x128xf32, #tpu.memory_space<vmem>> -> memref<1x128x128xf32, #tpu.memory_space<vmem>>
      %dma_start3A_50 = tpu.memref_squeeze %dma_start3A_49 : memref<1x128x128xf32, #tpu.memory_space<vmem>> -> memref<128x128xf32, #tpu.memory_space<vmem>>
      %dma_start3A_51 = arith.constant 0 : i32
      %dma_start3A_52 = tpu.memref_slice %arg7[%dma_start3A_45, %dma_start3A_51] : memref<10x128xi32, #tpu.memory_space<vmem>> -> memref<1x128xi32, #tpu.memory_space<vmem>>
      %dma_start3A_53 = tpu.memref_squeeze %dma_start3A_52 : memref<1x128xi32, #tpu.memory_space<vmem>> -> memref<128xi32, #tpu.memory_space<vmem>>
      %dma_start3A_54 = arith.constant 0 : i32
      %dma_start3A_55 = arith.constant 0 : i32
      %dma_start3A_56 = tpu.memref_slice %arg2[%dma_start3A_54, %dma_start3A_55] : memref<10000x128xf32, #tpu.memory_space<hbm>> -> memref<10000x128xf32, #tpu.memory_space<hbm>>
      tpu.enqueue_indirect_dma source(%dma_start3A_56 : memref<10000x128xf32, #tpu.memory_space<hbm>>) target(%dma_start3A_50 : memref<128x128xf32, #tpu.memory_space<vmem>>) offsets(%dma_start3A_53 : memref<128xi32, #tpu.memory_space<vmem>>) semaphore(%arg11 : memref<!tpu.dma_semaphore, #tpu.memory_space<semaphore_mem>>)
      %run_scoped3A = arith.constant 0 : i32
      %run_scoped3A_57 = arith.constant 0 : i32
      "tpu.region"() ({
        %run_scoped3A_280 = tpu.sem_alloc : memref<!tpu.dma_semaphore, #tpu.memory_space<semaphore_mem>>
        %dma_start3A_281 = arith.constant 0 : i32
        %dma_start3A_282 = arith.constant 0 : i32
        %dma_start3A_283 = tpu.memref_slice %arg9[%run_scoped3A, %dma_start3A_281, %dma_start3A_282] : memref<2x128x128xf32, #tpu.memory_space<vmem>> -> memref<1x128x128xf32, #tpu.memory_space<vmem>>
        %dma_start3A_284 = tpu.memref_squeeze %dma_start3A_283 : memref<1x128x128xf32, #tpu.memory_space<vmem>> -> memref<128x128xf32, #tpu.memory_space<vmem>>
        %dma_start3A_285 = arith.constant 0 : i32
        %dma_start3A_286 = tpu.memref_slice %arg8[%run_scoped3A_57, %dma_start3A_285] : memref<10x128xi32, #tpu.memory_space<vmem>> -> memref<1x128xi32, #tpu.memory_space<vmem>>
        %dma_start3A_287 = tpu.memref_squeeze %dma_start3A_286 : memref<1x128xi32, #tpu.memory_space<vmem>> -> memref<128xi32, #tpu.memory_space<vmem>>
        %dma_start3A_288 = arith.constant 0 : i32
        %dma_start3A_289 = arith.constant 0 : i32
        %dma_start3A_290 = tpu.memref_slice %arg12[%dma_start3A_288, %dma_start3A_289] : memref<10016x128xf32, #tpu.memory_space<vmem_shared>> -> memref<10016x128xf32, #tpu.memory_space<vmem_shared>>
        tpu.enqueue_indirect_dma source(%dma_start3A_284 : memref<128x128xf32, #tpu.memory_space<vmem>>) target(%dma_start3A_290 : memref<10016x128xf32, #tpu.memory_space<vmem_shared>>) offsets(%dma_start3A_287 : memref<128xi32, #tpu.memory_space<vmem>>) semaphore(%run_scoped3A_280 : memref<!tpu.dma_semaphore, #tpu.memory_space<semaphore_mem>>) {add = true}
        %dma_wait3A_291 = arith.constant 0 : i32
        %dma_wait3A_292 = arith.constant 0 : i32
        %dma_wait3A_293 = tpu.memref_slice %arg9[%run_scoped3A, %dma_wait3A_291, %dma_wait3A_292] : memref<2x128x128xf32, #tpu.memory_space<vmem>> -> memref<1x128x128xf32, #tpu.memory_space<vmem>>
        %dma_wait3A_294 = tpu.memref_squeeze %dma_wait3A_293 : memref<1x128x128xf32, #tpu.memory_space<vmem>> -> memref<128x128xf32, #tpu.memory_space<vmem>>
        %dma_wait3A_295 = arith.constant 0 : i32
        %dma_wait3A_296 = tpu.memref_slice %arg8[%run_scoped3A_57, %dma_wait3A_295] : memref<10x128xi32, #tpu.memory_space<vmem>> -> memref<1x128xi32, #tpu.memory_space<vmem>>
        %dma_wait3A_297 = tpu.memref_squeeze %dma_wait3A_296 : memref<1x128xi32, #tpu.memory_space<vmem>> -> memref<128xi32, #tpu.memory_space<vmem>>
        %dma_wait3A_298 = arith.constant 0 : i32
        %dma_wait3A_299 = arith.constant 0 : i32
        %dma_wait3A_300 = tpu.memref_slice %arg12[%dma_wait3A_298, %dma_wait3A_299] : memref<10016x128xf32, #tpu.memory_space<vmem_shared>> -> memref<10016x128xf32, #tpu.memory_space<vmem_shared>>
        tpu.wait_indirect_dma semaphore(%run_scoped3A_280 : memref<!tpu.dma_semaphore, #tpu.memory_space<semaphore_mem>>) src(%dma_wait3A_294 : memref<128x128xf32, #tpu.memory_space<vmem>>) dst(%dma_wait3A_300 : memref<10016x128xf32, #tpu.memory_space<vmem_shared>>)
        tpu.yield
      }) : () -> ()
      %dma_wait3A_58 = arith.constant 1 : i32
      %dma_wait3A_59 = arith.constant 1 : i32
      %dma_wait3A_60 = arith.constant 0 : i32
      %dma_wait3A_61 = arith.constant 0 : i32
      %dma_wait3A_62 = tpu.memref_slice %arg9[%dma_wait3A_59, %dma_wait3A_60, %dma_wait3A_61] : memref<2x128x128xf32, #tpu.memory_space<vmem>> -> memref<1x128x128xf32, #tpu.memory_space<vmem>>
      %dma_wait3A_63 = tpu.memref_squeeze %dma_wait3A_62 : memref<1x128x128xf32, #tpu.memory_space<vmem>> -> memref<128x128xf32, #tpu.memory_space<vmem>>
      %dma_wait3A_64 = arith.constant 0 : i32
      %dma_wait3A_65 = tpu.memref_slice %arg7[%dma_wait3A_58, %dma_wait3A_64] : memref<10x128xi32, #tpu.memory_space<vmem>> -> memref<1x128xi32, #tpu.memory_space<vmem>>
      %dma_wait3A_66 = tpu.memref_squeeze %dma_wait3A_65 : memref<1x128xi32, #tpu.memory_space<vmem>> -> memref<128xi32, #tpu.memory_space<vmem>>
      %dma_wait3A_67 = arith.constant 0 : i32
      %dma_wait3A_68 = arith.constant 0 : i32
      %dma_wait3A_69 = tpu.memref_slice %arg2[%dma_wait3A_67, %dma_wait3A_68] : memref<10000x128xf32, #tpu.memory_space<hbm>> -> memref<10000x128xf32, #tpu.memory_space<hbm>>
      tpu.wait_indirect_dma semaphore(%arg11 : memref<!tpu.dma_semaphore, #tpu.memory_space<semaphore_mem>>) src(%dma_wait3A_69 : memref<10000x128xf32, #tpu.memory_space<hbm>>) dst(%dma_wait3A_63 : memref<128x128xf32, #tpu.memory_space<vmem>>)
      %dma_start3A_70 = arith.constant 2 : i32
      %dma_start3A_71 = arith.constant 0 : i32
      %dma_start3A_72 = arith.constant 0 : i32
      %dma_start3A_73 = arith.constant 0 : i32
      %dma_start3A_74 = tpu.memref_slice %arg9[%dma_start3A_71, %dma_start3A_72, %dma_start3A_73] : memref<2x128x128xf32, #tpu.memory_space<vmem>> -> memref<1x128x128xf32, #tpu.memory_space<vmem>>
      %dma_start3A_75 = tpu.memref_squeeze %dma_start3A_74 : memref<1x128x128xf32, #tpu.memory_space<vmem>> -> memref<128x128xf32, #tpu.memory_space<vmem>>
      %dma_start3A_76 = arith.constant 0 : i32
      %dma_start3A_77 = tpu.memref_slice %arg7[%dma_start3A_70, %dma_start3A_76] : memref<10x128xi32, #tpu.memory_space<vmem>> -> memref<1x128xi32, #tpu.memory_space<vmem>>
      %dma_start3A_78 = tpu.memref_squeeze %dma_start3A_77 : memref<1x128xi32, #tpu.memory_space<vmem>> -> memref<128xi32, #tpu.memory_space<vmem>>
      %dma_start3A_79 = arith.constant 0 : i32
      %dma_start3A_80 = arith.constant 0 : i32
      %dma_start3A_81 = tpu.memref_slice %arg2[%dma_start3A_79, %dma_start3A_80] : memref<10000x128xf32, #tpu.memory_space<hbm>> -> memref<10000x128xf32, #tpu.memory_space<hbm>>
      tpu.enqueue_indirect_dma source(%dma_start3A_81 : memref<10000x128xf32, #tpu.memory_space<hbm>>) target(%dma_start3A_75 : memref<128x128xf32, #tpu.memory_space<vmem>>) offsets(%dma_start3A_78 : memref<128xi32, #tpu.memory_space<vmem>>) semaphore(%arg10 : memref<!tpu.dma_semaphore, #tpu.memory_space<semaphore_mem>>)
      %run_scoped3A_82 = arith.constant 1 : i32
      %run_scoped3A_83 = arith.constant 1 : i32
      "tpu.region"() ({
        %run_scoped3A_280 = tpu.sem_alloc : memref<!tpu.dma_semaphore, #tpu.memory_space<semaphore_mem>>
        %dma_start3A_281 = arith.constant 0 : i32
        %dma_start3A_282 = arith.constant 0 : i32
        %dma_start3A_283 = tpu.memref_slice %arg9[%run_scoped3A_82, %dma_start3A_281, %dma_start3A_282] : memref<2x128x128xf32, #tpu.memory_space<vmem>> -> memref<1x128x128xf32, #tpu.memory_space<vmem>>
        %dma_start3A_284 = tpu.memref_squeeze %dma_start3A_283 : memref<1x128x128xf32, #tpu.memory_space<vmem>> -> memref<128x128xf32, #tpu.memory_space<vmem>>
        %dma_start3A_285 = arith.constant 0 : i32
        %dma_start3A_286 = tpu.memref_slice %arg8[%run_scoped3A_83, %dma_start3A_285] : memref<10x128xi32, #tpu.memory_space<vmem>> -> memref<1x128xi32, #tpu.memory_space<vmem>>
        %dma_start3A_287 = tpu.memref_squeeze %dma_start3A_286 : memref<1x128xi32, #tpu.memory_space<vmem>> -> memref<128xi32, #tpu.memory_space<vmem>>
        %dma_start3A_288 = arith.constant 0 : i32
        %dma_start3A_289 = arith.constant 0 : i32
        %dma_start3A_290 = tpu.memref_slice %arg12[%dma_start3A_288, %dma_start3A_289] : memref<10016x128xf32, #tpu.memory_space<vmem_shared>> -> memref<10016x128xf32, #tpu.memory_space<vmem_shared>>
        tpu.enqueue_indirect_dma source(%dma_start3A_284 : memref<128x128xf32, #tpu.memory_space<vmem>>) target(%dma_start3A_290 : memref<10016x128xf32, #tpu.memory_space<vmem_shared>>) offsets(%dma_start3A_287 : memref<128xi32, #tpu.memory_space<vmem>>) semaphore(%run_scoped3A_280 : memref<!tpu.dma_semaphore, #tpu.memory_space<semaphore_mem>>) {add = true}
        %dma_wait3A_291 = arith.constant 0 : i32
        %dma_wait3A_292 = arith.constant 0 : i32
        %dma_wait3A_293 = tpu.memref_slice %arg9[%run_scoped3A_82, %dma_wait3A_291, %dma_wait3A_292] : memref<2x128x128xf32, #tpu.memory_space<vmem>> -> memref<1x128x128xf32, #tpu.memory_space<vmem>>
        %dma_wait3A_294 = tpu.memref_squeeze %dma_wait3A_293 : memref<1x128x128xf32, #tpu.memory_space<vmem>> -> memref<128x128xf32, #tpu.memory_space<vmem>>
        %dma_wait3A_295 = arith.constant 0 : i32
        %dma_wait3A_296 = tpu.memref_slice %arg8[%run_scoped3A_83, %dma_wait3A_295] : memref<10x128xi32, #tpu.memory_space<vmem>> -> memref<1x128xi32, #tpu.memory_space<vmem>>
        %dma_wait3A_297 = tpu.memref_squeeze %dma_wait3A_296 : memref<1x128xi32, #tpu.memory_space<vmem>> -> memref<128xi32, #tpu.memory_space<vmem>>
        %dma_wait3A_298 = arith.constant 0 : i32
        %dma_wait3A_299 = arith.constant 0 : i32
        %dma_wait3A_300 = tpu.memref_slice %arg12[%dma_wait3A_298, %dma_wait3A_299] : memref<10016x128xf32, #tpu.memory_space<vmem_shared>> -> memref<10016x128xf32, #tpu.memory_space<vmem_shared>>
        tpu.wait_indirect_dma semaphore(%run_scoped3A_280 : memref<!tpu.dma_semaphore, #tpu.memory_space<semaphore_mem>>) src(%dma_wait3A_294 : memref<128x128xf32, #tpu.memory_space<vmem>>) dst(%dma_wait3A_300 : memref<10016x128xf32, #tpu.memory_space<vmem_shared>>)
        tpu.yield
      }) : () -> ()
      %dma_wait3A_84 = arith.constant 2 : i32
      %dma_wait3A_85 = arith.constant 0 : i32
      %dma_wait3A_86 = arith.constant 0 : i32
      %dma_wait3A_87 = arith.constant 0 : i32
      %dma_wait3A_88 = tpu.memref_slice %arg9[%dma_wait3A_85, %dma_wait3A_86, %dma_wait3A_87] : memref<2x128x128xf32, #tpu.memory_space<vmem>> -> memref<1x128x128xf32, #tpu.memory_space<vmem>>
      %dma_wait3A_89 = tpu.memref_squeeze %dma_wait3A_88 : memref<1x128x128xf32, #tpu.memory_space<vmem>> -> memref<128x128xf32, #tpu.memory_space<vmem>>
      %dma_wait3A_90 = arith.constant 0 : i32
      %dma_wait3A_91 = tpu.memref_slice %arg7[%dma_wait3A_84, %dma_wait3A_90] : memref<10x128xi32, #tpu.memory_space<vmem>> -> memref<1x128xi32, #tpu.memory_space<vmem>>
      %dma_wait3A_92 = tpu.memref_squeeze %dma_wait3A_91 : memref<1x128xi32, #tpu.memory_space<vmem>> -> memref<128xi32, #tpu.memory_space<vmem>>
      %dma_wait3A_93 = arith.constant 0 : i32
      %dma_wait3A_94 = arith.constant 0 : i32
      %dma_wait3A_95 = tpu.memref_slice %arg2[%dma_wait3A_93, %dma_wait3A_94] : memref<10000x128xf32, #tpu.memory_space<hbm>> -> memref<10000x128xf32, #tpu.memory_space<hbm>>
      tpu.wait_indirect_dma semaphore(%arg10 : memref<!tpu.dma_semaphore, #tpu.memory_space<semaphore_mem>>) src(%dma_wait3A_95 : memref<10000x128xf32, #tpu.memory_space<hbm>>) dst(%dma_wait3A_89 : memref<128x128xf32, #tpu.memory_space<vmem>>)
      %dma_start3A_96 = arith.constant 3 : i32
      %dma_start3A_97 = arith.constant 1 : i32
      %dma_start3A_98 = arith.constant 0 : i32
      %dma_start3A_99 = arith.constant 0 : i32
      %dma_start3A_100 = tpu.memref_slice %arg9[%dma_start3A_97, %dma_start3A_98, %dma_start3A_99] : memref<2x128x128xf32, #tpu.memory_space<vmem>> -> memref<1x128x128xf32, #tpu.memory_space<vmem>>
      %dma_start3A_101 = tpu.memref_squeeze %dma_start3A_100 : memref<1x128x128xf32, #tpu.memory_space<vmem>> -> memref<128x128xf32, #tpu.memory_space<vmem>>
      %dma_start3A_102 = arith.constant 0 : i32
      %dma_start3A_103 = tpu.memref_slice %arg7[%dma_start3A_96, %dma_start3A_102] : memref<10x128xi32, #tpu.memory_space<vmem>> -> memref<1x128xi32, #tpu.memory_space<vmem>>
      %dma_start3A_104 = tpu.memref_squeeze %dma_start3A_103 : memref<1x128xi32, #tpu.memory_space<vmem>> -> memref<128xi32, #tpu.memory_space<vmem>>
      %dma_start3A_105 = arith.constant 0 : i32
      %dma_start3A_106 = arith.constant 0 : i32
      %dma_start3A_107 = tpu.memref_slice %arg2[%dma_start3A_105, %dma_start3A_106] : memref<10000x128xf32, #tpu.memory_space<hbm>> -> memref<10000x128xf32, #tpu.memory_space<hbm>>
      tpu.enqueue_indirect_dma source(%dma_start3A_107 : memref<10000x128xf32, #tpu.memory_space<hbm>>) target(%dma_start3A_101 : memref<128x128xf32, #tpu.memory_space<vmem>>) offsets(%dma_start3A_104 : memref<128xi32, #tpu.memory_space<vmem>>) semaphore(%arg11 : memref<!tpu.dma_semaphore, #tpu.memory_space<semaphore_mem>>)
      %run_scoped3A_108 = arith.constant 0 : i32
      %run_scoped3A_109 = arith.constant 2 : i32
      "tpu.region"() ({
        %run_scoped3A_280 = tpu.sem_alloc : memref<!tpu.dma_semaphore, #tpu.memory_space<semaphore_mem>>
        %dma_start3A_281 = arith.constant 0 : i32
        %dma_start3A_282 = arith.constant 0 : i32
        %dma_start3A_283 = tpu.memref_slice %arg9[%run_scoped3A_108, %dma_start3A_281, %dma_start3A_282] : memref<2x128x128xf32, #tpu.memory_space<vmem>> -> memref<1x128x128xf32, #tpu.memory_space<vmem>>
        %dma_start3A_284 = tpu.memref_squeeze %dma_start3A_283 : memref<1x128x128xf32, #tpu.memory_space<vmem>> -> memref<128x128xf32, #tpu.memory_space<vmem>>
        %dma_start3A_285 = arith.constant 0 : i32
        %dma_start3A_286 = tpu.memref_slice %arg8[%run_scoped3A_109, %dma_start3A_285] : memref<10x128xi32, #tpu.memory_space<vmem>> -> memref<1x128xi32, #tpu.memory_space<vmem>>
        %dma_start3A_287 = tpu.memref_squeeze %dma_start3A_286 : memref<1x128xi32, #tpu.memory_space<vmem>> -> memref<128xi32, #tpu.memory_space<vmem>>
        %dma_start3A_288 = arith.constant 0 : i32
        %dma_start3A_289 = arith.constant 0 : i32
        %dma_start3A_290 = tpu.memref_slice %arg12[%dma_start3A_288, %dma_start3A_289] : memref<10016x128xf32, #tpu.memory_space<vmem_shared>> -> memref<10016x128xf32, #tpu.memory_space<vmem_shared>>
        tpu.enqueue_indirect_dma source(%dma_start3A_284 : memref<128x128xf32, #tpu.memory_space<vmem>>) target(%dma_start3A_290 : memref<10016x128xf32, #tpu.memory_space<vmem_shared>>) offsets(%dma_start3A_287 : memref<128xi32, #tpu.memory_space<vmem>>) semaphore(%run_scoped3A_280 : memref<!tpu.dma_semaphore, #tpu.memory_space<semaphore_mem>>) {add = true}
        %dma_wait3A_291 = arith.constant 0 : i32
        %dma_wait3A_292 = arith.constant 0 : i32
        %dma_wait3A_293 = tpu.memref_slice %arg9[%run_scoped3A_108, %dma_wait3A_291, %dma_wait3A_292] : memref<2x128x128xf32, #tpu.memory_space<vmem>> -> memref<1x128x128xf32, #tpu.memory_space<vmem>>
        %dma_wait3A_294 = tpu.memref_squeeze %dma_wait3A_293 : memref<1x128x128xf32, #tpu.memory_space<vmem>> -> memref<128x128xf32, #tpu.memory_space<vmem>>
        %dma_wait3A_295 = arith.constant 0 : i32
        %dma_wait3A_296 = tpu.memref_slice %arg8[%run_scoped3A_109, %dma_wait3A_295] : memref<10x128xi32, #tpu.memory_space<vmem>> -> memref<1x128xi32, #tpu.memory_space<vmem>>
        %dma_wait3A_297 = tpu.memref_squeeze %dma_wait3A_296 : memref<1x128xi32, #tpu.memory_space<vmem>> -> memref<128xi32, #tpu.memory_space<vmem>>
        %dma_wait3A_298 = arith.constant 0 : i32
        %dma_wait3A_299 = arith.constant 0 : i32
        %dma_wait3A_300 = tpu.memref_slice %arg12[%dma_wait3A_298, %dma_wait3A_299] : memref<10016x128xf32, #tpu.memory_space<vmem_shared>> -> memref<10016x128xf32, #tpu.memory_space<vmem_shared>>
        tpu.wait_indirect_dma semaphore(%run_scoped3A_280 : memref<!tpu.dma_semaphore, #tpu.memory_space<semaphore_mem>>) src(%dma_wait3A_294 : memref<128x128xf32, #tpu.memory_space<vmem>>) dst(%dma_wait3A_300 : memref<10016x128xf32, #tpu.memory_space<vmem_shared>>)
        tpu.yield
      }) : () -> ()
      %dma_wait3A_110 = arith.constant 3 : i32
      %dma_wait3A_111 = arith.constant 1 : i32
      %dma_wait3A_112 = arith.constant 0 : i32
      %dma_wait3A_113 = arith.constant 0 : i32
      %dma_wait3A_114 = tpu.memref_slice %arg9[%dma_wait3A_111, %dma_wait3A_112, %dma_wait3A_113] : memref<2x128x128xf32, #tpu.memory_space<vmem>> -> memref<1x128x128xf32, #tpu.memory_space<vmem>>
      %dma_wait3A_115 = tpu.memref_squeeze %dma_wait3A_114 : memref<1x128x128xf32, #tpu.memory_space<vmem>> -> memref<128x128xf32, #tpu.memory_space<vmem>>
      %dma_wait3A_116 = arith.constant 0 : i32
      %dma_wait3A_117 = tpu.memref_slice %arg7[%dma_wait3A_110, %dma_wait3A_116] : memref<10x128xi32, #tpu.memory_space<vmem>> -> memref<1x128xi32, #tpu.memory_space<vmem>>
      %dma_wait3A_118 = tpu.memref_squeeze %dma_wait3A_117 : memref<1x128xi32, #tpu.memory_space<vmem>> -> memref<128xi32, #tpu.memory_space<vmem>>
      %dma_wait3A_119 = arith.constant 0 : i32
      %dma_wait3A_120 = arith.constant 0 : i32
      %dma_wait3A_121 = tpu.memref_slice %arg2[%dma_wait3A_119, %dma_wait3A_120] : memref<10000x128xf32, #tpu.memory_space<hbm>> -> memref<10000x128xf32, #tpu.memory_space<hbm>>
      tpu.wait_indirect_dma semaphore(%arg11 : memref<!tpu.dma_semaphore, #tpu.memory_space<semaphore_mem>>) src(%dma_wait3A_121 : memref<10000x128xf32, #tpu.memory_space<hbm>>) dst(%dma_wait3A_115 : memref<128x128xf32, #tpu.memory_space<vmem>>)
      %dma_start3A_122 = arith.constant 4 : i32
      %dma_start3A_123 = arith.constant 0 : i32
      %dma_start3A_124 = arith.constant 0 : i32
      %dma_start3A_125 = arith.constant 0 : i32
      %dma_start3A_126 = tpu.memref_slice %arg9[%dma_start3A_123, %dma_start3A_124, %dma_start3A_125] : memref<2x128x128xf32, #tpu.memory_space<vmem>> -> memref<1x128x128xf32, #tpu.memory_space<vmem>>
      %dma_start3A_127 = tpu.memref_squeeze %dma_start3A_126 : memref<1x128x128xf32, #tpu.memory_space<vmem>> -> memref<128x128xf32, #tpu.memory_space<vmem>>
      %dma_start3A_128 = arith.constant 0 : i32
      %dma_start3A_129 = tpu.memref_slice %arg7[%dma_start3A_122, %dma_start3A_128] : memref<10x128xi32, #tpu.memory_space<vmem>> -> memref<1x128xi32, #tpu.memory_space<vmem>>
      %dma_start3A_130 = tpu.memref_squeeze %dma_start3A_129 : memref<1x128xi32, #tpu.memory_space<vmem>> -> memref<128xi32, #tpu.memory_space<vmem>>
      %dma_start3A_131 = arith.constant 0 : i32
      %dma_start3A_132 = arith.constant 0 : i32
      %dma_start3A_133 = tpu.memref_slice %arg2[%dma_start3A_131, %dma_start3A_132] : memref<10000x128xf32, #tpu.memory_space<hbm>> -> memref<10000x128xf32, #tpu.memory_space<hbm>>
      tpu.enqueue_indirect_dma source(%dma_start3A_133 : memref<10000x128xf32, #tpu.memory_space<hbm>>) target(%dma_start3A_127 : memref<128x128xf32, #tpu.memory_space<vmem>>) offsets(%dma_start3A_130 : memref<128xi32, #tpu.memory_space<vmem>>) semaphore(%arg10 : memref<!tpu.dma_semaphore, #tpu.memory_space<semaphore_mem>>)
      %run_scoped3A_134 = arith.constant 1 : i32
      %run_scoped3A_135 = arith.constant 3 : i32
      "tpu.region"() ({
        %run_scoped3A_280 = tpu.sem_alloc : memref<!tpu.dma_semaphore, #tpu.memory_space<semaphore_mem>>
        %dma_start3A_281 = arith.constant 0 : i32
        %dma_start3A_282 = arith.constant 0 : i32
        %dma_start3A_283 = tpu.memref_slice %arg9[%run_scoped3A_134, %dma_start3A_281, %dma_start3A_282] : memref<2x128x128xf32, #tpu.memory_space<vmem>> -> memref<1x128x128xf32, #tpu.memory_space<vmem>>
        %dma_start3A_284 = tpu.memref_squeeze %dma_start3A_283 : memref<1x128x128xf32, #tpu.memory_space<vmem>> -> memref<128x128xf32, #tpu.memory_space<vmem>>
        %dma_start3A_285 = arith.constant 0 : i32
        %dma_start3A_286 = tpu.memref_slice %arg8[%run_scoped3A_135, %dma_start3A_285] : memref<10x128xi32, #tpu.memory_space<vmem>> -> memref<1x128xi32, #tpu.memory_space<vmem>>
        %dma_start3A_287 = tpu.memref_squeeze %dma_start3A_286 : memref<1x128xi32, #tpu.memory_space<vmem>> -> memref<128xi32, #tpu.memory_space<vmem>>
        %dma_start3A_288 = arith.constant 0 : i32
        %dma_start3A_289 = arith.constant 0 : i32
        %dma_start3A_290 = tpu.memref_slice %arg12[%dma_start3A_288, %dma_start3A_289] : memref<10016x128xf32, #tpu.memory_space<vmem_shared>> -> memref<10016x128xf32, #tpu.memory_space<vmem_shared>>
        tpu.enqueue_indirect_dma source(%dma_start3A_284 : memref<128x128xf32, #tpu.memory_space<vmem>>) target(%dma_start3A_290 : memref<10016x128xf32, #tpu.memory_space<vmem_shared>>) offsets(%dma_start3A_287 : memref<128xi32, #tpu.memory_space<vmem>>) semaphore(%run_scoped3A_280 : memref<!tpu.dma_semaphore, #tpu.memory_space<semaphore_mem>>) {add = true}
        %dma_wait3A_291 = arith.constant 0 : i32
        %dma_wait3A_292 = arith.constant 0 : i32
        %dma_wait3A_293 = tpu.memref_slice %arg9[%run_scoped3A_134, %dma_wait3A_291, %dma_wait3A_292] : memref<2x128x128xf32, #tpu.memory_space<vmem>> -> memref<1x128x128xf32, #tpu.memory_space<vmem>>
        %dma_wait3A_294 = tpu.memref_squeeze %dma_wait3A_293 : memref<1x128x128xf32, #tpu.memory_space<vmem>> -> memref<128x128xf32, #tpu.memory_space<vmem>>
        %dma_wait3A_295 = arith.constant 0 : i32
        %dma_wait3A_296 = tpu.memref_slice %arg8[%run_scoped3A_135, %dma_wait3A_295] : memref<10x128xi32, #tpu.memory_space<vmem>> -> memref<1x128xi32, #tpu.memory_space<vmem>>
        %dma_wait3A_297 = tpu.memref_squeeze %dma_wait3A_296 : memref<1x128xi32, #tpu.memory_space<vmem>> -> memref<128xi32, #tpu.memory_space<vmem>>
        %dma_wait3A_298 = arith.constant 0 : i32
        %dma_wait3A_299 = arith.constant 0 : i32
        %dma_wait3A_300 = tpu.memref_slice %arg12[%dma_wait3A_298, %dma_wait3A_299] : memref<10016x128xf32, #tpu.memory_space<vmem_shared>> -> memref<10016x128xf32, #tpu.memory_space<vmem_shared>>
        tpu.wait_indirect_dma semaphore(%run_scoped3A_280 : memref<!tpu.dma_semaphore, #tpu.memory_space<semaphore_mem>>) src(%dma_wait3A_294 : memref<128x128xf32, #tpu.memory_space<vmem>>) dst(%dma_wait3A_300 : memref<10016x128xf32, #tpu.memory_space<vmem_shared>>)
        tpu.yield
      }) : () -> ()
      %dma_wait3A_136 = arith.constant 4 : i32
      %dma_wait3A_137 = arith.constant 0 : i32
      %dma_wait3A_138 = arith.constant 0 : i32
      %dma_wait3A_139 = arith.constant 0 : i32
      %dma_wait3A_140 = tpu.memref_slice %arg9[%dma_wait3A_137, %dma_wait3A_138, %dma_wait3A_139] : memref<2x128x128xf32, #tpu.memory_space<vmem>> -> memref<1x128x128xf32, #tpu.memory_space<vmem>>
      %dma_wait3A_141 = tpu.memref_squeeze %dma_wait3A_140 : memref<1x128x128xf32, #tpu.memory_space<vmem>> -> memref<128x128xf32, #tpu.memory_space<vmem>>
      %dma_wait3A_142 = arith.constant 0 : i32
      %dma_wait3A_143 = tpu.memref_slice %arg7[%dma_wait3A_136, %dma_wait3A_142] : memref<10x128xi32, #tpu.memory_space<vmem>> -> memref<1x128xi32, #tpu.memory_space<vmem>>
      %dma_wait3A_144 = tpu.memref_squeeze %dma_wait3A_143 : memref<1x128xi32, #tpu.memory_space<vmem>> -> memref<128xi32, #tpu.memory_space<vmem>>
      %dma_wait3A_145 = arith.constant 0 : i32
      %dma_wait3A_146 = arith.constant 0 : i32
      %dma_wait3A_147 = tpu.memref_slice %arg2[%dma_wait3A_145, %dma_wait3A_146] : memref<10000x128xf32, #tpu.memory_space<hbm>> -> memref<10000x128xf32, #tpu.memory_space<hbm>>
      tpu.wait_indirect_dma semaphore(%arg10 : memref<!tpu.dma_semaphore, #tpu.memory_space<semaphore_mem>>) src(%dma_wait3A_147 : memref<10000x128xf32, #tpu.memory_space<hbm>>) dst(%dma_wait3A_141 : memref<128x128xf32, #tpu.memory_space<vmem>>)
      %dma_start3A_148 = arith.constant 5 : i32
      %dma_start3A_149 = arith.constant 1 : i32
      %dma_start3A_150 = arith.constant 0 : i32
      %dma_start3A_151 = arith.constant 0 : i32
      %dma_start3A_152 = tpu.memref_slice %arg9[%dma_start3A_149, %dma_start3A_150, %dma_start3A_151] : memref<2x128x128xf32, #tpu.memory_space<vmem>> -> memref<1x128x128xf32, #tpu.memory_space<vmem>>
      %dma_start3A_153 = tpu.memref_squeeze %dma_start3A_152 : memref<1x128x128xf32, #tpu.memory_space<vmem>> -> memref<128x128xf32, #tpu.memory_space<vmem>>
      %dma_start3A_154 = arith.constant 0 : i32
      %dma_start3A_155 = tpu.memref_slice %arg7[%dma_start3A_148, %dma_start3A_154] : memref<10x128xi32, #tpu.memory_space<vmem>> -> memref<1x128xi32, #tpu.memory_space<vmem>>
      %dma_start3A_156 = tpu.memref_squeeze %dma_start3A_155 : memref<1x128xi32, #tpu.memory_space<vmem>> -> memref<128xi32, #tpu.memory_space<vmem>>
      %dma_start3A_157 = arith.constant 0 : i32
      %dma_start3A_158 = arith.constant 0 : i32
      %dma_start3A_159 = tpu.memref_slice %arg2[%dma_start3A_157, %dma_start3A_158] : memref<10000x128xf32, #tpu.memory_space<hbm>> -> memref<10000x128xf32, #tpu.memory_space<hbm>>
      tpu.enqueue_indirect_dma source(%dma_start3A_159 : memref<10000x128xf32, #tpu.memory_space<hbm>>) target(%dma_start3A_153 : memref<128x128xf32, #tpu.memory_space<vmem>>) offsets(%dma_start3A_156 : memref<128xi32, #tpu.memory_space<vmem>>) semaphore(%arg11 : memref<!tpu.dma_semaphore, #tpu.memory_space<semaphore_mem>>)
      %run_scoped3A_160 = arith.constant 0 : i32
      %run_scoped3A_161 = arith.constant 4 : i32
      "tpu.region"() ({
        %run_scoped3A_280 = tpu.sem_alloc : memref<!tpu.dma_semaphore, #tpu.memory_space<semaphore_mem>>
        %dma_start3A_281 = arith.constant 0 : i32
        %dma_start3A_282 = arith.constant 0 : i32
        %dma_start3A_283 = tpu.memref_slice %arg9[%run_scoped3A_160, %dma_start3A_281, %dma_start3A_282] : memref<2x128x128xf32, #tpu.memory_space<vmem>> -> memref<1x128x128xf32, #tpu.memory_space<vmem>>
        %dma_start3A_284 = tpu.memref_squeeze %dma_start3A_283 : memref<1x128x128xf32, #tpu.memory_space<vmem>> -> memref<128x128xf32, #tpu.memory_space<vmem>>
        %dma_start3A_285 = arith.constant 0 : i32
        %dma_start3A_286 = tpu.memref_slice %arg8[%run_scoped3A_161, %dma_start3A_285] : memref<10x128xi32, #tpu.memory_space<vmem>> -> memref<1x128xi32, #tpu.memory_space<vmem>>
        %dma_start3A_287 = tpu.memref_squeeze %dma_start3A_286 : memref<1x128xi32, #tpu.memory_space<vmem>> -> memref<128xi32, #tpu.memory_space<vmem>>
        %dma_start3A_288 = arith.constant 0 : i32
        %dma_start3A_289 = arith.constant 0 : i32
        %dma_start3A_290 = tpu.memref_slice %arg12[%dma_start3A_288, %dma_start3A_289] : memref<10016x128xf32, #tpu.memory_space<vmem_shared>> -> memref<10016x128xf32, #tpu.memory_space<vmem_shared>>
        tpu.enqueue_indirect_dma source(%dma_start3A_284 : memref<128x128xf32, #tpu.memory_space<vmem>>) target(%dma_start3A_290 : memref<10016x128xf32, #tpu.memory_space<vmem_shared>>) offsets(%dma_start3A_287 : memref<128xi32, #tpu.memory_space<vmem>>) semaphore(%run_scoped3A_280 : memref<!tpu.dma_semaphore, #tpu.memory_space<semaphore_mem>>) {add = true}
        %dma_wait3A_291 = arith.constant 0 : i32
        %dma_wait3A_292 = arith.constant 0 : i32
        %dma_wait3A_293 = tpu.memref_slice %arg9[%run_scoped3A_160, %dma_wait3A_291, %dma_wait3A_292] : memref<2x128x128xf32, #tpu.memory_space<vmem>> -> memref<1x128x128xf32, #tpu.memory_space<vmem>>
        %dma_wait3A_294 = tpu.memref_squeeze %dma_wait3A_293 : memref<1x128x128xf32, #tpu.memory_space<vmem>> -> memref<128x128xf32, #tpu.memory_space<vmem>>
        %dma_wait3A_295 = arith.constant 0 : i32
        %dma_wait3A_296 = tpu.memref_slice %arg8[%run_scoped3A_161, %dma_wait3A_295] : memref<10x128xi32, #tpu.memory_space<vmem>> -> memref<1x128xi32, #tpu.memory_space<vmem>>
        %dma_wait3A_297 = tpu.memref_squeeze %dma_wait3A_296 : memref<1x128xi32, #tpu.memory_space<vmem>> -> memref<128xi32, #tpu.memory_space<vmem>>
        %dma_wait3A_298 = arith.constant 0 : i32
        %dma_wait3A_299 = arith.constant 0 : i32
        %dma_wait3A_300 = tpu.memref_slice %arg12[%dma_wait3A_298, %dma_wait3A_299] : memref<10016x128xf32, #tpu.memory_space<vmem_shared>> -> memref<10016x128xf32, #tpu.memory_space<vmem_shared>>
        tpu.wait_indirect_dma semaphore(%run_scoped3A_280 : memref<!tpu.dma_semaphore, #tpu.memory_space<semaphore_mem>>) src(%dma_wait3A_294 : memref<128x128xf32, #tpu.memory_space<vmem>>) dst(%dma_wait3A_300 : memref<10016x128xf32, #tpu.memory_space<vmem_shared>>)
        tpu.yield
      }) : () -> ()
      %dma_wait3A_162 = arith.constant 5 : i32
      %dma_wait3A_163 = arith.constant 1 : i32
      %dma_wait3A_164 = arith.constant 0 : i32
      %dma_wait3A_165 = arith.constant 0 : i32
      %dma_wait3A_166 = tpu.memref_slice %arg9[%dma_wait3A_163, %dma_wait3A_164, %dma_wait3A_165] : memref<2x128x128xf32, #tpu.memory_space<vmem>> -> memref<1x128x128xf32, #tpu.memory_space<vmem>>
      %dma_wait3A_167 = tpu.memref_squeeze %dma_wait3A_166 : memref<1x128x128xf32, #tpu.memory_space<vmem>> -> memref<128x128xf32, #tpu.memory_space<vmem>>
      %dma_wait3A_168 = arith.constant 0 : i32
      %dma_wait3A_169 = tpu.memref_slice %arg7[%dma_wait3A_162, %dma_wait3A_168] : memref<10x128xi32, #tpu.memory_space<vmem>> -> memref<1x128xi32, #tpu.memory_space<vmem>>
      %dma_wait3A_170 = tpu.memref_squeeze %dma_wait3A_169 : memref<1x128xi32, #tpu.memory_space<vmem>> -> memref<128xi32, #tpu.memory_space<vmem>>
      %dma_wait3A_171 = arith.constant 0 : i32
      %dma_wait3A_172 = arith.constant 0 : i32
      %dma_wait3A_173 = tpu.memref_slice %arg2[%dma_wait3A_171, %dma_wait3A_172] : memref<10000x128xf32, #tpu.memory_space<hbm>> -> memref<10000x128xf32, #tpu.memory_space<hbm>>
      tpu.wait_indirect_dma semaphore(%arg11 : memref<!tpu.dma_semaphore, #tpu.memory_space<semaphore_mem>>) src(%dma_wait3A_173 : memref<10000x128xf32, #tpu.memory_space<hbm>>) dst(%dma_wait3A_167 : memref<128x128xf32, #tpu.memory_space<vmem>>)
      %dma_start3A_174 = arith.constant 6 : i32
      %dma_start3A_175 = arith.constant 0 : i32
      %dma_start3A_176 = arith.constant 0 : i32
      %dma_start3A_177 = arith.constant 0 : i32
      %dma_start3A_178 = tpu.memref_slice %arg9[%dma_start3A_175, %dma_start3A_176, %dma_start3A_177] : memref<2x128x128xf32, #tpu.memory_space<vmem>> -> memref<1x128x128xf32, #tpu.memory_space<vmem>>
      %dma_start3A_179 = tpu.memref_squeeze %dma_start3A_178 : memref<1x128x128xf32, #tpu.memory_space<vmem>> -> memref<128x128xf32, #tpu.memory_space<vmem>>
      %dma_start3A_180 = arith.constant 0 : i32
      %dma_start3A_181 = tpu.memref_slice %arg7[%dma_start3A_174, %dma_start3A_180] : memref<10x128xi32, #tpu.memory_space<vmem>> -> memref<1x128xi32, #tpu.memory_space<vmem>>
      %dma_start3A_182 = tpu.memref_squeeze %dma_start3A_181 : memref<1x128xi32, #tpu.memory_space<vmem>> -> memref<128xi32, #tpu.memory_space<vmem>>
      %dma_start3A_183 = arith.constant 0 : i32
      %dma_start3A_184 = arith.constant 0 : i32
      %dma_start3A_185 = tpu.memref_slice %arg2[%dma_start3A_183, %dma_start3A_184] : memref<10000x128xf32, #tpu.memory_space<hbm>> -> memref<10000x128xf32, #tpu.memory_space<hbm>>
      tpu.enqueue_indirect_dma source(%dma_start3A_185 : memref<10000x128xf32, #tpu.memory_space<hbm>>) target(%dma_start3A_179 : memref<128x128xf32, #tpu.memory_space<vmem>>) offsets(%dma_start3A_182 : memref<128xi32, #tpu.memory_space<vmem>>) semaphore(%arg10 : memref<!tpu.dma_semaphore, #tpu.memory_space<semaphore_mem>>)
      %run_scoped3A_186 = arith.constant 1 : i32
      %run_scoped3A_187 = arith.constant 5 : i32
      "tpu.region"() ({
        %run_scoped3A_280 = tpu.sem_alloc : memref<!tpu.dma_semaphore, #tpu.memory_space<semaphore_mem>>
        %dma_start3A_281 = arith.constant 0 : i32
        %dma_start3A_282 = arith.constant 0 : i32
        %dma_start3A_283 = tpu.memref_slice %arg9[%run_scoped3A_186, %dma_start3A_281, %dma_start3A_282] : memref<2x128x128xf32, #tpu.memory_space<vmem>> -> memref<1x128x128xf32, #tpu.memory_space<vmem>>
        %dma_start3A_284 = tpu.memref_squeeze %dma_start3A_283 : memref<1x128x128xf32, #tpu.memory_space<vmem>> -> memref<128x128xf32, #tpu.memory_space<vmem>>
        %dma_start3A_285 = arith.constant 0 : i32
        %dma_start3A_286 = tpu.memref_slice %arg8[%run_scoped3A_187, %dma_start3A_285] : memref<10x128xi32, #tpu.memory_space<vmem>> -> memref<1x128xi32, #tpu.memory_space<vmem>>
        %dma_start3A_287 = tpu.memref_squeeze %dma_start3A_286 : memref<1x128xi32, #tpu.memory_space<vmem>> -> memref<128xi32, #tpu.memory_space<vmem>>
        %dma_start3A_288 = arith.constant 0 : i32
        %dma_start3A_289 = arith.constant 0 : i32
        %dma_start3A_290 = tpu.memref_slice %arg12[%dma_start3A_288, %dma_start3A_289] : memref<10016x128xf32, #tpu.memory_space<vmem_shared>> -> memref<10016x128xf32, #tpu.memory_space<vmem_shared>>
        tpu.enqueue_indirect_dma source(%dma_start3A_284 : memref<128x128xf32, #tpu.memory_space<vmem>>) target(%dma_start3A_290 : memref<10016x128xf32, #tpu.memory_space<vmem_shared>>) offsets(%dma_start3A_287 : memref<128xi32, #tpu.memory_space<vmem>>) semaphore(%run_scoped3A_280 : memref<!tpu.dma_semaphore, #tpu.memory_space<semaphore_mem>>) {add = true}
        %dma_wait3A_291 = arith.constant 0 : i32
        %dma_wait3A_292 = arith.constant 0 : i32
        %dma_wait3A_293 = tpu.memref_slice %arg9[%run_scoped3A_186, %dma_wait3A_291, %dma_wait3A_292] : memref<2x128x128xf32, #tpu.memory_space<vmem>> -> memref<1x128x128xf32, #tpu.memory_space<vmem>>
        %dma_wait3A_294 = tpu.memref_squeeze %dma_wait3A_293 : memref<1x128x128xf32, #tpu.memory_space<vmem>> -> memref<128x128xf32, #tpu.memory_space<vmem>>
        %dma_wait3A_295 = arith.constant 0 : i32
        %dma_wait3A_296 = tpu.memref_slice %arg8[%run_scoped3A_187, %dma_wait3A_295] : memref<10x128xi32, #tpu.memory_space<vmem>> -> memref<1x128xi32, #tpu.memory_space<vmem>>
        %dma_wait3A_297 = tpu.memref_squeeze %dma_wait3A_296 : memref<1x128xi32, #tpu.memory_space<vmem>> -> memref<128xi32, #tpu.memory_space<vmem>>
        %dma_wait3A_298 = arith.constant 0 : i32
        %dma_wait3A_299 = arith.constant 0 : i32
        %dma_wait3A_300 = tpu.memref_slice %arg12[%dma_wait3A_298, %dma_wait3A_299] : memref<10016x128xf32, #tpu.memory_space<vmem_shared>> -> memref<10016x128xf32, #tpu.memory_space<vmem_shared>>
        tpu.wait_indirect_dma semaphore(%run_scoped3A_280 : memref<!tpu.dma_semaphore, #tpu.memory_space<semaphore_mem>>) src(%dma_wait3A_294 : memref<128x128xf32, #tpu.memory_space<vmem>>) dst(%dma_wait3A_300 : memref<10016x128xf32, #tpu.memory_space<vmem_shared>>)
        tpu.yield
      }) : () -> ()
      %dma_wait3A_188 = arith.constant 6 : i32
      %dma_wait3A_189 = arith.constant 0 : i32
      %dma_wait3A_190 = arith.constant 0 : i32
      %dma_wait3A_191 = arith.constant 0 : i32
      %dma_wait3A_192 = tpu.memref_slice %arg9[%dma_wait3A_189, %dma_wait3A_190, %dma_wait3A_191] : memref<2x128x128xf32, #tpu.memory_space<vmem>> -> memref<1x128x128xf32, #tpu.memory_space<vmem>>
      %dma_wait3A_193 = tpu.memref_squeeze %dma_wait3A_192 : memref<1x128x128xf32, #tpu.memory_space<vmem>> -> memref<128x128xf32, #tpu.memory_space<vmem>>
      %dma_wait3A_194 = arith.constant 0 : i32
      %dma_wait3A_195 = tpu.memref_slice %arg7[%dma_wait3A_188, %dma_wait3A_194] : memref<10x128xi32, #tpu.memory_space<vmem>> -> memref<1x128xi32, #tpu.memory_space<vmem>>
      %dma_wait3A_196 = tpu.memref_squeeze %dma_wait3A_195 : memref<1x128xi32, #tpu.memory_space<vmem>> -> memref<128xi32, #tpu.memory_space<vmem>>
      %dma_wait3A_197 = arith.constant 0 : i32
      %dma_wait3A_198 = arith.constant 0 : i32
      %dma_wait3A_199 = tpu.memref_slice %arg2[%dma_wait3A_197, %dma_wait3A_198] : memref<10000x128xf32, #tpu.memory_space<hbm>> -> memref<10000x128xf32, #tpu.memory_space<hbm>>
      tpu.wait_indirect_dma semaphore(%arg10 : memref<!tpu.dma_semaphore, #tpu.memory_space<semaphore_mem>>) src(%dma_wait3A_199 : memref<10000x128xf32, #tpu.memory_space<hbm>>) dst(%dma_wait3A_193 : memref<128x128xf32, #tpu.memory_space<vmem>>)
      %dma_start3A_200 = arith.constant 7 : i32
      %dma_start3A_201 = arith.constant 1 : i32
      %dma_start3A_202 = arith.constant 0 : i32
      %dma_start3A_203 = arith.constant 0 : i32
      %dma_start3A_204 = tpu.memref_slice %arg9[%dma_start3A_201, %dma_start3A_202, %dma_start3A_203] : memref<2x128x128xf32, #tpu.memory_space<vmem>> -> memref<1x128x128xf32, #tpu.memory_space<vmem>>
      %dma_start3A_205 = tpu.memref_squeeze %dma_start3A_204 : memref<1x128x128xf32, #tpu.memory_space<vmem>> -> memref<128x128xf32, #tpu.memory_space<vmem>>
      %dma_start3A_206 = arith.constant 0 : i32
      %dma_start3A_207 = tpu.memref_slice %arg7[%dma_start3A_200, %dma_start3A_206] : memref<10x128xi32, #tpu.memory_space<vmem>> -> memref<1x128xi32, #tpu.memory_space<vmem>>
      %dma_start3A_208 = tpu.memref_squeeze %dma_start3A_207 : memref<1x128xi32, #tpu.memory_space<vmem>> -> memref<128xi32, #tpu.memory_space<vmem>>
      %dma_start3A_209 = arith.constant 0 : i32
      %dma_start3A_210 = arith.constant 0 : i32
      %dma_start3A_211 = tpu.memref_slice %arg2[%dma_start3A_209, %dma_start3A_210] : memref<10000x128xf32, #tpu.memory_space<hbm>> -> memref<10000x128xf32, #tpu.memory_space<hbm>>
      tpu.enqueue_indirect_dma source(%dma_start3A_211 : memref<10000x128xf32, #tpu.memory_space<hbm>>) target(%dma_start3A_205 : memref<128x128xf32, #tpu.memory_space<vmem>>) offsets(%dma_start3A_208 : memref<128xi32, #tpu.memory_space<vmem>>) semaphore(%arg11 : memref<!tpu.dma_semaphore, #tpu.memory_space<semaphore_mem>>)
      %run_scoped3A_212 = arith.constant 0 : i32
      %run_scoped3A_213 = arith.constant 6 : i32
      "tpu.region"() ({
        %run_scoped3A_280 = tpu.sem_alloc : memref<!tpu.dma_semaphore, #tpu.memory_space<semaphore_mem>>
        %dma_start3A_281 = arith.constant 0 : i32
        %dma_start3A_282 = arith.constant 0 : i32
        %dma_start3A_283 = tpu.memref_slice %arg9[%run_scoped3A_212, %dma_start3A_281, %dma_start3A_282] : memref<2x128x128xf32, #tpu.memory_space<vmem>> -> memref<1x128x128xf32, #tpu.memory_space<vmem>>
        %dma_start3A_284 = tpu.memref_squeeze %dma_start3A_283 : memref<1x128x128xf32, #tpu.memory_space<vmem>> -> memref<128x128xf32, #tpu.memory_space<vmem>>
        %dma_start3A_285 = arith.constant 0 : i32
        %dma_start3A_286 = tpu.memref_slice %arg8[%run_scoped3A_213, %dma_start3A_285] : memref<10x128xi32, #tpu.memory_space<vmem>> -> memref<1x128xi32, #tpu.memory_space<vmem>>
        %dma_start3A_287 = tpu.memref_squeeze %dma_start3A_286 : memref<1x128xi32, #tpu.memory_space<vmem>> -> memref<128xi32, #tpu.memory_space<vmem>>
        %dma_start3A_288 = arith.constant 0 : i32
        %dma_start3A_289 = arith.constant 0 : i32
        %dma_start3A_290 = tpu.memref_slice %arg12[%dma_start3A_288, %dma_start3A_289] : memref<10016x128xf32, #tpu.memory_space<vmem_shared>> -> memref<10016x128xf32, #tpu.memory_space<vmem_shared>>
        tpu.enqueue_indirect_dma source(%dma_start3A_284 : memref<128x128xf32, #tpu.memory_space<vmem>>) target(%dma_start3A_290 : memref<10016x128xf32, #tpu.memory_space<vmem_shared>>) offsets(%dma_start3A_287 : memref<128xi32, #tpu.memory_space<vmem>>) semaphore(%run_scoped3A_280 : memref<!tpu.dma_semaphore, #tpu.memory_space<semaphore_mem>>) {add = true}
        %dma_wait3A_291 = arith.constant 0 : i32
        %dma_wait3A_292 = arith.constant 0 : i32
        %dma_wait3A_293 = tpu.memref_slice %arg9[%run_scoped3A_212, %dma_wait3A_291, %dma_wait3A_292] : memref<2x128x128xf32, #tpu.memory_space<vmem>> -> memref<1x128x128xf32, #tpu.memory_space<vmem>>
        %dma_wait3A_294 = tpu.memref_squeeze %dma_wait3A_293 : memref<1x128x128xf32, #tpu.memory_space<vmem>> -> memref<128x128xf32, #tpu.memory_space<vmem>>
        %dma_wait3A_295 = arith.constant 0 : i32
        %dma_wait3A_296 = tpu.memref_slice %arg8[%run_scoped3A_213, %dma_wait3A_295] : memref<10x128xi32, #tpu.memory_space<vmem>> -> memref<1x128xi32, #tpu.memory_space<vmem>>
        %dma_wait3A_297 = tpu.memref_squeeze %dma_wait3A_296 : memref<1x128xi32, #tpu.memory_space<vmem>> -> memref<128xi32, #tpu.memory_space<vmem>>
        %dma_wait3A_298 = arith.constant 0 : i32
        %dma_wait3A_299 = arith.constant 0 : i32
        %dma_wait3A_300 = tpu.memref_slice %arg12[%dma_wait3A_298, %dma_wait3A_299] : memref<10016x128xf32, #tpu.memory_space<vmem_shared>> -> memref<10016x128xf32, #tpu.memory_space<vmem_shared>>
        tpu.wait_indirect_dma semaphore(%run_scoped3A_280 : memref<!tpu.dma_semaphore, #tpu.memory_space<semaphore_mem>>) src(%dma_wait3A_294 : memref<128x128xf32, #tpu.memory_space<vmem>>) dst(%dma_wait3A_300 : memref<10016x128xf32, #tpu.memory_space<vmem_shared>>)
        tpu.yield
      }) : () -> ()
      %dma_wait3A_214 = arith.constant 7 : i32
      %dma_wait3A_215 = arith.constant 1 : i32
      %dma_wait3A_216 = arith.constant 0 : i32
      %dma_wait3A_217 = arith.constant 0 : i32
      %dma_wait3A_218 = tpu.memref_slice %arg9[%dma_wait3A_215, %dma_wait3A_216, %dma_wait3A_217] : memref<2x128x128xf32, #tpu.memory_space<vmem>> -> memref<1x128x128xf32, #tpu.memory_space<vmem>>
      %dma_wait3A_219 = tpu.memref_squeeze %dma_wait3A_218 : memref<1x128x128xf32, #tpu.memory_space<vmem>> -> memref<128x128xf32, #tpu.memory_space<vmem>>
      %dma_wait3A_220 = arith.constant 0 : i32
      %dma_wait3A_221 = tpu.memref_slice %arg7[%dma_wait3A_214, %dma_wait3A_220] : memref<10x128xi32, #tpu.memory_space<vmem>> -> memref<1x128xi32, #tpu.memory_space<vmem>>
      %dma_wait3A_222 = tpu.memref_squeeze %dma_wait3A_221 : memref<1x128xi32, #tpu.memory_space<vmem>> -> memref<128xi32, #tpu.memory_space<vmem>>
      %dma_wait3A_223 = arith.constant 0 : i32
      %dma_wait3A_224 = arith.constant 0 : i32
      %dma_wait3A_225 = tpu.memref_slice %arg2[%dma_wait3A_223, %dma_wait3A_224] : memref<10000x128xf32, #tpu.memory_space<hbm>> -> memref<10000x128xf32, #tpu.memory_space<hbm>>
      tpu.wait_indirect_dma semaphore(%arg11 : memref<!tpu.dma_semaphore, #tpu.memory_space<semaphore_mem>>) src(%dma_wait3A_225 : memref<10000x128xf32, #tpu.memory_space<hbm>>) dst(%dma_wait3A_219 : memref<128x128xf32, #tpu.memory_space<vmem>>)
      %dma_start3A_226 = arith.constant 8 : i32
      %dma_start3A_227 = arith.constant 0 : i32
      %dma_start3A_228 = arith.constant 0 : i32
      %dma_start3A_229 = arith.constant 0 : i32
      %dma_start3A_230 = tpu.memref_slice %arg9[%dma_start3A_227, %dma_start3A_228, %dma_start3A_229] : memref<2x128x128xf32, #tpu.memory_space<vmem>> -> memref<1x128x128xf32, #tpu.memory_space<vmem>>
      %dma_start3A_231 = tpu.memref_squeeze %dma_start3A_230 : memref<1x128x128xf32, #tpu.memory_space<vmem>> -> memref<128x128xf32, #tpu.memory_space<vmem>>
      %dma_start3A_232 = arith.constant 0 : i32
      %dma_start3A_233 = tpu.memref_slice %arg7[%dma_start3A_226, %dma_start3A_232] : memref<10x128xi32, #tpu.memory_space<vmem>> -> memref<1x128xi32, #tpu.memory_space<vmem>>
      %dma_start3A_234 = tpu.memref_squeeze %dma_start3A_233 : memref<1x128xi32, #tpu.memory_space<vmem>> -> memref<128xi32, #tpu.memory_space<vmem>>
      %dma_start3A_235 = arith.constant 0 : i32
      %dma_start3A_236 = arith.constant 0 : i32
      %dma_start3A_237 = tpu.memref_slice %arg2[%dma_start3A_235, %dma_start3A_236] : memref<10000x128xf32, #tpu.memory_space<hbm>> -> memref<10000x128xf32, #tpu.memory_space<hbm>>
      tpu.enqueue_indirect_dma source(%dma_start3A_237 : memref<10000x128xf32, #tpu.memory_space<hbm>>) target(%dma_start3A_231 : memref<128x128xf32, #tpu.memory_space<vmem>>) offsets(%dma_start3A_234 : memref<128xi32, #tpu.memory_space<vmem>>) semaphore(%arg10 : memref<!tpu.dma_semaphore, #tpu.memory_space<semaphore_mem>>)
      %run_scoped3A_238 = arith.constant 1 : i32
      %run_scoped3A_239 = arith.constant 7 : i32
      "tpu.region"() ({
        %run_scoped3A_280 = tpu.sem_alloc : memref<!tpu.dma_semaphore, #tpu.memory_space<semaphore_mem>>
        %dma_start3A_281 = arith.constant 0 : i32
        %dma_start3A_282 = arith.constant 0 : i32
        %dma_start3A_283 = tpu.memref_slice %arg9[%run_scoped3A_238, %dma_start3A_281, %dma_start3A_282] : memref<2x128x128xf32, #tpu.memory_space<vmem>> -> memref<1x128x128xf32, #tpu.memory_space<vmem>>
        %dma_start3A_284 = tpu.memref_squeeze %dma_start3A_283 : memref<1x128x128xf32, #tpu.memory_space<vmem>> -> memref<128x128xf32, #tpu.memory_space<vmem>>
        %dma_start3A_285 = arith.constant 0 : i32
        %dma_start3A_286 = tpu.memref_slice %arg8[%run_scoped3A_239, %dma_start3A_285] : memref<10x128xi32, #tpu.memory_space<vmem>> -> memref<1x128xi32, #tpu.memory_space<vmem>>
        %dma_start3A_287 = tpu.memref_squeeze %dma_start3A_286 : memref<1x128xi32, #tpu.memory_space<vmem>> -> memref<128xi32, #tpu.memory_space<vmem>>
        %dma_start3A_288 = arith.constant 0 : i32
        %dma_start3A_289 = arith.constant 0 : i32
        %dma_start3A_290 = tpu.memref_slice %arg12[%dma_start3A_288, %dma_start3A_289] : memref<10016x128xf32, #tpu.memory_space<vmem_shared>> -> memref<10016x128xf32, #tpu.memory_space<vmem_shared>>
        tpu.enqueue_indirect_dma source(%dma_start3A_284 : memref<128x128xf32, #tpu.memory_space<vmem>>) target(%dma_start3A_290 : memref<10016x128xf32, #tpu.memory_space<vmem_shared>>) offsets(%dma_start3A_287 : memref<128xi32, #tpu.memory_space<vmem>>) semaphore(%run_scoped3A_280 : memref<!tpu.dma_semaphore, #tpu.memory_space<semaphore_mem>>) {add = true}
        %dma_wait3A_291 = arith.constant 0 : i32
        %dma_wait3A_292 = arith.constant 0 : i32
        %dma_wait3A_293 = tpu.memref_slice %arg9[%run_scoped3A_238, %dma_wait3A_291, %dma_wait3A_292] : memref<2x128x128xf32, #tpu.memory_space<vmem>> -> memref<1x128x128xf32, #tpu.memory_space<vmem>>
        %dma_wait3A_294 = tpu.memref_squeeze %dma_wait3A_293 : memref<1x128x128xf32, #tpu.memory_space<vmem>> -> memref<128x128xf32, #tpu.memory_space<vmem>>
        %dma_wait3A_295 = arith.constant 0 : i32
        %dma_wait3A_296 = tpu.memref_slice %arg8[%run_scoped3A_239, %dma_wait3A_295] : memref<10x128xi32, #tpu.memory_space<vmem>> -> memref<1x128xi32, #tpu.memory_space<vmem>>
        %dma_wait3A_297 = tpu.memref_squeeze %dma_wait3A_296 : memref<1x128xi32, #tpu.memory_space<vmem>> -> memref<128xi32, #tpu.memory_space<vmem>>
        %dma_wait3A_298 = arith.constant 0 : i32
        %dma_wait3A_299 = arith.constant 0 : i32
        %dma_wait3A_300 = tpu.memref_slice %arg12[%dma_wait3A_298, %dma_wait3A_299] : memref<10016x128xf32, #tpu.memory_space<vmem_shared>> -> memref<10016x128xf32, #tpu.memory_space<vmem_shared>>
        tpu.wait_indirect_dma semaphore(%run_scoped3A_280 : memref<!tpu.dma_semaphore, #tpu.memory_space<semaphore_mem>>) src(%dma_wait3A_294 : memref<128x128xf32, #tpu.memory_space<vmem>>) dst(%dma_wait3A_300 : memref<10016x128xf32, #tpu.memory_space<vmem_shared>>)
        tpu.yield
      }) : () -> ()
      %dma_wait3A_240 = arith.constant 8 : i32
      %dma_wait3A_241 = arith.constant 0 : i32
      %dma_wait3A_242 = arith.constant 0 : i32
      %dma_wait3A_243 = arith.constant 0 : i32
      %dma_wait3A_244 = tpu.memref_slice %arg9[%dma_wait3A_241, %dma_wait3A_242, %dma_wait3A_243] : memref<2x128x128xf32, #tpu.memory_space<vmem>> -> memref<1x128x128xf32, #tpu.memory_space<vmem>>
      %dma_wait3A_245 = tpu.memref_squeeze %dma_wait3A_244 : memref<1x128x128xf32, #tpu.memory_space<vmem>> -> memref<128x128xf32, #tpu.memory_space<vmem>>
      %dma_wait3A_246 = arith.constant 0 : i32
      %dma_wait3A_247 = tpu.memref_slice %arg7[%dma_wait3A_240, %dma_wait3A_246] : memref<10x128xi32, #tpu.memory_space<vmem>> -> memref<1x128xi32, #tpu.memory_space<vmem>>
      %dma_wait3A_248 = tpu.memref_squeeze %dma_wait3A_247 : memref<1x128xi32, #tpu.memory_space<vmem>> -> memref<128xi32, #tpu.memory_space<vmem>>
      %dma_wait3A_249 = arith.constant 0 : i32
      %dma_wait3A_250 = arith.constant 0 : i32
      %dma_wait3A_251 = tpu.memref_slice %arg2[%dma_wait3A_249, %dma_wait3A_250] : memref<10000x128xf32, #tpu.memory_space<hbm>> -> memref<10000x128xf32, #tpu.memory_space<hbm>>
      tpu.wait_indirect_dma semaphore(%arg10 : memref<!tpu.dma_semaphore, #tpu.memory_space<semaphore_mem>>) src(%dma_wait3A_251 : memref<10000x128xf32, #tpu.memory_space<hbm>>) dst(%dma_wait3A_245 : memref<128x128xf32, #tpu.memory_space<vmem>>)
      %dma_start3A_252 = arith.constant 9 : i32
      %dma_start3A_253 = arith.constant 1 : i32
      %dma_start3A_254 = arith.constant 0 : i32
      %dma_start3A_255 = arith.constant 0 : i32
      %dma_start3A_256 = tpu.memref_slice %arg9[%dma_start3A_253, %dma_start3A_254, %dma_start3A_255] : memref<2x128x128xf32, #tpu.memory_space<vmem>> -> memref<1x128x128xf32, #tpu.memory_space<vmem>>
      %dma_start3A_257 = tpu.memref_squeeze %dma_start3A_256 : memref<1x128x128xf32, #tpu.memory_space<vmem>> -> memref<128x128xf32, #tpu.memory_space<vmem>>
      %dma_start3A_258 = arith.constant 0 : i32
      %dma_start3A_259 = tpu.memref_slice %arg7[%dma_start3A_252, %dma_start3A_258] : memref<10x128xi32, #tpu.memory_space<vmem>> -> memref<1x128xi32, #tpu.memory_space<vmem>>
      %dma_start3A_260 = tpu.memref_squeeze %dma_start3A_259 : memref<1x128xi32, #tpu.memory_space<vmem>> -> memref<128xi32, #tpu.memory_space<vmem>>
      %dma_start3A_261 = arith.constant 0 : i32
      %dma_start3A_262 = arith.constant 0 : i32
      %dma_start3A_263 = tpu.memref_slice %arg2[%dma_start3A_261, %dma_start3A_262] : memref<10000x128xf32, #tpu.memory_space<hbm>> -> memref<10000x128xf32, #tpu.memory_space<hbm>>
      tpu.enqueue_indirect_dma source(%dma_start3A_263 : memref<10000x128xf32, #tpu.memory_space<hbm>>) target(%dma_start3A_257 : memref<128x128xf32, #tpu.memory_space<vmem>>) offsets(%dma_start3A_260 : memref<128xi32, #tpu.memory_space<vmem>>) semaphore(%arg11 : memref<!tpu.dma_semaphore, #tpu.memory_space<semaphore_mem>>)
      %run_scoped3A_264 = arith.constant 0 : i32
      %run_scoped3A_265 = arith.constant 8 : i32
      "tpu.region"() ({
        %run_scoped3A_280 = tpu.sem_alloc : memref<!tpu.dma_semaphore, #tpu.memory_space<semaphore_mem>>
        %dma_start3A_281 = arith.constant 0 : i32
        %dma_start3A_282 = arith.constant 0 : i32
        %dma_start3A_283 = tpu.memref_slice %arg9[%run_scoped3A_264, %dma_start3A_281, %dma_start3A_282] : memref<2x128x128xf32, #tpu.memory_space<vmem>> -> memref<1x128x128xf32, #tpu.memory_space<vmem>>
        %dma_start3A_284 = tpu.memref_squeeze %dma_start3A_283 : memref<1x128x128xf32, #tpu.memory_space<vmem>> -> memref<128x128xf32, #tpu.memory_space<vmem>>
        %dma_start3A_285 = arith.constant 0 : i32
        %dma_start3A_286 = tpu.memref_slice %arg8[%run_scoped3A_265, %dma_start3A_285] : memref<10x128xi32, #tpu.memory_space<vmem>> -> memref<1x128xi32, #tpu.memory_space<vmem>>
        %dma_start3A_287 = tpu.memref_squeeze %dma_start3A_286 : memref<1x128xi32, #tpu.memory_space<vmem>> -> memref<128xi32, #tpu.memory_space<vmem>>
        %dma_start3A_288 = arith.constant 0 : i32
        %dma_start3A_289 = arith.constant 0 : i32
        %dma_start3A_290 = tpu.memref_slice %arg12[%dma_start3A_288, %dma_start3A_289] : memref<10016x128xf32, #tpu.memory_space<vmem_shared>> -> memref<10016x128xf32, #tpu.memory_space<vmem_shared>>
        tpu.enqueue_indirect_dma source(%dma_start3A_284 : memref<128x128xf32, #tpu.memory_space<vmem>>) target(%dma_start3A_290 : memref<10016x128xf32, #tpu.memory_space<vmem_shared>>) offsets(%dma_start3A_287 : memref<128xi32, #tpu.memory_space<vmem>>) semaphore(%run_scoped3A_280 : memref<!tpu.dma_semaphore, #tpu.memory_space<semaphore_mem>>) {add = true}
        %dma_wait3A_291 = arith.constant 0 : i32
        %dma_wait3A_292 = arith.constant 0 : i32
        %dma_wait3A_293 = tpu.memref_slice %arg9[%run_scoped3A_264, %dma_wait3A_291, %dma_wait3A_292] : memref<2x128x128xf32, #tpu.memory_space<vmem>> -> memref<1x128x128xf32, #tpu.memory_space<vmem>>
        %dma_wait3A_294 = tpu.memref_squeeze %dma_wait3A_293 : memref<1x128x128xf32, #tpu.memory_space<vmem>> -> memref<128x128xf32, #tpu.memory_space<vmem>>
        %dma_wait3A_295 = arith.constant 0 : i32
        %dma_wait3A_296 = tpu.memref_slice %arg8[%run_scoped3A_265, %dma_wait3A_295] : memref<10x128xi32, #tpu.memory_space<vmem>> -> memref<1x128xi32, #tpu.memory_space<vmem>>
        %dma_wait3A_297 = tpu.memref_squeeze %dma_wait3A_296 : memref<1x128xi32, #tpu.memory_space<vmem>> -> memref<128xi32, #tpu.memory_space<vmem>>
        %dma_wait3A_298 = arith.constant 0 : i32
        %dma_wait3A_299 = arith.constant 0 : i32
        %dma_wait3A_300 = tpu.memref_slice %arg12[%dma_wait3A_298, %dma_wait3A_299] : memref<10016x128xf32, #tpu.memory_space<vmem_shared>> -> memref<10016x128xf32, #tpu.memory_space<vmem_shared>>
        tpu.wait_indirect_dma semaphore(%run_scoped3A_280 : memref<!tpu.dma_semaphore, #tpu.memory_space<semaphore_mem>>) src(%dma_wait3A_294 : memref<128x128xf32, #tpu.memory_space<vmem>>) dst(%dma_wait3A_300 : memref<10016x128xf32, #tpu.memory_space<vmem_shared>>)
        tpu.yield
      }) : () -> ()
      %dma_wait3A_266 = arith.constant 9 : i32
      %dma_wait3A_267 = arith.constant 1 : i32
      %dma_wait3A_268 = arith.constant 0 : i32
      %dma_wait3A_269 = arith.constant 0 : i32
      %dma_wait3A_270 = tpu.memref_slice %arg9[%dma_wait3A_267, %dma_wait3A_268, %dma_wait3A_269] : memref<2x128x128xf32, #tpu.memory_space<vmem>> -> memref<1x128x128xf32, #tpu.memory_space<vmem>>
      %dma_wait3A_271 = tpu.memref_squeeze %dma_wait3A_270 : memref<1x128x128xf32, #tpu.memory_space<vmem>> -> memref<128x128xf32, #tpu.memory_space<vmem>>
      %dma_wait3A_272 = arith.constant 0 : i32
      %dma_wait3A_273 = tpu.memref_slice %arg7[%dma_wait3A_266, %dma_wait3A_272] : memref<10x128xi32, #tpu.memory_space<vmem>> -> memref<1x128xi32, #tpu.memory_space<vmem>>
      %dma_wait3A_274 = tpu.memref_squeeze %dma_wait3A_273 : memref<1x128xi32, #tpu.memory_space<vmem>> -> memref<128xi32, #tpu.memory_space<vmem>>
      %dma_wait3A_275 = arith.constant 0 : i32
      %dma_wait3A_276 = arith.constant 0 : i32
      %dma_wait3A_277 = tpu.memref_slice %arg2[%dma_wait3A_275, %dma_wait3A_276] : memref<10000x128xf32, #tpu.memory_space<hbm>> -> memref<10000x128xf32, #tpu.memory_space<hbm>>
      tpu.wait_indirect_dma semaphore(%arg11 : memref<!tpu.dma_semaphore, #tpu.memory_space<semaphore_mem>>) src(%dma_wait3A_277 : memref<10000x128xf32, #tpu.memory_space<hbm>>) dst(%dma_wait3A_271 : memref<128x128xf32, #tpu.memory_space<vmem>>)
      %run_scoped3A_278 = arith.constant 1 : i32
      %run_scoped3A_279 = arith.constant 9 : i32
      "tpu.region"() ({
        %run_scoped3A_280 = tpu.sem_alloc : memref<!tpu.dma_semaphore, #tpu.memory_space<semaphore_mem>>
        %dma_start3A_281 = arith.constant 0 : i32
        %dma_start3A_282 = arith.constant 0 : i32
        %dma_start3A_283 = tpu.memref_slice %arg9[%run_scoped3A_278, %dma_start3A_281, %dma_start3A_282] : memref<2x128x128xf32, #tpu.memory_space<vmem>> -> memref<1x128x128xf32, #tpu.memory_space<vmem>>
        %dma_start3A_284 = tpu.memref_squeeze %dma_start3A_283 : memref<1x128x128xf32, #tpu.memory_space<vmem>> -> memref<128x128xf32, #tpu.memory_space<vmem>>
        %dma_start3A_285 = arith.constant 0 : i32
        %dma_start3A_286 = tpu.memref_slice %arg8[%run_scoped3A_279, %dma_start3A_285] : memref<10x128xi32, #tpu.memory_space<vmem>> -> memref<1x128xi32, #tpu.memory_space<vmem>>
        %dma_start3A_287 = tpu.memref_squeeze %dma_start3A_286 : memref<1x128xi32, #tpu.memory_space<vmem>> -> memref<128xi32, #tpu.memory_space<vmem>>
        %dma_start3A_288 = arith.constant 0 : i32
        %dma_start3A_289 = arith.constant 0 : i32
        %dma_start3A_290 = tpu.memref_slice %arg12[%dma_start3A_288, %dma_start3A_289] : memref<10016x128xf32, #tpu.memory_space<vmem_shared>> -> memref<10016x128xf32, #tpu.memory_space<vmem_shared>>
        tpu.enqueue_indirect_dma source(%dma_start3A_284 : memref<128x128xf32, #tpu.memory_space<vmem>>) target(%dma_start3A_290 : memref<10016x128xf32, #tpu.memory_space<vmem_shared>>) offsets(%dma_start3A_287 : memref<128xi32, #tpu.memory_space<vmem>>) semaphore(%run_scoped3A_280 : memref<!tpu.dma_semaphore, #tpu.memory_space<semaphore_mem>>) {add = true}
        %dma_wait3A_291 = arith.constant 0 : i32
        %dma_wait3A_292 = arith.constant 0 : i32
        %dma_wait3A_293 = tpu.memref_slice %arg9[%run_scoped3A_278, %dma_wait3A_291, %dma_wait3A_292] : memref<2x128x128xf32, #tpu.memory_space<vmem>> -> memref<1x128x128xf32, #tpu.memory_space<vmem>>
        %dma_wait3A_294 = tpu.memref_squeeze %dma_wait3A_293 : memref<1x128x128xf32, #tpu.memory_space<vmem>> -> memref<128x128xf32, #tpu.memory_space<vmem>>
        %dma_wait3A_295 = arith.constant 0 : i32
        %dma_wait3A_296 = tpu.memref_slice %arg8[%run_scoped3A_279, %dma_wait3A_295] : memref<10x128xi32, #tpu.memory_space<vmem>> -> memref<1x128xi32, #tpu.memory_space<vmem>>
        %dma_wait3A_297 = tpu.memref_squeeze %dma_wait3A_296 : memref<1x128xi32, #tpu.memory_space<vmem>> -> memref<128xi32, #tpu.memory_space<vmem>>
        %dma_wait3A_298 = arith.constant 0 : i32
        %dma_wait3A_299 = arith.constant 0 : i32
        %dma_wait3A_300 = tpu.memref_slice %arg12[%dma_wait3A_298, %dma_wait3A_299] : memref<10016x128xf32, #tpu.memory_space<vmem_shared>> -> memref<10016x128xf32, #tpu.memory_space<vmem_shared>>
        tpu.wait_indirect_dma semaphore(%run_scoped3A_280 : memref<!tpu.dma_semaphore, #tpu.memory_space<semaphore_mem>>) src(%dma_wait3A_294 : memref<128x128xf32, #tpu.memory_space<vmem>>) dst(%dma_wait3A_300 : memref<10016x128xf32, #tpu.memory_space<vmem_shared>>)
        tpu.yield
      }) : () -> ()
    }
    %scan3A_9 = arith.constant 8 : i32
    %barrier3A_10 = arith.constant 0 : index
    tpu.barrier barrier_id(%barrier3A_10)
    %lt3A_11 = arith.constant 10 : i32
    %lt3A_12 = arith.cmpi slt, %arg1, %lt3A_11 : i32
    %convert_element_type3A_13 = arith.extui %lt3A_12 : i1 to i32
    %cond3A_14 = arith.constant 0 : i32
    %cond3A_15 = arith.cmpi ne, %convert_element_type3A_13, %cond3A_14 : i32
    scf.if %cond3A_15 {
      %mul3A_16 = arith.constant 10000 : i32
      %mul3A_17 = arith.muli %arg0, %mul3A_16 : i32
      %add3A_18 = arith.addi %mul3A_17, %mul3A_2 : i32
      "tpu.region"() ({
        %run_scoped3A = tpu.sem_alloc : memref<!tpu.dma_semaphore, #tpu.memory_space<semaphore_mem>>
        %dma_start3A = arith.constant 0 : i32
        %dma_start3A_19 = tpu.memref_slice %arg6[%add3A_18, %dma_start3A] : memref<20000x128xf32, #tpu.memory_space<hbm>> -> memref<1000x128xf32, #tpu.memory_space<hbm>>
        %dma_start3A_20 = arith.constant 0 : i32
        %dma_start3A_21 = tpu.memref_slice %arg12[%mul3A_2, %dma_start3A_20] : memref<10016x128xf32, #tpu.memory_space<vmem_shared>> -> memref<1000x128xf32, #tpu.memory_space<vmem_shared>>
        tpu.enqueue_dma source(%dma_start3A_21 : memref<1000x128xf32, #tpu.memory_space<vmem_shared>>) target(%dma_start3A_19 : memref<1000x128xf32, #tpu.memory_space<hbm>>) target_semaphore(%run_scoped3A : memref<!tpu.dma_semaphore, #tpu.memory_space<semaphore_mem>>)
        %dma_wait3A = arith.constant 0 : i32
        %dma_wait3A_22 = tpu.memref_slice %arg6[%add3A_18, %dma_wait3A] : memref<20000x128xf32, #tpu.memory_space<hbm>> -> memref<1000x128xf32, #tpu.memory_space<hbm>>
        %dma_wait3A_23 = arith.constant 0 : i32
        %dma_wait3A_24 = tpu.memref_slice %arg12[%mul3A_2, %dma_wait3A_23] : memref<10016x128xf32, #tpu.memory_space<vmem_shared>> -> memref<1000x128xf32, #tpu.memory_space<vmem_shared>>
        tpu.wait_dma2 semaphore(%run_scoped3A : memref<!tpu.dma_semaphore, #tpu.memory_space<semaphore_mem>>) src(%dma_wait3A_24 : memref<1000x128xf32, #tpu.memory_space<vmem_shared>>) dst(%dma_wait3A_22 : memref<1000x128xf32, #tpu.memory_space<hbm>>)
        tpu.yield
      }) : () -> ()
    } else {
    }
    return
  }
}

#map = affine_map<(d0, d1) -> (0, 0, 0)>
#map1 = affine_map<(d0, d1) -> (0, 0)>
module attributes {stable_mosaic.version = 14 : i64} {
  func.func @body(%arg0: i32, %arg1: i32, %arg2: memref<256x10x128xi32, #tpu.memory_space<hbm>>, %arg3: memref<10000x128xf32, #tpu.memory_space<hbm>>, %arg4: memref<128x128xf32, #tpu.memory_space<hbm>>, %arg5: memref<20000x128xf32, #tpu.memory_space<hbm>>, %arg6: memref<10x128xi32, #tpu.memory_space<vmem>>, %arg7: memref<128x128xf32, #tpu.memory_space<vmem>>, %arg8: memref<10016x128xf32, #tpu.memory_space<vmem_shared>>, %arg9: memref<!tpu.dma_semaphore, #tpu.memory_space<semaphore_mem>>) attributes {dimension_semantics = [#tpu.dimension_semantics<core_parallel>, #tpu.dimension_semantics<subcore_parallel>], iteration_bounds = array<i64: 2, 16>, scalar_prefetch = 0 : i64, scratch_operands = 4 : i64, tpu.core_type = #tpu.core_type<sc_vector_subcore>, window_params = [{transform_indices = #map}, {transform_indices = #map1}, {transform_indices = #map1}, {transform_indices = #map1}]} {
    %mul3A = arith.constant 2 : i32
    %mul3A_0 = arith.muli %arg1, %mul3A : i32
    %add3A = arith.addi %mul3A_0, %arg0 : i32
    %mul3A_1 = arith.constant 1000 : i32
    %mul3A_2 = arith.muli %arg1, %mul3A_1 : i32
    %lt3A = arith.constant 10 : i32
    %lt3A_3 = arith.cmpi slt, %arg1, %lt3A : i32
    %convert_element_type3A = arith.extui %lt3A_3 : i1 to i32
    %cond3A = arith.constant 0 : i32
    %cond3A_4 = arith.cmpi ne, %convert_element_type3A, %cond3A : i32
    scf.if %cond3A_4 {
      "tpu.region"() ({
        %run_scoped3A = tpu.sem_alloc : memref<!tpu.dma_semaphore, #tpu.memory_space<semaphore_mem>>
        %dma_start3A = arith.constant 0 : i32
        %dma_start3A_16 = tpu.memref_slice %arg8[%mul3A_2, %dma_start3A] : memref<10016x128xf32, #tpu.memory_space<vmem_shared>> -> memref<1000x128xf32, #tpu.memory_space<vmem_shared>>
        %dma_start3A_17 = arith.constant 0 : i32
        %dma_start3A_18 = tpu.memref_slice %arg3[%mul3A_2, %dma_start3A_17] : memref<10000x128xf32, #tpu.memory_space<hbm>> -> memref<1000x128xf32, #tpu.memory_space<hbm>>
        tpu.enqueue_dma source(%dma_start3A_18 : memref<1000x128xf32, #tpu.memory_space<hbm>>) target(%dma_start3A_16 : memref<1000x128xf32, #tpu.memory_space<vmem_shared>>) target_semaphore(%run_scoped3A : memref<!tpu.dma_semaphore, #tpu.memory_space<semaphore_mem>>)
        %dma_wait3A = arith.constant 0 : i32
        %dma_wait3A_19 = tpu.memref_slice %arg8[%mul3A_2, %dma_wait3A] : memref<10016x128xf32, #tpu.memory_space<vmem_shared>> -> memref<1000x128xf32, #tpu.memory_space<vmem_shared>>
        %dma_wait3A_20 = arith.constant 0 : i32
        %dma_wait3A_21 = tpu.memref_slice %arg3[%mul3A_2, %dma_wait3A_20] : memref<10000x128xf32, #tpu.memory_space<hbm>> -> memref<1000x128xf32, #tpu.memory_space<hbm>>
        tpu.wait_dma2 semaphore(%run_scoped3A : memref<!tpu.dma_semaphore, #tpu.memory_space<semaphore_mem>>) src(%dma_wait3A_21 : memref<1000x128xf32, #tpu.memory_space<hbm>>) dst(%dma_wait3A_19 : memref<1000x128xf32, #tpu.memory_space<vmem_shared>>)
        tpu.yield
      }) : () -> ()
    } else {
    }
    "tpu.region"() ({
      %run_scoped3A = tpu.sem_alloc : memref<!tpu.dma_semaphore, #tpu.memory_space<semaphore_mem>>
      tpu.enqueue_dma source(%arg4 : memref<128x128xf32, #tpu.memory_space<hbm>>) target(%arg7 : memref<128x128xf32, #tpu.memory_space<vmem>>) target_semaphore(%run_scoped3A : memref<!tpu.dma_semaphore, #tpu.memory_space<semaphore_mem>>)
      tpu.wait_dma2 semaphore(%run_scoped3A : memref<!tpu.dma_semaphore, #tpu.memory_space<semaphore_mem>>) src(%arg4 : memref<128x128xf32, #tpu.memory_space<hbm>>) dst(%arg7 : memref<128x128xf32, #tpu.memory_space<vmem>>)
      tpu.yield
    }) : () -> ()
    %barrier3A = arith.constant 0 : index
    tpu.barrier barrier_id(%barrier3A)
    %scan3A = arith.constant 0 : i32
    %scan3A_5 = arith.constant 0 : i32
    %scan3A_6 = arith.constant 8 : i32
    %scan3A_7 = arith.addi %scan3A_5, %scan3A_6 : i32
    %scan3A_8 = arith.constant 1 : i32
    scf.for %scan3A_16 = %scan3A_5 to %scan3A_7 step %scan3A_8  : i32 {
      %mul3A_17 = arith.constant 8 : i32
      %mul3A_18 = arith.muli %add3A, %mul3A_17 : i32
      %add3A_19 = arith.addi %mul3A_18, %scan3A_16 : i32
      "tpu.region"() ({
        %run_scoped3A = tpu.sem_alloc : memref<!tpu.dma_semaphore, #tpu.memory_space<semaphore_mem>>
        %dma_start3A_158 = arith.constant 0 : i32
        %dma_start3A_159 = arith.constant 0 : i32
        %dma_start3A_160 = tpu.memref_slice %arg2[%add3A_19, %dma_start3A_158, %dma_start3A_159] : memref<256x10x128xi32, #tpu.memory_space<hbm>> -> memref<1x10x128xi32, #tpu.memory_space<hbm>>
        %dma_start3A_161 = tpu.memref_squeeze %dma_start3A_160 : memref<1x10x128xi32, #tpu.memory_space<hbm>> -> memref<10x128xi32, #tpu.memory_space<hbm>>
        %dma_start3A_162 = arith.constant 0 : i32
        %dma_start3A_163 = arith.constant 0 : i32
        %dma_start3A_164 = tpu.memref_slice %arg2[%add3A_19, %dma_start3A_162, %dma_start3A_163] : memref<256x10x128xi32, #tpu.memory_space<hbm>> -> memref<1x10x128xi32, #tpu.memory_space<hbm>>
        %dma_start3A_165 = tpu.memref_squeeze %dma_start3A_164 : memref<1x10x128xi32, #tpu.memory_space<hbm>> -> memref<10x128xi32, #tpu.memory_space<hbm>>
        tpu.enqueue_dma source(%dma_start3A_165 : memref<10x128xi32, #tpu.memory_space<hbm>>) target(%arg6 : memref<10x128xi32, #tpu.memory_space<vmem>>) target_semaphore(%run_scoped3A : memref<!tpu.dma_semaphore, #tpu.memory_space<semaphore_mem>>)
        %dma_wait3A_166 = arith.constant 0 : i32
        %dma_wait3A_167 = arith.constant 0 : i32
        %dma_wait3A_168 = tpu.memref_slice %arg2[%add3A_19, %dma_wait3A_166, %dma_wait3A_167] : memref<256x10x128xi32, #tpu.memory_space<hbm>> -> memref<1x10x128xi32, #tpu.memory_space<hbm>>
        %dma_wait3A_169 = tpu.memref_squeeze %dma_wait3A_168 : memref<1x10x128xi32, #tpu.memory_space<hbm>> -> memref<10x128xi32, #tpu.memory_space<hbm>>
        %dma_wait3A_170 = arith.constant 0 : i32
        %dma_wait3A_171 = arith.constant 0 : i32
        %dma_wait3A_172 = tpu.memref_slice %arg2[%add3A_19, %dma_wait3A_170, %dma_wait3A_171] : memref<256x10x128xi32, #tpu.memory_space<hbm>> -> memref<1x10x128xi32, #tpu.memory_space<hbm>>
        %dma_wait3A_173 = tpu.memref_squeeze %dma_wait3A_172 : memref<1x10x128xi32, #tpu.memory_space<hbm>> -> memref<10x128xi32, #tpu.memory_space<hbm>>
        tpu.wait_dma2 semaphore(%run_scoped3A : memref<!tpu.dma_semaphore, #tpu.memory_space<semaphore_mem>>) src(%dma_wait3A_173 : memref<10x128xi32, #tpu.memory_space<hbm>>) dst(%arg6 : memref<10x128xi32, #tpu.memory_space<vmem>>)
        tpu.yield
      }) : () -> ()
      %dma_start3A = arith.constant 0 : i32
      %dma_start3A_20 = arith.constant 0 : i32
      %dma_start3A_21 = tpu.memref_slice %arg6[%dma_start3A, %dma_start3A_20] : memref<10x128xi32, #tpu.memory_space<vmem>> -> memref<1x128xi32, #tpu.memory_space<vmem>>
      %dma_start3A_22 = tpu.memref_squeeze %dma_start3A_21 : memref<1x128xi32, #tpu.memory_space<vmem>> -> memref<128xi32, #tpu.memory_space<vmem>>
      %dma_start3A_23 = arith.constant 0 : i32
      %dma_start3A_24 = arith.constant 0 : i32
      %dma_start3A_25 = tpu.memref_slice %arg8[%dma_start3A_23, %dma_start3A_24] : memref<10016x128xf32, #tpu.memory_space<vmem_shared>> -> memref<10016x128xf32, #tpu.memory_space<vmem_shared>>
      tpu.enqueue_indirect_dma source(%arg7 : memref<128x128xf32, #tpu.memory_space<vmem>>) target(%dma_start3A_25 : memref<10016x128xf32, #tpu.memory_space<vmem_shared>>) offsets(%dma_start3A_22 : memref<128xi32, #tpu.memory_space<vmem>>) semaphore(%arg9 : memref<!tpu.dma_semaphore, #tpu.memory_space<semaphore_mem>>) {add = true}
      %dma_start3A_26 = arith.constant 1 : i32
      %dma_start3A_27 = arith.constant 0 : i32
      %dma_start3A_28 = tpu.memref_slice %arg6[%dma_start3A_26, %dma_start3A_27] : memref<10x128xi32, #tpu.memory_space<vmem>> -> memref<1x128xi32, #tpu.memory_space<vmem>>
      %dma_start3A_29 = tpu.memref_squeeze %dma_start3A_28 : memref<1x128xi32, #tpu.memory_space<vmem>> -> memref<128xi32, #tpu.memory_space<vmem>>
      %dma_start3A_30 = arith.constant 0 : i32
      %dma_start3A_31 = arith.constant 0 : i32
      %dma_start3A_32 = tpu.memref_slice %arg8[%dma_start3A_30, %dma_start3A_31] : memref<10016x128xf32, #tpu.memory_space<vmem_shared>> -> memref<10016x128xf32, #tpu.memory_space<vmem_shared>>
      tpu.enqueue_indirect_dma source(%arg7 : memref<128x128xf32, #tpu.memory_space<vmem>>) target(%dma_start3A_32 : memref<10016x128xf32, #tpu.memory_space<vmem_shared>>) offsets(%dma_start3A_29 : memref<128xi32, #tpu.memory_space<vmem>>) semaphore(%arg9 : memref<!tpu.dma_semaphore, #tpu.memory_space<semaphore_mem>>) {add = true}
      %dma_start3A_33 = arith.constant 2 : i32
      %dma_start3A_34 = arith.constant 0 : i32
      %dma_start3A_35 = tpu.memref_slice %arg6[%dma_start3A_33, %dma_start3A_34] : memref<10x128xi32, #tpu.memory_space<vmem>> -> memref<1x128xi32, #tpu.memory_space<vmem>>
      %dma_start3A_36 = tpu.memref_squeeze %dma_start3A_35 : memref<1x128xi32, #tpu.memory_space<vmem>> -> memref<128xi32, #tpu.memory_space<vmem>>
      %dma_start3A_37 = arith.constant 0 : i32
      %dma_start3A_38 = arith.constant 0 : i32
      %dma_start3A_39 = tpu.memref_slice %arg8[%dma_start3A_37, %dma_start3A_38] : memref<10016x128xf32, #tpu.memory_space<vmem_shared>> -> memref<10016x128xf32, #tpu.memory_space<vmem_shared>>
      tpu.enqueue_indirect_dma source(%arg7 : memref<128x128xf32, #tpu.memory_space<vmem>>) target(%dma_start3A_39 : memref<10016x128xf32, #tpu.memory_space<vmem_shared>>) offsets(%dma_start3A_36 : memref<128xi32, #tpu.memory_space<vmem>>) semaphore(%arg9 : memref<!tpu.dma_semaphore, #tpu.memory_space<semaphore_mem>>) {add = true}
      %dma_start3A_40 = arith.constant 3 : i32
      %dma_start3A_41 = arith.constant 0 : i32
      %dma_start3A_42 = tpu.memref_slice %arg6[%dma_start3A_40, %dma_start3A_41] : memref<10x128xi32, #tpu.memory_space<vmem>> -> memref<1x128xi32, #tpu.memory_space<vmem>>
      %dma_start3A_43 = tpu.memref_squeeze %dma_start3A_42 : memref<1x128xi32, #tpu.memory_space<vmem>> -> memref<128xi32, #tpu.memory_space<vmem>>
      %dma_start3A_44 = arith.constant 0 : i32
      %dma_start3A_45 = arith.constant 0 : i32
      %dma_start3A_46 = tpu.memref_slice %arg8[%dma_start3A_44, %dma_start3A_45] : memref<10016x128xf32, #tpu.memory_space<vmem_shared>> -> memref<10016x128xf32, #tpu.memory_space<vmem_shared>>
      tpu.enqueue_indirect_dma source(%arg7 : memref<128x128xf32, #tpu.memory_space<vmem>>) target(%dma_start3A_46 : memref<10016x128xf32, #tpu.memory_space<vmem_shared>>) offsets(%dma_start3A_43 : memref<128xi32, #tpu.memory_space<vmem>>) semaphore(%arg9 : memref<!tpu.dma_semaphore, #tpu.memory_space<semaphore_mem>>) {add = true}
      %dma_start3A_47 = arith.constant 4 : i32
      %dma_start3A_48 = arith.constant 0 : i32
      %dma_start3A_49 = tpu.memref_slice %arg6[%dma_start3A_47, %dma_start3A_48] : memref<10x128xi32, #tpu.memory_space<vmem>> -> memref<1x128xi32, #tpu.memory_space<vmem>>
      %dma_start3A_50 = tpu.memref_squeeze %dma_start3A_49 : memref<1x128xi32, #tpu.memory_space<vmem>> -> memref<128xi32, #tpu.memory_space<vmem>>
      %dma_start3A_51 = arith.constant 0 : i32
      %dma_start3A_52 = arith.constant 0 : i32
      %dma_start3A_53 = tpu.memref_slice %arg8[%dma_start3A_51, %dma_start3A_52] : memref<10016x128xf32, #tpu.memory_space<vmem_shared>> -> memref<10016x128xf32, #tpu.memory_space<vmem_shared>>
      tpu.enqueue_indirect_dma source(%arg7 : memref<128x128xf32, #tpu.memory_space<vmem>>) target(%dma_start3A_53 : memref<10016x128xf32, #tpu.memory_space<vmem_shared>>) offsets(%dma_start3A_50 : memref<128xi32, #tpu.memory_space<vmem>>) semaphore(%arg9 : memref<!tpu.dma_semaphore, #tpu.memory_space<semaphore_mem>>) {add = true}
      %dma_start3A_54 = arith.constant 5 : i32
      %dma_start3A_55 = arith.constant 0 : i32
      %dma_start3A_56 = tpu.memref_slice %arg6[%dma_start3A_54, %dma_start3A_55] : memref<10x128xi32, #tpu.memory_space<vmem>> -> memref<1x128xi32, #tpu.memory_space<vmem>>
      %dma_start3A_57 = tpu.memref_squeeze %dma_start3A_56 : memref<1x128xi32, #tpu.memory_space<vmem>> -> memref<128xi32, #tpu.memory_space<vmem>>
      %dma_start3A_58 = arith.constant 0 : i32
      %dma_start3A_59 = arith.constant 0 : i32
      %dma_start3A_60 = tpu.memref_slice %arg8[%dma_start3A_58, %dma_start3A_59] : memref<10016x128xf32, #tpu.memory_space<vmem_shared>> -> memref<10016x128xf32, #tpu.memory_space<vmem_shared>>
      tpu.enqueue_indirect_dma source(%arg7 : memref<128x128xf32, #tpu.memory_space<vmem>>) target(%dma_start3A_60 : memref<10016x128xf32, #tpu.memory_space<vmem_shared>>) offsets(%dma_start3A_57 : memref<128xi32, #tpu.memory_space<vmem>>) semaphore(%arg9 : memref<!tpu.dma_semaphore, #tpu.memory_space<semaphore_mem>>) {add = true}
      %dma_start3A_61 = arith.constant 6 : i32
      %dma_start3A_62 = arith.constant 0 : i32
      %dma_start3A_63 = tpu.memref_slice %arg6[%dma_start3A_61, %dma_start3A_62] : memref<10x128xi32, #tpu.memory_space<vmem>> -> memref<1x128xi32, #tpu.memory_space<vmem>>
      %dma_start3A_64 = tpu.memref_squeeze %dma_start3A_63 : memref<1x128xi32, #tpu.memory_space<vmem>> -> memref<128xi32, #tpu.memory_space<vmem>>
      %dma_start3A_65 = arith.constant 0 : i32
      %dma_start3A_66 = arith.constant 0 : i32
      %dma_start3A_67 = tpu.memref_slice %arg8[%dma_start3A_65, %dma_start3A_66] : memref<10016x128xf32, #tpu.memory_space<vmem_shared>> -> memref<10016x128xf32, #tpu.memory_space<vmem_shared>>
      tpu.enqueue_indirect_dma source(%arg7 : memref<128x128xf32, #tpu.memory_space<vmem>>) target(%dma_start3A_67 : memref<10016x128xf32, #tpu.memory_space<vmem_shared>>) offsets(%dma_start3A_64 : memref<128xi32, #tpu.memory_space<vmem>>) semaphore(%arg9 : memref<!tpu.dma_semaphore, #tpu.memory_space<semaphore_mem>>) {add = true}
      %dma_start3A_68 = arith.constant 7 : i32
      %dma_start3A_69 = arith.constant 0 : i32
      %dma_start3A_70 = tpu.memref_slice %arg6[%dma_start3A_68, %dma_start3A_69] : memref<10x128xi32, #tpu.memory_space<vmem>> -> memref<1x128xi32, #tpu.memory_space<vmem>>
      %dma_start3A_71 = tpu.memref_squeeze %dma_start3A_70 : memref<1x128xi32, #tpu.memory_space<vmem>> -> memref<128xi32, #tpu.memory_space<vmem>>
      %dma_start3A_72 = arith.constant 0 : i32
      %dma_start3A_73 = arith.constant 0 : i32
      %dma_start3A_74 = tpu.memref_slice %arg8[%dma_start3A_72, %dma_start3A_73] : memref<10016x128xf32, #tpu.memory_space<vmem_shared>> -> memref<10016x128xf32, #tpu.memory_space<vmem_shared>>
      tpu.enqueue_indirect_dma source(%arg7 : memref<128x128xf32, #tpu.memory_space<vmem>>) target(%dma_start3A_74 : memref<10016x128xf32, #tpu.memory_space<vmem_shared>>) offsets(%dma_start3A_71 : memref<128xi32, #tpu.memory_space<vmem>>) semaphore(%arg9 : memref<!tpu.dma_semaphore, #tpu.memory_space<semaphore_mem>>) {add = true}
      %dma_start3A_75 = arith.constant 8 : i32
      %dma_start3A_76 = arith.constant 0 : i32
      %dma_start3A_77 = tpu.memref_slice %arg6[%dma_start3A_75, %dma_start3A_76] : memref<10x128xi32, #tpu.memory_space<vmem>> -> memref<1x128xi32, #tpu.memory_space<vmem>>
      %dma_start3A_78 = tpu.memref_squeeze %dma_start3A_77 : memref<1x128xi32, #tpu.memory_space<vmem>> -> memref<128xi32, #tpu.memory_space<vmem>>
      %dma_start3A_79 = arith.constant 0 : i32
      %dma_start3A_80 = arith.constant 0 : i32
      %dma_start3A_81 = tpu.memref_slice %arg8[%dma_start3A_79, %dma_start3A_80] : memref<10016x128xf32, #tpu.memory_space<vmem_shared>> -> memref<10016x128xf32, #tpu.memory_space<vmem_shared>>
      tpu.enqueue_indirect_dma source(%arg7 : memref<128x128xf32, #tpu.memory_space<vmem>>) target(%dma_start3A_81 : memref<10016x128xf32, #tpu.memory_space<vmem_shared>>) offsets(%dma_start3A_78 : memref<128xi32, #tpu.memory_space<vmem>>) semaphore(%arg9 : memref<!tpu.dma_semaphore, #tpu.memory_space<semaphore_mem>>) {add = true}
      %dma_start3A_82 = arith.constant 9 : i32
      %dma_start3A_83 = arith.constant 0 : i32
      %dma_start3A_84 = tpu.memref_slice %arg6[%dma_start3A_82, %dma_start3A_83] : memref<10x128xi32, #tpu.memory_space<vmem>> -> memref<1x128xi32, #tpu.memory_space<vmem>>
      %dma_start3A_85 = tpu.memref_squeeze %dma_start3A_84 : memref<1x128xi32, #tpu.memory_space<vmem>> -> memref<128xi32, #tpu.memory_space<vmem>>
      %dma_start3A_86 = arith.constant 0 : i32
      %dma_start3A_87 = arith.constant 0 : i32
      %dma_start3A_88 = tpu.memref_slice %arg8[%dma_start3A_86, %dma_start3A_87] : memref<10016x128xf32, #tpu.memory_space<vmem_shared>> -> memref<10016x128xf32, #tpu.memory_space<vmem_shared>>
      tpu.enqueue_indirect_dma source(%arg7 : memref<128x128xf32, #tpu.memory_space<vmem>>) target(%dma_start3A_88 : memref<10016x128xf32, #tpu.memory_space<vmem_shared>>) offsets(%dma_start3A_85 : memref<128xi32, #tpu.memory_space<vmem>>) semaphore(%arg9 : memref<!tpu.dma_semaphore, #tpu.memory_space<semaphore_mem>>) {add = true}
      %dma_wait3A = arith.constant 0 : i32
      %dma_wait3A_89 = arith.constant 0 : i32
      %dma_wait3A_90 = tpu.memref_slice %arg6[%dma_wait3A, %dma_wait3A_89] : memref<10x128xi32, #tpu.memory_space<vmem>> -> memref<1x128xi32, #tpu.memory_space<vmem>>
      %dma_wait3A_91 = tpu.memref_squeeze %dma_wait3A_90 : memref<1x128xi32, #tpu.memory_space<vmem>> -> memref<128xi32, #tpu.memory_space<vmem>>
      %dma_wait3A_92 = arith.constant 0 : i32
      %dma_wait3A_93 = arith.constant 0 : i32
      %dma_wait3A_94 = tpu.memref_slice %arg8[%dma_wait3A_92, %dma_wait3A_93] : memref<10016x128xf32, #tpu.memory_space<vmem_shared>> -> memref<10016x128xf32, #tpu.memory_space<vmem_shared>>
      tpu.wait_indirect_dma semaphore(%arg9 : memref<!tpu.dma_semaphore, #tpu.memory_space<semaphore_mem>>) src(%arg7 : memref<128x128xf32, #tpu.memory_space<vmem>>) dst(%dma_wait3A_94 : memref<10016x128xf32, #tpu.memory_space<vmem_shared>>)
      %dma_wait3A_95 = arith.constant 1 : i32
      %dma_wait3A_96 = arith.constant 0 : i32
      %dma_wait3A_97 = tpu.memref_slice %arg6[%dma_wait3A_95, %dma_wait3A_96] : memref<10x128xi32, #tpu.memory_space<vmem>> -> memref<1x128xi32, #tpu.memory_space<vmem>>
      %dma_wait3A_98 = tpu.memref_squeeze %dma_wait3A_97 : memref<1x128xi32, #tpu.memory_space<vmem>> -> memref<128xi32, #tpu.memory_space<vmem>>
      %dma_wait3A_99 = arith.constant 0 : i32
      %dma_wait3A_100 = arith.constant 0 : i32
      %dma_wait3A_101 = tpu.memref_slice %arg8[%dma_wait3A_99, %dma_wait3A_100] : memref<10016x128xf32, #tpu.memory_space<vmem_shared>> -> memref<10016x128xf32, #tpu.memory_space<vmem_shared>>
      tpu.wait_indirect_dma semaphore(%arg9 : memref<!tpu.dma_semaphore, #tpu.memory_space<semaphore_mem>>) src(%arg7 : memref<128x128xf32, #tpu.memory_space<vmem>>) dst(%dma_wait3A_101 : memref<10016x128xf32, #tpu.memory_space<vmem_shared>>)
      %dma_wait3A_102 = arith.constant 2 : i32
      %dma_wait3A_103 = arith.constant 0 : i32
      %dma_wait3A_104 = tpu.memref_slice %arg6[%dma_wait3A_102, %dma_wait3A_103] : memref<10x128xi32, #tpu.memory_space<vmem>> -> memref<1x128xi32, #tpu.memory_space<vmem>>
      %dma_wait3A_105 = tpu.memref_squeeze %dma_wait3A_104 : memref<1x128xi32, #tpu.memory_space<vmem>> -> memref<128xi32, #tpu.memory_space<vmem>>
      %dma_wait3A_106 = arith.constant 0 : i32
      %dma_wait3A_107 = arith.constant 0 : i32
      %dma_wait3A_108 = tpu.memref_slice %arg8[%dma_wait3A_106, %dma_wait3A_107] : memref<10016x128xf32, #tpu.memory_space<vmem_shared>> -> memref<10016x128xf32, #tpu.memory_space<vmem_shared>>
      tpu.wait_indirect_dma semaphore(%arg9 : memref<!tpu.dma_semaphore, #tpu.memory_space<semaphore_mem>>) src(%arg7 : memref<128x128xf32, #tpu.memory_space<vmem>>) dst(%dma_wait3A_108 : memref<10016x128xf32, #tpu.memory_space<vmem_shared>>)
      %dma_wait3A_109 = arith.constant 3 : i32
      %dma_wait3A_110 = arith.constant 0 : i32
      %dma_wait3A_111 = tpu.memref_slice %arg6[%dma_wait3A_109, %dma_wait3A_110] : memref<10x128xi32, #tpu.memory_space<vmem>> -> memref<1x128xi32, #tpu.memory_space<vmem>>
      %dma_wait3A_112 = tpu.memref_squeeze %dma_wait3A_111 : memref<1x128xi32, #tpu.memory_space<vmem>> -> memref<128xi32, #tpu.memory_space<vmem>>
      %dma_wait3A_113 = arith.constant 0 : i32
      %dma_wait3A_114 = arith.constant 0 : i32
      %dma_wait3A_115 = tpu.memref_slice %arg8[%dma_wait3A_113, %dma_wait3A_114] : memref<10016x128xf32, #tpu.memory_space<vmem_shared>> -> memref<10016x128xf32, #tpu.memory_space<vmem_shared>>
      tpu.wait_indirect_dma semaphore(%arg9 : memref<!tpu.dma_semaphore, #tpu.memory_space<semaphore_mem>>) src(%arg7 : memref<128x128xf32, #tpu.memory_space<vmem>>) dst(%dma_wait3A_115 : memref<10016x128xf32, #tpu.memory_space<vmem_shared>>)
      %dma_wait3A_116 = arith.constant 4 : i32
      %dma_wait3A_117 = arith.constant 0 : i32
      %dma_wait3A_118 = tpu.memref_slice %arg6[%dma_wait3A_116, %dma_wait3A_117] : memref<10x128xi32, #tpu.memory_space<vmem>> -> memref<1x128xi32, #tpu.memory_space<vmem>>
      %dma_wait3A_119 = tpu.memref_squeeze %dma_wait3A_118 : memref<1x128xi32, #tpu.memory_space<vmem>> -> memref<128xi32, #tpu.memory_space<vmem>>
      %dma_wait3A_120 = arith.constant 0 : i32
      %dma_wait3A_121 = arith.constant 0 : i32
      %dma_wait3A_122 = tpu.memref_slice %arg8[%dma_wait3A_120, %dma_wait3A_121] : memref<10016x128xf32, #tpu.memory_space<vmem_shared>> -> memref<10016x128xf32, #tpu.memory_space<vmem_shared>>
      tpu.wait_indirect_dma semaphore(%arg9 : memref<!tpu.dma_semaphore, #tpu.memory_space<semaphore_mem>>) src(%arg7 : memref<128x128xf32, #tpu.memory_space<vmem>>) dst(%dma_wait3A_122 : memref<10016x128xf32, #tpu.memory_space<vmem_shared>>)
      %dma_wait3A_123 = arith.constant 5 : i32
      %dma_wait3A_124 = arith.constant 0 : i32
      %dma_wait3A_125 = tpu.memref_slice %arg6[%dma_wait3A_123, %dma_wait3A_124] : memref<10x128xi32, #tpu.memory_space<vmem>> -> memref<1x128xi32, #tpu.memory_space<vmem>>
      %dma_wait3A_126 = tpu.memref_squeeze %dma_wait3A_125 : memref<1x128xi32, #tpu.memory_space<vmem>> -> memref<128xi32, #tpu.memory_space<vmem>>
      %dma_wait3A_127 = arith.constant 0 : i32
      %dma_wait3A_128 = arith.constant 0 : i32
      %dma_wait3A_129 = tpu.memref_slice %arg8[%dma_wait3A_127, %dma_wait3A_128] : memref<10016x128xf32, #tpu.memory_space<vmem_shared>> -> memref<10016x128xf32, #tpu.memory_space<vmem_shared>>
      tpu.wait_indirect_dma semaphore(%arg9 : memref<!tpu.dma_semaphore, #tpu.memory_space<semaphore_mem>>) src(%arg7 : memref<128x128xf32, #tpu.memory_space<vmem>>) dst(%dma_wait3A_129 : memref<10016x128xf32, #tpu.memory_space<vmem_shared>>)
      %dma_wait3A_130 = arith.constant 6 : i32
      %dma_wait3A_131 = arith.constant 0 : i32
      %dma_wait3A_132 = tpu.memref_slice %arg6[%dma_wait3A_130, %dma_wait3A_131] : memref<10x128xi32, #tpu.memory_space<vmem>> -> memref<1x128xi32, #tpu.memory_space<vmem>>
      %dma_wait3A_133 = tpu.memref_squeeze %dma_wait3A_132 : memref<1x128xi32, #tpu.memory_space<vmem>> -> memref<128xi32, #tpu.memory_space<vmem>>
      %dma_wait3A_134 = arith.constant 0 : i32
      %dma_wait3A_135 = arith.constant 0 : i32
      %dma_wait3A_136 = tpu.memref_slice %arg8[%dma_wait3A_134, %dma_wait3A_135] : memref<10016x128xf32, #tpu.memory_space<vmem_shared>> -> memref<10016x128xf32, #tpu.memory_space<vmem_shared>>
      tpu.wait_indirect_dma semaphore(%arg9 : memref<!tpu.dma_semaphore, #tpu.memory_space<semaphore_mem>>) src(%arg7 : memref<128x128xf32, #tpu.memory_space<vmem>>) dst(%dma_wait3A_136 : memref<10016x128xf32, #tpu.memory_space<vmem_shared>>)
      %dma_wait3A_137 = arith.constant 7 : i32
      %dma_wait3A_138 = arith.constant 0 : i32
      %dma_wait3A_139 = tpu.memref_slice %arg6[%dma_wait3A_137, %dma_wait3A_138] : memref<10x128xi32, #tpu.memory_space<vmem>> -> memref<1x128xi32, #tpu.memory_space<vmem>>
      %dma_wait3A_140 = tpu.memref_squeeze %dma_wait3A_139 : memref<1x128xi32, #tpu.memory_space<vmem>> -> memref<128xi32, #tpu.memory_space<vmem>>
      %dma_wait3A_141 = arith.constant 0 : i32
      %dma_wait3A_142 = arith.constant 0 : i32
      %dma_wait3A_143 = tpu.memref_slice %arg8[%dma_wait3A_141, %dma_wait3A_142] : memref<10016x128xf32, #tpu.memory_space<vmem_shared>> -> memref<10016x128xf32, #tpu.memory_space<vmem_shared>>
      tpu.wait_indirect_dma semaphore(%arg9 : memref<!tpu.dma_semaphore, #tpu.memory_space<semaphore_mem>>) src(%arg7 : memref<128x128xf32, #tpu.memory_space<vmem>>) dst(%dma_wait3A_143 : memref<10016x128xf32, #tpu.memory_space<vmem_shared>>)
      %dma_wait3A_144 = arith.constant 8 : i32
      %dma_wait3A_145 = arith.constant 0 : i32
      %dma_wait3A_146 = tpu.memref_slice %arg6[%dma_wait3A_144, %dma_wait3A_145] : memref<10x128xi32, #tpu.memory_space<vmem>> -> memref<1x128xi32, #tpu.memory_space<vmem>>
      %dma_wait3A_147 = tpu.memref_squeeze %dma_wait3A_146 : memref<1x128xi32, #tpu.memory_space<vmem>> -> memref<128xi32, #tpu.memory_space<vmem>>
      %dma_wait3A_148 = arith.constant 0 : i32
      %dma_wait3A_149 = arith.constant 0 : i32
      %dma_wait3A_150 = tpu.memref_slice %arg8[%dma_wait3A_148, %dma_wait3A_149] : memref<10016x128xf32, #tpu.memory_space<vmem_shared>> -> memref<10016x128xf32, #tpu.memory_space<vmem_shared>>
      tpu.wait_indirect_dma semaphore(%arg9 : memref<!tpu.dma_semaphore, #tpu.memory_space<semaphore_mem>>) src(%arg7 : memref<128x128xf32, #tpu.memory_space<vmem>>) dst(%dma_wait3A_150 : memref<10016x128xf32, #tpu.memory_space<vmem_shared>>)
      %dma_wait3A_151 = arith.constant 9 : i32
      %dma_wait3A_152 = arith.constant 0 : i32
      %dma_wait3A_153 = tpu.memref_slice %arg6[%dma_wait3A_151, %dma_wait3A_152] : memref<10x128xi32, #tpu.memory_space<vmem>> -> memref<1x128xi32, #tpu.memory_space<vmem>>
      %dma_wait3A_154 = tpu.memref_squeeze %dma_wait3A_153 : memref<1x128xi32, #tpu.memory_space<vmem>> -> memref<128xi32, #tpu.memory_space<vmem>>
      %dma_wait3A_155 = arith.constant 0 : i32
      %dma_wait3A_156 = arith.constant 0 : i32
      %dma_wait3A_157 = tpu.memref_slice %arg8[%dma_wait3A_155, %dma_wait3A_156] : memref<10016x128xf32, #tpu.memory_space<vmem_shared>> -> memref<10016x128xf32, #tpu.memory_space<vmem_shared>>
      tpu.wait_indirect_dma semaphore(%arg9 : memref<!tpu.dma_semaphore, #tpu.memory_space<semaphore_mem>>) src(%arg7 : memref<128x128xf32, #tpu.memory_space<vmem>>) dst(%dma_wait3A_157 : memref<10016x128xf32, #tpu.memory_space<vmem_shared>>)
    }
    %scan3A_9 = arith.constant 8 : i32
    %barrier3A_10 = arith.constant 0 : index
    tpu.barrier barrier_id(%barrier3A_10)
    %lt3A_11 = arith.constant 10 : i32
    %lt3A_12 = arith.cmpi slt, %arg1, %lt3A_11 : i32
    %convert_element_type3A_13 = arith.extui %lt3A_12 : i1 to i32
    %cond3A_14 = arith.constant 0 : i32
    %cond3A_15 = arith.cmpi ne, %convert_element_type3A_13, %cond3A_14 : i32
    scf.if %cond3A_15 {
      %mul3A_16 = arith.constant 10000 : i32
      %mul3A_17 = arith.muli %arg0, %mul3A_16 : i32
      %add3A_18 = arith.addi %mul3A_17, %mul3A_2 : i32
      "tpu.region"() ({
        %run_scoped3A = tpu.sem_alloc : memref<!tpu.dma_semaphore, #tpu.memory_space<semaphore_mem>>
        %dma_start3A = arith.constant 0 : i32
        %dma_start3A_19 = tpu.memref_slice %arg5[%add3A_18, %dma_start3A] : memref<20000x128xf32, #tpu.memory_space<hbm>> -> memref<1000x128xf32, #tpu.memory_space<hbm>>
        %dma_start3A_20 = arith.constant 0 : i32
        %dma_start3A_21 = tpu.memref_slice %arg8[%mul3A_2, %dma_start3A_20] : memref<10016x128xf32, #tpu.memory_space<vmem_shared>> -> memref<1000x128xf32, #tpu.memory_space<vmem_shared>>
        tpu.enqueue_dma source(%dma_start3A_21 : memref<1000x128xf32, #tpu.memory_space<vmem_shared>>) target(%dma_start3A_19 : memref<1000x128xf32, #tpu.memory_space<hbm>>) target_semaphore(%run_scoped3A : memref<!tpu.dma_semaphore, #tpu.memory_space<semaphore_mem>>)
        %dma_wait3A = arith.constant 0 : i32
        %dma_wait3A_22 = tpu.memref_slice %arg5[%add3A_18, %dma_wait3A] : memref<20000x128xf32, #tpu.memory_space<hbm>> -> memref<1000x128xf32, #tpu.memory_space<hbm>>
        %dma_wait3A_23 = arith.constant 0 : i32
        %dma_wait3A_24 = tpu.memref_slice %arg8[%mul3A_2, %dma_wait3A_23] : memref<10016x128xf32, #tpu.memory_space<vmem_shared>> -> memref<1000x128xf32, #tpu.memory_space<vmem_shared>>
        tpu.wait_dma2 semaphore(%run_scoped3A : memref<!tpu.dma_semaphore, #tpu.memory_space<semaphore_mem>>) src(%dma_wait3A_24 : memref<1000x128xf32, #tpu.memory_space<vmem_shared>>) dst(%dma_wait3A_22 : memref<1000x128xf32, #tpu.memory_space<hbm>>)
        tpu.yield
      }) : () -> ()
    } else {
    }
    return
  }
}

#map = affine_map<(d0, d1) -> (0, 0)>
#map1 = affine_map<(d0, d1) -> (0, 0, 0)>
module attributes {stable_mosaic.version = 14 : i64} {
  func.func @body(%arg0: i32, %arg1: i32, %arg2: memref<10000x128xf32, #tpu.memory_space<hbm>>, %arg3: memref<256x10x128xi32, #tpu.memory_space<hbm>>, %arg4: memref<256x10x128xi32, #tpu.memory_space<hbm>>, %arg5: memref<10000x128xf32, #tpu.memory_space<hbm>>, %arg6: memref<20000x128xf32, #tpu.memory_space<hbm>>, %arg7: memref<10x128xi32, #tpu.memory_space<vmem>>, %arg8: memref<10x128xi32, #tpu.memory_space<vmem>>, %arg9: memref<2x128x128xf32, #tpu.memory_space<vmem>>, %arg10: memref<!tpu.dma_semaphore, #tpu.memory_space<semaphore_mem>>, %arg11: memref<!tpu.dma_semaphore, #tpu.memory_space<semaphore_mem>>, %arg12: memref<10016x128xf32, #tpu.memory_space<vmem_shared>>) attributes {dimension_semantics = [#tpu.dimension_semantics<core_parallel>, #tpu.dimension_semantics<subcore_parallel>], iteration_bounds = array<i64: 2, 16>, scalar_prefetch = 0 : i64, scratch_operands = 6 : i64, tpu.core_type = #tpu.core_type<sc_vector_subcore>, window_params = [{transform_indices = #map}, {transform_indices = #map1}, {transform_indices = #map1}, {transform_indices = #map}, {transform_indices = #map}]} {
    %mul3A = arith.constant 2 : i32
    %mul3A_0 = arith.muli %arg1, %mul3A : i32
    %add3A = arith.addi %mul3A_0, %arg0 : i32
    %mul3A_1 = arith.constant 1000 : i32
    %mul3A_2 = arith.muli %arg1, %mul3A_1 : i32
    %lt3A = arith.constant 10 : i32
    %lt3A_3 = arith.cmpi slt, %arg1, %lt3A : i32
    %convert_element_type3A = arith.extui %lt3A_3 : i1 to i32
    %cond3A = arith.constant 0 : i32
    %cond3A_4 = arith.cmpi ne, %convert_element_type3A, %cond3A : i32
    scf.if %cond3A_4 {
      "tpu.region"() ({
        %run_scoped3A = tpu.sem_alloc : memref<!tpu.dma_semaphore, #tpu.memory_space<semaphore_mem>>
        %dma_start3A = arith.constant 0 : i32
        %dma_start3A_16 = tpu.memref_slice %arg12[%mul3A_2, %dma_start3A] : memref<10016x128xf32, #tpu.memory_space<vmem_shared>> -> memref<1000x128xf32, #tpu.memory_space<vmem_shared>>
        %dma_start3A_17 = arith.constant 0 : i32
        %dma_start3A_18 = tpu.memref_slice %arg5[%mul3A_2, %dma_start3A_17] : memref<10000x128xf32, #tpu.memory_space<hbm>> -> memref<1000x128xf32, #tpu.memory_space<hbm>>
        tpu.enqueue_dma source(%dma_start3A_18 : memref<1000x128xf32, #tpu.memory_space<hbm>>) target(%dma_start3A_16 : memref<1000x128xf32, #tpu.memory_space<vmem_shared>>) target_semaphore(%run_scoped3A : memref<!tpu.dma_semaphore, #tpu.memory_space<semaphore_mem>>)
        %dma_wait3A = arith.constant 0 : i32
        %dma_wait3A_19 = tpu.memref_slice %arg12[%mul3A_2, %dma_wait3A] : memref<10016x128xf32, #tpu.memory_space<vmem_shared>> -> memref<1000x128xf32, #tpu.memory_space<vmem_shared>>
        %dma_wait3A_20 = arith.constant 0 : i32
        %dma_wait3A_21 = tpu.memref_slice %arg5[%mul3A_2, %dma_wait3A_20] : memref<10000x128xf32, #tpu.memory_space<hbm>> -> memref<1000x128xf32, #tpu.memory_space<hbm>>
        tpu.wait_dma2 semaphore(%run_scoped3A : memref<!tpu.dma_semaphore, #tpu.memory_space<semaphore_mem>>) src(%dma_wait3A_21 : memref<1000x128xf32, #tpu.memory_space<hbm>>) dst(%dma_wait3A_19 : memref<1000x128xf32, #tpu.memory_space<vmem_shared>>)
        tpu.yield
      }) : () -> ()
    } else {
    }
    %barrier3A = arith.constant 0 : index
    tpu.barrier barrier_id(%barrier3A)
    %scan3A = arith.constant 0 : i32
    %scan3A_5 = arith.constant 0 : i32
    %scan3A_6 = arith.constant 8 : i32
    %scan3A_7 = arith.addi %scan3A_5, %scan3A_6 : i32
    %scan3A_8 = arith.constant 1 : i32
    scf.for %scan3A_16 = %scan3A_5 to %scan3A_7 step %scan3A_8  : i32 {
      %mul3A_17 = arith.constant 8 : i32
      %mul3A_18 = arith.muli %add3A, %mul3A_17 : i32
      %add3A_19 = arith.addi %mul3A_18, %scan3A_16 : i32
      "tpu.region"() ({
        %run_scoped3A_280 = tpu.sem_alloc : memref<!tpu.dma_semaphore, #tpu.memory_space<semaphore_mem>>
        %dma_start3A_281 = arith.constant 0 : i32
        %dma_start3A_282 = arith.constant 0 : i32
        %dma_start3A_283 = tpu.memref_slice %arg3[%add3A_19, %dma_start3A_281, %dma_start3A_282] : memref<256x10x128xi32, #tpu.memory_space<hbm>> -> memref<1x10x128xi32, #tpu.memory_space<hbm>>
        %dma_start3A_284 = tpu.memref_squeeze %dma_start3A_283 : memref<1x10x128xi32, #tpu.memory_space<hbm>> -> memref<10x128xi32, #tpu.memory_space<hbm>>
        %dma_start3A_285 = arith.constant 0 : i32
        %dma_start3A_286 = arith.constant 0 : i32
        %dma_start3A_287 = tpu.memref_slice %arg3[%add3A_19, %dma_start3A_285, %dma_start3A_286] : memref<256x10x128xi32, #tpu.memory_space<hbm>> -> memref<1x10x128xi32, #tpu.memory_space<hbm>>
        %dma_start3A_288 = tpu.memref_squeeze %dma_start3A_287 : memref<1x10x128xi32, #tpu.memory_space<hbm>> -> memref<10x128xi32, #tpu.memory_space<hbm>>
        tpu.enqueue_dma source(%dma_start3A_288 : memref<10x128xi32, #tpu.memory_space<hbm>>) target(%arg7 : memref<10x128xi32, #tpu.memory_space<vmem>>) target_semaphore(%run_scoped3A_280 : memref<!tpu.dma_semaphore, #tpu.memory_space<semaphore_mem>>)
        %dma_wait3A_289 = arith.constant 0 : i32
        %dma_wait3A_290 = arith.constant 0 : i32
        %dma_wait3A_291 = tpu.memref_slice %arg3[%add3A_19, %dma_wait3A_289, %dma_wait3A_290] : memref<256x10x128xi32, #tpu.memory_space<hbm>> -> memref<1x10x128xi32, #tpu.memory_space<hbm>>
        %dma_wait3A_292 = tpu.memref_squeeze %dma_wait3A_291 : memref<1x10x128xi32, #tpu.memory_space<hbm>> -> memref<10x128xi32, #tpu.memory_space<hbm>>
        %dma_wait3A_293 = arith.constant 0 : i32
        %dma_wait3A_294 = arith.constant 0 : i32
        %dma_wait3A_295 = tpu.memref_slice %arg3[%add3A_19, %dma_wait3A_293, %dma_wait3A_294] : memref<256x10x128xi32, #tpu.memory_space<hbm>> -> memref<1x10x128xi32, #tpu.memory_space<hbm>>
        %dma_wait3A_296 = tpu.memref_squeeze %dma_wait3A_295 : memref<1x10x128xi32, #tpu.memory_space<hbm>> -> memref<10x128xi32, #tpu.memory_space<hbm>>
        tpu.wait_dma2 semaphore(%run_scoped3A_280 : memref<!tpu.dma_semaphore, #tpu.memory_space<semaphore_mem>>) src(%dma_wait3A_296 : memref<10x128xi32, #tpu.memory_space<hbm>>) dst(%arg7 : memref<10x128xi32, #tpu.memory_space<vmem>>)
        tpu.yield
      }) : () -> ()
      %mul3A_20 = arith.constant 8 : i32
      %mul3A_21 = arith.muli %add3A, %mul3A_20 : i32
      %add3A_22 = arith.addi %mul3A_21, %scan3A_16 : i32
      "tpu.region"() ({
        %run_scoped3A_280 = tpu.sem_alloc : memref<!tpu.dma_semaphore, #tpu.memory_space<semaphore_mem>>
        %dma_start3A_281 = arith.constant 0 : i32
        %dma_start3A_282 = arith.constant 0 : i32
        %dma_start3A_283 = tpu.memref_slice %arg4[%add3A_22, %dma_start3A_281, %dma_start3A_282] : memref<256x10x128xi32, #tpu.memory_space<hbm>> -> memref<1x10x128xi32, #tpu.memory_space<hbm>>
        %dma_start3A_284 = tpu.memref_squeeze %dma_start3A_283 : memref<1x10x128xi32, #tpu.memory_space<hbm>> -> memref<10x128xi32, #tpu.memory_space<hbm>>
        %dma_start3A_285 = arith.constant 0 : i32
        %dma_start3A_286 = arith.constant 0 : i32
        %dma_start3A_287 = tpu.memref_slice %arg4[%add3A_22, %dma_start3A_285, %dma_start3A_286] : memref<256x10x128xi32, #tpu.memory_space<hbm>> -> memref<1x10x128xi32, #tpu.memory_space<hbm>>
        %dma_start3A_288 = tpu.memref_squeeze %dma_start3A_287 : memref<1x10x128xi32, #tpu.memory_space<hbm>> -> memref<10x128xi32, #tpu.memory_space<hbm>>
        tpu.enqueue_dma source(%dma_start3A_288 : memref<10x128xi32, #tpu.memory_space<hbm>>) target(%arg8 : memref<10x128xi32, #tpu.memory_space<vmem>>) target_semaphore(%run_scoped3A_280 : memref<!tpu.dma_semaphore, #tpu.memory_space<semaphore_mem>>)
        %dma_wait3A_289 = arith.constant 0 : i32
        %dma_wait3A_290 = arith.constant 0 : i32
        %dma_wait3A_291 = tpu.memref_slice %arg4[%add3A_22, %dma_wait3A_289, %dma_wait3A_290] : memref<256x10x128xi32, #tpu.memory_space<hbm>> -> memref<1x10x128xi32, #tpu.memory_space<hbm>>
        %dma_wait3A_292 = tpu.memref_squeeze %dma_wait3A_291 : memref<1x10x128xi32, #tpu.memory_space<hbm>> -> memref<10x128xi32, #tpu.memory_space<hbm>>
        %dma_wait3A_293 = arith.constant 0 : i32
        %dma_wait3A_294 = arith.constant 0 : i32
        %dma_wait3A_295 = tpu.memref_slice %arg4[%add3A_22, %dma_wait3A_293, %dma_wait3A_294] : memref<256x10x128xi32, #tpu.memory_space<hbm>> -> memref<1x10x128xi32, #tpu.memory_space<hbm>>
        %dma_wait3A_296 = tpu.memref_squeeze %dma_wait3A_295 : memref<1x10x128xi32, #tpu.memory_space<hbm>> -> memref<10x128xi32, #tpu.memory_space<hbm>>
        tpu.wait_dma2 semaphore(%run_scoped3A_280 : memref<!tpu.dma_semaphore, #tpu.memory_space<semaphore_mem>>) src(%dma_wait3A_296 : memref<10x128xi32, #tpu.memory_space<hbm>>) dst(%arg8 : memref<10x128xi32, #tpu.memory_space<vmem>>)
        tpu.yield
      }) : () -> ()
      %dma_start3A = arith.constant 0 : i32
      %dma_start3A_23 = arith.constant 0 : i32
      %dma_start3A_24 = arith.constant 0 : i32
      %dma_start3A_25 = arith.constant 0 : i32
      %dma_start3A_26 = tpu.memref_slice %arg9[%dma_start3A_23, %dma_start3A_24, %dma_start3A_25] : memref<2x128x128xf32, #tpu.memory_space<vmem>> -> memref<1x128x128xf32, #tpu.memory_space<vmem>>
      %dma_start3A_27 = tpu.memref_squeeze %dma_start3A_26 : memref<1x128x128xf32, #tpu.memory_space<vmem>> -> memref<128x128xf32, #tpu.memory_space<vmem>>
      %dma_start3A_28 = arith.constant 0 : i32
      %dma_start3A_29 = tpu.memref_slice %arg7[%dma_start3A, %dma_start3A_28] : memref<10x128xi32, #tpu.memory_space<vmem>> -> memref<1x128xi32, #tpu.memory_space<vmem>>
      %dma_start3A_30 = tpu.memref_squeeze %dma_start3A_29 : memref<1x128xi32, #tpu.memory_space<vmem>> -> memref<128xi32, #tpu.memory_space<vmem>>
      %dma_start3A_31 = arith.constant 0 : i32
      %dma_start3A_32 = arith.constant 0 : i32
      %dma_start3A_33 = tpu.memref_slice %arg2[%dma_start3A_31, %dma_start3A_32] : memref<10000x128xf32, #tpu.memory_space<hbm>> -> memref<10000x128xf32, #tpu.memory_space<hbm>>
      tpu.enqueue_indirect_dma source(%dma_start3A_33 : memref<10000x128xf32, #tpu.memory_space<hbm>>) target(%dma_start3A_27 : memref<128x128xf32, #tpu.memory_space<vmem>>) offsets(%dma_start3A_30 : memref<128xi32, #tpu.memory_space<vmem>>) semaphore(%arg10 : memref<!tpu.dma_semaphore, #tpu.memory_space<semaphore_mem>>)
      %dma_wait3A = arith.constant 0 : i32
      %dma_wait3A_34 = arith.constant 0 : i32
      %dma_wait3A_35 = arith.constant 0 : i32
      %dma_wait3A_36 = arith.constant 0 : i32
      %dma_wait3A_37 = tpu.memref_slice %arg9[%dma_wait3A_34, %dma_wait3A_35, %dma_wait3A_36] : memref<2x128x128xf32, #tpu.memory_space<vmem>> -> memref<1x128x128xf32, #tpu.memory_space<vmem>>
      %dma_wait3A_38 = tpu.memref_squeeze %dma_wait3A_37 : memref<1x128x128xf32, #tpu.memory_space<vmem>> -> memref<128x128xf32, #tpu.memory_space<vmem>>
      %dma_wait3A_39 = arith.constant 0 : i32
      %dma_wait3A_40 = tpu.memref_slice %arg7[%dma_wait3A, %dma_wait3A_39] : memref<10x128xi32, #tpu.memory_space<vmem>> -> memref<1x128xi32, #tpu.memory_space<vmem>>
      %dma_wait3A_41 = tpu.memref_squeeze %dma_wait3A_40 : memref<1x128xi32, #tpu.memory_space<vmem>> -> memref<128xi32, #tpu.memory_space<vmem>>
      %dma_wait3A_42 = arith.constant 0 : i32
      %dma_wait3A_43 = arith.constant 0 : i32
      %dma_wait3A_44 = tpu.memref_slice %arg2[%dma_wait3A_42, %dma_wait3A_43] : memref<10000x128xf32, #tpu.memory_space<hbm>> -> memref<10000x128xf32, #tpu.memory_space<hbm>>
      tpu.wait_indirect_dma semaphore(%arg10 : memref<!tpu.dma_semaphore, #tpu.memory_space<semaphore_mem>>) src(%dma_wait3A_44 : memref<10000x128xf32, #tpu.memory_space<hbm>>) dst(%dma_wait3A_38 : memref<128x128xf32, #tpu.memory_space<vmem>>)
      %dma_start3A_45 = arith.constant 1 : i32
      %dma_start3A_46 = arith.constant 1 : i32
      %dma_start3A_47 = arith.constant 0 : i32
      %dma_start3A_48 = arith.constant 0 : i32
      %dma_start3A_49 = tpu.memref_slice %arg9[%dma_start3A_46, %dma_start3A_47, %dma_start3A_48] : memref<2x128x128xf32, #tpu.memory_space<vmem>> -> memref<1x128x128xf32, #tpu.memory_space<vmem>>
      %dma_start3A_50 = tpu.memref_squeeze %dma_start3A_49 : memref<1x128x128xf32, #tpu.memory_space<vmem>> -> memref<128x128xf32, #tpu.memory_space<vmem>>
      %dma_start3A_51 = arith.constant 0 : i32
      %dma_start3A_52 = tpu.memref_slice %arg7[%dma_start3A_45, %dma_start3A_51] : memref<10x128xi32, #tpu.memory_space<vmem>> -> memref<1x128xi32, #tpu.memory_space<vmem>>
      %dma_start3A_53 = tpu.memref_squeeze %dma_start3A_52 : memref<1x128xi32, #tpu.memory_space<vmem>> -> memref<128xi32, #tpu.memory_space<vmem>>
      %dma_start3A_54 = arith.constant 0 : i32
      %dma_start3A_55 = arith.constant 0 : i32
      %dma_start3A_56 = tpu.memref_slice %arg2[%dma_start3A_54, %dma_start3A_55] : memref<10000x128xf32, #tpu.memory_space<hbm>> -> memref<10000x128xf32, #tpu.memory_space<hbm>>
      tpu.enqueue_indirect_dma source(%dma_start3A_56 : memref<10000x128xf32, #tpu.memory_space<hbm>>) target(%dma_start3A_50 : memref<128x128xf32, #tpu.memory_space<vmem>>) offsets(%dma_start3A_53 : memref<128xi32, #tpu.memory_space<vmem>>) semaphore(%arg11 : memref<!tpu.dma_semaphore, #tpu.memory_space<semaphore_mem>>)
      %run_scoped3A = arith.constant 0 : i32
      %run_scoped3A_57 = arith.constant 0 : i32
      "tpu.region"() ({
        %run_scoped3A_280 = tpu.sem_alloc : memref<!tpu.dma_semaphore, #tpu.memory_space<semaphore_mem>>
        %dma_start3A_281 = arith.constant 0 : i32
        %dma_start3A_282 = arith.constant 0 : i32
        %dma_start3A_283 = tpu.memref_slice %arg9[%run_scoped3A, %dma_start3A_281, %dma_start3A_282] : memref<2x128x128xf32, #tpu.memory_space<vmem>> -> memref<1x128x128xf32, #tpu.memory_space<vmem>>
        %dma_start3A_284 = tpu.memref_squeeze %dma_start3A_283 : memref<1x128x128xf32, #tpu.memory_space<vmem>> -> memref<128x128xf32, #tpu.memory_space<vmem>>
        %dma_start3A_285 = arith.constant 0 : i32
        %dma_start3A_286 = tpu.memref_slice %arg8[%run_scoped3A_57, %dma_start3A_285] : memref<10x128xi32, #tpu.memory_space<vmem>> -> memref<1x128xi32, #tpu.memory_space<vmem>>
        %dma_start3A_287 = tpu.memref_squeeze %dma_start3A_286 : memref<1x128xi32, #tpu.memory_space<vmem>> -> memref<128xi32, #tpu.memory_space<vmem>>
        %dma_start3A_288 = arith.constant 0 : i32
        %dma_start3A_289 = arith.constant 0 : i32
        %dma_start3A_290 = tpu.memref_slice %arg12[%dma_start3A_288, %dma_start3A_289] : memref<10016x128xf32, #tpu.memory_space<vmem_shared>> -> memref<10016x128xf32, #tpu.memory_space<vmem_shared>>
        tpu.enqueue_indirect_dma source(%dma_start3A_284 : memref<128x128xf32, #tpu.memory_space<vmem>>) target(%dma_start3A_290 : memref<10016x128xf32, #tpu.memory_space<vmem_shared>>) offsets(%dma_start3A_287 : memref<128xi32, #tpu.memory_space<vmem>>) semaphore(%run_scoped3A_280 : memref<!tpu.dma_semaphore, #tpu.memory_space<semaphore_mem>>) {add = true}
        %dma_wait3A_291 = arith.constant 0 : i32
        %dma_wait3A_292 = arith.constant 0 : i32
        %dma_wait3A_293 = tpu.memref_slice %arg9[%run_scoped3A, %dma_wait3A_291, %dma_wait3A_292] : memref<2x128x128xf32, #tpu.memory_space<vmem>> -> memref<1x128x128xf32, #tpu.memory_space<vmem>>
        %dma_wait3A_294 = tpu.memref_squeeze %dma_wait3A_293 : memref<1x128x128xf32, #tpu.memory_space<vmem>> -> memref<128x128xf32, #tpu.memory_space<vmem>>
        %dma_wait3A_295 = arith.constant 0 : i32
        %dma_wait3A_296 = tpu.memref_slice %arg8[%run_scoped3A_57, %dma_wait3A_295] : memref<10x128xi32, #tpu.memory_space<vmem>> -> memref<1x128xi32, #tpu.memory_space<vmem>>
        %dma_wait3A_297 = tpu.memref_squeeze %dma_wait3A_296 : memref<1x128xi32, #tpu.memory_space<vmem>> -> memref<128xi32, #tpu.memory_space<vmem>>
        %dma_wait3A_298 = arith.constant 0 : i32
        %dma_wait3A_299 = arith.constant 0 : i32
        %dma_wait3A_300 = tpu.memref_slice %arg12[%dma_wait3A_298, %dma_wait3A_299] : memref<10016x128xf32, #tpu.memory_space<vmem_shared>> -> memref<10016x128xf32, #tpu.memory_space<vmem_shared>>
        tpu.wait_indirect_dma semaphore(%run_scoped3A_280 : memref<!tpu.dma_semaphore, #tpu.memory_space<semaphore_mem>>) src(%dma_wait3A_294 : memref<128x128xf32, #tpu.memory_space<vmem>>) dst(%dma_wait3A_300 : memref<10016x128xf32, #tpu.memory_space<vmem_shared>>)
        tpu.yield
      }) : () -> ()
      %dma_wait3A_58 = arith.constant 1 : i32
      %dma_wait3A_59 = arith.constant 1 : i32
      %dma_wait3A_60 = arith.constant 0 : i32
      %dma_wait3A_61 = arith.constant 0 : i32
      %dma_wait3A_62 = tpu.memref_slice %arg9[%dma_wait3A_59, %dma_wait3A_60, %dma_wait3A_61] : memref<2x128x128xf32, #tpu.memory_space<vmem>> -> memref<1x128x128xf32, #tpu.memory_space<vmem>>
      %dma_wait3A_63 = tpu.memref_squeeze %dma_wait3A_62 : memref<1x128x128xf32, #tpu.memory_space<vmem>> -> memref<128x128xf32, #tpu.memory_space<vmem>>
      %dma_wait3A_64 = arith.constant 0 : i32
      %dma_wait3A_65 = tpu.memref_slice %arg7[%dma_wait3A_58, %dma_wait3A_64] : memref<10x128xi32, #tpu.memory_space<vmem>> -> memref<1x128xi32, #tpu.memory_space<vmem>>
      %dma_wait3A_66 = tpu.memref_squeeze %dma_wait3A_65 : memref<1x128xi32, #tpu.memory_space<vmem>> -> memref<128xi32, #tpu.memory_space<vmem>>
      %dma_wait3A_67 = arith.constant 0 : i32
      %dma_wait3A_68 = arith.constant 0 : i32
      %dma_wait3A_69 = tpu.memref_slice %arg2[%dma_wait3A_67, %dma_wait3A_68] : memref<10000x128xf32, #tpu.memory_space<hbm>> -> memref<10000x128xf32, #tpu.memory_space<hbm>>
      tpu.wait_indirect_dma semaphore(%arg11 : memref<!tpu.dma_semaphore, #tpu.memory_space<semaphore_mem>>) src(%dma_wait3A_69 : memref<10000x128xf32, #tpu.memory_space<hbm>>) dst(%dma_wait3A_63 : memref<128x128xf32, #tpu.memory_space<vmem>>)
      %dma_start3A_70 = arith.constant 2 : i32
      %dma_start3A_71 = arith.constant 0 : i32
      %dma_start3A_72 = arith.constant 0 : i32
      %dma_start3A_73 = arith.constant 0 : i32
      %dma_start3A_74 = tpu.memref_slice %arg9[%dma_start3A_71, %dma_start3A_72, %dma_start3A_73] : memref<2x128x128xf32, #tpu.memory_space<vmem>> -> memref<1x128x128xf32, #tpu.memory_space<vmem>>
      %dma_start3A_75 = tpu.memref_squeeze %dma_start3A_74 : memref<1x128x128xf32, #tpu.memory_space<vmem>> -> memref<128x128xf32, #tpu.memory_space<vmem>>
      %dma_start3A_76 = arith.constant 0 : i32
      %dma_start3A_77 = tpu.memref_slice %arg7[%dma_start3A_70, %dma_start3A_76] : memref<10x128xi32, #tpu.memory_space<vmem>> -> memref<1x128xi32, #tpu.memory_space<vmem>>
      %dma_start3A_78 = tpu.memref_squeeze %dma_start3A_77 : memref<1x128xi32, #tpu.memory_space<vmem>> -> memref<128xi32, #tpu.memory_space<vmem>>
      %dma_start3A_79 = arith.constant 0 : i32
      %dma_start3A_80 = arith.constant 0 : i32
      %dma_start3A_81 = tpu.memref_slice %arg2[%dma_start3A_79, %dma_start3A_80] : memref<10000x128xf32, #tpu.memory_space<hbm>> -> memref<10000x128xf32, #tpu.memory_space<hbm>>
      tpu.enqueue_indirect_dma source(%dma_start3A_81 : memref<10000x128xf32, #tpu.memory_space<hbm>>) target(%dma_start3A_75 : memref<128x128xf32, #tpu.memory_space<vmem>>) offsets(%dma_start3A_78 : memref<128xi32, #tpu.memory_space<vmem>>) semaphore(%arg10 : memref<!tpu.dma_semaphore, #tpu.memory_space<semaphore_mem>>)
      %run_scoped3A_82 = arith.constant 1 : i32
      %run_scoped3A_83 = arith.constant 1 : i32
      "tpu.region"() ({
        %run_scoped3A_280 = tpu.sem_alloc : memref<!tpu.dma_semaphore, #tpu.memory_space<semaphore_mem>>
        %dma_start3A_281 = arith.constant 0 : i32
        %dma_start3A_282 = arith.constant 0 : i32
        %dma_start3A_283 = tpu.memref_slice %arg9[%run_scoped3A_82, %dma_start3A_281, %dma_start3A_282] : memref<2x128x128xf32, #tpu.memory_space<vmem>> -> memref<1x128x128xf32, #tpu.memory_space<vmem>>
        %dma_start3A_284 = tpu.memref_squeeze %dma_start3A_283 : memref<1x128x128xf32, #tpu.memory_space<vmem>> -> memref<128x128xf32, #tpu.memory_space<vmem>>
        %dma_start3A_285 = arith.constant 0 : i32
        %dma_start3A_286 = tpu.memref_slice %arg8[%run_scoped3A_83, %dma_start3A_285] : memref<10x128xi32, #tpu.memory_space<vmem>> -> memref<1x128xi32, #tpu.memory_space<vmem>>
        %dma_start3A_287 = tpu.memref_squeeze %dma_start3A_286 : memref<1x128xi32, #tpu.memory_space<vmem>> -> memref<128xi32, #tpu.memory_space<vmem>>
        %dma_start3A_288 = arith.constant 0 : i32
        %dma_start3A_289 = arith.constant 0 : i32
        %dma_start3A_290 = tpu.memref_slice %arg12[%dma_start3A_288, %dma_start3A_289] : memref<10016x128xf32, #tpu.memory_space<vmem_shared>> -> memref<10016x128xf32, #tpu.memory_space<vmem_shared>>
        tpu.enqueue_indirect_dma source(%dma_start3A_284 : memref<128x128xf32, #tpu.memory_space<vmem>>) target(%dma_start3A_290 : memref<10016x128xf32, #tpu.memory_space<vmem_shared>>) offsets(%dma_start3A_287 : memref<128xi32, #tpu.memory_space<vmem>>) semaphore(%run_scoped3A_280 : memref<!tpu.dma_semaphore, #tpu.memory_space<semaphore_mem>>) {add = true}
        %dma_wait3A_291 = arith.constant 0 : i32
        %dma_wait3A_292 = arith.constant 0 : i32
        %dma_wait3A_293 = tpu.memref_slice %arg9[%run_scoped3A_82, %dma_wait3A_291, %dma_wait3A_292] : memref<2x128x128xf32, #tpu.memory_space<vmem>> -> memref<1x128x128xf32, #tpu.memory_space<vmem>>
        %dma_wait3A_294 = tpu.memref_squeeze %dma_wait3A_293 : memref<1x128x128xf32, #tpu.memory_space<vmem>> -> memref<128x128xf32, #tpu.memory_space<vmem>>
        %dma_wait3A_295 = arith.constant 0 : i32
        %dma_wait3A_296 = tpu.memref_slice %arg8[%run_scoped3A_83, %dma_wait3A_295] : memref<10x128xi32, #tpu.memory_space<vmem>> -> memref<1x128xi32, #tpu.memory_space<vmem>>
        %dma_wait3A_297 = tpu.memref_squeeze %dma_wait3A_296 : memref<1x128xi32, #tpu.memory_space<vmem>> -> memref<128xi32, #tpu.memory_space<vmem>>
        %dma_wait3A_298 = arith.constant 0 : i32
        %dma_wait3A_299 = arith.constant 0 : i32
        %dma_wait3A_300 = tpu.memref_slice %arg12[%dma_wait3A_298, %dma_wait3A_299] : memref<10016x128xf32, #tpu.memory_space<vmem_shared>> -> memref<10016x128xf32, #tpu.memory_space<vmem_shared>>
        tpu.wait_indirect_dma semaphore(%run_scoped3A_280 : memref<!tpu.dma_semaphore, #tpu.memory_space<semaphore_mem>>) src(%dma_wait3A_294 : memref<128x128xf32, #tpu.memory_space<vmem>>) dst(%dma_wait3A_300 : memref<10016x128xf32, #tpu.memory_space<vmem_shared>>)
        tpu.yield
      }) : () -> ()
      %dma_wait3A_84 = arith.constant 2 : i32
      %dma_wait3A_85 = arith.constant 0 : i32
      %dma_wait3A_86 = arith.constant 0 : i32
      %dma_wait3A_87 = arith.constant 0 : i32
      %dma_wait3A_88 = tpu.memref_slice %arg9[%dma_wait3A_85, %dma_wait3A_86, %dma_wait3A_87] : memref<2x128x128xf32, #tpu.memory_space<vmem>> -> memref<1x128x128xf32, #tpu.memory_space<vmem>>
      %dma_wait3A_89 = tpu.memref_squeeze %dma_wait3A_88 : memref<1x128x128xf32, #tpu.memory_space<vmem>> -> memref<128x128xf32, #tpu.memory_space<vmem>>
      %dma_wait3A_90 = arith.constant 0 : i32
      %dma_wait3A_91 = tpu.memref_slice %arg7[%dma_wait3A_84, %dma_wait3A_90] : memref<10x128xi32, #tpu.memory_space<vmem>> -> memref<1x128xi32, #tpu.memory_space<vmem>>
      %dma_wait3A_92 = tpu.memref_squeeze %dma_wait3A_91 : memref<1x128xi32, #tpu.memory_space<vmem>> -> memref<128xi32, #tpu.memory_space<vmem>>
      %dma_wait3A_93 = arith.constant 0 : i32
      %dma_wait3A_94 = arith.constant 0 : i32
      %dma_wait3A_95 = tpu.memref_slice %arg2[%dma_wait3A_93, %dma_wait3A_94] : memref<10000x128xf32, #tpu.memory_space<hbm>> -> memref<10000x128xf32, #tpu.memory_space<hbm>>
      tpu.wait_indirect_dma semaphore(%arg10 : memref<!tpu.dma_semaphore, #tpu.memory_space<semaphore_mem>>) src(%dma_wait3A_95 : memref<10000x128xf32, #tpu.memory_space<hbm>>) dst(%dma_wait3A_89 : memref<128x128xf32, #tpu.memory_space<vmem>>)
      %dma_start3A_96 = arith.constant 3 : i32
      %dma_start3A_97 = arith.constant 1 : i32
      %dma_start3A_98 = arith.constant 0 : i32
      %dma_start3A_99 = arith.constant 0 : i32
      %dma_start3A_100 = tpu.memref_slice %arg9[%dma_start3A_97, %dma_start3A_98, %dma_start3A_99] : memref<2x128x128xf32, #tpu.memory_space<vmem>> -> memref<1x128x128xf32, #tpu.memory_space<vmem>>
      %dma_start3A_101 = tpu.memref_squeeze %dma_start3A_100 : memref<1x128x128xf32, #tpu.memory_space<vmem>> -> memref<128x128xf32, #tpu.memory_space<vmem>>
      %dma_start3A_102 = arith.constant 0 : i32
      %dma_start3A_103 = tpu.memref_slice %arg7[%dma_start3A_96, %dma_start3A_102] : memref<10x128xi32, #tpu.memory_space<vmem>> -> memref<1x128xi32, #tpu.memory_space<vmem>>
      %dma_start3A_104 = tpu.memref_squeeze %dma_start3A_103 : memref<1x128xi32, #tpu.memory_space<vmem>> -> memref<128xi32, #tpu.memory_space<vmem>>
      %dma_start3A_105 = arith.constant 0 : i32
      %dma_start3A_106 = arith.constant 0 : i32
      %dma_start3A_107 = tpu.memref_slice %arg2[%dma_start3A_105, %dma_start3A_106] : memref<10000x128xf32, #tpu.memory_space<hbm>> -> memref<10000x128xf32, #tpu.memory_space<hbm>>
      tpu.enqueue_indirect_dma source(%dma_start3A_107 : memref<10000x128xf32, #tpu.memory_space<hbm>>) target(%dma_start3A_101 : memref<128x128xf32, #tpu.memory_space<vmem>>) offsets(%dma_start3A_104 : memref<128xi32, #tpu.memory_space<vmem>>) semaphore(%arg11 : memref<!tpu.dma_semaphore, #tpu.memory_space<semaphore_mem>>)
      %run_scoped3A_108 = arith.constant 0 : i32
      %run_scoped3A_109 = arith.constant 2 : i32
      "tpu.region"() ({
        %run_scoped3A_280 = tpu.sem_alloc : memref<!tpu.dma_semaphore, #tpu.memory_space<semaphore_mem>>
        %dma_start3A_281 = arith.constant 0 : i32
        %dma_start3A_282 = arith.constant 0 : i32
        %dma_start3A_283 = tpu.memref_slice %arg9[%run_scoped3A_108, %dma_start3A_281, %dma_start3A_282] : memref<2x128x128xf32, #tpu.memory_space<vmem>> -> memref<1x128x128xf32, #tpu.memory_space<vmem>>
        %dma_start3A_284 = tpu.memref_squeeze %dma_start3A_283 : memref<1x128x128xf32, #tpu.memory_space<vmem>> -> memref<128x128xf32, #tpu.memory_space<vmem>>
        %dma_start3A_285 = arith.constant 0 : i32
        %dma_start3A_286 = tpu.memref_slice %arg8[%run_scoped3A_109, %dma_start3A_285] : memref<10x128xi32, #tpu.memory_space<vmem>> -> memref<1x128xi32, #tpu.memory_space<vmem>>
        %dma_start3A_287 = tpu.memref_squeeze %dma_start3A_286 : memref<1x128xi32, #tpu.memory_space<vmem>> -> memref<128xi32, #tpu.memory_space<vmem>>
        %dma_start3A_288 = arith.constant 0 : i32
        %dma_start3A_289 = arith.constant 0 : i32
        %dma_start3A_290 = tpu.memref_slice %arg12[%dma_start3A_288, %dma_start3A_289] : memref<10016x128xf32, #tpu.memory_space<vmem_shared>> -> memref<10016x128xf32, #tpu.memory_space<vmem_shared>>
        tpu.enqueue_indirect_dma source(%dma_start3A_284 : memref<128x128xf32, #tpu.memory_space<vmem>>) target(%dma_start3A_290 : memref<10016x128xf32, #tpu.memory_space<vmem_shared>>) offsets(%dma_start3A_287 : memref<128xi32, #tpu.memory_space<vmem>>) semaphore(%run_scoped3A_280 : memref<!tpu.dma_semaphore, #tpu.memory_space<semaphore_mem>>) {add = true}
        %dma_wait3A_291 = arith.constant 0 : i32
        %dma_wait3A_292 = arith.constant 0 : i32
        %dma_wait3A_293 = tpu.memref_slice %arg9[%run_scoped3A_108, %dma_wait3A_291, %dma_wait3A_292] : memref<2x128x128xf32, #tpu.memory_space<vmem>> -> memref<1x128x128xf32, #tpu.memory_space<vmem>>
        %dma_wait3A_294 = tpu.memref_squeeze %dma_wait3A_293 : memref<1x128x128xf32, #tpu.memory_space<vmem>> -> memref<128x128xf32, #tpu.memory_space<vmem>>
        %dma_wait3A_295 = arith.constant 0 : i32
        %dma_wait3A_296 = tpu.memref_slice %arg8[%run_scoped3A_109, %dma_wait3A_295] : memref<10x128xi32, #tpu.memory_space<vmem>> -> memref<1x128xi32, #tpu.memory_space<vmem>>
        %dma_wait3A_297 = tpu.memref_squeeze %dma_wait3A_296 : memref<1x128xi32, #tpu.memory_space<vmem>> -> memref<128xi32, #tpu.memory_space<vmem>>
        %dma_wait3A_298 = arith.constant 0 : i32
        %dma_wait3A_299 = arith.constant 0 : i32
        %dma_wait3A_300 = tpu.memref_slice %arg12[%dma_wait3A_298, %dma_wait3A_299] : memref<10016x128xf32, #tpu.memory_space<vmem_shared>> -> memref<10016x128xf32, #tpu.memory_space<vmem_shared>>
        tpu.wait_indirect_dma semaphore(%run_scoped3A_280 : memref<!tpu.dma_semaphore, #tpu.memory_space<semaphore_mem>>) src(%dma_wait3A_294 : memref<128x128xf32, #tpu.memory_space<vmem>>) dst(%dma_wait3A_300 : memref<10016x128xf32, #tpu.memory_space<vmem_shared>>)
        tpu.yield
      }) : () -> ()
      %dma_wait3A_110 = arith.constant 3 : i32
      %dma_wait3A_111 = arith.constant 1 : i32
      %dma_wait3A_112 = arith.constant 0 : i32
      %dma_wait3A_113 = arith.constant 0 : i32
      %dma_wait3A_114 = tpu.memref_slice %arg9[%dma_wait3A_111, %dma_wait3A_112, %dma_wait3A_113] : memref<2x128x128xf32, #tpu.memory_space<vmem>> -> memref<1x128x128xf32, #tpu.memory_space<vmem>>
      %dma_wait3A_115 = tpu.memref_squeeze %dma_wait3A_114 : memref<1x128x128xf32, #tpu.memory_space<vmem>> -> memref<128x128xf32, #tpu.memory_space<vmem>>
      %dma_wait3A_116 = arith.constant 0 : i32
      %dma_wait3A_117 = tpu.memref_slice %arg7[%dma_wait3A_110, %dma_wait3A_116] : memref<10x128xi32, #tpu.memory_space<vmem>> -> memref<1x128xi32, #tpu.memory_space<vmem>>
      %dma_wait3A_118 = tpu.memref_squeeze %dma_wait3A_117 : memref<1x128xi32, #tpu.memory_space<vmem>> -> memref<128xi32, #tpu.memory_space<vmem>>
      %dma_wait3A_119 = arith.constant 0 : i32
      %dma_wait3A_120 = arith.constant 0 : i32
      %dma_wait3A_121 = tpu.memref_slice %arg2[%dma_wait3A_119, %dma_wait3A_120] : memref<10000x128xf32, #tpu.memory_space<hbm>> -> memref<10000x128xf32, #tpu.memory_space<hbm>>
      tpu.wait_indirect_dma semaphore(%arg11 : memref<!tpu.dma_semaphore, #tpu.memory_space<semaphore_mem>>) src(%dma_wait3A_121 : memref<10000x128xf32, #tpu.memory_space<hbm>>) dst(%dma_wait3A_115 : memref<128x128xf32, #tpu.memory_space<vmem>>)
      %dma_start3A_122 = arith.constant 4 : i32
      %dma_start3A_123 = arith.constant 0 : i32
      %dma_start3A_124 = arith.constant 0 : i32
      %dma_start3A_125 = arith.constant 0 : i32
      %dma_start3A_126 = tpu.memref_slice %arg9[%dma_start3A_123, %dma_start3A_124, %dma_start3A_125] : memref<2x128x128xf32, #tpu.memory_space<vmem>> -> memref<1x128x128xf32, #tpu.memory_space<vmem>>
      %dma_start3A_127 = tpu.memref_squeeze %dma_start3A_126 : memref<1x128x128xf32, #tpu.memory_space<vmem>> -> memref<128x128xf32, #tpu.memory_space<vmem>>
      %dma_start3A_128 = arith.constant 0 : i32
      %dma_start3A_129 = tpu.memref_slice %arg7[%dma_start3A_122, %dma_start3A_128] : memref<10x128xi32, #tpu.memory_space<vmem>> -> memref<1x128xi32, #tpu.memory_space<vmem>>
      %dma_start3A_130 = tpu.memref_squeeze %dma_start3A_129 : memref<1x128xi32, #tpu.memory_space<vmem>> -> memref<128xi32, #tpu.memory_space<vmem>>
      %dma_start3A_131 = arith.constant 0 : i32
      %dma_start3A_132 = arith.constant 0 : i32
      %dma_start3A_133 = tpu.memref_slice %arg2[%dma_start3A_131, %dma_start3A_132] : memref<10000x128xf32, #tpu.memory_space<hbm>> -> memref<10000x128xf32, #tpu.memory_space<hbm>>
      tpu.enqueue_indirect_dma source(%dma_start3A_133 : memref<10000x128xf32, #tpu.memory_space<hbm>>) target(%dma_start3A_127 : memref<128x128xf32, #tpu.memory_space<vmem>>) offsets(%dma_start3A_130 : memref<128xi32, #tpu.memory_space<vmem>>) semaphore(%arg10 : memref<!tpu.dma_semaphore, #tpu.memory_space<semaphore_mem>>)
      %run_scoped3A_134 = arith.constant 1 : i32
      %run_scoped3A_135 = arith.constant 3 : i32
      "tpu.region"() ({
        %run_scoped3A_280 = tpu.sem_alloc : memref<!tpu.dma_semaphore, #tpu.memory_space<semaphore_mem>>
        %dma_start3A_281 = arith.constant 0 : i32
        %dma_start3A_282 = arith.constant 0 : i32
        %dma_start3A_283 = tpu.memref_slice %arg9[%run_scoped3A_134, %dma_start3A_281, %dma_start3A_282] : memref<2x128x128xf32, #tpu.memory_space<vmem>> -> memref<1x128x128xf32, #tpu.memory_space<vmem>>
        %dma_start3A_284 = tpu.memref_squeeze %dma_start3A_283 : memref<1x128x128xf32, #tpu.memory_space<vmem>> -> memref<128x128xf32, #tpu.memory_space<vmem>>
        %dma_start3A_285 = arith.constant 0 : i32
        %dma_start3A_286 = tpu.memref_slice %arg8[%run_scoped3A_135, %dma_start3A_285] : memref<10x128xi32, #tpu.memory_space<vmem>> -> memref<1x128xi32, #tpu.memory_space<vmem>>
        %dma_start3A_287 = tpu.memref_squeeze %dma_start3A_286 : memref<1x128xi32, #tpu.memory_space<vmem>> -> memref<128xi32, #tpu.memory_space<vmem>>
        %dma_start3A_288 = arith.constant 0 : i32
        %dma_start3A_289 = arith.constant 0 : i32
        %dma_start3A_290 = tpu.memref_slice %arg12[%dma_start3A_288, %dma_start3A_289] : memref<10016x128xf32, #tpu.memory_space<vmem_shared>> -> memref<10016x128xf32, #tpu.memory_space<vmem_shared>>
        tpu.enqueue_indirect_dma source(%dma_start3A_284 : memref<128x128xf32, #tpu.memory_space<vmem>>) target(%dma_start3A_290 : memref<10016x128xf32, #tpu.memory_space<vmem_shared>>) offsets(%dma_start3A_287 : memref<128xi32, #tpu.memory_space<vmem>>) semaphore(%run_scoped3A_280 : memref<!tpu.dma_semaphore, #tpu.memory_space<semaphore_mem>>) {add = true}
        %dma_wait3A_291 = arith.constant 0 : i32
        %dma_wait3A_292 = arith.constant 0 : i32
        %dma_wait3A_293 = tpu.memref_slice %arg9[%run_scoped3A_134, %dma_wait3A_291, %dma_wait3A_292] : memref<2x128x128xf32, #tpu.memory_space<vmem>> -> memref<1x128x128xf32, #tpu.memory_space<vmem>>
        %dma_wait3A_294 = tpu.memref_squeeze %dma_wait3A_293 : memref<1x128x128xf32, #tpu.memory_space<vmem>> -> memref<128x128xf32, #tpu.memory_space<vmem>>
        %dma_wait3A_295 = arith.constant 0 : i32
        %dma_wait3A_296 = tpu.memref_slice %arg8[%run_scoped3A_135, %dma_wait3A_295] : memref<10x128xi32, #tpu.memory_space<vmem>> -> memref<1x128xi32, #tpu.memory_space<vmem>>
        %dma_wait3A_297 = tpu.memref_squeeze %dma_wait3A_296 : memref<1x128xi32, #tpu.memory_space<vmem>> -> memref<128xi32, #tpu.memory_space<vmem>>
        %dma_wait3A_298 = arith.constant 0 : i32
        %dma_wait3A_299 = arith.constant 0 : i32
        %dma_wait3A_300 = tpu.memref_slice %arg12[%dma_wait3A_298, %dma_wait3A_299] : memref<10016x128xf32, #tpu.memory_space<vmem_shared>> -> memref<10016x128xf32, #tpu.memory_space<vmem_shared>>
        tpu.wait_indirect_dma semaphore(%run_scoped3A_280 : memref<!tpu.dma_semaphore, #tpu.memory_space<semaphore_mem>>) src(%dma_wait3A_294 : memref<128x128xf32, #tpu.memory_space<vmem>>) dst(%dma_wait3A_300 : memref<10016x128xf32, #tpu.memory_space<vmem_shared>>)
        tpu.yield
      }) : () -> ()
      %dma_wait3A_136 = arith.constant 4 : i32
      %dma_wait3A_137 = arith.constant 0 : i32
      %dma_wait3A_138 = arith.constant 0 : i32
      %dma_wait3A_139 = arith.constant 0 : i32
      %dma_wait3A_140 = tpu.memref_slice %arg9[%dma_wait3A_137, %dma_wait3A_138, %dma_wait3A_139] : memref<2x128x128xf32, #tpu.memory_space<vmem>> -> memref<1x128x128xf32, #tpu.memory_space<vmem>>
      %dma_wait3A_141 = tpu.memref_squeeze %dma_wait3A_140 : memref<1x128x128xf32, #tpu.memory_space<vmem>> -> memref<128x128xf32, #tpu.memory_space<vmem>>
      %dma_wait3A_142 = arith.constant 0 : i32
      %dma_wait3A_143 = tpu.memref_slice %arg7[%dma_wait3A_136, %dma_wait3A_142] : memref<10x128xi32, #tpu.memory_space<vmem>> -> memref<1x128xi32, #tpu.memory_space<vmem>>
      %dma_wait3A_144 = tpu.memref_squeeze %dma_wait3A_143 : memref<1x128xi32, #tpu.memory_space<vmem>> -> memref<128xi32, #tpu.memory_space<vmem>>
      %dma_wait3A_145 = arith.constant 0 : i32
      %dma_wait3A_146 = arith.constant 0 : i32
      %dma_wait3A_147 = tpu.memref_slice %arg2[%dma_wait3A_145, %dma_wait3A_146] : memref<10000x128xf32, #tpu.memory_space<hbm>> -> memref<10000x128xf32, #tpu.memory_space<hbm>>
      tpu.wait_indirect_dma semaphore(%arg10 : memref<!tpu.dma_semaphore, #tpu.memory_space<semaphore_mem>>) src(%dma_wait3A_147 : memref<10000x128xf32, #tpu.memory_space<hbm>>) dst(%dma_wait3A_141 : memref<128x128xf32, #tpu.memory_space<vmem>>)
      %dma_start3A_148 = arith.constant 5 : i32
      %dma_start3A_149 = arith.constant 1 : i32
      %dma_start3A_150 = arith.constant 0 : i32
      %dma_start3A_151 = arith.constant 0 : i32
      %dma_start3A_152 = tpu.memref_slice %arg9[%dma_start3A_149, %dma_start3A_150, %dma_start3A_151] : memref<2x128x128xf32, #tpu.memory_space<vmem>> -> memref<1x128x128xf32, #tpu.memory_space<vmem>>
      %dma_start3A_153 = tpu.memref_squeeze %dma_start3A_152 : memref<1x128x128xf32, #tpu.memory_space<vmem>> -> memref<128x128xf32, #tpu.memory_space<vmem>>
      %dma_start3A_154 = arith.constant 0 : i32
      %dma_start3A_155 = tpu.memref_slice %arg7[%dma_start3A_148, %dma_start3A_154] : memref<10x128xi32, #tpu.memory_space<vmem>> -> memref<1x128xi32, #tpu.memory_space<vmem>>
      %dma_start3A_156 = tpu.memref_squeeze %dma_start3A_155 : memref<1x128xi32, #tpu.memory_space<vmem>> -> memref<128xi32, #tpu.memory_space<vmem>>
      %dma_start3A_157 = arith.constant 0 : i32
      %dma_start3A_158 = arith.constant 0 : i32
      %dma_start3A_159 = tpu.memref_slice %arg2[%dma_start3A_157, %dma_start3A_158] : memref<10000x128xf32, #tpu.memory_space<hbm>> -> memref<10000x128xf32, #tpu.memory_space<hbm>>
      tpu.enqueue_indirect_dma source(%dma_start3A_159 : memref<10000x128xf32, #tpu.memory_space<hbm>>) target(%dma_start3A_153 : memref<128x128xf32, #tpu.memory_space<vmem>>) offsets(%dma_start3A_156 : memref<128xi32, #tpu.memory_space<vmem>>) semaphore(%arg11 : memref<!tpu.dma_semaphore, #tpu.memory_space<semaphore_mem>>)
      %run_scoped3A_160 = arith.constant 0 : i32
      %run_scoped3A_161 = arith.constant 4 : i32
      "tpu.region"() ({
        %run_scoped3A_280 = tpu.sem_alloc : memref<!tpu.dma_semaphore, #tpu.memory_space<semaphore_mem>>
        %dma_start3A_281 = arith.constant 0 : i32
        %dma_start3A_282 = arith.constant 0 : i32
        %dma_start3A_283 = tpu.memref_slice %arg9[%run_scoped3A_160, %dma_start3A_281, %dma_start3A_282] : memref<2x128x128xf32, #tpu.memory_space<vmem>> -> memref<1x128x128xf32, #tpu.memory_space<vmem>>
        %dma_start3A_284 = tpu.memref_squeeze %dma_start3A_283 : memref<1x128x128xf32, #tpu.memory_space<vmem>> -> memref<128x128xf32, #tpu.memory_space<vmem>>
        %dma_start3A_285 = arith.constant 0 : i32
        %dma_start3A_286 = tpu.memref_slice %arg8[%run_scoped3A_161, %dma_start3A_285] : memref<10x128xi32, #tpu.memory_space<vmem>> -> memref<1x128xi32, #tpu.memory_space<vmem>>
        %dma_start3A_287 = tpu.memref_squeeze %dma_start3A_286 : memref<1x128xi32, #tpu.memory_space<vmem>> -> memref<128xi32, #tpu.memory_space<vmem>>
        %dma_start3A_288 = arith.constant 0 : i32
        %dma_start3A_289 = arith.constant 0 : i32
        %dma_start3A_290 = tpu.memref_slice %arg12[%dma_start3A_288, %dma_start3A_289] : memref<10016x128xf32, #tpu.memory_space<vmem_shared>> -> memref<10016x128xf32, #tpu.memory_space<vmem_shared>>
        tpu.enqueue_indirect_dma source(%dma_start3A_284 : memref<128x128xf32, #tpu.memory_space<vmem>>) target(%dma_start3A_290 : memref<10016x128xf32, #tpu.memory_space<vmem_shared>>) offsets(%dma_start3A_287 : memref<128xi32, #tpu.memory_space<vmem>>) semaphore(%run_scoped3A_280 : memref<!tpu.dma_semaphore, #tpu.memory_space<semaphore_mem>>) {add = true}
        %dma_wait3A_291 = arith.constant 0 : i32
        %dma_wait3A_292 = arith.constant 0 : i32
        %dma_wait3A_293 = tpu.memref_slice %arg9[%run_scoped3A_160, %dma_wait3A_291, %dma_wait3A_292] : memref<2x128x128xf32, #tpu.memory_space<vmem>> -> memref<1x128x128xf32, #tpu.memory_space<vmem>>
        %dma_wait3A_294 = tpu.memref_squeeze %dma_wait3A_293 : memref<1x128x128xf32, #tpu.memory_space<vmem>> -> memref<128x128xf32, #tpu.memory_space<vmem>>
        %dma_wait3A_295 = arith.constant 0 : i32
        %dma_wait3A_296 = tpu.memref_slice %arg8[%run_scoped3A_161, %dma_wait3A_295] : memref<10x128xi32, #tpu.memory_space<vmem>> -> memref<1x128xi32, #tpu.memory_space<vmem>>
        %dma_wait3A_297 = tpu.memref_squeeze %dma_wait3A_296 : memref<1x128xi32, #tpu.memory_space<vmem>> -> memref<128xi32, #tpu.memory_space<vmem>>
        %dma_wait3A_298 = arith.constant 0 : i32
        %dma_wait3A_299 = arith.constant 0 : i32
        %dma_wait3A_300 = tpu.memref_slice %arg12[%dma_wait3A_298, %dma_wait3A_299] : memref<10016x128xf32, #tpu.memory_space<vmem_shared>> -> memref<10016x128xf32, #tpu.memory_space<vmem_shared>>
        tpu.wait_indirect_dma semaphore(%run_scoped3A_280 : memref<!tpu.dma_semaphore, #tpu.memory_space<semaphore_mem>>) src(%dma_wait3A_294 : memref<128x128xf32, #tpu.memory_space<vmem>>) dst(%dma_wait3A_300 : memref<10016x128xf32, #tpu.memory_space<vmem_shared>>)
        tpu.yield
      }) : () -> ()
      %dma_wait3A_162 = arith.constant 5 : i32
      %dma_wait3A_163 = arith.constant 1 : i32
      %dma_wait3A_164 = arith.constant 0 : i32
      %dma_wait3A_165 = arith.constant 0 : i32
      %dma_wait3A_166 = tpu.memref_slice %arg9[%dma_wait3A_163, %dma_wait3A_164, %dma_wait3A_165] : memref<2x128x128xf32, #tpu.memory_space<vmem>> -> memref<1x128x128xf32, #tpu.memory_space<vmem>>
      %dma_wait3A_167 = tpu.memref_squeeze %dma_wait3A_166 : memref<1x128x128xf32, #tpu.memory_space<vmem>> -> memref<128x128xf32, #tpu.memory_space<vmem>>
      %dma_wait3A_168 = arith.constant 0 : i32
      %dma_wait3A_169 = tpu.memref_slice %arg7[%dma_wait3A_162, %dma_wait3A_168] : memref<10x128xi32, #tpu.memory_space<vmem>> -> memref<1x128xi32, #tpu.memory_space<vmem>>
      %dma_wait3A_170 = tpu.memref_squeeze %dma_wait3A_169 : memref<1x128xi32, #tpu.memory_space<vmem>> -> memref<128xi32, #tpu.memory_space<vmem>>
      %dma_wait3A_171 = arith.constant 0 : i32
      %dma_wait3A_172 = arith.constant 0 : i32
      %dma_wait3A_173 = tpu.memref_slice %arg2[%dma_wait3A_171, %dma_wait3A_172] : memref<10000x128xf32, #tpu.memory_space<hbm>> -> memref<10000x128xf32, #tpu.memory_space<hbm>>
      tpu.wait_indirect_dma semaphore(%arg11 : memref<!tpu.dma_semaphore, #tpu.memory_space<semaphore_mem>>) src(%dma_wait3A_173 : memref<10000x128xf32, #tpu.memory_space<hbm>>) dst(%dma_wait3A_167 : memref<128x128xf32, #tpu.memory_space<vmem>>)
      %dma_start3A_174 = arith.constant 6 : i32
      %dma_start3A_175 = arith.constant 0 : i32
      %dma_start3A_176 = arith.constant 0 : i32
      %dma_start3A_177 = arith.constant 0 : i32
      %dma_start3A_178 = tpu.memref_slice %arg9[%dma_start3A_175, %dma_start3A_176, %dma_start3A_177] : memref<2x128x128xf32, #tpu.memory_space<vmem>> -> memref<1x128x128xf32, #tpu.memory_space<vmem>>
      %dma_start3A_179 = tpu.memref_squeeze %dma_start3A_178 : memref<1x128x128xf32, #tpu.memory_space<vmem>> -> memref<128x128xf32, #tpu.memory_space<vmem>>
      %dma_start3A_180 = arith.constant 0 : i32
      %dma_start3A_181 = tpu.memref_slice %arg7[%dma_start3A_174, %dma_start3A_180] : memref<10x128xi32, #tpu.memory_space<vmem>> -> memref<1x128xi32, #tpu.memory_space<vmem>>
      %dma_start3A_182 = tpu.memref_squeeze %dma_start3A_181 : memref<1x128xi32, #tpu.memory_space<vmem>> -> memref<128xi32, #tpu.memory_space<vmem>>
      %dma_start3A_183 = arith.constant 0 : i32
      %dma_start3A_184 = arith.constant 0 : i32
      %dma_start3A_185 = tpu.memref_slice %arg2[%dma_start3A_183, %dma_start3A_184] : memref<10000x128xf32, #tpu.memory_space<hbm>> -> memref<10000x128xf32, #tpu.memory_space<hbm>>
      tpu.enqueue_indirect_dma source(%dma_start3A_185 : memref<10000x128xf32, #tpu.memory_space<hbm>>) target(%dma_start3A_179 : memref<128x128xf32, #tpu.memory_space<vmem>>) offsets(%dma_start3A_182 : memref<128xi32, #tpu.memory_space<vmem>>) semaphore(%arg10 : memref<!tpu.dma_semaphore, #tpu.memory_space<semaphore_mem>>)
      %run_scoped3A_186 = arith.constant 1 : i32
      %run_scoped3A_187 = arith.constant 5 : i32
      "tpu.region"() ({
        %run_scoped3A_280 = tpu.sem_alloc : memref<!tpu.dma_semaphore, #tpu.memory_space<semaphore_mem>>
        %dma_start3A_281 = arith.constant 0 : i32
        %dma_start3A_282 = arith.constant 0 : i32
        %dma_start3A_283 = tpu.memref_slice %arg9[%run_scoped3A_186, %dma_start3A_281, %dma_start3A_282] : memref<2x128x128xf32, #tpu.memory_space<vmem>> -> memref<1x128x128xf32, #tpu.memory_space<vmem>>
        %dma_start3A_284 = tpu.memref_squeeze %dma_start3A_283 : memref<1x128x128xf32, #tpu.memory_space<vmem>> -> memref<128x128xf32, #tpu.memory_space<vmem>>
        %dma_start3A_285 = arith.constant 0 : i32
        %dma_start3A_286 = tpu.memref_slice %arg8[%run_scoped3A_187, %dma_start3A_285] : memref<10x128xi32, #tpu.memory_space<vmem>> -> memref<1x128xi32, #tpu.memory_space<vmem>>
        %dma_start3A_287 = tpu.memref_squeeze %dma_start3A_286 : memref<1x128xi32, #tpu.memory_space<vmem>> -> memref<128xi32, #tpu.memory_space<vmem>>
        %dma_start3A_288 = arith.constant 0 : i32
        %dma_start3A_289 = arith.constant 0 : i32
        %dma_start3A_290 = tpu.memref_slice %arg12[%dma_start3A_288, %dma_start3A_289] : memref<10016x128xf32, #tpu.memory_space<vmem_shared>> -> memref<10016x128xf32, #tpu.memory_space<vmem_shared>>
        tpu.enqueue_indirect_dma source(%dma_start3A_284 : memref<128x128xf32, #tpu.memory_space<vmem>>) target(%dma_start3A_290 : memref<10016x128xf32, #tpu.memory_space<vmem_shared>>) offsets(%dma_start3A_287 : memref<128xi32, #tpu.memory_space<vmem>>) semaphore(%run_scoped3A_280 : memref<!tpu.dma_semaphore, #tpu.memory_space<semaphore_mem>>) {add = true}
        %dma_wait3A_291 = arith.constant 0 : i32
        %dma_wait3A_292 = arith.constant 0 : i32
        %dma_wait3A_293 = tpu.memref_slice %arg9[%run_scoped3A_186, %dma_wait3A_291, %dma_wait3A_292] : memref<2x128x128xf32, #tpu.memory_space<vmem>> -> memref<1x128x128xf32, #tpu.memory_space<vmem>>
        %dma_wait3A_294 = tpu.memref_squeeze %dma_wait3A_293 : memref<1x128x128xf32, #tpu.memory_space<vmem>> -> memref<128x128xf32, #tpu.memory_space<vmem>>
        %dma_wait3A_295 = arith.constant 0 : i32
        %dma_wait3A_296 = tpu.memref_slice %arg8[%run_scoped3A_187, %dma_wait3A_295] : memref<10x128xi32, #tpu.memory_space<vmem>> -> memref<1x128xi32, #tpu.memory_space<vmem>>
        %dma_wait3A_297 = tpu.memref_squeeze %dma_wait3A_296 : memref<1x128xi32, #tpu.memory_space<vmem>> -> memref<128xi32, #tpu.memory_space<vmem>>
        %dma_wait3A_298 = arith.constant 0 : i32
        %dma_wait3A_299 = arith.constant 0 : i32
        %dma_wait3A_300 = tpu.memref_slice %arg12[%dma_wait3A_298, %dma_wait3A_299] : memref<10016x128xf32, #tpu.memory_space<vmem_shared>> -> memref<10016x128xf32, #tpu.memory_space<vmem_shared>>
        tpu.wait_indirect_dma semaphore(%run_scoped3A_280 : memref<!tpu.dma_semaphore, #tpu.memory_space<semaphore_mem>>) src(%dma_wait3A_294 : memref<128x128xf32, #tpu.memory_space<vmem>>) dst(%dma_wait3A_300 : memref<10016x128xf32, #tpu.memory_space<vmem_shared>>)
        tpu.yield
      }) : () -> ()
      %dma_wait3A_188 = arith.constant 6 : i32
      %dma_wait3A_189 = arith.constant 0 : i32
      %dma_wait3A_190 = arith.constant 0 : i32
      %dma_wait3A_191 = arith.constant 0 : i32
      %dma_wait3A_192 = tpu.memref_slice %arg9[%dma_wait3A_189, %dma_wait3A_190, %dma_wait3A_191] : memref<2x128x128xf32, #tpu.memory_space<vmem>> -> memref<1x128x128xf32, #tpu.memory_space<vmem>>
      %dma_wait3A_193 = tpu.memref_squeeze %dma_wait3A_192 : memref<1x128x128xf32, #tpu.memory_space<vmem>> -> memref<128x128xf32, #tpu.memory_space<vmem>>
      %dma_wait3A_194 = arith.constant 0 : i32
      %dma_wait3A_195 = tpu.memref_slice %arg7[%dma_wait3A_188, %dma_wait3A_194] : memref<10x128xi32, #tpu.memory_space<vmem>> -> memref<1x128xi32, #tpu.memory_space<vmem>>
      %dma_wait3A_196 = tpu.memref_squeeze %dma_wait3A_195 : memref<1x128xi32, #tpu.memory_space<vmem>> -> memref<128xi32, #tpu.memory_space<vmem>>
      %dma_wait3A_197 = arith.constant 0 : i32
      %dma_wait3A_198 = arith.constant 0 : i32
      %dma_wait3A_199 = tpu.memref_slice %arg2[%dma_wait3A_197, %dma_wait3A_198] : memref<10000x128xf32, #tpu.memory_space<hbm>> -> memref<10000x128xf32, #tpu.memory_space<hbm>>
      tpu.wait_indirect_dma semaphore(%arg10 : memref<!tpu.dma_semaphore, #tpu.memory_space<semaphore_mem>>) src(%dma_wait3A_199 : memref<10000x128xf32, #tpu.memory_space<hbm>>) dst(%dma_wait3A_193 : memref<128x128xf32, #tpu.memory_space<vmem>>)
      %dma_start3A_200 = arith.constant 7 : i32
      %dma_start3A_201 = arith.constant 1 : i32
      %dma_start3A_202 = arith.constant 0 : i32
      %dma_start3A_203 = arith.constant 0 : i32
      %dma_start3A_204 = tpu.memref_slice %arg9[%dma_start3A_201, %dma_start3A_202, %dma_start3A_203] : memref<2x128x128xf32, #tpu.memory_space<vmem>> -> memref<1x128x128xf32, #tpu.memory_space<vmem>>
      %dma_start3A_205 = tpu.memref_squeeze %dma_start3A_204 : memref<1x128x128xf32, #tpu.memory_space<vmem>> -> memref<128x128xf32, #tpu.memory_space<vmem>>
      %dma_start3A_206 = arith.constant 0 : i32
      %dma_start3A_207 = tpu.memref_slice %arg7[%dma_start3A_200, %dma_start3A_206] : memref<10x128xi32, #tpu.memory_space<vmem>> -> memref<1x128xi32, #tpu.memory_space<vmem>>
      %dma_start3A_208 = tpu.memref_squeeze %dma_start3A_207 : memref<1x128xi32, #tpu.memory_space<vmem>> -> memref<128xi32, #tpu.memory_space<vmem>>
      %dma_start3A_209 = arith.constant 0 : i32
      %dma_start3A_210 = arith.constant 0 : i32
      %dma_start3A_211 = tpu.memref_slice %arg2[%dma_start3A_209, %dma_start3A_210] : memref<10000x128xf32, #tpu.memory_space<hbm>> -> memref<10000x128xf32, #tpu.memory_space<hbm>>
      tpu.enqueue_indirect_dma source(%dma_start3A_211 : memref<10000x128xf32, #tpu.memory_space<hbm>>) target(%dma_start3A_205 : memref<128x128xf32, #tpu.memory_space<vmem>>) offsets(%dma_start3A_208 : memref<128xi32, #tpu.memory_space<vmem>>) semaphore(%arg11 : memref<!tpu.dma_semaphore, #tpu.memory_space<semaphore_mem>>)
      %run_scoped3A_212 = arith.constant 0 : i32
      %run_scoped3A_213 = arith.constant 6 : i32
      "tpu.region"() ({
        %run_scoped3A_280 = tpu.sem_alloc : memref<!tpu.dma_semaphore, #tpu.memory_space<semaphore_mem>>
        %dma_start3A_281 = arith.constant 0 : i32
        %dma_start3A_282 = arith.constant 0 : i32
        %dma_start3A_283 = tpu.memref_slice %arg9[%run_scoped3A_212, %dma_start3A_281, %dma_start3A_282] : memref<2x128x128xf32, #tpu.memory_space<vmem>> -> memref<1x128x128xf32, #tpu.memory_space<vmem>>
        %dma_start3A_284 = tpu.memref_squeeze %dma_start3A_283 : memref<1x128x128xf32, #tpu.memory_space<vmem>> -> memref<128x128xf32, #tpu.memory_space<vmem>>
        %dma_start3A_285 = arith.constant 0 : i32
        %dma_start3A_286 = tpu.memref_slice %arg8[%run_scoped3A_213, %dma_start3A_285] : memref<10x128xi32, #tpu.memory_space<vmem>> -> memref<1x128xi32, #tpu.memory_space<vmem>>
        %dma_start3A_287 = tpu.memref_squeeze %dma_start3A_286 : memref<1x128xi32, #tpu.memory_space<vmem>> -> memref<128xi32, #tpu.memory_space<vmem>>
        %dma_start3A_288 = arith.constant 0 : i32
        %dma_start3A_289 = arith.constant 0 : i32
        %dma_start3A_290 = tpu.memref_slice %arg12[%dma_start3A_288, %dma_start3A_289] : memref<10016x128xf32, #tpu.memory_space<vmem_shared>> -> memref<10016x128xf32, #tpu.memory_space<vmem_shared>>
        tpu.enqueue_indirect_dma source(%dma_start3A_284 : memref<128x128xf32, #tpu.memory_space<vmem>>) target(%dma_start3A_290 : memref<10016x128xf32, #tpu.memory_space<vmem_shared>>) offsets(%dma_start3A_287 : memref<128xi32, #tpu.memory_space<vmem>>) semaphore(%run_scoped3A_280 : memref<!tpu.dma_semaphore, #tpu.memory_space<semaphore_mem>>) {add = true}
        %dma_wait3A_291 = arith.constant 0 : i32
        %dma_wait3A_292 = arith.constant 0 : i32
        %dma_wait3A_293 = tpu.memref_slice %arg9[%run_scoped3A_212, %dma_wait3A_291, %dma_wait3A_292] : memref<2x128x128xf32, #tpu.memory_space<vmem>> -> memref<1x128x128xf32, #tpu.memory_space<vmem>>
        %dma_wait3A_294 = tpu.memref_squeeze %dma_wait3A_293 : memref<1x128x128xf32, #tpu.memory_space<vmem>> -> memref<128x128xf32, #tpu.memory_space<vmem>>
        %dma_wait3A_295 = arith.constant 0 : i32
        %dma_wait3A_296 = tpu.memref_slice %arg8[%run_scoped3A_213, %dma_wait3A_295] : memref<10x128xi32, #tpu.memory_space<vmem>> -> memref<1x128xi32, #tpu.memory_space<vmem>>
        %dma_wait3A_297 = tpu.memref_squeeze %dma_wait3A_296 : memref<1x128xi32, #tpu.memory_space<vmem>> -> memref<128xi32, #tpu.memory_space<vmem>>
        %dma_wait3A_298 = arith.constant 0 : i32
        %dma_wait3A_299 = arith.constant 0 : i32
        %dma_wait3A_300 = tpu.memref_slice %arg12[%dma_wait3A_298, %dma_wait3A_299] : memref<10016x128xf32, #tpu.memory_space<vmem_shared>> -> memref<10016x128xf32, #tpu.memory_space<vmem_shared>>
        tpu.wait_indirect_dma semaphore(%run_scoped3A_280 : memref<!tpu.dma_semaphore, #tpu.memory_space<semaphore_mem>>) src(%dma_wait3A_294 : memref<128x128xf32, #tpu.memory_space<vmem>>) dst(%dma_wait3A_300 : memref<10016x128xf32, #tpu.memory_space<vmem_shared>>)
        tpu.yield
      }) : () -> ()
      %dma_wait3A_214 = arith.constant 7 : i32
      %dma_wait3A_215 = arith.constant 1 : i32
      %dma_wait3A_216 = arith.constant 0 : i32
      %dma_wait3A_217 = arith.constant 0 : i32
      %dma_wait3A_218 = tpu.memref_slice %arg9[%dma_wait3A_215, %dma_wait3A_216, %dma_wait3A_217] : memref<2x128x128xf32, #tpu.memory_space<vmem>> -> memref<1x128x128xf32, #tpu.memory_space<vmem>>
      %dma_wait3A_219 = tpu.memref_squeeze %dma_wait3A_218 : memref<1x128x128xf32, #tpu.memory_space<vmem>> -> memref<128x128xf32, #tpu.memory_space<vmem>>
      %dma_wait3A_220 = arith.constant 0 : i32
      %dma_wait3A_221 = tpu.memref_slice %arg7[%dma_wait3A_214, %dma_wait3A_220] : memref<10x128xi32, #tpu.memory_space<vmem>> -> memref<1x128xi32, #tpu.memory_space<vmem>>
      %dma_wait3A_222 = tpu.memref_squeeze %dma_wait3A_221 : memref<1x128xi32, #tpu.memory_space<vmem>> -> memref<128xi32, #tpu.memory_space<vmem>>
      %dma_wait3A_223 = arith.constant 0 : i32
      %dma_wait3A_224 = arith.constant 0 : i32
      %dma_wait3A_225 = tpu.memref_slice %arg2[%dma_wait3A_223, %dma_wait3A_224] : memref<10000x128xf32, #tpu.memory_space<hbm>> -> memref<10000x128xf32, #tpu.memory_space<hbm>>
      tpu.wait_indirect_dma semaphore(%arg11 : memref<!tpu.dma_semaphore, #tpu.memory_space<semaphore_mem>>) src(%dma_wait3A_225 : memref<10000x128xf32, #tpu.memory_space<hbm>>) dst(%dma_wait3A_219 : memref<128x128xf32, #tpu.memory_space<vmem>>)
      %dma_start3A_226 = arith.constant 8 : i32
      %dma_start3A_227 = arith.constant 0 : i32
      %dma_start3A_228 = arith.constant 0 : i32
      %dma_start3A_229 = arith.constant 0 : i32
      %dma_start3A_230 = tpu.memref_slice %arg9[%dma_start3A_227, %dma_start3A_228, %dma_start3A_229] : memref<2x128x128xf32, #tpu.memory_space<vmem>> -> memref<1x128x128xf32, #tpu.memory_space<vmem>>
      %dma_start3A_231 = tpu.memref_squeeze %dma_start3A_230 : memref<1x128x128xf32, #tpu.memory_space<vmem>> -> memref<128x128xf32, #tpu.memory_space<vmem>>
      %dma_start3A_232 = arith.constant 0 : i32
      %dma_start3A_233 = tpu.memref_slice %arg7[%dma_start3A_226, %dma_start3A_232] : memref<10x128xi32, #tpu.memory_space<vmem>> -> memref<1x128xi32, #tpu.memory_space<vmem>>
      %dma_start3A_234 = tpu.memref_squeeze %dma_start3A_233 : memref<1x128xi32, #tpu.memory_space<vmem>> -> memref<128xi32, #tpu.memory_space<vmem>>
      %dma_start3A_235 = arith.constant 0 : i32
      %dma_start3A_236 = arith.constant 0 : i32
      %dma_start3A_237 = tpu.memref_slice %arg2[%dma_start3A_235, %dma_start3A_236] : memref<10000x128xf32, #tpu.memory_space<hbm>> -> memref<10000x128xf32, #tpu.memory_space<hbm>>
      tpu.enqueue_indirect_dma source(%dma_start3A_237 : memref<10000x128xf32, #tpu.memory_space<hbm>>) target(%dma_start3A_231 : memref<128x128xf32, #tpu.memory_space<vmem>>) offsets(%dma_start3A_234 : memref<128xi32, #tpu.memory_space<vmem>>) semaphore(%arg10 : memref<!tpu.dma_semaphore, #tpu.memory_space<semaphore_mem>>)
      %run_scoped3A_238 = arith.constant 1 : i32
      %run_scoped3A_239 = arith.constant 7 : i32
      "tpu.region"() ({
        %run_scoped3A_280 = tpu.sem_alloc : memref<!tpu.dma_semaphore, #tpu.memory_space<semaphore_mem>>
        %dma_start3A_281 = arith.constant 0 : i32
        %dma_start3A_282 = arith.constant 0 : i32
        %dma_start3A_283 = tpu.memref_slice %arg9[%run_scoped3A_238, %dma_start3A_281, %dma_start3A_282] : memref<2x128x128xf32, #tpu.memory_space<vmem>> -> memref<1x128x128xf32, #tpu.memory_space<vmem>>
        %dma_start3A_284 = tpu.memref_squeeze %dma_start3A_283 : memref<1x128x128xf32, #tpu.memory_space<vmem>> -> memref<128x128xf32, #tpu.memory_space<vmem>>
        %dma_start3A_285 = arith.constant 0 : i32
        %dma_start3A_286 = tpu.memref_slice %arg8[%run_scoped3A_239, %dma_start3A_285] : memref<10x128xi32, #tpu.memory_space<vmem>> -> memref<1x128xi32, #tpu.memory_space<vmem>>
        %dma_start3A_287 = tpu.memref_squeeze %dma_start3A_286 : memref<1x128xi32, #tpu.memory_space<vmem>> -> memref<128xi32, #tpu.memory_space<vmem>>
        %dma_start3A_288 = arith.constant 0 : i32
        %dma_start3A_289 = arith.constant 0 : i32
        %dma_start3A_290 = tpu.memref_slice %arg12[%dma_start3A_288, %dma_start3A_289] : memref<10016x128xf32, #tpu.memory_space<vmem_shared>> -> memref<10016x128xf32, #tpu.memory_space<vmem_shared>>
        tpu.enqueue_indirect_dma source(%dma_start3A_284 : memref<128x128xf32, #tpu.memory_space<vmem>>) target(%dma_start3A_290 : memref<10016x128xf32, #tpu.memory_space<vmem_shared>>) offsets(%dma_start3A_287 : memref<128xi32, #tpu.memory_space<vmem>>) semaphore(%run_scoped3A_280 : memref<!tpu.dma_semaphore, #tpu.memory_space<semaphore_mem>>) {add = true}
        %dma_wait3A_291 = arith.constant 0 : i32
        %dma_wait3A_292 = arith.constant 0 : i32
        %dma_wait3A_293 = tpu.memref_slice %arg9[%run_scoped3A_238, %dma_wait3A_291, %dma_wait3A_292] : memref<2x128x128xf32, #tpu.memory_space<vmem>> -> memref<1x128x128xf32, #tpu.memory_space<vmem>>
        %dma_wait3A_294 = tpu.memref_squeeze %dma_wait3A_293 : memref<1x128x128xf32, #tpu.memory_space<vmem>> -> memref<128x128xf32, #tpu.memory_space<vmem>>
        %dma_wait3A_295 = arith.constant 0 : i32
        %dma_wait3A_296 = tpu.memref_slice %arg8[%run_scoped3A_239, %dma_wait3A_295] : memref<10x128xi32, #tpu.memory_space<vmem>> -> memref<1x128xi32, #tpu.memory_space<vmem>>
        %dma_wait3A_297 = tpu.memref_squeeze %dma_wait3A_296 : memref<1x128xi32, #tpu.memory_space<vmem>> -> memref<128xi32, #tpu.memory_space<vmem>>
        %dma_wait3A_298 = arith.constant 0 : i32
        %dma_wait3A_299 = arith.constant 0 : i32
        %dma_wait3A_300 = tpu.memref_slice %arg12[%dma_wait3A_298, %dma_wait3A_299] : memref<10016x128xf32, #tpu.memory_space<vmem_shared>> -> memref<10016x128xf32, #tpu.memory_space<vmem_shared>>
        tpu.wait_indirect_dma semaphore(%run_scoped3A_280 : memref<!tpu.dma_semaphore, #tpu.memory_space<semaphore_mem>>) src(%dma_wait3A_294 : memref<128x128xf32, #tpu.memory_space<vmem>>) dst(%dma_wait3A_300 : memref<10016x128xf32, #tpu.memory_space<vmem_shared>>)
        tpu.yield
      }) : () -> ()
      %dma_wait3A_240 = arith.constant 8 : i32
      %dma_wait3A_241 = arith.constant 0 : i32
      %dma_wait3A_242 = arith.constant 0 : i32
      %dma_wait3A_243 = arith.constant 0 : i32
      %dma_wait3A_244 = tpu.memref_slice %arg9[%dma_wait3A_241, %dma_wait3A_242, %dma_wait3A_243] : memref<2x128x128xf32, #tpu.memory_space<vmem>> -> memref<1x128x128xf32, #tpu.memory_space<vmem>>
      %dma_wait3A_245 = tpu.memref_squeeze %dma_wait3A_244 : memref<1x128x128xf32, #tpu.memory_space<vmem>> -> memref<128x128xf32, #tpu.memory_space<vmem>>
      %dma_wait3A_246 = arith.constant 0 : i32
      %dma_wait3A_247 = tpu.memref_slice %arg7[%dma_wait3A_240, %dma_wait3A_246] : memref<10x128xi32, #tpu.memory_space<vmem>> -> memref<1x128xi32, #tpu.memory_space<vmem>>
      %dma_wait3A_248 = tpu.memref_squeeze %dma_wait3A_247 : memref<1x128xi32, #tpu.memory_space<vmem>> -> memref<128xi32, #tpu.memory_space<vmem>>
      %dma_wait3A_249 = arith.constant 0 : i32
      %dma_wait3A_250 = arith.constant 0 : i32
      %dma_wait3A_251 = tpu.memref_slice %arg2[%dma_wait3A_249, %dma_wait3A_250] : memref<10000x128xf32, #tpu.memory_space<hbm>> -> memref<10000x128xf32, #tpu.memory_space<hbm>>
      tpu.wait_indirect_dma semaphore(%arg10 : memref<!tpu.dma_semaphore, #tpu.memory_space<semaphore_mem>>) src(%dma_wait3A_251 : memref<10000x128xf32, #tpu.memory_space<hbm>>) dst(%dma_wait3A_245 : memref<128x128xf32, #tpu.memory_space<vmem>>)
      %dma_start3A_252 = arith.constant 9 : i32
      %dma_start3A_253 = arith.constant 1 : i32
      %dma_start3A_254 = arith.constant 0 : i32
      %dma_start3A_255 = arith.constant 0 : i32
      %dma_start3A_256 = tpu.memref_slice %arg9[%dma_start3A_253, %dma_start3A_254, %dma_start3A_255] : memref<2x128x128xf32, #tpu.memory_space<vmem>> -> memref<1x128x128xf32, #tpu.memory_space<vmem>>
      %dma_start3A_257 = tpu.memref_squeeze %dma_start3A_256 : memref<1x128x128xf32, #tpu.memory_space<vmem>> -> memref<128x128xf32, #tpu.memory_space<vmem>>
      %dma_start3A_258 = arith.constant 0 : i32
      %dma_start3A_259 = tpu.memref_slice %arg7[%dma_start3A_252, %dma_start3A_258] : memref<10x128xi32, #tpu.memory_space<vmem>> -> memref<1x128xi32, #tpu.memory_space<vmem>>
      %dma_start3A_260 = tpu.memref_squeeze %dma_start3A_259 : memref<1x128xi32, #tpu.memory_space<vmem>> -> memref<128xi32, #tpu.memory_space<vmem>>
      %dma_start3A_261 = arith.constant 0 : i32
      %dma_start3A_262 = arith.constant 0 : i32
      %dma_start3A_263 = tpu.memref_slice %arg2[%dma_start3A_261, %dma_start3A_262] : memref<10000x128xf32, #tpu.memory_space<hbm>> -> memref<10000x128xf32, #tpu.memory_space<hbm>>
      tpu.enqueue_indirect_dma source(%dma_start3A_263 : memref<10000x128xf32, #tpu.memory_space<hbm>>) target(%dma_start3A_257 : memref<128x128xf32, #tpu.memory_space<vmem>>) offsets(%dma_start3A_260 : memref<128xi32, #tpu.memory_space<vmem>>) semaphore(%arg11 : memref<!tpu.dma_semaphore, #tpu.memory_space<semaphore_mem>>)
      %run_scoped3A_264 = arith.constant 0 : i32
      %run_scoped3A_265 = arith.constant 8 : i32
      "tpu.region"() ({
        %run_scoped3A_280 = tpu.sem_alloc : memref<!tpu.dma_semaphore, #tpu.memory_space<semaphore_mem>>
        %dma_start3A_281 = arith.constant 0 : i32
        %dma_start3A_282 = arith.constant 0 : i32
        %dma_start3A_283 = tpu.memref_slice %arg9[%run_scoped3A_264, %dma_start3A_281, %dma_start3A_282] : memref<2x128x128xf32, #tpu.memory_space<vmem>> -> memref<1x128x128xf32, #tpu.memory_space<vmem>>
        %dma_start3A_284 = tpu.memref_squeeze %dma_start3A_283 : memref<1x128x128xf32, #tpu.memory_space<vmem>> -> memref<128x128xf32, #tpu.memory_space<vmem>>
        %dma_start3A_285 = arith.constant 0 : i32
        %dma_start3A_286 = tpu.memref_slice %arg8[%run_scoped3A_265, %dma_start3A_285] : memref<10x128xi32, #tpu.memory_space<vmem>> -> memref<1x128xi32, #tpu.memory_space<vmem>>
        %dma_start3A_287 = tpu.memref_squeeze %dma_start3A_286 : memref<1x128xi32, #tpu.memory_space<vmem>> -> memref<128xi32, #tpu.memory_space<vmem>>
        %dma_start3A_288 = arith.constant 0 : i32
        %dma_start3A_289 = arith.constant 0 : i32
        %dma_start3A_290 = tpu.memref_slice %arg12[%dma_start3A_288, %dma_start3A_289] : memref<10016x128xf32, #tpu.memory_space<vmem_shared>> -> memref<10016x128xf32, #tpu.memory_space<vmem_shared>>
        tpu.enqueue_indirect_dma source(%dma_start3A_284 : memref<128x128xf32, #tpu.memory_space<vmem>>) target(%dma_start3A_290 : memref<10016x128xf32, #tpu.memory_space<vmem_shared>>) offsets(%dma_start3A_287 : memref<128xi32, #tpu.memory_space<vmem>>) semaphore(%run_scoped3A_280 : memref<!tpu.dma_semaphore, #tpu.memory_space<semaphore_mem>>) {add = true}
        %dma_wait3A_291 = arith.constant 0 : i32
        %dma_wait3A_292 = arith.constant 0 : i32
        %dma_wait3A_293 = tpu.memref_slice %arg9[%run_scoped3A_264, %dma_wait3A_291, %dma_wait3A_292] : memref<2x128x128xf32, #tpu.memory_space<vmem>> -> memref<1x128x128xf32, #tpu.memory_space<vmem>>
        %dma_wait3A_294 = tpu.memref_squeeze %dma_wait3A_293 : memref<1x128x128xf32, #tpu.memory_space<vmem>> -> memref<128x128xf32, #tpu.memory_space<vmem>>
        %dma_wait3A_295 = arith.constant 0 : i32
        %dma_wait3A_296 = tpu.memref_slice %arg8[%run_scoped3A_265, %dma_wait3A_295] : memref<10x128xi32, #tpu.memory_space<vmem>> -> memref<1x128xi32, #tpu.memory_space<vmem>>
        %dma_wait3A_297 = tpu.memref_squeeze %dma_wait3A_296 : memref<1x128xi32, #tpu.memory_space<vmem>> -> memref<128xi32, #tpu.memory_space<vmem>>
        %dma_wait3A_298 = arith.constant 0 : i32
        %dma_wait3A_299 = arith.constant 0 : i32
        %dma_wait3A_300 = tpu.memref_slice %arg12[%dma_wait3A_298, %dma_wait3A_299] : memref<10016x128xf32, #tpu.memory_space<vmem_shared>> -> memref<10016x128xf32, #tpu.memory_space<vmem_shared>>
        tpu.wait_indirect_dma semaphore(%run_scoped3A_280 : memref<!tpu.dma_semaphore, #tpu.memory_space<semaphore_mem>>) src(%dma_wait3A_294 : memref<128x128xf32, #tpu.memory_space<vmem>>) dst(%dma_wait3A_300 : memref<10016x128xf32, #tpu.memory_space<vmem_shared>>)
        tpu.yield
      }) : () -> ()
      %dma_wait3A_266 = arith.constant 9 : i32
      %dma_wait3A_267 = arith.constant 1 : i32
      %dma_wait3A_268 = arith.constant 0 : i32
      %dma_wait3A_269 = arith.constant 0 : i32
      %dma_wait3A_270 = tpu.memref_slice %arg9[%dma_wait3A_267, %dma_wait3A_268, %dma_wait3A_269] : memref<2x128x128xf32, #tpu.memory_space<vmem>> -> memref<1x128x128xf32, #tpu.memory_space<vmem>>
      %dma_wait3A_271 = tpu.memref_squeeze %dma_wait3A_270 : memref<1x128x128xf32, #tpu.memory_space<vmem>> -> memref<128x128xf32, #tpu.memory_space<vmem>>
      %dma_wait3A_272 = arith.constant 0 : i32
      %dma_wait3A_273 = tpu.memref_slice %arg7[%dma_wait3A_266, %dma_wait3A_272] : memref<10x128xi32, #tpu.memory_space<vmem>> -> memref<1x128xi32, #tpu.memory_space<vmem>>
      %dma_wait3A_274 = tpu.memref_squeeze %dma_wait3A_273 : memref<1x128xi32, #tpu.memory_space<vmem>> -> memref<128xi32, #tpu.memory_space<vmem>>
      %dma_wait3A_275 = arith.constant 0 : i32
      %dma_wait3A_276 = arith.constant 0 : i32
      %dma_wait3A_277 = tpu.memref_slice %arg2[%dma_wait3A_275, %dma_wait3A_276] : memref<10000x128xf32, #tpu.memory_space<hbm>> -> memref<10000x128xf32, #tpu.memory_space<hbm>>
      tpu.wait_indirect_dma semaphore(%arg11 : memref<!tpu.dma_semaphore, #tpu.memory_space<semaphore_mem>>) src(%dma_wait3A_277 : memref<10000x128xf32, #tpu.memory_space<hbm>>) dst(%dma_wait3A_271 : memref<128x128xf32, #tpu.memory_space<vmem>>)
      %run_scoped3A_278 = arith.constant 1 : i32
      %run_scoped3A_279 = arith.constant 9 : i32
      "tpu.region"() ({
        %run_scoped3A_280 = tpu.sem_alloc : memref<!tpu.dma_semaphore, #tpu.memory_space<semaphore_mem>>
        %dma_start3A_281 = arith.constant 0 : i32
        %dma_start3A_282 = arith.constant 0 : i32
        %dma_start3A_283 = tpu.memref_slice %arg9[%run_scoped3A_278, %dma_start3A_281, %dma_start3A_282] : memref<2x128x128xf32, #tpu.memory_space<vmem>> -> memref<1x128x128xf32, #tpu.memory_space<vmem>>
        %dma_start3A_284 = tpu.memref_squeeze %dma_start3A_283 : memref<1x128x128xf32, #tpu.memory_space<vmem>> -> memref<128x128xf32, #tpu.memory_space<vmem>>
        %dma_start3A_285 = arith.constant 0 : i32
        %dma_start3A_286 = tpu.memref_slice %arg8[%run_scoped3A_279, %dma_start3A_285] : memref<10x128xi32, #tpu.memory_space<vmem>> -> memref<1x128xi32, #tpu.memory_space<vmem>>
        %dma_start3A_287 = tpu.memref_squeeze %dma_start3A_286 : memref<1x128xi32, #tpu.memory_space<vmem>> -> memref<128xi32, #tpu.memory_space<vmem>>
        %dma_start3A_288 = arith.constant 0 : i32
        %dma_start3A_289 = arith.constant 0 : i32
        %dma_start3A_290 = tpu.memref_slice %arg12[%dma_start3A_288, %dma_start3A_289] : memref<10016x128xf32, #tpu.memory_space<vmem_shared>> -> memref<10016x128xf32, #tpu.memory_space<vmem_shared>>
        tpu.enqueue_indirect_dma source(%dma_start3A_284 : memref<128x128xf32, #tpu.memory_space<vmem>>) target(%dma_start3A_290 : memref<10016x128xf32, #tpu.memory_space<vmem_shared>>) offsets(%dma_start3A_287 : memref<128xi32, #tpu.memory_space<vmem>>) semaphore(%run_scoped3A_280 : memref<!tpu.dma_semaphore, #tpu.memory_space<semaphore_mem>>) {add = true}
        %dma_wait3A_291 = arith.constant 0 : i32
        %dma_wait3A_292 = arith.constant 0 : i32
        %dma_wait3A_293 = tpu.memref_slice %arg9[%run_scoped3A_278, %dma_wait3A_291, %dma_wait3A_292] : memref<2x128x128xf32, #tpu.memory_space<vmem>> -> memref<1x128x128xf32, #tpu.memory_space<vmem>>
        %dma_wait3A_294 = tpu.memref_squeeze %dma_wait3A_293 : memref<1x128x128xf32, #tpu.memory_space<vmem>> -> memref<128x128xf32, #tpu.memory_space<vmem>>
        %dma_wait3A_295 = arith.constant 0 : i32
        %dma_wait3A_296 = tpu.memref_slice %arg8[%run_scoped3A_279, %dma_wait3A_295] : memref<10x128xi32, #tpu.memory_space<vmem>> -> memref<1x128xi32, #tpu.memory_space<vmem>>
        %dma_wait3A_297 = tpu.memref_squeeze %dma_wait3A_296 : memref<1x128xi32, #tpu.memory_space<vmem>> -> memref<128xi32, #tpu.memory_space<vmem>>
        %dma_wait3A_298 = arith.constant 0 : i32
        %dma_wait3A_299 = arith.constant 0 : i32
        %dma_wait3A_300 = tpu.memref_slice %arg12[%dma_wait3A_298, %dma_wait3A_299] : memref<10016x128xf32, #tpu.memory_space<vmem_shared>> -> memref<10016x128xf32, #tpu.memory_space<vmem_shared>>
        tpu.wait_indirect_dma semaphore(%run_scoped3A_280 : memref<!tpu.dma_semaphore, #tpu.memory_space<semaphore_mem>>) src(%dma_wait3A_294 : memref<128x128xf32, #tpu.memory_space<vmem>>) dst(%dma_wait3A_300 : memref<10016x128xf32, #tpu.memory_space<vmem_shared>>)
        tpu.yield
      }) : () -> ()
    }
    %scan3A_9 = arith.constant 8 : i32
    %barrier3A_10 = arith.constant 0 : index
    tpu.barrier barrier_id(%barrier3A_10)
    %lt3A_11 = arith.constant 10 : i32
    %lt3A_12 = arith.cmpi slt, %arg1, %lt3A_11 : i32
    %convert_element_type3A_13 = arith.extui %lt3A_12 : i1 to i32
    %cond3A_14 = arith.constant 0 : i32
    %cond3A_15 = arith.cmpi ne, %convert_element_type3A_13, %cond3A_14 : i32
    scf.if %cond3A_15 {
      %mul3A_16 = arith.constant 10000 : i32
      %mul3A_17 = arith.muli %arg0, %mul3A_16 : i32
      %add3A_18 = arith.addi %mul3A_17, %mul3A_2 : i32
      "tpu.region"() ({
        %run_scoped3A = tpu.sem_alloc : memref<!tpu.dma_semaphore, #tpu.memory_space<semaphore_mem>>
        %dma_start3A = arith.constant 0 : i32
        %dma_start3A_19 = tpu.memref_slice %arg6[%add3A_18, %dma_start3A] : memref<20000x128xf32, #tpu.memory_space<hbm>> -> memref<1000x128xf32, #tpu.memory_space<hbm>>
        %dma_start3A_20 = arith.constant 0 : i32
        %dma_start3A_21 = tpu.memref_slice %arg12[%mul3A_2, %dma_start3A_20] : memref<10016x128xf32, #tpu.memory_space<vmem_shared>> -> memref<1000x128xf32, #tpu.memory_space<vmem_shared>>
        tpu.enqueue_dma source(%dma_start3A_21 : memref<1000x128xf32, #tpu.memory_space<vmem_shared>>) target(%dma_start3A_19 : memref<1000x128xf32, #tpu.memory_space<hbm>>) target_semaphore(%run_scoped3A : memref<!tpu.dma_semaphore, #tpu.memory_space<semaphore_mem>>)
        %dma_wait3A = arith.constant 0 : i32
        %dma_wait3A_22 = tpu.memref_slice %arg6[%add3A_18, %dma_wait3A] : memref<20000x128xf32, #tpu.memory_space<hbm>> -> memref<1000x128xf32, #tpu.memory_space<hbm>>
        %dma_wait3A_23 = arith.constant 0 : i32
        %dma_wait3A_24 = tpu.memref_slice %arg12[%mul3A_2, %dma_wait3A_23] : memref<10016x128xf32, #tpu.memory_space<vmem_shared>> -> memref<1000x128xf32, #tpu.memory_space<vmem_shared>>
        tpu.wait_dma2 semaphore(%run_scoped3A : memref<!tpu.dma_semaphore, #tpu.memory_space<semaphore_mem>>) src(%dma_wait3A_24 : memref<1000x128xf32, #tpu.memory_space<vmem_shared>>) dst(%dma_wait3A_22 : memref<1000x128xf32, #tpu.memory_space<hbm>>)
        tpu.yield
      }) : () -> ()
    } else {
    }
    return
  }
}

module attributes {stable_mosaic.version = 14 : i64} {
  func.func @_lin_body(%arg0: i32, %arg1: memref<1000x128xf32, #tpu.memory_space<vmem>>, %arg2: memref<128x128xf32, #tpu.memory_space<vmem>>, %arg3: memref<1x128xf32, #tpu.memory_space<vmem>>, %arg4: memref<1000x128xf32, #tpu.memory_space<vmem>>) attributes {dimension_semantics = [#tpu.dimension_semantics<arbitrary>], iteration_bounds = array<i64: 10>, scalar_prefetch = 0 : i64, scratch_operands = 0 : i64, tpu.core_type = #tpu.core_type<tc>, window_params = [{transform_indices = @transform_0, window_bounds = array<i64: 1000, 128>}, {pipeline_mode = #tpu.pipeline_mode<synchronous>, transform_indices = @transform_1, window_bounds = array<i64: 128, 128>}, {pipeline_mode = #tpu.pipeline_mode<synchronous>, transform_indices = @transform_2, window_bounds = array<i64: 1, 128>}, {transform_indices = @transform_3, window_bounds = array<i64: 1000, 128>}]} {
    %get3A = arith.constant 0 : index
    %get3A_0 = arith.constant 0 : index
    %get3A_1 = vector.load %arg1[%get3A, %get3A_0] : memref<1000x128xf32, #tpu.memory_space<vmem>>, vector<1000x128xf32>
    %get3A_2 = arith.constant 0 : index
    %get3A_3 = arith.constant 0 : index
    %get3A_4 = vector.load %arg2[%get3A_2, %get3A_3] : memref<128x128xf32, #tpu.memory_space<vmem>>, vector<128x128xf32>
    %dot_general3A = arith.constant dense<0.000000e+00> : vector<1000x128xf32>
    %dot_general3A_5 = tpu.matmul %get3A_1, %get3A_4, %dot_general3A {dimension_numbers = #tpu.dot_dimension_numbers<[1], [0], [0], [1], [0, 0, 1, 1], [], []>, transpose_lhs_hint = false} : vector<1000x128xf32>, vector<128x128xf32>, vector<1000x128xf32> -> vector<1000x128xf32>
    %get3A_6 = arith.constant 0 : index
    %get3A_7 = arith.constant 0 : index
    %get3A_8 = vector.load %arg3[%get3A_6, %get3A_7] : memref<1x128xf32, #tpu.memory_space<vmem>>, vector<1x128xf32>
    %add3A = vector.broadcast %get3A_8 : vector<1x128xf32> to vector<1000x128xf32>
    %add3A_9 = arith.addf %dot_general3A_5, %add3A : vector<1000x128xf32>
    %swap3A = arith.constant 0 : index
    %swap3A_10 = arith.constant 0 : index
    %swap3A_11 = vector.load %arg4[%swap3A, %swap3A_10] : memref<1000x128xf32, #tpu.memory_space<vmem>>, vector<1000x128xf32>
    tpu.vector_store %arg4[%swap3A, %swap3A_10], %add3A_9 {strides = array<i32>} : memref<1000x128xf32, #tpu.memory_space<vmem>>, vector<1000x128xf32>,
    return
  }
  func.func @transform_0(%arg0: i32) -> (i32, i32) {
    %c0_i32 = arith.constant 0 : i32
    %c0_i32_0 = arith.constant 0 : i32
    return %arg0, %c0_i32 : i32, i32
  }
  func.func @transform_1(%arg0: i32) -> (i32, i32) {
    %c0_i32 = arith.constant 0 : i32
    %c0_i32_0 = arith.constant 0 : i32
    %c0_i32_1 = arith.constant 0 : i32
    return %c0_i32, %c0_i32_0 : i32, i32
  }
  func.func @transform_2(%arg0: i32) -> (i32, i32) {
    %c0_i32 = arith.constant 0 : i32
    %c0_i32_0 = arith.constant 0 : i32
    %c0_i32_1 = arith.constant 0 : i32
    return %c0_i32, %c0_i32_0 : i32, i32
  }
  func.func @transform_3(%arg0: i32) -> (i32, i32) {
    %c0_i32 = arith.constant 0 : i32
    %c0_i32_0 = arith.constant 0 : i32
    return %arg0, %c0_i32 : i32, i32
  }
}

module attributes {stable_mosaic.version = 14 : i64} {
  func.func @_combine_body(%arg0: i32, %arg1: memref<1000x128xf32, #tpu.memory_space<vmem>>, %arg2: memref<2x1000x128xf32, #tpu.memory_space<vmem>>, %arg3: memref<2x1000x128xf32, #tpu.memory_space<vmem>>, %arg4: memref<1000x128xf32, #tpu.memory_space<vmem>>, %arg5: memref<1000x128xf32, #tpu.memory_space<vmem>>) attributes {dimension_semantics = [#tpu.dimension_semantics<arbitrary>], iteration_bounds = array<i64: 10>, scalar_prefetch = 0 : i64, scratch_operands = 0 : i64, tpu.core_type = #tpu.core_type<tc>, window_params = [{transform_indices = @transform_0, window_bounds = array<i64: 1000, 128>}, {transform_indices = @transform_1, window_bounds = array<i64: 2, 1000, 128>}, {transform_indices = @transform_2, window_bounds = array<i64: 2, 1000, 128>}, {transform_indices = @transform_3, window_bounds = array<i64: 1000, 128>}, {transform_indices = @transform_4, window_bounds = array<i64: 1000, 128>}]} {
    %get3A = arith.constant 0 : index
    %get3A_0 = arith.constant 0 : index
    %get3A_1 = arith.constant 0 : index
    %get3A_2 = vector.load %arg3[%get3A, %get3A_0, %get3A_1] : memref<2x1000x128xf32, #tpu.memory_space<vmem>>, vector<1x1000x1xf32>
    %get3A_3 = vector.shape_cast %get3A_2 : vector<1x1000x1xf32> to vector<1000x1xf32>
    %get3A_4 = arith.constant 1 : index
    %get3A_5 = arith.constant 0 : index
    %get3A_6 = arith.constant 0 : index
    %get3A_7 = vector.load %arg3[%get3A_4, %get3A_5, %get3A_6] : memref<2x1000x128xf32, #tpu.memory_space<vmem>>, vector<1x1000x1xf32>
    %get3A_8 = vector.shape_cast %get3A_7 : vector<1x1000x1xf32> to vector<1000x1xf32>
    %add3A = arith.addf %get3A_3, %get3A_8 : vector<1000x1xf32>
    %max3A = arith.constant 1.000000e+00 : f32
    %max3A_9 = vector.broadcast %max3A : f32 to vector<1000x1xf32>
    %max3A_10 = arith.maximumf %add3A, %max3A_9 : vector<1000x1xf32>
    %div3A = arith.constant 1.000000e+00 : f32
    %div3A_11 = vector.broadcast %div3A : f32 to vector<1000x1xf32>
    %div3A_12 = arith.divf %div3A_11, %max3A_10 : vector<1000x1xf32>
    %get3A_13 = arith.constant 0 : index
    %get3A_14 = arith.constant 0 : index
    %get3A_15 = arith.constant 0 : index
    %get3A_16 = vector.load %arg2[%get3A_13, %get3A_14, %get3A_15] : memref<2x1000x128xf32, #tpu.memory_space<vmem>>, vector<1x1000x128xf32>
    %get3A_17 = vector.shape_cast %get3A_16 : vector<1x1000x128xf32> to vector<1000x128xf32>
    %get3A_18 = arith.constant 1 : index
    %get3A_19 = arith.constant 0 : index
    %get3A_20 = arith.constant 0 : index
    %get3A_21 = vector.load %arg2[%get3A_18, %get3A_19, %get3A_20] : memref<2x1000x128xf32, #tpu.memory_space<vmem>>, vector<1x1000x128xf32>
    %get3A_22 = vector.shape_cast %get3A_21 : vector<1x1000x128xf32> to vector<1000x128xf32>
    %add3A_23 = arith.addf %get3A_17, %get3A_22 : vector<1000x128xf32>
    %mul3A = vector.broadcast %div3A_12 : vector<1000x1xf32> to vector<1000x128xf32>
    %mul3A_24 = arith.mulf %add3A_23, %mul3A : vector<1000x128xf32>
    %get3A_25 = arith.constant 0 : index
    %get3A_26 = arith.constant 0 : index
    %get3A_27 = vector.load %arg1[%get3A_25, %get3A_26] : memref<1000x128xf32, #tpu.memory_space<vmem>>, vector<1000x128xf32>
    %add3A_28 = arith.addf %get3A_27, %mul3A_24 : vector<1000x128xf32>
    %mul3A_29 = arith.constant 5.000000e-01 : f32
    %mul3A_30 = vector.broadcast %mul3A_29 : f32 to vector<1000x128xf32>
    %mul3A_31 = arith.mulf %mul3A_30, %add3A_28 : vector<1000x128xf32>
    %max3A_32 = arith.constant 0.000000e+00 : f32
    %max3A_33 = vector.broadcast %max3A_32 : f32 to vector<1000x128xf32>
    %max3A_34 = arith.maximumf %mul3A_31, %max3A_33 : vector<1000x128xf32>
    %swap3A = arith.constant 0 : index
    %swap3A_35 = arith.constant 0 : index
    %swap3A_36 = vector.load %arg4[%swap3A, %swap3A_35] : memref<1000x128xf32, #tpu.memory_space<vmem>>, vector<1000x128xf32>
    tpu.vector_store %arg4[%swap3A, %swap3A_35], %max3A_34 {strides = array<i32>} : memref<1000x128xf32, #tpu.memory_space<vmem>>, vector<1000x128xf32>,
    %broadcast_in_dim3A = vector.shape_cast %div3A_12 : vector<1000x1xf32> to vector<1000x1xf32>
    %broadcast_in_dim3A_37 = vector.broadcast %broadcast_in_dim3A : vector<1000x1xf32> to vector<1000x128xf32>
    %swap3A_38 = arith.constant 0 : index
    %swap3A_39 = arith.constant 0 : index
    %swap3A_40 = vector.load %arg5[%swap3A_38, %swap3A_39] : memref<1000x128xf32, #tpu.memory_space<vmem>>, vector<1000x128xf32>
    tpu.vector_store %arg5[%swap3A_38, %swap3A_39], %broadcast_in_dim3A_37 {strides = array<i32>} : memref<1000x128xf32, #tpu.memory_space<vmem>>, vector<1000x128xf32>,
    return
  }
  func.func @transform_0(%arg0: i32) -> (i32, i32) {
    %c0_i32 = arith.constant 0 : i32
    %c0_i32_0 = arith.constant 0 : i32
    return %arg0, %c0_i32 : i32, i32
  }
  func.func @transform_1(%arg0: i32) -> (i32, i32, i32) {
    %c0_i32 = arith.constant 0 : i32
    %c0_i32_0 = arith.constant 0 : i32
    %c0_i32_1 = arith.constant 0 : i32
    return %c0_i32, %arg0, %c0_i32_0 : i32, i32, i32
  }
  func.func @transform_2(%arg0: i32) -> (i32, i32, i32) {
    %c0_i32 = arith.constant 0 : i32
    %c0_i32_0 = arith.constant 0 : i32
    %c0_i32_1 = arith.constant 0 : i32
    return %c0_i32, %arg0, %c0_i32_0 : i32, i32, i32
  }
  func.func @transform_3(%arg0: i32) -> (i32, i32) {
    %c0_i32 = arith.constant 0 : i32
    %c0_i32_0 = arith.constant 0 : i32
    return %arg0, %c0_i32 : i32, i32
  }
  func.func @transform_4(%arg0: i32) -> (i32, i32) {
    %c0_i32 = arith.constant 0 : i32
    %c0_i32_0 = arith.constant 0 : i32
    return %arg0, %c0_i32 : i32, i32
  }
}

module attributes {stable_mosaic.version = 14 : i64} {
  func.func @_combine_mm_body(%arg0: i32, %arg1: memref<1000x128xf32, #tpu.memory_space<vmem>>, %arg2: memref<2x1000x128xf32, #tpu.memory_space<vmem>>, %arg3: memref<1000x128xf32, #tpu.memory_space<vmem>>, %arg4: memref<128x128xf32, #tpu.memory_space<vmem>>, %arg5: memref<1x128xf32, #tpu.memory_space<vmem>>, %arg6: memref<1000x128xf32, #tpu.memory_space<vmem>>) attributes {dimension_semantics = [#tpu.dimension_semantics<arbitrary>], iteration_bounds = array<i64: 10>, scalar_prefetch = 0 : i64, scratch_operands = 0 : i64, tpu.core_type = #tpu.core_type<tc>, window_params = [{transform_indices = @transform_0, window_bounds = array<i64: 1000, 128>}, {transform_indices = @transform_1, window_bounds = array<i64: 2, 1000, 128>}, {transform_indices = @transform_2, window_bounds = array<i64: 1000, 128>}, {pipeline_mode = #tpu.pipeline_mode<synchronous>, transform_indices = @transform_3, window_bounds = array<i64: 128, 128>}, {pipeline_mode = #tpu.pipeline_mode<synchronous>, transform_indices = @transform_4, window_bounds = array<i64: 1, 128>}, {transform_indices = @transform_5, window_bounds = array<i64: 1000, 128>}]} {
    %get3A = arith.constant 0 : index
    %get3A_0 = arith.constant 0 : index
    %get3A_1 = vector.load %arg1[%get3A, %get3A_0] : memref<1000x128xf32, #tpu.memory_space<vmem>>, vector<1000x128xf32>
    %get3A_2 = arith.constant 0 : index
    %get3A_3 = arith.constant 0 : index
    %get3A_4 = arith.constant 0 : index
    %get3A_5 = vector.load %arg2[%get3A_2, %get3A_3, %get3A_4] : memref<2x1000x128xf32, #tpu.memory_space<vmem>>, vector<1x1000x128xf32>
    %get3A_6 = vector.shape_cast %get3A_5 : vector<1x1000x128xf32> to vector<1000x128xf32>
    %get3A_7 = arith.constant 1 : index
    %get3A_8 = arith.constant 0 : index
    %get3A_9 = arith.constant 0 : index
    %get3A_10 = vector.load %arg2[%get3A_7, %get3A_8, %get3A_9] : memref<2x1000x128xf32, #tpu.memory_space<vmem>>, vector<1x1000x128xf32>
    %get3A_11 = vector.shape_cast %get3A_10 : vector<1x1000x128xf32> to vector<1000x128xf32>
    %add3A = arith.addf %get3A_6, %get3A_11 : vector<1000x128xf32>
    %get3A_12 = arith.constant 0 : index
    %get3A_13 = arith.constant 0 : index
    %get3A_14 = vector.load %arg3[%get3A_12, %get3A_13] : memref<1000x128xf32, #tpu.memory_space<vmem>>, vector<1000x128xf32>
    %mul3A = arith.mulf %add3A, %get3A_14 : vector<1000x128xf32>
    %add3A_15 = arith.addf %get3A_1, %mul3A : vector<1000x128xf32>
    %mul3A_16 = arith.constant 5.000000e-01 : f32
    %mul3A_17 = vector.broadcast %mul3A_16 : f32 to vector<1000x128xf32>
    %mul3A_18 = arith.mulf %mul3A_17, %add3A_15 : vector<1000x128xf32>
    %get3A_19 = arith.constant 0 : index
    %get3A_20 = arith.constant 0 : index
    %get3A_21 = vector.load %arg4[%get3A_19, %get3A_20] : memref<128x128xf32, #tpu.memory_space<vmem>>, vector<128x128xf32>
    %dot_general3A = arith.constant dense<0.000000e+00> : vector<1000x128xf32>
    %dot_general3A_22 = tpu.matmul %mul3A_18, %get3A_21, %dot_general3A {dimension_numbers = #tpu.dot_dimension_numbers<[1], [0], [0], [1], [0, 0, 1, 1], [], []>, transpose_lhs_hint = false} : vector<1000x128xf32>, vector<128x128xf32>, vector<1000x128xf32> -> vector<1000x128xf32>
    %get3A_23 = arith.constant 0 : index
    %get3A_24 = arith.constant 0 : index
    %get3A_25 = vector.load %arg5[%get3A_23, %get3A_24] : memref<1x128xf32, #tpu.memory_space<vmem>>, vector<1x128xf32>
    %add3A_26 = vector.broadcast %get3A_25 : vector<1x128xf32> to vector<1000x128xf32>
    %add3A_27 = arith.addf %dot_general3A_22, %add3A_26 : vector<1000x128xf32>
    %max3A = arith.constant 0.000000e+00 : f32
    %max3A_28 = vector.broadcast %max3A : f32 to vector<1000x128xf32>
    %max3A_29 = arith.maximumf %add3A_27, %max3A_28 : vector<1000x128xf32>
    %swap3A = arith.constant 0 : index
    %swap3A_30 = arith.constant 0 : index
    %swap3A_31 = vector.load %arg6[%swap3A, %swap3A_30] : memref<1000x128xf32, #tpu.memory_space<vmem>>, vector<1000x128xf32>
    tpu.vector_store %arg6[%swap3A, %swap3A_30], %max3A_29 {strides = array<i32>} : memref<1000x128xf32, #tpu.memory_space<vmem>>, vector<1000x128xf32>,
    return
  }
  func.func @transform_0(%arg0: i32) -> (i32, i32) {
    %c0_i32 = arith.constant 0 : i32
    %c0_i32_0 = arith.constant 0 : i32
    return %arg0, %c0_i32 : i32, i32
  }
  func.func @transform_1(%arg0: i32) -> (i32, i32, i32) {
    %c0_i32 = arith.constant 0 : i32
    %c0_i32_0 = arith.constant 0 : i32
    %c0_i32_1 = arith.constant 0 : i32
    return %c0_i32, %arg0, %c0_i32_0 : i32, i32, i32
  }
  func.func @transform_2(%arg0: i32) -> (i32, i32) {
    %c0_i32 = arith.constant 0 : i32
    %c0_i32_0 = arith.constant 0 : i32
    return %arg0, %c0_i32 : i32, i32
  }
  func.func @transform_3(%arg0: i32) -> (i32, i32) {
    %c0_i32 = arith.constant 0 : i32
    %c0_i32_0 = arith.constant 0 : i32
    %c0_i32_1 = arith.constant 0 : i32
    return %c0_i32, %c0_i32_0 : i32, i32
  }
  func.func @transform_4(%arg0: i32) -> (i32, i32) {
    %c0_i32 = arith.constant 0 : i32
    %c0_i32_0 = arith.constant 0 : i32
    %c0_i32_1 = arith.constant 0 : i32
    return %c0_i32, %c0_i32_0 : i32, i32
  }
  func.func @transform_5(%arg0: i32) -> (i32, i32) {
    %c0_i32 = arith.constant 0 : i32
    %c0_i32_0 = arith.constant 0 : i32
    return %arg0, %c0_i32 : i32, i32
  }
}

module attributes {stable_mosaic.version = 14 : i64} {
  func.func @_combine_mm_body(%arg0: i32, %arg1: memref<1000x128xf32, #tpu.memory_space<vmem>>, %arg2: memref<2x1000x128xf32, #tpu.memory_space<vmem>>, %arg3: memref<1000x128xf32, #tpu.memory_space<vmem>>, %arg4: memref<128x128xf32, #tpu.memory_space<vmem>>, %arg5: memref<1x128xf32, #tpu.memory_space<vmem>>, %arg6: memref<1000x128xf32, #tpu.memory_space<vmem>>) attributes {dimension_semantics = [#tpu.dimension_semantics<arbitrary>], iteration_bounds = array<i64: 10>, scalar_prefetch = 0 : i64, scratch_operands = 0 : i64, tpu.core_type = #tpu.core_type<tc>, window_params = [{transform_indices = @transform_0, window_bounds = array<i64: 1000, 128>}, {transform_indices = @transform_1, window_bounds = array<i64: 2, 1000, 128>}, {transform_indices = @transform_2, window_bounds = array<i64: 1000, 128>}, {pipeline_mode = #tpu.pipeline_mode<synchronous>, transform_indices = @transform_3, window_bounds = array<i64: 128, 128>}, {pipeline_mode = #tpu.pipeline_mode<synchronous>, transform_indices = @transform_4, window_bounds = array<i64: 1, 128>}, {transform_indices = @transform_5, window_bounds = array<i64: 1000, 128>}]} {
    %get3A = arith.constant 0 : index
    %get3A_0 = arith.constant 0 : index
    %get3A_1 = vector.load %arg1[%get3A, %get3A_0] : memref<1000x128xf32, #tpu.memory_space<vmem>>, vector<1000x128xf32>
    %get3A_2 = arith.constant 0 : index
    %get3A_3 = arith.constant 0 : index
    %get3A_4 = arith.constant 0 : index
    %get3A_5 = vector.load %arg2[%get3A_2, %get3A_3, %get3A_4] : memref<2x1000x128xf32, #tpu.memory_space<vmem>>, vector<1x1000x128xf32>
    %get3A_6 = vector.shape_cast %get3A_5 : vector<1x1000x128xf32> to vector<1000x128xf32>
    %get3A_7 = arith.constant 1 : index
    %get3A_8 = arith.constant 0 : index
    %get3A_9 = arith.constant 0 : index
    %get3A_10 = vector.load %arg2[%get3A_7, %get3A_8, %get3A_9] : memref<2x1000x128xf32, #tpu.memory_space<vmem>>, vector<1x1000x128xf32>
    %get3A_11 = vector.shape_cast %get3A_10 : vector<1x1000x128xf32> to vector<1000x128xf32>
    %add3A = arith.addf %get3A_6, %get3A_11 : vector<1000x128xf32>
    %get3A_12 = arith.constant 0 : index
    %get3A_13 = arith.constant 0 : index
    %get3A_14 = vector.load %arg3[%get3A_12, %get3A_13] : memref<1000x128xf32, #tpu.memory_space<vmem>>, vector<1000x128xf32>
    %mul3A = arith.mulf %add3A, %get3A_14 : vector<1000x128xf32>
    %add3A_15 = arith.addf %get3A_1, %mul3A : vector<1000x128xf32>
    %mul3A_16 = arith.constant 5.000000e-01 : f32
    %mul3A_17 = vector.broadcast %mul3A_16 : f32 to vector<1000x128xf32>
    %mul3A_18 = arith.mulf %mul3A_17, %add3A_15 : vector<1000x128xf32>
    %get3A_19 = arith.constant 0 : index
    %get3A_20 = arith.constant 0 : index
    %get3A_21 = vector.load %arg4[%get3A_19, %get3A_20] : memref<128x128xf32, #tpu.memory_space<vmem>>, vector<128x128xf32>
    %dot_general3A = arith.constant dense<0.000000e+00> : vector<1000x128xf32>
    %dot_general3A_22 = tpu.matmul %mul3A_18, %get3A_21, %dot_general3A {dimension_numbers = #tpu.dot_dimension_numbers<[1], [0], [0], [1], [0, 0, 1, 1], [], []>, transpose_lhs_hint = false} : vector<1000x128xf32>, vector<128x128xf32>, vector<1000x128xf32> -> vector<1000x128xf32>
    %get3A_23 = arith.constant 0 : index
    %get3A_24 = arith.constant 0 : index
    %get3A_25 = vector.load %arg5[%get3A_23, %get3A_24] : memref<1x128xf32, #tpu.memory_space<vmem>>, vector<1x128xf32>
    %add3A_26 = vector.broadcast %get3A_25 : vector<1x128xf32> to vector<1000x128xf32>
    %add3A_27 = arith.addf %dot_general3A_22, %add3A_26 : vector<1000x128xf32>
    %max3A = arith.constant 0.000000e+00 : f32
    %max3A_28 = vector.broadcast %max3A : f32 to vector<1000x128xf32>
    %max3A_29 = arith.maximumf %add3A_27, %max3A_28 : vector<1000x128xf32>
    %swap3A = arith.constant 0 : index
    %swap3A_30 = arith.constant 0 : index
    %swap3A_31 = vector.load %arg6[%swap3A, %swap3A_30] : memref<1000x128xf32, #tpu.memory_space<vmem>>, vector<1000x128xf32>
    tpu.vector_store %arg6[%swap3A, %swap3A_30], %max3A_29 {strides = array<i32>} : memref<1000x128xf32, #tpu.memory_space<vmem>>, vector<1000x128xf32>,
    return
  }
  func.func @transform_0(%arg0: i32) -> (i32, i32) {
    %c0_i32 = arith.constant 0 : i32
    %c0_i32_0 = arith.constant 0 : i32
    return %arg0, %c0_i32 : i32, i32
  }
  func.func @transform_1(%arg0: i32) -> (i32, i32, i32) {
    %c0_i32 = arith.constant 0 : i32
    %c0_i32_0 = arith.constant 0 : i32
    %c0_i32_1 = arith.constant 0 : i32
    return %c0_i32, %arg0, %c0_i32_0 : i32, i32, i32
  }
  func.func @transform_2(%arg0: i32) -> (i32, i32) {
    %c0_i32 = arith.constant 0 : i32
    %c0_i32_0 = arith.constant 0 : i32
    return %arg0, %c0_i32 : i32, i32
  }
  func.func @transform_3(%arg0: i32) -> (i32, i32) {
    %c0_i32 = arith.constant 0 : i32
    %c0_i32_0 = arith.constant 0 : i32
    %c0_i32_1 = arith.constant 0 : i32
    return %c0_i32, %c0_i32_0 : i32, i32
  }
  func.func @transform_4(%arg0: i32) -> (i32, i32) {
    %c0_i32 = arith.constant 0 : i32
    %c0_i32_0 = arith.constant 0 : i32
    %c0_i32_1 = arith.constant 0 : i32
    return %c0_i32, %c0_i32_0 : i32, i32
  }
  func.func @transform_5(%arg0: i32) -> (i32, i32) {
    %c0_i32 = arith.constant 0 : i32
    %c0_i32_0 = arith.constant 0 : i32
    return %arg0, %c0_i32 : i32, i32
  }
}

</mosaic_0001>

<sc_bundles>
// kernel: kernel.10.cloned.1.call-start
scs
__scs_entry_jumppad:
0x0: {  	(pc) =	sbr.rel $0x88, $3  }
0x1: {  	(tag) =	ssettag $0x0;
	lr =	simm.s32 $0x1  }
0x2: {  	[smem:$0x3F99] =	sst lr;
	_ =	strace $0xD0000000  }
0x3: {  	_ = 	snop  }
0x4: {  	_ = 	snop  }
0x5: {  	_ = 	snop  }
0x6: {  	_ = 	snop  }
0x7: {  	_ = 	snop  }
__scs_overlays_trampoline_lowered:
0x8: {  	[smem:$0x3FA8] =	sst s0  }
0x9: {  	[smem:$0x3FA9] =	sst s1  }
0xa: {  	[smem:$0x3FAA] =	sst s2  }
0xb: {  	[smem:$0x3FAB] =	sst s3  }
0xc: {  	[smem:$0x3FAC] =	sst s4  }
0xd: {  	[smem:$0x3FAD] =	sst s5  }
0xe: {  	[smem:$0x3FAE] =	sst s6  }
0xf: {  	[smem:$0x3FAF] =	sst s7  }
0x10: {  	[smem:$0x3FB0] =	sst s8  }
0x11: {  	[smem:$0x3FB1] =	sst s9;
	s0 =	simm.s32 @!p0 $0x0  }
0x12: {  	s1 =	sld [smem:$0x3F97];
	s0 =	simm.s32 @p0 $0x1  }
0x13: {  	[smem:$0x3FB2] =	sst s0;
	s0 =	simm.s32 @!p1 $0x0  }
0x14: {  	s2 =	sld [smem:$0x3F96];
	s0 =	simm.s32 @p1 $0x1  }
0x15: {  	[smem:$0x3FB3] =	sst s0;
	s0 =	simm.s32 @!p2 $0x0  }
0x16: {  	s3 =	sld [smem:$0x3FDB];
	s0 =	simm.s32 @p2 $0x1  }
0x17: {  	s4 =	simm.s32 $0x1BF5;
	[smem:$0x3FB5] =	sst s0  }
0x18: {  	s0 =	sld [smem:$0x3F98];
	_ =	swait.ge [sflag:s4], $0x0  }
0x19: {  	s7 =	sld [smem:$0x3F99]  }
0x1a: {  	s8 =	sadd.s32 $0xFFFFE003, lr  }
0x1b: {  	s9 =	sadd.s32 $0xFFFFFEF7, lr;
	s5 =	simm.s32 $0xFFFFFFFF;
	p2 =	slt.u32 s8, $0xFFFFF086  }
0x1c: {  	p1 =	slt.u32 s9, $0xF7A;
	s5 =	simm.s32 @!p2 $0x0  }
0x1d: {  	s5 =	simm.s32 @p1 $0x1;
	p0 =	seq.s32 s7, s2  }
0x1e: {  	s7 =	smul.u32 @!p0 $0xF7A, s2;
	p2 =	seq.s32 @!p0 s5, $0x0  }
0x1f: {  	s9 =	smul.u32 $0xF7A, s1;
	s8 =	simm.s32 @!p0 $0x1BF5;
	p2 =	por !p2, p0  }
0x20: {  	[sflag:s8] =	ssyncset.s32 @!p0 $0xFFFFF086;
	s6 =	sadd.s32 @!p0 s3, s7;
	s7 =	simm.s32 @!p0 $0x108  }
0x21: {  	s3 =	sadd.s32 s3, s9;
	s6 =	sadd.s32 @!p0 $0x88, s6;
	s7 =	simm.s32 @p2 $0x1082  }
0x22: {  	[simem:s7], [sflag:s8] =	dma.local @!p0 [hbm:s6], $0xF7A  }
0x23: {  	s9 =	sor.u32 $0xD0000000, s2;
	s6 =	simm.s32 $0x108;
	_ =	swait.ge @!p0 [sflag:s8], $0x0  }
0x24: {  	s3 =	sadd.s32 $0x88, s3;
	s6 =	simm.s32 @!p1 $0x1082;
	[sflag:s4] =	ssyncset.s32 $0xFFFFF086  }
0x25: {  	[simem:s6], [sflag:s4] =	dma.local [hbm:s3], $0xF7A  }
0x26: {  	[smem:$0x3F99] =	sst s1;
	(tag) =	ssettag s2;
	_ =	strace s9  }
0x27: {  	s1 =	sld [smem:$0x3FA9]  }
0x28: {  	s2 =	sld [smem:$0x3FAA]  }
0x29: {  	s4 =	sld [smem:$0x3FAC]  }
0x2a: {  	p0 =	seq.s32 s5, $0x0;
	s5 =	sld [smem:$0x3FAD]  }
0x2b: {  	s6 =	sld [smem:$0x3FAE]  }
0x2c: {  	s7 =	sld [smem:$0x3FAF]  }
0x2d: {  	s3 =	simm.s32 $0x108;
	s8 =	sld [smem:$0x3FB0]  }
0x2e: {  	s3 =	simm.s32 @!p0 $0x1082;
	s9 =	sld [smem:$0x3FB1]  }
0x2f: {  	lr =	sadd.s32 s0, s3;
	s0 =	sld [smem:$0x3FA8]  }
0x30: {  	s3 =	sld [smem:$0x3FAB]  }
0x31: {  	[smem:$0x3FB4] =	sst s10  }
0x32: {  	s10 =	sld [smem:$0x3FB2];
	_ =	sdelay $0x3  }
0x33: {  	p0 =	seq.s32 s10, $0x1;
	s10 =	sld [smem:$0x3FB4];
	_ =	sdelay $0x3  }
0x34: {  	[smem:$0x3FB4] =	sst s10  }
0x35: {  	s10 =	sld [smem:$0x3FB3];
	_ =	sdelay $0x3  }
0x36: {  	p1 =	seq.s32 s10, $0x1;
	s10 =	sld [smem:$0x3FB4];
	_ =	sdelay $0x3  }
0x37: {  	[smem:$0x3FB4] =	sst s10  }
0x38: {  	s10 =	sld [smem:$0x3FB5]  }
0x39: {  	_ = 	snop;
	(pc) =	sbr.ind lr, $3  }
0x3a: {  	_ = 	snop  }
0x3b: {  	_ = 	snop  }
0x3c: {  	p2 =	seq.s32 s10, $0x1;
	s10 =	sld [smem:$0x3FB4]  }
0x3d: {  	_ =	shalt  }
0x3e: {  	_ =	shalt  }
0x3f: {  	_ =	shalt  }
0x40: {  	_ =	shalt  }
0x41: {  	_ =	shalt  }
0x42: {  	_ =	shalt  }
0x43: {  	_ =	shalt  }
0x44: {  	_ =	shalt  }
0x45: {  	_ =	shalt  }
0x46: {  	_ =	shalt  }
0x47: {  	_ =	shalt  }
0x48: {  	_ =	shalt  }
0x49: {  	_ =	shalt  }
0x4a: {  	_ =	shalt  }
0x4b: {  	_ =	shalt  }
0x4c: {  	_ =	shalt  }
0x4d: {  	_ =	shalt  }
0x4e: {  	_ =	shalt  }
0x4f: {  	_ =	shalt  }
0x50: {  	_ =	shalt  }
0x51: {  	_ =	shalt  }
0x52: {  	_ =	shalt  }
0x53: {  	_ =	shalt  }
0x54: {  	_ =	shalt  }
0x55: {  	_ =	shalt  }
0x56: {  	_ =	shalt  }
0x57: {  	_ =	shalt  }
0x58: {  	_ =	shalt  }
0x59: {  	_ =	shalt  }
0x5a: {  	_ =	shalt  }
0x5b: {  	_ =	shalt  }
0x5c: {  	_ =	shalt  }
0x5d: {  	_ =	shalt  }
0x5e: {  	_ =	shalt  }
0x5f: {  	_ =	shalt  }
0x60: {  	_ =	shalt  }
0x61: {  	_ =	shalt  }
0x62: {  	_ =	shalt  }
0x63: {  	_ =	shalt  }
0x64: {  	_ =	shalt  }
0x65: {  	_ =	shalt  }
0x66: {  	_ =	shalt  }
0x67: {  	_ =	shalt  }
0x68: {  	_ =	shalt  }
0x69: {  	_ =	shalt  }
0x6a: {  	_ =	shalt  }
0x6b: {  	_ =	shalt  }
0x6c: {  	_ =	shalt  }
0x6d: {  	_ =	shalt  }
0x6e: {  	_ =	shalt  }
0x6f: {  	_ =	shalt  }
0x70: {  	_ =	shalt  }
0x71: {  	_ =	shalt  }
0x72: {  	_ =	shalt  }
0x73: {  	_ =	shalt  }
0x74: {  	_ =	shalt  }
0x75: {  	_ =	shalt  }
0x76: {  	_ =	shalt  }
0x77: {  	_ =	shalt  }
0x78: {  	_ =	shalt  }
0x79: {  	_ =	shalt  }
0x7a: {  	_ =	shalt  }
0x7b: {  	_ =	shalt  }
0x7c: {  	_ =	shalt  }
0x7d: {  	_ =	shalt  }
0x7e: {  	_ =	shalt  }
0x7f: {  	_ =	shalt  }
0x80: {  	_ =	shalt  }
0x81: {  	_ =	shalt  }
0x82: {  	_ =	shalt  }
0x83: {  	_ =	shalt  }
0x84: {  	_ =	shalt  }
0x85: {  	_ =	shalt  }
0x86: {  	_ =	shalt  }
0x87: {  	_ =	shalt  }
.Lfunc_end0:
.L_simem_size_0:
called_computation_lowered:
.L_overlay_start_0:
0x88: {  	s2 =	sld [smem:$0x3FD9]  }
0x89: {  	s3 =	sld [smem:$0x3FFE];
	_ =	sdelay $0x1  }
0x8a: {  	s1 =	srdreg.scid  }
0x8b: {  	s0 =	sand.u32 $0x1, s1  }
0x8c: {  	s17 =	sshll.u32 s0, $0xA;
	s2 =	sadd.s32 s3, s2  }
0x8d: {  	s2 =	sadd.s32 s2, s17  }
0x8e: {  	[smem:$0x3FC0] =	sst s2  }
0x8f: {  	_ = 	snop  }
0x90: {  	(tm) =	ssettm $0x1  }
0x91: {  	s18 =	sld [smem:$0x3FFB];
	_ =	sdelay $0x3  }
0x92: {  	_ =	strace s18  }
0x93: {  	s2 =	sld [smem:$0x3FFC];
	_ =	sdelay $0x3  }
0x94: {  	_ =	strace s2  }
0x95: {  	s2 =	sld [smem:$0x3FFD];
	_ =	sdelay $0x3  }
0x96: {  	_ =	strace s2  }
0x97: {  	_ =	strace $0x8FFFFFFF  }
0x98: {  	s19 =	sld [smem:$0x3FDB];
	_ =	sdelay $0x1  }
0x99: {  	s20 =	simm.s32 $_scs_section_size  }
0x9a: {  	s4 =	simm.s32 $_size__tile_overlayer_lowered;
	s5 =	simm.s32 $_tile_overlayer_lowered  }
0x9b: {  	s6 =	simm.s32 $0x1BFF;
	s21 =	sshll.u32 s5, $0x1;
	s3 =	sadd.s32 s20, s19  }
0x9c: {  	s22 =	simm.s32 $0x0;
	s4 =	sshll.u32 s4, $0x1;
	s5 =	sadd.s32 s21, s3  }
0x9d: {  	[timem:s22], [sflag:s6] =	dma.local [hbm:s5], s4  }
0x9e: {  	_ =	swait.ge [sflag:s6], s4  }
0x9f: {  	s4 =	ssub.s32 $0x0, s4;
	[sflag:s6] =	ssyncset.done $0x0  }
0xa0: {  	[sflag:s6] =	ssyncadd.s32 s4;
	_ =	sdelay $0x1  }
0xa1: {  	s23 =	simm.s32 $0x1B8B  }
0xa2: {  	_ =	swait.ge [sflag:s23], $0x1  }
0xa3: {  	[sflag:s23] =	ssyncset.done $0x0  }
0xa4: {  	[sflag:s23] =	ssyncadd.s32 $0xFFFFFFFF  }
0xa5: {  	s4 =	sld [smem:$0x0]  }
0xa6: {  	s5 =	sand.u32 $0xFFFFFFFE, s1  }
0xa7: {  	p0 =	sne.s32 s1, s5  }
0xa8: {  	s5 =	sshll.u32 @p0 s5, $0xE  }
0xa9: {  	s5 =	sadd.s32 @p0 $0x11B8D, s5;
	s6 =	sshll.u32 @p0 s4, $0x11  }
0xaa: {  	s5 =	sor.u32 @p0 s6, s5  }
0xab: {  	[sflag:s5] =	ssyncadd.remote.s32 @p0 $0x1;
	_ =	sdelay $0x1  }
0xac: {  	s5 =	simm.s32 @p0 $0x1B8D  }
0xad: {  	_ =	swait.eq @p0 [sflag:s5], $0x1  }
0xae: {  	[sflag:s5] =	ssyncadd.s32 @p0 $0xFFFFFFFF  }
0xaf: {  	s6 =	sshll.u32 @!p0 s1, $0xE  }
0xb0: {  	s6 =	sor.u32 @!p0 $0x4000, s6;
	s5 =	simm.s32 @!p0 $0x1B8D  }
0xb1: {  	s4 =	sshll.u32 @!p0 s4, $0x11;
	s6 =	sadd.s32 @!p0 $0x11B8D, s6;
	_ =	swait.eq @!p0 [sflag:s5], $0x1  }
0xb2: {  	s4 =	sor.u32 @!p0 s4, s6;
	[sflag:s5] =	ssyncadd.s32 @!p0 $0xFFFFFFFF  }
0xb3: {  	s25 =	simm.s32 $0x1B8E;
	s24 =	sld [smem:$0x3FFE];
	[sflag:s4] =	ssyncadd.remote.s32 @!p0 $0x1  }
0xb4: {  	s26 =	simm.s32 $execute0_lowered;
	[smem:$0x3FD2] =	sst s25  }
0xb5: {  	s5 =	sshll.u32 s26, $0x1;
	_ =	strace $0x80000049;
	[dreg:$0x1] =	wrdreg $0xFFFFFFFF  }
0xb6: {  	s28 =	simm.s32 $_size_execute0_lowered;
	s3 =	sadd.s32 s3, s5;
	[dreg:$0x0] =	wrdreg $0x0  }
0xb7: {  	s5 =	sshll.u32 s28, $0x1;
	[dreg:$0x2] =	wrdreg s3  }
0xb8: {  	[dreg:$0x3] =	wrdreg s5  }
0xb9: {  	[dreg:$0x4] =	wrdreg $0xC0  }
0xba: {  	_ =	task [dreg:s22], $0x5FFFF  }
0xbb: {  	[dreg:$0x1] =	wrdreg $0xFFFFFFFF  }
0xbc: {  	[dreg:$0x0] =	wrdreg $0x60  }
0xbd: {  	[dreg:$0x2] =	wrdreg s24  }
0xbe: {  	[dreg:$0x3] =	wrdreg $0x48000  }
0xbf: {  	[dreg:$0x4] =	wrdreg $0x9  }
0xc0: {  	_ =	task.clear_ibuf [dreg:s22], $0x5FFFF;
	_ =	strace $0x90000049  }
0xc1: {  	s29 =	simm.s32 $0x9;
	_ =	strace $0x8000004B  }
0xc2: {  	_ =	swait.ge [sflag:s29], $0x1  }
0xc3: {  	[sflag:s29] =	ssyncadd.s32 $0xFFFFFFFF  }
0xc4: {  	_ =	strace $0x9000004B  }
0xc5: {  	_ =	sfence  }
0xc6: {  	s30 =	sld [smem:$0x0];
	_ =	sdelay $0x2  }
0xc7: {  	s31 =	sshll.u32 s1, $0xD;
	s1 =	sshrl.u32 s1, $0x2  }
0xc8: {  	s4 =	sand.u32 $0x4000, s31;
	s1 =	sadd.s32 s1, s30  }
0xc9: {  	s0 =	sor.u32 s4, s0;
	s1 =	sshll.u32 s1, $0x11  }
0xca: {  	s0 =	sor.u32 s1, s0  }
0xcb: {  	s0 =	sadd.s32 $0x8F2B, s0  }
0xcc: {  	[sflag:s0] =	ssyncadd.remote.s32 $0x1  }
0xcd: {  	_ =	sfence.sel $0xFFFF  }
0xce: {  	[dreg:$0x0] =	wrdreg $0xFFFFFFFF;
	(pc) =	sbr.abs _section_cstart, $3  }
0xcf: {  	[dreg:$0x1] =	wrdreg $0xFFFFFFFF  }
0xd0: {  	_ =	task.clear_ibuf [dreg:s22], $0x2FFFF;
	_ =	strace $0x9FFFFFFF  }
0xd1: {  	(tm) =	ssettm $0x7FFFFFFF  }
tec
execute0_lowered:
.L_overlay_start_1:
0x0: {  	(tag) =	ssettag $0x1  }
0x1: {  	s5 =	rddreg [dreg:$0x0]  }
0x2: {  	s2 =	rddreg [dreg:$0x1]  }
0x3: {  	s0 =	rddreg [dreg:$0x2];
	s3 =	simm.s32 $0x0  }
0x4: {  	s1 =	stileid.u32;
	s4 =	srdreg.scid;
	s13 =	simm.s32 $0x80  }
0x5: {  	s14 =	simm.s32 $0x100;
	s15 =	simm.s32 $0x180;
	s16 =	simm.s32 $0x200  }
0x6: {  	s17 =	simm.s32 $0x280;
	s18 =	simm.s32 $0x300;
	s19 =	simm.s32 $0x380  }
0x7: {  	s20 =	simm.s32 $0x400;
	s21 =	simm.s32 $0x480;
	s22 =	simm.s32 $0x1  }
0x8: {  	s23 =	simm.s32 $0x0;
	[smem:$0x7FF] =	sst s3;
	s7 =	smul.u32 $0x3E80, s1  }
0x9: {  	s6 =	sshll.u32 s1, $0xC;
	s8 =	sand.u32 $0x1, s4;
	s12 =	smul.u32 $0x7D000, s1  }
0xa: {  	s4 =	sadd.s32 $0x98C00, s5;
	p0 =	sgt.u32 s1, $0x9;
	_ =	strace $0x8000004A  }
0xb: {  	s9 =	sadd.s32 s6, s5;
	s29 =	smul.u32 $0x27100, s8;
	s11 =	ssub.s32 $0x2, s8  }
0xc: {  	s8 =	sshll.u32 s8, $0xB;
	s10 =	sadd.s32 s7, s5;
	s30 =	sshrl.u32 s11, $0x1  }
0xd: {  	s31 =	sshrl.u32 s12, $0x2;
	s8 =	sadd.s32 s8, s9;
	s9 =	sshll.u32 @!p0 s1, $0x6  }
0xe: {  	s12 =	simm.s32 $0x2;
	s6 =	sadd.s32 s7, s29;
	s7 =	ssub.s32 s11, s30  }
0xf: {  	s11 =	sadd.s32 s31, s2;
	s8 =	sadd.s32 $0x3800, s8;
	s9 =	sor.u32 @!p0 $0x1C02, s9  }
0x10: {  	s6 =	sadd.s32 s6, s5;
	s5 =	sadd.s32 $0x23800, s10;
	s7 =	smax.u32 s7, $0x1  }
0x11: {  	s10 =	sshrl.u32 @!p0 s11, $0x3;
	s11 =	simm.s32 $0x800;
	s6 =	sadd.s32 $0x99400, s6  }
.LBB2_1:
0x12: {  	[spmem:s10], [sflag:s9] =	dma.local @!p0 [hbm:s5], $0x3E80  }
0x13: {  	s24 =	simm.s32 @!p0 $0x2  }
0x14: {  	_ =	swait.ge @!p0 [sflag:s24], $0x3E80  }
0x15: {  	[sflag:s24] =	ssyncset.done @!p0 $0x0  }
0x16: {  	[sflag:s24] =	ssyncadd.s32 @!p0 $0xFFFFC180  }
0x17: {  	[tilespmem:s11], [sflag:$0x2] =	stream.linear.gather [hbm4b:s4+s3], $0x4000, $0x38;
	[tilespmem:$0x18100] =	vst v63  }
0x18: {  	_ =	swait.ge [sflag:s12], $0x4000  }
0x19: {  	[sflag:s12] =	ssyncset.done $0x0  }
0x1a: {  	[sflag:s12] =	ssyncadd.s32 $0xFFFFC000  }
0x1b: {  	s31 =	sadd.s32 $0x0, s8;
	[bflag:$0x0] =	sbarrier.arrive $0xFFFF  }
0x1c: {  	[tilespmem:s3], [sflag:$0x2] =	stream.linear.gather [hbm4b:s31+s3], $0x500, $0x38;
	[tilespmem:$0x18100] =	vst v63  }
0x1d: {  	_ =	swait.ge [sflag:s12], $0x500  }
0x1e: {  	[sflag:s12] =	ssyncset.done $0x0  }
0x1f: {  	[sflag:s12] =	ssyncadd.s32 $0xFFFFFB00  }
0x20: {  	[spmem:s2] =	stream.indirect.scatter.add.f32 [tilespmem:s11], [sflag:$0x1], $0x80, s3, s13, $0xb8;
	[tilespmem:$0x18100] =	vst v63  }
0x21: {  	_ = 	snop  }
0x22: {  	[spmem:s2] =	stream.indirect.scatter.add.f32 [tilespmem:s11], [sflag:$0x1], $0x80, s13, s13, $0xb8;
	[tilespmem:$0x18100] =	vst v63  }
0x23: {  	_ = 	snop  }
0x24: {  	[spmem:s2] =	stream.indirect.scatter.add.f32 [tilespmem:s11], [sflag:$0x1], $0x80, s14, s13, $0xb8;
	[tilespmem:$0x18100] =	vst v63  }
0x25: {  	_ = 	snop  }
0x26: {  	[spmem:s2] =	stream.indirect.scatter.add.f32 [tilespmem:s11], [sflag:$0x1], $0x80, s15, s13, $0xb8;
	[tilespmem:$0x18100] =	vst v63  }
0x27: {  	_ = 	snop  }
0x28: {  	[spmem:s2] =	stream.indirect.scatter.add.f32 [tilespmem:s11], [sflag:$0x1], $0x80, s16, s13, $0xb8;
	[tilespmem:$0x18100] =	vst v63  }
0x29: {  	_ = 	snop  }
0x2a: {  	[spmem:s2] =	stream.indirect.scatter.add.f32 [tilespmem:s11], [sflag:$0x1], $0x80, s17, s13, $0xb8;
	[tilespmem:$0x18100] =	vst v63  }
0x2b: {  	_ = 	snop  }
0x2c: {  	[spmem:s2] =	stream.indirect.scatter.add.f32 [tilespmem:s11], [sflag:$0x1], $0x80, s18, s13, $0xb8;
	[tilespmem:$0x18100] =	vst v63  }
0x2d: {  	_ = 	snop  }
0x2e: {  	[spmem:s2] =	stream.indirect.scatter.add.f32 [tilespmem:s11], [sflag:$0x1], $0x80, s19, s13, $0xb8;
	[tilespmem:$0x18100] =	vst v63  }
0x2f: {  	_ = 	snop  }
0x30: {  	[spmem:s2] =	stream.indirect.scatter.add.f32 [tilespmem:s11], [sflag:$0x1], $0x80, s20, s13, $0xb8;
	[tilespmem:$0x18100] =	vst v63  }
0x31: {  	_ = 	snop  }
0x32: {  	[spmem:s2] =	stream.indirect.scatter.add.f32 [tilespmem:s11], [sflag:$0x1], $0x80, s21, s13, $0xb8;
	[tilespmem:$0x18100] =	vst v63  }
0x33: {  	_ =	swait.ge [sflag:s22], $0x4000  }
0x34: {  	[sflag:s22] =	ssyncset.done $0x0  }
0x35: {  	[sflag:s22] =	ssyncadd.s32 $0xFFFFC000  }
0x36: {  	_ =	swait.ge [sflag:s22], $0x4000  }
0x37: {  	[sflag:s22] =	ssyncset.done $0x0  }
0x38: {  	[sflag:s22] =	ssyncadd.s32 $0xFFFFC000  }
0x39: {  	_ =	swait.ge [sflag:s22], $0x4000  }
0x3a: {  	[sflag:s22] =	ssyncset.done $0x0  }
0x3b: {  	[sflag:s22] =	ssyncadd.s32 $0xFFFFC000  }
0x3c: {  	_ =	swait.ge [sflag:s22], $0x4000  }
0x3d: {  	[sflag:s22] =	ssyncset.done $0x0  }
0x3e: {  	[sflag:s22] =	ssyncadd.s32 $0xFFFFC000  }
0x3f: {  	_ =	swait.ge [sflag:s22], $0x4000  }
0x40: {  	[sflag:s22] =	ssyncset.done $0x0  }
0x41: {  	[sflag:s22] =	ssyncadd.s32 $0xFFFFC000  }
0x42: {  	_ =	swait.ge [sflag:s22], $0x4000  }
0x43: {  	[sflag:s22] =	ssyncset.done $0x0  }
0x44: {  	[sflag:s22] =	ssyncadd.s32 $0xFFFFC000  }
0x45: {  	_ =	swait.ge [sflag:s22], $0x4000  }
0x46: {  	[sflag:s22] =	ssyncset.done $0x0  }
0x47: {  	[sflag:s22] =	ssyncadd.s32 $0xFFFFC000  }
0x48: {  	_ =	swait.ge [sflag:s22], $0x4000  }
0x49: {  	[sflag:s22] =	ssyncset.done $0x0  }
0x4a: {  	[sflag:s22] =	ssyncadd.s32 $0xFFFFC000  }
0x4b: {  	_ =	swait.ge [sflag:s22], $0x4000  }
0x4c: {  	[sflag:s22] =	ssyncset.done $0x0  }
0x4d: {  	[sflag:s22] =	ssyncadd.s32 $0xFFFFC000  }
0x4e: {  	_ =	swait.ge [sflag:s22], $0x4000  }
0x4f: {  	s26 =	simm.s32 $0x200;
	s24 =	simm.s32 $0x100;
	[sflag:s22] =	ssyncset.done $0x0  }
.LBB2_2:
0x50: {  	s28 =	sadd.s32 s24, s8  }
0x51: {  	[sflag:s22] =	ssyncadd.s32 $0xFFFFC000;
	s24 =	smov.u32 s26;
	s25 =	sadd.s32 $0x100, s26  }
0x52: {  	[tilespmem:s3], [sflag:$0x2] =	stream.linear.gather [hbm4b:s28+s3], $0x500, $0x38;
	[tilespmem:$0x18100] =	vst v63  }
0x53: {  	p1 =	sne.s32 s26, $0x700;
	_ =	swait.ge [sflag:s12], $0x500  }
0x54: {  	[sflag:s12] =	ssyncset.done $0x0  }
0x55: {  	[sflag:s12] =	ssyncadd.s32 $0xFFFFFB00  }
0x56: {  	[spmem:s2] =	stream.indirect.scatter.add.f32 [tilespmem:s11], [sflag:$0x1], $0x80, s3, s13, $0xb8;
	[tilespmem:$0x18100] =	vst v63  }
0x57: {  	_ = 	snop  }
0x58: {  	[spmem:s2] =	stream.indirect.scatter.add.f32 [tilespmem:s11], [sflag:$0x1], $0x80, s13, s13, $0xb8;
	[tilespmem:$0x18100] =	vst v63  }
0x59: {  	_ = 	snop  }
0x5a: {  	[spmem:s2] =	stream.indirect.scatter.add.f32 [tilespmem:s11], [sflag:$0x1], $0x80, s14, s13, $0xb8;
	[tilespmem:$0x18100] =	vst v63  }
0x5b: {  	_ = 	snop  }
0x5c: {  	[spmem:s2] =	stream.indirect.scatter.add.f32 [tilespmem:s11], [sflag:$0x1], $0x80, s15, s13, $0xb8;
	[tilespmem:$0x18100] =	vst v63  }
0x5d: {  	_ = 	snop  }
0x5e: {  	[spmem:s2] =	stream.indirect.scatter.add.f32 [tilespmem:s11], [sflag:$0x1], $0x80, s16, s13, $0xb8;
	[tilespmem:$0x18100] =	vst v63  }
0x5f: {  	_ = 	snop  }
0x60: {  	[spmem:s2] =	stream.indirect.scatter.add.f32 [tilespmem:s11], [sflag:$0x1], $0x80, s17, s13, $0xb8;
	[tilespmem:$0x18100] =	vst v63  }
0x61: {  	_ = 	snop  }
0x62: {  	[spmem:s2] =	stream.indirect.scatter.add.f32 [tilespmem:s11], [sflag:$0x1], $0x80, s18, s13, $0xb8;
	[tilespmem:$0x18100] =	vst v63  }
0x63: {  	_ = 	snop  }
0x64: {  	[spmem:s2] =	stream.indirect.scatter.add.f32 [tilespmem:s11], [sflag:$0x1], $0x80, s19, s13, $0xb8;
	[tilespmem:$0x18100] =	vst v63  }
0x65: {  	_ = 	snop  }
0x66: {  	[spmem:s2] =	stream.indirect.scatter.add.f32 [tilespmem:s11], [sflag:$0x1], $0x80, s20, s13, $0xb8;
	[tilespmem:$0x18100] =	vst v63  }
0x67: {  	_ = 	snop  }
0x68: {  	[spmem:s2] =	stream.indirect.scatter.add.f32 [tilespmem:s11], [sflag:$0x1], $0x80, s21, s13, $0xb8;
	[tilespmem:$0x18100] =	vst v63  }
0x69: {  	_ =	swait.ge [sflag:s22], $0x4000  }
0x6a: {  	[sflag:s22] =	ssyncset.done $0x0  }
0x6b: {  	[sflag:s22] =	ssyncadd.s32 $0xFFFFC000  }
0x6c: {  	_ =	swait.ge [sflag:s22], $0x4000  }
0x6d: {  	[sflag:s22] =	ssyncset.done $0x0  }
0x6e: {  	[sflag:s22] =	ssyncadd.s32 $0xFFFFC000  }
0x6f: {  	_ =	swait.ge [sflag:s22], $0x4000  }
0x70: {  	[sflag:s22] =	ssyncset.done $0x0  }
0x71: {  	[sflag:s22] =	ssyncadd.s32 $0xFFFFC000  }
0x72: {  	_ =	swait.ge [sflag:s22], $0x4000  }
0x73: {  	[sflag:s22] =	ssyncset.done $0x0  }
0x74: {  	[sflag:s22] =	ssyncadd.s32 $0xFFFFC000  }
0x75: {  	_ =	swait.ge [sflag:s22], $0x4000  }
0x76: {  	[sflag:s22] =	ssyncset.done $0x0  }
0x77: {  	[sflag:s22] =	ssyncadd.s32 $0xFFFFC000  }
0x78: {  	_ =	swait.ge [sflag:s22], $0x4000  }
0x79: {  	[sflag:s22] =	ssyncset.done $0x0  }
0x7a: {  	[sflag:s22] =	ssyncadd.s32 $0xFFFFC000  }
0x7b: {  	_ =	swait.ge [sflag:s22], $0x4000  }
0x7c: {  	[sflag:s22] =	ssyncset.done $0x0  }
0x7d: {  	[sflag:s22] =	ssyncadd.s32 $0xFFFFC000  }
0x7e: {  	_ =	swait.ge [sflag:s22], $0x4000  }
0x7f: {  	[sflag:s22] =	ssyncset.done $0x0  }
0x80: {  	[sflag:s22] =	ssyncadd.s32 $0xFFFFC000  }
.Ltmp0:
0x81: {  	_ =	swait.ge [sflag:s22], $0x4000;
	(pc) =	sbr.rel @p1 .LBB2_2-.Ltmp0, $4  }
0x82: {  	[sflag:s22] =	ssyncset.done $0x0  }
0x83: {  	[sflag:s22] =	ssyncadd.s32 $0xFFFFC000  }
0x84: {  	_ =	swait.ge [sflag:s22], $0x4000  }
0x85: {  	s26 =	smov.u32 s25;
	[sflag:s22] =	ssyncset.done $0x0  }
0x86: {  	s24 =	sadd.s32 s24, s8;
	[sflag:s22] =	ssyncadd.s32 $0xFFFFC000  }
0x87: {  	[tilespmem:s3], [sflag:$0x2] =	stream.linear.gather [hbm4b:s24+s3], $0x500, $0x38;
	[tilespmem:$0x18100] =	vst v63  }
0x88: {  	_ =	swait.ge [sflag:s12], $0x500  }
0x89: {  	[sflag:s12] =	ssyncset.done $0x0  }
0x8a: {  	[sflag:s12] =	ssyncadd.s32 $0xFFFFFB00  }
0x8b: {  	[spmem:s2] =	stream.indirect.scatter.add.f32 [tilespmem:s11], [sflag:$0x1], $0x80, s3, s13, $0xb8;
	[tilespmem:$0x18100] =	vst v63  }
0x8c: {  	_ = 	snop  }
0x8d: {  	[spmem:s2] =	stream.indirect.scatter.add.f32 [tilespmem:s11], [sflag:$0x1], $0x80, s13, s13, $0xb8;
	[tilespmem:$0x18100] =	vst v63  }
0x8e: {  	_ = 	snop  }
0x8f: {  	[spmem:s2] =	stream.indirect.scatter.add.f32 [tilespmem:s11], [sflag:$0x1], $0x80, s14, s13, $0xb8;
	[tilespmem:$0x18100] =	vst v63  }
0x90: {  	_ = 	snop  }
0x91: {  	[spmem:s2] =	stream.indirect.scatter.add.f32 [tilespmem:s11], [sflag:$0x1], $0x80, s15, s13, $0xb8;
	[tilespmem:$0x18100] =	vst v63  }
0x92: {  	_ = 	snop  }
0x93: {  	[spmem:s2] =	stream.indirect.scatter.add.f32 [tilespmem:s11], [sflag:$0x1], $0x80, s16, s13, $0xb8;
	[tilespmem:$0x18100] =	vst v63  }
0x94: {  	_ = 	snop  }
0x95: {  	[spmem:s2] =	stream.indirect.scatter.add.f32 [tilespmem:s11], [sflag:$0x1], $0x80, s17, s13, $0xb8;
	[tilespmem:$0x18100] =	vst v63  }
0x96: {  	_ = 	snop  }
0x97: {  	[spmem:s2] =	stream.indirect.scatter.add.f32 [tilespmem:s11], [sflag:$0x1], $0x80, s18, s13, $0xb8;
	[tilespmem:$0x18100] =	vst v63  }
0x98: {  	_ = 	snop  }
0x99: {  	[spmem:s2] =	stream.indirect.scatter.add.f32 [tilespmem:s11], [sflag:$0x1], $0x80, s19, s13, $0xb8;
	[tilespmem:$0x18100] =	vst v63  }
0x9a: {  	_ = 	snop  }
0x9b: {  	[spmem:s2] =	stream.indirect.scatter.add.f32 [tilespmem:s11], [sflag:$0x1], $0x80, s20, s13, $0xb8;
	[tilespmem:$0x18100] =	vst v63  }
0x9c: {  	_ = 	snop  }
0x9d: {  	[spmem:s2] =	stream.indirect.scatter.add.f32 [tilespmem:s11], [sflag:$0x1], $0x80, s21, s13, $0xb8;
	[tilespmem:$0x18100] =	vst v63  }
0x9e: {  	_ =	swait.ge [sflag:s22], $0x4000  }
0x9f: {  	[sflag:s22] =	ssyncset.done $0x0  }
0xa0: {  	[sflag:s22] =	ssyncadd.s32 $0xFFFFC000  }
0xa1: {  	_ =	swait.ge [sflag:s22], $0x4000  }
0xa2: {  	[sflag:s22] =	ssyncset.done $0x0  }
0xa3: {  	[sflag:s22] =	ssyncadd.s32 $0xFFFFC000  }
0xa4: {  	_ =	swait.ge [sflag:s22], $0x4000  }
0xa5: {  	[sflag:s22] =	ssyncset.done $0x0  }
0xa6: {  	[sflag:s22] =	ssyncadd.s32 $0xFFFFC000  }
0xa7: {  	_ =	swait.ge [sflag:s22], $0x4000  }
0xa8: {  	[sflag:s22] =	ssyncset.done $0x0  }
0xa9: {  	[sflag:s22] =	ssyncadd.s32 $0xFFFFC000  }
0xaa: {  	_ =	swait.ge [sflag:s22], $0x4000  }
0xab: {  	[sflag:s22] =	ssyncset.done $0x0  }
0xac: {  	[sflag:s22] =	ssyncadd.s32 $0xFFFFC000  }
0xad: {  	_ =	swait.ge [sflag:s22], $0x4000  }
0xae: {  	[sflag:s22] =	ssyncset.done $0x0  }
0xaf: {  	[sflag:s22] =	ssyncadd.s32 $0xFFFFC000  }
0xb0: {  	_ =	swait.ge [sflag:s22], $0x4000  }
0xb1: {  	[sflag:s22] =	ssyncset.done $0x0  }
0xb2: {  	[sflag:s22] =	ssyncadd.s32 $0xFFFFC000  }
0xb3: {  	_ =	swait.ge [sflag:s22], $0x4000  }
0xb4: {  	[sflag:s22] =	ssyncset.done $0x0  }
0xb5: {  	[sflag:s22] =	ssyncadd.s32 $0xFFFFC000  }
0xb6: {  	_ =	swait.ge [sflag:s22], $0x4000  }
0xb7: {  	[sflag:s22] =	ssyncset.done $0x0  }
0xb8: {  	[sflag:s22] =	ssyncadd.s32 $0xFFFFC000  }
0xb9: {  	_ =	swait.ge [sflag:s22], $0x4000  }
0xba: {  	s23 =	sadd.s32 $0x1, s23;
	[sflag:s22] =	ssyncset.done $0x0  }
0xbb: {  	p1 =	sne.s32 s23, s7;
	[sflag:s22] =	ssyncadd.s32 $0xFFFFC000  }
.Ltmp1:
0xbc: {  	s24 =	simm.s32 @!p0 $0x2;
	[bflag:$0x0] =	sbarrier.arrive $0xFFFF;
	(pc) =	sbr.rel @p1 .LBB2_1-.Ltmp1, $4  }
0xbd: {  	[hbm:s6], [sflag:s9] =	dma.local @!p0 [spmem:s10], $0x3E80  }
0xbe: {  	_ =	swait.ge @!p0 [sflag:s24], $0x3E80  }
0xbf: {  	[sflag:s24] =	ssyncset.done @!p0 $0x0  }
0xc0: {  	[sflag:s24] =	ssyncadd.s32 @!p0 $0xFFFFC180  }
0xc1: {  	_ =	sfence.sel $0x180000  }
0xc2: {  	[bflag:$0x0] =	sbarrier.arrive $0xFFFF  }
0xc3: {  	p0 =	sne.s32 s1, $0x0;
	_ =	strace $0x9000004A  }
0xc4: {  	s0 =	sadd.s32 @!p0 $0x100000, s0;
	[bflag:$0x2] =	sbarrier.arrive $0xFFFF  }
0xc5: {  	[sflag:s0] =	ssyncadd.tile.s32 @!p0 $0x1;
	_ =	shalt  }
.Lfunc_end2:
_tile_overlayer_lowered:
.L_overlay_start_2:
0xc6: {  	(tag) =	ssettag $0x2  }
0xc7: {  	s0 =	rddreg [dreg:$0x0];
	s2 =	stileid.u32  }
0xc8: {  	s1 =	rddreg [dreg:$0x1];
	p0 =	sne.s32 s2, $0x0  }
0xc9: {  	s3 =	rddreg [dreg:$0x2];
	[bflag:$0x3] =	sbarrier.arrive $0xFFFF;
	s2 =	simm.s32 @!p0 $0x1C02  }
0xca: {  	[timem:s3], [sflag:s2] =	dma.local @!p0 [hbm:s0], s1  }
0xcb: {  	s0 =	simm.s32 @!p0 $0x2  }
0xcc: {  	_ =	swait.ge @!p0 [sflag:s0], s1  }
0xcd: {  	s1 =	ssub.s32 @!p0 $0x0, s1;
	[sflag:s0] =	ssyncset.done @!p0 $0x0  }
0xce: {  	[sflag:s0] =	ssyncadd.s32 @!p0 s1  }
0xcf: {  	[bflag:$0x3] =	sbarrier.arrive $0xFFFF  }
0xd0: {  	_ =	shalt  }

// kernel: kernel.13.cloned.1.call-start
scs
__scs_entry_jumppad:
0x0: {  	(pc) =	sbr.rel $0x88, $3  }
0x1: {  	(tag) =	ssettag $0x0;
	lr =	simm.s32 $0x1  }
0x2: {  	[smem:$0x3F99] =	sst lr;
	_ =	strace $0xD0000000  }
0x3: {  	_ = 	snop  }
0x4: {  	_ = 	snop  }
0x5: {  	_ = 	snop  }
0x6: {  	_ = 	snop  }
0x7: {  	_ = 	snop  }
__scs_overlays_trampoline_lowered:
0x8: {  	[smem:$0x3FA8] =	sst s0  }
0x9: {  	[smem:$0x3FA9] =	sst s1  }
0xa: {  	[smem:$0x3FAA] =	sst s2  }
0xb: {  	[smem:$0x3FAB] =	sst s3  }
0xc: {  	[smem:$0x3FAC] =	sst s4  }
0xd: {  	[smem:$0x3FAD] =	sst s5  }
0xe: {  	[smem:$0x3FAE] =	sst s6  }
0xf: {  	[smem:$0x3FAF] =	sst s7  }
0x10: {  	[smem:$0x3FB0] =	sst s8  }
0x11: {  	[smem:$0x3FB1] =	sst s9;
	s0 =	simm.s32 @!p0 $0x0  }
0x12: {  	s1 =	sld [smem:$0x3F97];
	s0 =	simm.s32 @p0 $0x1  }
0x13: {  	[smem:$0x3FB2] =	sst s0;
	s0 =	simm.s32 @!p1 $0x0  }
0x14: {  	s2 =	sld [smem:$0x3F96];
	s0 =	simm.s32 @p1 $0x1  }
0x15: {  	[smem:$0x3FB3] =	sst s0;
	s0 =	simm.s32 @!p2 $0x0  }
0x16: {  	s3 =	sld [smem:$0x3FDB];
	s0 =	simm.s32 @p2 $0x1  }
0x17: {  	s4 =	simm.s32 $0x1BF5;
	[smem:$0x3FB5] =	sst s0  }
0x18: {  	s0 =	sld [smem:$0x3F98];
	_ =	swait.ge [sflag:s4], $0x0  }
0x19: {  	s7 =	sld [smem:$0x3F99]  }
0x1a: {  	s8 =	sadd.s32 $0xFFFFE003, lr  }
0x1b: {  	s9 =	sadd.s32 $0xFFFFFEF7, lr;
	s5 =	simm.s32 $0xFFFFFFFF;
	p2 =	slt.u32 s8, $0xFFFFF086  }
0x1c: {  	p1 =	slt.u32 s9, $0xF7A;
	s5 =	simm.s32 @!p2 $0x0  }
0x1d: {  	s5 =	simm.s32 @p1 $0x1;
	p0 =	seq.s32 s7, s2  }
0x1e: {  	s7 =	smul.u32 @!p0 $0xF7A, s2;
	p2 =	seq.s32 @!p0 s5, $0x0  }
0x1f: {  	s9 =	smul.u32 $0xF7A, s1;
	s8 =	simm.s32 @!p0 $0x1BF5;
	p2 =	por !p2, p0  }
0x20: {  	[sflag:s8] =	ssyncset.s32 @!p0 $0xFFFFF086;
	s6 =	sadd.s32 @!p0 s3, s7;
	s7 =	simm.s32 @!p0 $0x108  }
0x21: {  	s3 =	sadd.s32 s3, s9;
	s6 =	sadd.s32 @!p0 $0x88, s6;
	s7 =	simm.s32 @p2 $0x1082  }
0x22: {  	[simem:s7], [sflag:s8] =	dma.local @!p0 [hbm:s6], $0xF7A  }
0x23: {  	s9 =	sor.u32 $0xD0000000, s2;
	s6 =	simm.s32 $0x108;
	_ =	swait.ge @!p0 [sflag:s8], $0x0  }
0x24: {  	s3 =	sadd.s32 $0x88, s3;
	s6 =	simm.s32 @!p1 $0x1082;
	[sflag:s4] =	ssyncset.s32 $0xFFFFF086  }
0x25: {  	[simem:s6], [sflag:s4] =	dma.local [hbm:s3], $0xF7A  }
0x26: {  	[smem:$0x3F99] =	sst s1;
	(tag) =	ssettag s2;
	_ =	strace s9  }
0x27: {  	s1 =	sld [smem:$0x3FA9]  }
0x28: {  	s2 =	sld [smem:$0x3FAA]  }
0x29: {  	s4 =	sld [smem:$0x3FAC]  }
0x2a: {  	p0 =	seq.s32 s5, $0x0;
	s5 =	sld [smem:$0x3FAD]  }
0x2b: {  	s6 =	sld [smem:$0x3FAE]  }
0x2c: {  	s7 =	sld [smem:$0x3FAF]  }
0x2d: {  	s3 =	simm.s32 $0x108;
	s8 =	sld [smem:$0x3FB0]  }
0x2e: {  	s3 =	simm.s32 @!p0 $0x1082;
	s9 =	sld [smem:$0x3FB1]  }
0x2f: {  	lr =	sadd.s32 s0, s3;
	s0 =	sld [smem:$0x3FA8]  }
0x30: {  	s3 =	sld [smem:$0x3FAB]  }
0x31: {  	[smem:$0x3FB4] =	sst s10  }
0x32: {  	s10 =	sld [smem:$0x3FB2];
	_ =	sdelay $0x3  }
0x33: {  	p0 =	seq.s32 s10, $0x1;
	s10 =	sld [smem:$0x3FB4];
	_ =	sdelay $0x3  }
0x34: {  	[smem:$0x3FB4] =	sst s10  }
0x35: {  	s10 =	sld [smem:$0x3FB3];
	_ =	sdelay $0x3  }
0x36: {  	p1 =	seq.s32 s10, $0x1;
	s10 =	sld [smem:$0x3FB4];
	_ =	sdelay $0x3  }
0x37: {  	[smem:$0x3FB4] =	sst s10  }
0x38: {  	s10 =	sld [smem:$0x3FB5]  }
0x39: {  	_ = 	snop;
	(pc) =	sbr.ind lr, $3  }
0x3a: {  	_ = 	snop  }
0x3b: {  	_ = 	snop  }
0x3c: {  	p2 =	seq.s32 s10, $0x1;
	s10 =	sld [smem:$0x3FB4]  }
0x3d: {  	_ =	shalt  }
0x3e: {  	_ =	shalt  }
0x3f: {  	_ =	shalt  }
0x40: {  	_ =	shalt  }
0x41: {  	_ =	shalt  }
0x42: {  	_ =	shalt  }
0x43: {  	_ =	shalt  }
0x44: {  	_ =	shalt  }
0x45: {  	_ =	shalt  }
0x46: {  	_ =	shalt  }
0x47: {  	_ =	shalt  }
0x48: {  	_ =	shalt  }
0x49: {  	_ =	shalt  }
0x4a: {  	_ =	shalt  }
0x4b: {  	_ =	shalt  }
0x4c: {  	_ =	shalt  }
0x4d: {  	_ =	shalt  }
0x4e: {  	_ =	shalt  }
0x4f: {  	_ =	shalt  }
0x50: {  	_ =	shalt  }
0x51: {  	_ =	shalt  }
0x52: {  	_ =	shalt  }
0x53: {  	_ =	shalt  }
0x54: {  	_ =	shalt  }
0x55: {  	_ =	shalt  }
0x56: {  	_ =	shalt  }
0x57: {  	_ =	shalt  }
0x58: {  	_ =	shalt  }
0x59: {  	_ =	shalt  }
0x5a: {  	_ =	shalt  }
0x5b: {  	_ =	shalt  }
0x5c: {  	_ =	shalt  }
0x5d: {  	_ =	shalt  }
0x5e: {  	_ =	shalt  }
0x5f: {  	_ =	shalt  }
0x60: {  	_ =	shalt  }
0x61: {  	_ =	shalt  }
0x62: {  	_ =	shalt  }
0x63: {  	_ =	shalt  }
0x64: {  	_ =	shalt  }
0x65: {  	_ =	shalt  }
0x66: {  	_ =	shalt  }
0x67: {  	_ =	shalt  }
0x68: {  	_ =	shalt  }
0x69: {  	_ =	shalt  }
0x6a: {  	_ =	shalt  }
0x6b: {  	_ =	shalt  }
0x6c: {  	_ =	shalt  }
0x6d: {  	_ =	shalt  }
0x6e: {  	_ =	shalt  }
0x6f: {  	_ =	shalt  }
0x70: {  	_ =	shalt  }
0x71: {  	_ =	shalt  }
0x72: {  	_ =	shalt  }
0x73: {  	_ =	shalt  }
0x74: {  	_ =	shalt  }
0x75: {  	_ =	shalt  }
0x76: {  	_ =	shalt  }
0x77: {  	_ =	shalt  }
0x78: {  	_ =	shalt  }
0x79: {  	_ =	shalt  }
0x7a: {  	_ =	shalt  }
0x7b: {  	_ =	shalt  }
0x7c: {  	_ =	shalt  }
0x7d: {  	_ =	shalt  }
0x7e: {  	_ =	shalt  }
0x7f: {  	_ =	shalt  }
0x80: {  	_ =	shalt  }
0x81: {  	_ =	shalt  }
0x82: {  	_ =	shalt  }
0x83: {  	_ =	shalt  }
0x84: {  	_ =	shalt  }
0x85: {  	_ =	shalt  }
0x86: {  	_ =	shalt  }
0x87: {  	_ =	shalt  }
.Lfunc_end0:
.L_simem_size_0:
called_computation.1_lowered:
.L_overlay_start_0:
0x88: {  	s2 =	sld [smem:$0x3FD9]  }
0x89: {  	s3 =	sld [smem:$0x3FFE];
	_ =	sdelay $0x1  }
0x8a: {  	s1 =	srdreg.scid  }
0x8b: {  	s0 =	sand.u32 $0x1, s1  }
0x8c: {  	s17 =	sshll.u32 s0, $0xA;
	s2 =	sadd.s32 s3, s2  }
0x8d: {  	s2 =	sadd.s32 s2, s17  }
0x8e: {  	[smem:$0x3FC0] =	sst s2  }
0x8f: {  	_ = 	snop  }
0x90: {  	s2 =	sld [smem:$0x3FD0];
	(tm) =	ssettm $0x1  }
0x91: {  	s18 =	sld [smem:$0x3FFB];
	_ =	sdelay $0x3  }
0x92: {  	_ =	strace s18  }
0x93: {  	s3 =	sld [smem:$0x3FFC];
	_ =	sdelay $0x3  }
0x94: {  	_ =	strace s3  }
0x95: {  	s3 =	sld [smem:$0x3FFD];
	_ =	sdelay $0x3  }
0x96: {  	_ =	strace s3  }
0x97: {  	_ =	strace $0x8FFFFFFF  }
0x98: {  	s19 =	sld [smem:$0x3FDB];
	_ =	sdelay $0x1  }
0x99: {  	s4 =	simm.s32 $_scs_section_size  }
0x9a: {  	s5 =	simm.s32 $_size__tile_overlayer_lowered;
	s6 =	simm.s32 $_tile_overlayer_lowered  }
0x9b: {  	s22 =	simm.s32 $0x1BFF;
	s21 =	sshll.u32 s6, $0x1;
	s3 =	sadd.s32 s4, s19  }
0x9c: {  	s7 =	simm.s32 $0x0;
	s20 =	sshll.u32 s5, $0x1;
	s5 =	sadd.s32 s21, s3  }
0x9d: {  	[timem:s7], [sflag:s22] =	dma.local [hbm:s5], s20  }
0x9e: {  	_ =	swait.ge [sflag:s22], s20  }
0x9f: {  	s4 =	ssub.s32 $0x0, s20;
	[sflag:s22] =	ssyncset.done $0x0  }
0xa0: {  	[sflag:s22] =	ssyncadd.s32 s4;
	_ =	sdelay $0x1  }
0xa1: {  	s23 =	simm.s32 $0x1B8B  }
0xa2: {  	_ =	swait.ge [sflag:s23], $0x1  }
0xa3: {  	[sflag:s23] =	ssyncset.done $0x0  }
0xa4: {  	s25 =	simm.s32 $0x1B8E;
	s24 =	sld [smem:$0x3FFE];
	[sflag:s23] =	ssyncadd.s32 $0xFFFFFFFF  }
0xa5: {  	s26 =	simm.s32 $execute0_lowered;
	[smem:$0x3FD2] =	sst s25  }
0xa6: {  	s5 =	sshll.u32 s26, $0x1;
	_ =	strace $0x80000046;
	[dreg:$0x1] =	wrdreg $0xFFFFFFFF  }
0xa7: {  	s28 =	simm.s32 $_size_execute0_lowered;
	s3 =	sadd.s32 s3, s5;
	[dreg:$0x0] =	wrdreg $0x0  }
0xa8: {  	s5 =	sshll.u32 s28, $0x1;
	[dreg:$0x2] =	wrdreg s3  }
0xa9: {  	[dreg:$0x3] =	wrdreg s5  }
0xaa: {  	[dreg:$0x4] =	wrdreg $0xC0  }
0xab: {  	_ =	task [dreg:s7], $0x5FFFF  }
0xac: {  	[dreg:$0x1] =	wrdreg $0xFFFFFFFF  }
0xad: {  	[dreg:$0x0] =	wrdreg $0x60  }
0xae: {  	[dreg:$0x2] =	wrdreg s2  }
0xaf: {  	[dreg:$0x3] =	wrdreg s24  }
0xb0: {  	[dreg:$0x4] =	wrdreg $0x90000  }
0xb1: {  	[dreg:$0x5] =	wrdreg $0xA  }
0xb2: {  	_ =	task.clear_ibuf [dreg:s7], $0x6FFFF;
	_ =	strace $0x90000046  }
0xb3: {  	s29 =	simm.s32 $0xA;
	_ =	strace $0x80000048  }
0xb4: {  	_ =	swait.ge [sflag:s29], $0x1  }
0xb5: {  	[sflag:s29] =	ssyncadd.s32 $0xFFFFFFFF  }
0xb6: {  	_ =	strace $0x90000048  }
0xb7: {  	_ =	sfence  }
0xb8: {  	s30 =	sld [smem:$0x0];
	_ =	sdelay $0x2  }
0xb9: {  	s31 =	sshll.u32 s1, $0xD;
	s1 =	sshrl.u32 s1, $0x2  }
0xba: {  	s3 =	sand.u32 $0x4000, s31;
	s1 =	sadd.s32 s1, s30  }
0xbb: {  	s0 =	sor.u32 s3, s0;
	s1 =	sshll.u32 s1, $0x11  }
0xbc: {  	s0 =	sor.u32 s1, s0  }
0xbd: {  	s0 =	sadd.s32 $0x8F2B, s0  }
0xbe: {  	[sflag:s0] =	ssyncadd.remote.s32 $0x1  }
0xbf: {  	_ =	sfence.sel $0xFFFF  }
0xc0: {  	[dreg:$0x0] =	wrdreg $0xFFFFFFFF;
	(pc) =	sbr.abs _section_cstart, $3  }
0xc1: {  	[dreg:$0x1] =	wrdreg $0xFFFFFFFF  }
0xc2: {  	_ =	task.clear_ibuf [dreg:s7], $0x2FFFF;
	_ =	strace $0x9FFFFFFF  }
0xc3: {  	(tm) =	ssettm $0x7FFFFFFF  }
tec
execute0_lowered:
.L_overlay_start_1:
0x0: {  	(tag) =	ssettag $0x1  }
0x1: {  	s2 =	rddreg [dreg:$0x0]  }
0x2: {  	s0 =	rddreg [dreg:$0x1]  }
0x3: {  	s3 =	rddreg [dreg:$0x2]  }
0x4: {  	s10 =	stileid.u32;
	s1 =	srdreg.scid;
	s4 =	simm.s32 $0x0  }
0x5: {  	s11 =	simm.s32 $0x800;
	s12 =	simm.s32 $0x80;
	s13 =	simm.s32 $0x1000  }
0x6: {  	s14 =	simm.s32 $0x1;
	s15 =	simm.s32 $0x5000;
	s16 =	simm.s32 $0x2  }
0x7: {  	s17 =	simm.s32 $0x100;
	s18 =	simm.s32 $0x880;
	s19 =	simm.s32 $0x180  }
0x8: {  	s20 =	simm.s32 $0x900;
	s21 =	simm.s32 $0x200;
	s22 =	simm.s32 $0x980  }
0x9: {  	s23 =	simm.s32 $0x280;
	s24 =	simm.s32 $0xA00;
	s28 =	simm.s32 $0x380  }
0xa: {  	s29 =	simm.s32 $0xB00;
	s30 =	simm.s32 $0x400;
	s31 =	simm.s32 $0xB80  }
0xb: {  	s5 =	smul.u32 $0x3E80, s10;
	s1 =	sand.u32 $0x1, s1;
	[smem:$0x7FF] =	sst s4  }
0xc: {  	s7 =	sshll.u32 s10, $0xC;
	s8 =	smul.u32 $0x7D000, s10;
	p0 =	sgt.u32 s10, $0x9  }
0xd: {  	s6 =	smul.u32 $0x27100, s1;
	_ =	strace $0x80000047;
	s25 =	ssub.s32 $0x2, s1  }
0xe: {  	s7 =	sadd.s32 s7, s0;
	s1 =	sshll.u32 s1, $0xB;
	s9 =	sshrl.u32 s25, $0x1  }
0xf: {  	s8 =	sshrl.u32 s8, $0x2;
	s1 =	sadd.s32 s1, s7;
	s7 =	simm.s32 $0x0  }
0x10: {  	s6 =	sadd.s32 s5, s6;
	s5 =	sadd.s32 s5, s0;
	s8 =	sadd.s32 s8, s3  }
0x11: {  	s26 =	sadd.s32 $0x3800, s1;
	[dreg:$0xb] =	wrdreg s7;
	s0 =	sadd.s32 s6, s0  }
0x12: {  	s6 =	ssub.s32 s25, s9;
	s5 =	sadd.s32 $0x23800, s5;
	[dreg:$0x4] =	wrdreg s26  }
0x13: {  	s8 =	sshrl.u32 @!p0 s8, $0x3;
	s25 =	simm.s32 $0x300;
	[dreg:$0x6] =	wrdreg s5  }
0x14: {  	s26 =	simm.s32 $0xA80;
	s0 =	sadd.s32 $0x4AA00, s0;
	[dreg:$0xa] =	wrdreg s8  }
0x15: {  	s5 =	sadd.s32 $0x13800, s1;
	s6 =	smax.u32 s6, $0x1;
	[dreg:$0x7] =	wrdreg s0  }
0x16: {  	s1 =	simm.s32 $0xC00;
	[dreg:$0x8] =	wrdreg s6;
	s0 =	sshll.u32 @!p0 s10, $0x6  }
0x17: {  	[dreg:$0x5] =	wrdreg s5;
	s10 =	simm.s32 $0x3;
	s9 =	sor.u32 @!p0 $0x1C03, s0  }
0x18: {  	s5 =	simm.s32 $0xC80;
	s0 =	simm.s32 $0x480;
	[dreg:$0x9] =	wrdreg s9  }
.LBB2_1:
0x19: {  	s6 =	rddreg [dreg:$0x6];
	s7 =	simm.s32 @!p0 $0x3  }
0x1a: {  	[spmem:s8], [sflag:s9] =	dma.local @!p0 [hbm:s6], $0x3E80  }
0x1b: {  	_ =	swait.ge @!p0 [sflag:s7], $0x3E80  }
0x1c: {  	[sflag:s7] =	ssyncset.done @!p0 $0x0  }
0x1d: {  	[sflag:s7] =	ssyncadd.s32 @!p0 $0xFFFFC180  }
0x1e: {  	[bflag:$0x0] =	sbarrier.arrive $0xFFFF  }
0x1f: {  	s8 =	rddreg [dreg:$0x5]  }
0x20: {  	s7 =	sadd.s32 $0x0, s8  }
0x21: {  	[tilespmem:s4], [sflag:$0x3] =	stream.linear.gather [hbm4b:s7+s4], $0x500, $0x38;
	[tilespmem:$0x1C900] =	vst v63  }
0x22: {  	_ =	swait.ge [sflag:s10], $0x500  }
0x23: {  	s9 =	rddreg [dreg:$0x4];
	[sflag:s10] =	ssyncset.done $0x0  }
0x24: {  	[sflag:s10] =	ssyncadd.s32 $0xFFFFFB00;
	s7 =	sadd.s32 $0x0, s9  }
0x25: {  	[tilespmem:s11], [sflag:$0x3] =	stream.linear.gather [hbm4b:s7+s4], $0x500, $0x38;
	[tilespmem:$0x1C900] =	vst v63  }
0x26: {  	_ =	swait.ge [sflag:s10], $0x500  }
0x27: {  	[sflag:s10] =	ssyncset.done $0x0  }
0x28: {  	[sflag:s10] =	ssyncadd.s32 $0xFFFFFB00  }
0x29: {  	[tilespmem:s13], [sflag:$0x1] =	stream.indirect.gather [hbm4b:s2+s12], $0x80, s4, s12, $0xb8;
	[tilespmem:$0x1C900] =	vst v63  }
0x2a: {  	_ =	swait.ge [sflag:s14], $0x4000  }
0x2b: {  	[sflag:s14] =	ssyncset.done $0x0  }
0x2c: {  	[sflag:s14] =	ssyncadd.s32 $0xFFFFC000  }
0x2d: {  	[tilespmem:s15], [sflag:$0x2] =	stream.indirect.gather [hbm4b:s2+s12], $0x80, s12, s12, $0xb8;
	[tilespmem:$0x1C900] =	vst v63  }
0x2e: {  	_ = 	snop  }
0x2f: {  	[spmem:s3] =	stream.indirect.scatter.add.f32 [tilespmem:s13], [sflag:$0x3], $0x80, s11, s12, $0xb8;
	[tilespmem:$0x1C900] =	vst v63  }
0x30: {  	_ =	swait.ge [sflag:s10], $0x4000  }
0x31: {  	[sflag:s10] =	ssyncset.done $0x0  }
0x32: {  	[sflag:s10] =	ssyncadd.s32 $0xFFFFC000  }
0x33: {  	_ =	swait.ge [sflag:s16], $0x4000  }
0x34: {  	[sflag:s16] =	ssyncset.done $0x0  }
0x35: {  	[sflag:s16] =	ssyncadd.s32 $0xFFFFC000  }
0x36: {  	[tilespmem:s13], [sflag:$0x1] =	stream.indirect.gather [hbm4b:s2+s12], $0x80, s17, s12, $0xb8;
	[tilespmem:$0x1C900] =	vst v63  }
0x37: {  	_ = 	snop  }
0x38: {  	[spmem:s3] =	stream.indirect.scatter.add.f32 [tilespmem:s15], [sflag:$0x3], $0x80, s18, s12, $0xb8;
	[tilespmem:$0x1C900] =	vst v63  }
0x39: {  	_ =	swait.ge [sflag:s10], $0x4000  }
0x3a: {  	[sflag:s10] =	ssyncset.done $0x0  }
0x3b: {  	[sflag:s10] =	ssyncadd.s32 $0xFFFFC000  }
0x3c: {  	_ =	swait.ge [sflag:s14], $0x4000  }
0x3d: {  	[sflag:s14] =	ssyncset.done $0x0  }
0x3e: {  	[sflag:s14] =	ssyncadd.s32 $0xFFFFC000  }
0x3f: {  	[tilespmem:s15], [sflag:$0x2] =	stream.indirect.gather [hbm4b:s2+s12], $0x80, s19, s12, $0xb8;
	[tilespmem:$0x1C900] =	vst v63  }
0x40: {  	_ = 	snop  }
0x41: {  	[spmem:s3] =	stream.indirect.scatter.add.f32 [tilespmem:s13], [sflag:$0x3], $0x80, s20, s12, $0xb8;
	[tilespmem:$0x1C900] =	vst v63  }
0x42: {  	_ =	swait.ge [sflag:s10], $0x4000  }
0x43: {  	[sflag:s10] =	ssyncset.done $0x0  }
0x44: {  	[sflag:s10] =	ssyncadd.s32 $0xFFFFC000  }
0x45: {  	_ =	swait.ge [sflag:s16], $0x4000  }
0x46: {  	[sflag:s16] =	ssyncset.done $0x0  }
0x47: {  	[sflag:s16] =	ssyncadd.s32 $0xFFFFC000  }
0x48: {  	[tilespmem:s13], [sflag:$0x1] =	stream.indirect.gather [hbm4b:s2+s12], $0x80, s21, s12, $0xb8;
	[tilespmem:$0x1C900] =	vst v63  }
0x49: {  	_ = 	snop  }
0x4a: {  	[spmem:s3] =	stream.indirect.scatter.add.f32 [tilespmem:s15], [sflag:$0x3], $0x80, s22, s12, $0xb8;
	[tilespmem:$0x1C900] =	vst v63  }
0x4b: {  	_ =	swait.ge [sflag:s10], $0x4000  }
0x4c: {  	[sflag:s10] =	ssyncset.done $0x0  }
0x4d: {  	[sflag:s10] =	ssyncadd.s32 $0xFFFFC000  }
0x4e: {  	_ =	swait.ge [sflag:s14], $0x4000  }
0x4f: {  	[sflag:s14] =	ssyncset.done $0x0  }
0x50: {  	[sflag:s14] =	ssyncadd.s32 $0xFFFFC000  }
0x51: {  	[tilespmem:s15], [sflag:$0x2] =	stream.indirect.gather [hbm4b:s2+s12], $0x80, s23, s12, $0xb8;
	[tilespmem:$0x1C900] =	vst v63  }
0x52: {  	_ = 	snop  }
0x53: {  	[spmem:s3] =	stream.indirect.scatter.add.f32 [tilespmem:s13], [sflag:$0x3], $0x80, s24, s12, $0xb8;
	[tilespmem:$0x1C900] =	vst v63  }
0x54: {  	_ =	swait.ge [sflag:s10], $0x4000  }
0x55: {  	[sflag:s10] =	ssyncset.done $0x0  }
0x56: {  	[sflag:s10] =	ssyncadd.s32 $0xFFFFC000  }
0x57: {  	_ =	swait.ge [sflag:s16], $0x4000  }
0x58: {  	[sflag:s16] =	ssyncset.done $0x0  }
0x59: {  	[sflag:s16] =	ssyncadd.s32 $0xFFFFC000  }
0x5a: {  	[tilespmem:s13], [sflag:$0x1] =	stream.indirect.gather [hbm4b:s2+s12], $0x80, s25, s12, $0xb8;
	[tilespmem:$0x1C900] =	vst v63  }
0x5b: {  	_ = 	snop  }
0x5c: {  	[spmem:s3] =	stream.indirect.scatter.add.f32 [tilespmem:s15], [sflag:$0x3], $0x80, s26, s12, $0xb8;
	[tilespmem:$0x1C900] =	vst v63  }
0x5d: {  	_ =	swait.ge [sflag:s10], $0x4000  }
0x5e: {  	[sflag:s10] =	ssyncset.done $0x0  }
0x5f: {  	[sflag:s10] =	ssyncadd.s32 $0xFFFFC000  }
0x60: {  	_ =	swait.ge [sflag:s14], $0x4000  }
0x61: {  	[sflag:s14] =	ssyncset.done $0x0  }
0x62: {  	[sflag:s14] =	ssyncadd.s32 $0xFFFFC000  }
0x63: {  	[tilespmem:s15], [sflag:$0x2] =	stream.indirect.gather [hbm4b:s2+s12], $0x80, s28, s12, $0xb8;
	[tilespmem:$0x1C900] =	vst v63  }
0x64: {  	_ = 	snop  }
0x65: {  	[spmem:s3] =	stream.indirect.scatter.add.f32 [tilespmem:s13], [sflag:$0x3], $0x80, s29, s12, $0xb8;
	[tilespmem:$0x1C900] =	vst v63  }
0x66: {  	_ =	swait.ge [sflag:s10], $0x4000  }
0x67: {  	[sflag:s10] =	ssyncset.done $0x0  }
0x68: {  	[sflag:s10] =	ssyncadd.s32 $0xFFFFC000  }
0x69: {  	_ =	swait.ge [sflag:s16], $0x4000  }
0x6a: {  	[sflag:s16] =	ssyncset.done $0x0  }
0x6b: {  	[sflag:s16] =	ssyncadd.s32 $0xFFFFC000  }
0x6c: {  	[tilespmem:s13], [sflag:$0x1] =	stream.indirect.gather [hbm4b:s2+s12], $0x80, s30, s12, $0xb8;
	[tilespmem:$0x1C900] =	vst v63  }
0x6d: {  	_ = 	snop  }
0x6e: {  	[spmem:s3] =	stream.indirect.scatter.add.f32 [tilespmem:s15], [sflag:$0x3], $0x80, s31, s12, $0xb8;
	[tilespmem:$0x1C900] =	vst v63  }
0x6f: {  	_ =	swait.ge [sflag:s10], $0x4000  }
0x70: {  	[sflag:s10] =	ssyncset.done $0x0  }
0x71: {  	[sflag:s10] =	ssyncadd.s32 $0xFFFFC000  }
0x72: {  	_ =	swait.ge [sflag:s14], $0x4000  }
0x73: {  	[sflag:s14] =	ssyncset.done $0x0  }
0x74: {  	[sflag:s14] =	ssyncadd.s32 $0xFFFFC000  }
0x75: {  	[tilespmem:s15], [sflag:$0x2] =	stream.indirect.gather [hbm4b:s2+s12], $0x80, s0, s12, $0xb8;
	[tilespmem:$0x1C900] =	vst v63  }
0x76: {  	_ = 	snop  }
0x77: {  	[spmem:s3] =	stream.indirect.scatter.add.f32 [tilespmem:s13], [sflag:$0x3], $0x80, s1, s12, $0xb8;
	[tilespmem:$0x1C900] =	vst v63  }
0x78: {  	_ =	swait.ge [sflag:s10], $0x4000  }
0x79: {  	[sflag:s10] =	ssyncset.done $0x0  }
0x7a: {  	[sflag:s10] =	ssyncadd.s32 $0xFFFFC000  }
0x7b: {  	_ =	swait.ge [sflag:s16], $0x4000  }
0x7c: {  	[sflag:s16] =	ssyncset.done $0x0  }
0x7d: {  	[sflag:s16] =	ssyncadd.s32 $0xFFFFC000  }
0x7e: {  	[spmem:s3] =	stream.indirect.scatter.add.f32 [tilespmem:s15], [sflag:$0x3], $0x80, s5, s12, $0xb8;
	[tilespmem:$0x1C900] =	vst v63  }
0x7f: {  	s8 =	simm.s32 $0x200;
	_ =	swait.ge [sflag:s10], $0x4000  }
0x80: {  	s7 =	simm.s32 $0x100;
	s9 =	rddreg [dreg:$0x5];
	[sflag:s10] =	ssyncset.done $0x0  }
.LBB2_2:
0x81: {  	[sflag:s10] =	ssyncadd.s32 $0xFFFFC000;
	s9 =	sadd.s32 s7, s9  }
0x82: {  	[tilespmem:s4], [sflag:$0x3] =	stream.linear.gather [hbm4b:s9+s4], $0x500, $0x38;
	[tilespmem:$0x1C900] =	vst v63  }
0x83: {  	_ =	swait.ge [sflag:s10], $0x500  }
0x84: {  	s9 =	rddreg [dreg:$0x4];
	[sflag:s10] =	ssyncset.done $0x0  }
0x85: {  	[sflag:s10] =	ssyncadd.s32 $0xFFFFFB00;
	s9 =	sadd.s32 s7, s9  }
0x86: {  	[tilespmem:s11], [sflag:$0x3] =	stream.linear.gather [hbm4b:s9+s4], $0x500, $0x38;
	[tilespmem:$0x1C900] =	vst v63  }
0x87: {  	_ =	swait.ge [sflag:s10], $0x500  }
0x88: {  	[sflag:s10] =	ssyncset.done $0x0  }
0x89: {  	[sflag:s10] =	ssyncadd.s32 $0xFFFFFB00  }
0x8a: {  	[tilespmem:s13], [sflag:$0x1] =	stream.indirect.gather [hbm4b:s2+s12], $0x80, s4, s12, $0xb8;
	[tilespmem:$0x1C900] =	vst v63  }
0x8b: {  	_ =	swait.ge [sflag:s14], $0x4000  }
0x8c: {  	[sflag:s14] =	ssyncset.done $0x0  }
0x8d: {  	[sflag:s14] =	ssyncadd.s32 $0xFFFFC000  }
0x8e: {  	[tilespmem:s15], [sflag:$0x2] =	stream.indirect.gather [hbm4b:s2+s12], $0x80, s12, s12, $0xb8;
	[tilespmem:$0x1C900] =	vst v63  }
0x8f: {  	_ = 	snop  }
0x90: {  	[spmem:s3] =	stream.indirect.scatter.add.f32 [tilespmem:s13], [sflag:$0x3], $0x80, s11, s12, $0xb8;
	[tilespmem:$0x1C900] =	vst v63  }
0x91: {  	_ =	swait.ge [sflag:s10], $0x4000  }
0x92: {  	[sflag:s10] =	ssyncset.done $0x0  }
0x93: {  	[sflag:s10] =	ssyncadd.s32 $0xFFFFC000  }
0x94: {  	_ =	swait.ge [sflag:s16], $0x4000  }
0x95: {  	[sflag:s16] =	ssyncset.done $0x0  }
0x96: {  	[sflag:s16] =	ssyncadd.s32 $0xFFFFC000  }
0x97: {  	[tilespmem:s13], [sflag:$0x1] =	stream.indirect.gather [hbm4b:s2+s12], $0x80, s17, s12, $0xb8;
	[tilespmem:$0x1C900] =	vst v63  }
0x98: {  	_ = 	snop  }
0x99: {  	[spmem:s3] =	stream.indirect.scatter.add.f32 [tilespmem:s15], [sflag:$0x3], $0x80, s18, s12, $0xb8;
	[tilespmem:$0x1C900] =	vst v63  }
0x9a: {  	_ =	swait.ge [sflag:s10], $0x4000  }
0x9b: {  	[sflag:s10] =	ssyncset.done $0x0  }
0x9c: {  	[sflag:s10] =	ssyncadd.s32 $0xFFFFC000  }
0x9d: {  	_ =	swait.ge [sflag:s14], $0x4000  }
0x9e: {  	[sflag:s14] =	ssyncset.done $0x0  }
0x9f: {  	[sflag:s14] =	ssyncadd.s32 $0xFFFFC000  }
0xa0: {  	[tilespmem:s15], [sflag:$0x2] =	stream.indirect.gather [hbm4b:s2+s12], $0x80, s19, s12, $0xb8;
	[tilespmem:$0x1C900] =	vst v63  }
0xa1: {  	_ = 	snop  }
0xa2: {  	[spmem:s3] =	stream.indirect.scatter.add.f32 [tilespmem:s13], [sflag:$0x3], $0x80, s20, s12, $0xb8;
	[tilespmem:$0x1C900] =	vst v63  }
0xa3: {  	_ =	swait.ge [sflag:s10], $0x4000  }
0xa4: {  	[sflag:s10] =	ssyncset.done $0x0  }
0xa5: {  	[sflag:s10] =	ssyncadd.s32 $0xFFFFC000  }
0xa6: {  	_ =	swait.ge [sflag:s16], $0x4000  }
0xa7: {  	[sflag:s16] =	ssyncset.done $0x0  }
0xa8: {  	[sflag:s16] =	ssyncadd.s32 $0xFFFFC000  }
0xa9: {  	[tilespmem:s13], [sflag:$0x1] =	stream.indirect.gather [hbm4b:s2+s12], $0x80, s21, s12, $0xb8;
	[tilespmem:$0x1C900] =	vst v63  }
0xaa: {  	_ = 	snop  }
0xab: {  	[spmem:s3] =	stream.indirect.scatter.add.f32 [tilespmem:s15], [sflag:$0x3], $0x80, s22, s12, $0xb8;
	[tilespmem:$0x1C900] =	vst v63  }
0xac: {  	_ =	swait.ge [sflag:s10], $0x4000  }
0xad: {  	[sflag:s10] =	ssyncset.done $0x0  }
0xae: {  	[sflag:s10] =	ssyncadd.s32 $0xFFFFC000  }
0xaf: {  	_ =	swait.ge [sflag:s14], $0x4000  }
0xb0: {  	[sflag:s14] =	ssyncset.done $0x0  }
0xb1: {  	[sflag:s14] =	ssyncadd.s32 $0xFFFFC000  }
0xb2: {  	[tilespmem:s15], [sflag:$0x2] =	stream.indirect.gather [hbm4b:s2+s12], $0x80, s23, s12, $0xb8;
	[tilespmem:$0x1C900] =	vst v63  }
0xb3: {  	_ = 	snop  }
0xb4: {  	[spmem:s3] =	stream.indirect.scatter.add.f32 [tilespmem:s13], [sflag:$0x3], $0x80, s24, s12, $0xb8;
	[tilespmem:$0x1C900] =	vst v63  }
0xb5: {  	_ =	swait.ge [sflag:s10], $0x4000  }
0xb6: {  	[sflag:s10] =	ssyncset.done $0x0  }
0xb7: {  	[sflag:s10] =	ssyncadd.s32 $0xFFFFC000  }
0xb8: {  	_ =	swait.ge [sflag:s16], $0x4000  }
0xb9: {  	[sflag:s16] =	ssyncset.done $0x0  }
0xba: {  	[sflag:s16] =	ssyncadd.s32 $0xFFFFC000  }
0xbb: {  	[tilespmem:s13], [sflag:$0x1] =	stream.indirect.gather [hbm4b:s2+s12], $0x80, s25, s12, $0xb8;
	[tilespmem:$0x1C900] =	vst v63  }
0xbc: {  	_ = 	snop  }
0xbd: {  	[spmem:s3] =	stream.indirect.scatter.add.f32 [tilespmem:s15], [sflag:$0x3], $0x80, s26, s12, $0xb8;
	[tilespmem:$0x1C900] =	vst v63  }
0xbe: {  	_ =	swait.ge [sflag:s10], $0x4000  }
0xbf: {  	[sflag:s10] =	ssyncset.done $0x0  }
0xc0: {  	[sflag:s10] =	ssyncadd.s32 $0xFFFFC000  }
0xc1: {  	_ =	swait.ge [sflag:s14], $0x4000  }
0xc2: {  	[sflag:s14] =	ssyncset.done $0x0  }
0xc3: {  	[sflag:s14] =	ssyncadd.s32 $0xFFFFC000  }
0xc4: {  	[tilespmem:s15], [sflag:$0x2] =	stream.indirect.gather [hbm4b:s2+s12], $0x80, s28, s12, $0xb8;
	[tilespmem:$0x1C900] =	vst v63  }
0xc5: {  	_ = 	snop  }
0xc6: {  	[spmem:s3] =	stream.indirect.scatter.add.f32 [tilespmem:s13], [sflag:$0x3], $0x80, s29, s12, $0xb8;
	[tilespmem:$0x1C900] =	vst v63  }
0xc7: {  	_ =	swait.ge [sflag:s10], $0x4000  }
0xc8: {  	[sflag:s10] =	ssyncset.done $0x0  }
0xc9: {  	[sflag:s10] =	ssyncadd.s32 $0xFFFFC000  }
0xca: {  	_ =	swait.ge [sflag:s16], $0x4000  }
0xcb: {  	[sflag:s16] =	ssyncset.done $0x0  }
0xcc: {  	[sflag:s16] =	ssyncadd.s32 $0xFFFFC000  }
0xcd: {  	[tilespmem:s13], [sflag:$0x1] =	stream.indirect.gather [hbm4b:s2+s12], $0x80, s30, s12, $0xb8;
	[tilespmem:$0x1C900] =	vst v63  }
0xce: {  	_ = 	snop  }
0xcf: {  	[spmem:s3] =	stream.indirect.scatter.add.f32 [tilespmem:s15], [sflag:$0x3], $0x80, s31, s12, $0xb8;
	[tilespmem:$0x1C900] =	vst v63  }
0xd0: {  	_ =	swait.ge [sflag:s10], $0x4000  }
0xd1: {  	[sflag:s10] =	ssyncset.done $0x0  }
0xd2: {  	[sflag:s10] =	ssyncadd.s32 $0xFFFFC000  }
0xd3: {  	_ =	swait.ge [sflag:s14], $0x4000  }
0xd4: {  	[sflag:s14] =	ssyncset.done $0x0  }
0xd5: {  	[sflag:s14] =	ssyncadd.s32 $0xFFFFC000  }
0xd6: {  	[tilespmem:s15], [sflag:$0x2] =	stream.indirect.gather [hbm4b:s2+s12], $0x80, s0, s12, $0xb8;
	[tilespmem:$0x1C900] =	vst v63  }
0xd7: {  	_ = 	snop  }
0xd8: {  	[spmem:s3] =	stream.indirect.scatter.add.f32 [tilespmem:s13], [sflag:$0x3], $0x80, s1, s12, $0xb8;
	[tilespmem:$0x1C900] =	vst v63  }
0xd9: {  	_ =	swait.ge [sflag:s10], $0x4000  }
0xda: {  	[sflag:s10] =	ssyncset.done $0x0  }
0xdb: {  	[sflag:s10] =	ssyncadd.s32 $0xFFFFC000  }
0xdc: {  	p1 =	sne.s32 s8, $0x700;
	_ =	swait.ge [sflag:s16], $0x4000  }
.Ltmp0:
0xdd: {  	[sflag:s16] =	ssyncset.done $0x0;
	(pc) =	sbr.rel @p1 .LBB2_2-.Ltmp0, $4  }
0xde: {  	[sflag:s16] =	ssyncadd.s32 $0xFFFFC000  }
0xdf: {  	[spmem:s3] =	stream.indirect.scatter.add.f32 [tilespmem:s15], [sflag:$0x3], $0x80, s5, s12, $0xb8;
	[tilespmem:$0x1C900] =	vst v63  }
0xe0: {  	s6 =	smov.u32 s8;
	s8 =	sadd.s32 $0x100, s8;
	_ =	swait.ge [sflag:s10], $0x4000  }
0xe1: {  	s7 =	smov.u32 s6;
	s9 =	rddreg [dreg:$0x5];
	[sflag:s10] =	ssyncset.done $0x0  }
0xe2: {  	[sflag:s10] =	ssyncadd.s32 $0xFFFFC000;
	s6 =	sadd.s32 s7, s9  }
0xe3: {  	[tilespmem:s4], [sflag:$0x3] =	stream.linear.gather [hbm4b:s6+s4], $0x500, $0x38;
	[tilespmem:$0x1C900] =	vst v63  }
0xe4: {  	_ =	swait.ge [sflag:s10], $0x500  }
0xe5: {  	s9 =	rddreg [dreg:$0x4];
	[sflag:s10] =	ssyncset.done $0x0  }
0xe6: {  	s6 =	sadd.s32 s7, s9;
	[sflag:s10] =	ssyncadd.s32 $0xFFFFFB00  }
0xe7: {  	[tilespmem:s11], [sflag:$0x3] =	stream.linear.gather [hbm4b:s6+s4], $0x500, $0x38;
	[tilespmem:$0x1C900] =	vst v63  }
0xe8: {  	_ =	swait.ge [sflag:s10], $0x500  }
0xe9: {  	[sflag:s10] =	ssyncset.done $0x0  }
0xea: {  	[sflag:s10] =	ssyncadd.s32 $0xFFFFFB00  }
0xeb: {  	[tilespmem:s13], [sflag:$0x1] =	stream.indirect.gather [hbm4b:s2+s12], $0x80, s4, s12, $0xb8;
	[tilespmem:$0x1C900] =	vst v63  }
0xec: {  	_ =	swait.ge [sflag:s14], $0x4000  }
0xed: {  	[sflag:s14] =	ssyncset.done $0x0  }
0xee: {  	[sflag:s14] =	ssyncadd.s32 $0xFFFFC000  }
0xef: {  	[tilespmem:s15], [sflag:$0x2] =	stream.indirect.gather [hbm4b:s2+s12], $0x80, s12, s12, $0xb8;
	[tilespmem:$0x1C900] =	vst v63  }
0xf0: {  	_ = 	snop  }
0xf1: {  	[spmem:s3] =	stream.indirect.scatter.add.f32 [tilespmem:s13], [sflag:$0x3], $0x80, s11, s12, $0xb8;
	[tilespmem:$0x1C900] =	vst v63  }
0xf2: {  	_ =	swait.ge [sflag:s10], $0x4000  }
0xf3: {  	[sflag:s10] =	ssyncset.done $0x0  }
0xf4: {  	[sflag:s10] =	ssyncadd.s32 $0xFFFFC000  }
0xf5: {  	_ =	swait.ge [sflag:s16], $0x4000  }
0xf6: {  	[sflag:s16] =	ssyncset.done $0x0  }
0xf7: {  	[sflag:s16] =	ssyncadd.s32 $0xFFFFC000  }
0xf8: {  	[tilespmem:s13], [sflag:$0x1] =	stream.indirect.gather [hbm4b:s2+s12], $0x80, s17, s12, $0xb8;
	[tilespmem:$0x1C900] =	vst v63  }
0xf9: {  	_ = 	snop  }
0xfa: {  	[spmem:s3] =	stream.indirect.scatter.add.f32 [tilespmem:s15], [sflag:$0x3], $0x80, s18, s12, $0xb8;
	[tilespmem:$0x1C900] =	vst v63  }
0xfb: {  	_ =	swait.ge [sflag:s10], $0x4000  }
0xfc: {  	[sflag:s10] =	ssyncset.done $0x0  }
0xfd: {  	[sflag:s10] =	ssyncadd.s32 $0xFFFFC000  }
0xfe: {  	_ =	swait.ge [sflag:s14], $0x4000  }
0xff: {  	[sflag:s14] =	ssyncset.done $0x0  }
0x100: {  	[sflag:s14] =	ssyncadd.s32 $0xFFFFC000  }
0x101: {  	[tilespmem:s15], [sflag:$0x2] =	stream.indirect.gather [hbm4b:s2+s12], $0x80, s19, s12, $0xb8;
	[tilespmem:$0x1C900] =	vst v63  }
0x102: {  	_ = 	snop  }
0x103: {  	[spmem:s3] =	stream.indirect.scatter.add.f32 [tilespmem:s13], [sflag:$0x3], $0x80, s20, s12, $0xb8;
	[tilespmem:$0x1C900] =	vst v63  }
0x104: {  	_ =	swait.ge [sflag:s10], $0x4000  }
0x105: {  	[sflag:s10] =	ssyncset.done $0x0  }
0x106: {  	[sflag:s10] =	ssyncadd.s32 $0xFFFFC000  }
0x107: {  	_ =	swait.ge [sflag:s16], $0x4000  }
0x108: {  	[sflag:s16] =	ssyncset.done $0x0  }
0x109: {  	[sflag:s16] =	ssyncadd.s32 $0xFFFFC000  }
0x10a: {  	[tilespmem:s13], [sflag:$0x1] =	stream.indirect.gather [hbm4b:s2+s12], $0x80, s21, s12, $0xb8;
	[tilespmem:$0x1C900] =	vst v63  }
0x10b: {  	_ = 	snop  }
0x10c: {  	[spmem:s3] =	stream.indirect.scatter.add.f32 [tilespmem:s15], [sflag:$0x3], $0x80, s22, s12, $0xb8;
	[tilespmem:$0x1C900] =	vst v63  }
0x10d: {  	_ =	swait.ge [sflag:s10], $0x4000  }
0x10e: {  	[sflag:s10] =	ssyncset.done $0x0  }
0x10f: {  	[sflag:s10] =	ssyncadd.s32 $0xFFFFC000  }
0x110: {  	_ =	swait.ge [sflag:s14], $0x4000  }
0x111: {  	[sflag:s14] =	ssyncset.done $0x0  }
0x112: {  	[sflag:s14] =	ssyncadd.s32 $0xFFFFC000  }
0x113: {  	[tilespmem:s15], [sflag:$0x2] =	stream.indirect.gather [hbm4b:s2+s12], $0x80, s23, s12, $0xb8;
	[tilespmem:$0x1C900] =	vst v63  }
0x114: {  	_ = 	snop  }
0x115: {  	[spmem:s3] =	stream.indirect.scatter.add.f32 [tilespmem:s13], [sflag:$0x3], $0x80, s24, s12, $0xb8;
	[tilespmem:$0x1C900] =	vst v63  }
0x116: {  	_ =	swait.ge [sflag:s10], $0x4000  }
0x117: {  	[sflag:s10] =	ssyncset.done $0x0  }
0x118: {  	[sflag:s10] =	ssyncadd.s32 $0xFFFFC000  }
0x119: {  	_ =	swait.ge [sflag:s16], $0x4000  }
0x11a: {  	[sflag:s16] =	ssyncset.done $0x0  }
0x11b: {  	[sflag:s16] =	ssyncadd.s32 $0xFFFFC000  }
0x11c: {  	[tilespmem:s13], [sflag:$0x1] =	stream.indirect.gather [hbm4b:s2+s12], $0x80, s25, s12, $0xb8;
	[tilespmem:$0x1C900] =	vst v63  }
0x11d: {  	_ = 	snop  }
0x11e: {  	[spmem:s3] =	stream.indirect.scatter.add.f32 [tilespmem:s15], [sflag:$0x3], $0x80, s26, s12, $0xb8;
	[tilespmem:$0x1C900] =	vst v63  }
0x11f: {  	_ =	swait.ge [sflag:s10], $0x4000  }
0x120: {  	[sflag:s10] =	ssyncset.done $0x0  }
0x121: {  	[sflag:s10] =	ssyncadd.s32 $0xFFFFC000  }
0x122: {  	_ =	swait.ge [sflag:s14], $0x4000  }
0x123: {  	[sflag:s14] =	ssyncset.done $0x0  }
0x124: {  	[sflag:s14] =	ssyncadd.s32 $0xFFFFC000  }
0x125: {  	[tilespmem:s15], [sflag:$0x2] =	stream.indirect.gather [hbm4b:s2+s12], $0x80, s28, s12, $0xb8;
	[tilespmem:$0x1C900] =	vst v63  }
0x126: {  	_ = 	snop  }
0x127: {  	[spmem:s3] =	stream.indirect.scatter.add.f32 [tilespmem:s13], [sflag:$0x3], $0x80, s29, s12, $0xb8;
	[tilespmem:$0x1C900] =	vst v63  }
0x128: {  	_ =	swait.ge [sflag:s10], $0x4000  }
0x129: {  	[sflag:s10] =	ssyncset.done $0x0  }
0x12a: {  	[sflag:s10] =	ssyncadd.s32 $0xFFFFC000  }
0x12b: {  	_ =	swait.ge [sflag:s16], $0x4000  }
0x12c: {  	[sflag:s16] =	ssyncset.done $0x0  }
0x12d: {  	[sflag:s16] =	ssyncadd.s32 $0xFFFFC000  }
0x12e: {  	[tilespmem:s13], [sflag:$0x1] =	stream.indirect.gather [hbm4b:s2+s12], $0x80, s30, s12, $0xb8;
	[tilespmem:$0x1C900] =	vst v63  }
0x12f: {  	_ = 	snop  }
0x130: {  	[spmem:s3] =	stream.indirect.scatter.add.f32 [tilespmem:s15], [sflag:$0x3], $0x80, s31, s12, $0xb8;
	[tilespmem:$0x1C900] =	vst v63  }
0x131: {  	_ =	swait.ge [sflag:s10], $0x4000  }
0x132: {  	[sflag:s10] =	ssyncset.done $0x0  }
0x133: {  	[sflag:s10] =	ssyncadd.s32 $0xFFFFC000  }
0x134: {  	_ =	swait.ge [sflag:s14], $0x4000  }
0x135: {  	[sflag:s14] =	ssyncset.done $0x0  }
0x136: {  	[sflag:s14] =	ssyncadd.s32 $0xFFFFC000  }
0x137: {  	[tilespmem:s15], [sflag:$0x2] =	stream.indirect.gather [hbm4b:s2+s12], $0x80, s0, s12, $0xb8;
	[tilespmem:$0x1C900] =	vst v63  }
0x138: {  	_ = 	snop  }
0x139: {  	[spmem:s3] =	stream.indirect.scatter.add.f32 [tilespmem:s13], [sflag:$0x3], $0x80, s1, s12, $0xb8;
	[tilespmem:$0x1C900] =	vst v63  }
0x13a: {  	_ =	swait.ge [sflag:s10], $0x4000  }
0x13b: {  	[sflag:s10] =	ssyncset.done $0x0  }
0x13c: {  	[sflag:s10] =	ssyncadd.s32 $0xFFFFC000  }
0x13d: {  	_ =	swait.ge [sflag:s16], $0x4000  }
0x13e: {  	[sflag:s16] =	ssyncset.done $0x0  }
0x13f: {  	[sflag:s16] =	ssyncadd.s32 $0xFFFFC000  }
0x140: {  	[spmem:s3] =	stream.indirect.scatter.add.f32 [tilespmem:s15], [sflag:$0x3], $0x80, s5, s12, $0xb8;
	[tilespmem:$0x1C900] =	vst v63  }
0x141: {  	_ =	swait.ge [sflag:s10], $0x4000  }
0x142: {  	[sflag:s10] =	ssyncset.done $0x0  }
0x143: {  	[sflag:s10] =	ssyncadd.s32 $0xFFFFC000  }
0x144: {  	[bflag:$0x0] =	sbarrier.arrive $0xFFFF  }
0x145: {  	s6 =	rddreg [dreg:$0x7]  }
0x146: {  	s9 =	rddreg [dreg:$0x9]  }
0x147: {  	s7 =	simm.s32 @!p0 $0x3;
	s8 =	rddreg [dreg:$0xa]  }
0x148: {  	[hbm:s6], [sflag:s9] =	dma.local @!p0 [spmem:s8], $0x3E80  }
0x149: {  	_ =	swait.ge @!p0 [sflag:s7], $0x3E80  }
0x14a: {  	s6 =	rddreg [dreg:$0xb]  }
0x14b: {  	[sflag:s7] =	ssyncset.done @!p0 $0x0;
	s7 =	rddreg [dreg:$0x8];
	s6 =	sadd.s32 $0x1, s6  }
0x14c: {  	p1 =	sne.s32 s6, s7  }
.Ltmp1:
0x14d: {  	_ = 	snop;
	(pc) =	sbr.rel @p1 .LBB2_1-.Ltmp1, $3  }
0x14e: {  	_ =	sdelay $0x1  }
0x14f: {  	[dreg:$0xb] =	wrdreg s6;
	s6 =	simm.s32 @!p0 $0x3  }
0x150: {  	[sflag:s6] =	ssyncadd.s32 @!p0 $0xFFFFC180  }
0x151: {  	_ =	sfence.sel $0x180000  }
0x152: {  	[bflag:$0x0] =	sbarrier.arrive $0xFFFF  }
0x153: {  	_ =	strace $0x90000047  }
0x154: {  	s0 =	stileid.u32;
	[bflag:$0x2] =	sbarrier.arrive $0xFFFF  }
0x155: {  	p0 =	sne.s32 s0, $0x0;
	s0 =	rddreg [dreg:$0x3]  }
0x156: {  	s0 =	sadd.s32 @!p0 $0x100000, s0  }
0x157: {  	[sflag:s0] =	ssyncadd.tile.s32 @!p0 $0x1;
	_ =	shalt  }
.Lfunc_end2:
_tile_overlayer_lowered:
.L_overlay_start_2:
0x158: {  	(tag) =	ssettag $0x2  }
0x159: {  	s0 =	rddreg [dreg:$0x0];
	s2 =	stileid.u32  }
0x15a: {  	s1 =	rddreg [dreg:$0x1];
	p0 =	sne.s32 s2, $0x0  }
0x15b: {  	s3 =	rddreg [dreg:$0x2];
	[bflag:$0x3] =	sbarrier.arrive $0xFFFF;
	s2 =	simm.s32 @!p0 $0x1C03  }
0x15c: {  	[timem:s3], [sflag:s2] =	dma.local @!p0 [hbm:s0], s1  }
0x15d: {  	s0 =	simm.s32 @!p0 $0x3  }
0x15e: {  	_ =	swait.ge @!p0 [sflag:s0], s1  }
0x15f: {  	s1 =	ssub.s32 @!p0 $0x0, s1;
	[sflag:s0] =	ssyncset.done @!p0 $0x0  }
0x160: {  	[sflag:s0] =	ssyncadd.s32 @!p0 s1  }
0x161: {  	[bflag:$0x3] =	sbarrier.arrive $0xFFFF  }
0x162: {  	_ =	shalt  }

// kernel: kernel.16.cloned.1.call-start
scs
__scs_entry_jumppad:
0x0: {  	(pc) =	sbr.rel $0x88, $3  }
0x1: {  	(tag) =	ssettag $0x0;
	lr =	simm.s32 $0x1  }
0x2: {  	[smem:$0x3F99] =	sst lr;
	_ =	strace $0xD0000000  }
0x3: {  	_ = 	snop  }
0x4: {  	_ = 	snop  }
0x5: {  	_ = 	snop  }
0x6: {  	_ = 	snop  }
0x7: {  	_ = 	snop  }
__scs_overlays_trampoline_lowered:
0x8: {  	[smem:$0x3FA8] =	sst s0  }
0x9: {  	[smem:$0x3FA9] =	sst s1  }
0xa: {  	[smem:$0x3FAA] =	sst s2  }
0xb: {  	[smem:$0x3FAB] =	sst s3  }
0xc: {  	[smem:$0x3FAC] =	sst s4  }
0xd: {  	[smem:$0x3FAD] =	sst s5  }
0xe: {  	[smem:$0x3FAE] =	sst s6  }
0xf: {  	[smem:$0x3FAF] =	sst s7  }
0x10: {  	[smem:$0x3FB0] =	sst s8  }
0x11: {  	[smem:$0x3FB1] =	sst s9;
	s0 =	simm.s32 @!p0 $0x0  }
0x12: {  	s1 =	sld [smem:$0x3F97];
	s0 =	simm.s32 @p0 $0x1  }
0x13: {  	[smem:$0x3FB2] =	sst s0;
	s0 =	simm.s32 @!p1 $0x0  }
0x14: {  	s2 =	sld [smem:$0x3F96];
	s0 =	simm.s32 @p1 $0x1  }
0x15: {  	[smem:$0x3FB3] =	sst s0;
	s0 =	simm.s32 @!p2 $0x0  }
0x16: {  	s3 =	sld [smem:$0x3FDB];
	s0 =	simm.s32 @p2 $0x1  }
0x17: {  	s4 =	simm.s32 $0x1BF5;
	[smem:$0x3FB5] =	sst s0  }
0x18: {  	s0 =	sld [smem:$0x3F98];
	_ =	swait.ge [sflag:s4], $0x0  }
0x19: {  	s7 =	sld [smem:$0x3F99]  }
0x1a: {  	s8 =	sadd.s32 $0xFFFFE003, lr  }
0x1b: {  	s9 =	sadd.s32 $0xFFFFFEF7, lr;
	s5 =	simm.s32 $0xFFFFFFFF;
	p2 =	slt.u32 s8, $0xFFFFF086  }
0x1c: {  	p1 =	slt.u32 s9, $0xF7A;
	s5 =	simm.s32 @!p2 $0x0  }
0x1d: {  	s5 =	simm.s32 @p1 $0x1;
	p0 =	seq.s32 s7, s2  }
0x1e: {  	s7 =	smul.u32 @!p0 $0xF7A, s2;
	p2 =	seq.s32 @!p0 s5, $0x0  }
0x1f: {  	s9 =	smul.u32 $0xF7A, s1;
	s8 =	simm.s32 @!p0 $0x1BF5;
	p2 =	por !p2, p0  }
0x20: {  	[sflag:s8] =	ssyncset.s32 @!p0 $0xFFFFF086;
	s6 =	sadd.s32 @!p0 s3, s7;
	s7 =	simm.s32 @!p0 $0x108  }
0x21: {  	s3 =	sadd.s32 s3, s9;
	s6 =	sadd.s32 @!p0 $0x88, s6;
	s7 =	simm.s32 @p2 $0x1082  }
0x22: {  	[simem:s7], [sflag:s8] =	dma.local @!p0 [hbm:s6], $0xF7A  }
0x23: {  	s9 =	sor.u32 $0xD0000000, s2;
	s6 =	simm.s32 $0x108;
	_ =	swait.ge @!p0 [sflag:s8], $0x0  }
0x24: {  	s3 =	sadd.s32 $0x88, s3;
	s6 =	simm.s32 @!p1 $0x1082;
	[sflag:s4] =	ssyncset.s32 $0xFFFFF086  }
0x25: {  	[simem:s6], [sflag:s4] =	dma.local [hbm:s3], $0xF7A  }
0x26: {  	[smem:$0x3F99] =	sst s1;
	(tag) =	ssettag s2;
	_ =	strace s9  }
0x27: {  	s1 =	sld [smem:$0x3FA9]  }
0x28: {  	s2 =	sld [smem:$0x3FAA]  }
0x29: {  	s4 =	sld [smem:$0x3FAC]  }
0x2a: {  	p0 =	seq.s32 s5, $0x0;
	s5 =	sld [smem:$0x3FAD]  }
0x2b: {  	s6 =	sld [smem:$0x3FAE]  }
0x2c: {  	s7 =	sld [smem:$0x3FAF]  }
0x2d: {  	s3 =	simm.s32 $0x108;
	s8 =	sld [smem:$0x3FB0]  }
0x2e: {  	s3 =	simm.s32 @!p0 $0x1082;
	s9 =	sld [smem:$0x3FB1]  }
0x2f: {  	lr =	sadd.s32 s0, s3;
	s0 =	sld [smem:$0x3FA8]  }
0x30: {  	s3 =	sld [smem:$0x3FAB]  }
0x31: {  	[smem:$0x3FB4] =	sst s10  }
0x32: {  	s10 =	sld [smem:$0x3FB2];
	_ =	sdelay $0x3  }
0x33: {  	p0 =	seq.s32 s10, $0x1;
	s10 =	sld [smem:$0x3FB4];
	_ =	sdelay $0x3  }
0x34: {  	[smem:$0x3FB4] =	sst s10  }
0x35: {  	s10 =	sld [smem:$0x3FB3];
	_ =	sdelay $0x3  }
0x36: {  	p1 =	seq.s32 s10, $0x1;
	s10 =	sld [smem:$0x3FB4];
	_ =	sdelay $0x3  }
0x37: {  	[smem:$0x3FB4] =	sst s10  }
0x38: {  	s10 =	sld [smem:$0x3FB5]  }
0x39: {  	_ = 	snop;
	(pc) =	sbr.ind lr, $3  }
0x3a: {  	_ = 	snop  }
0x3b: {  	_ = 	snop  }
0x3c: {  	p2 =	seq.s32 s10, $0x1;
	s10 =	sld [smem:$0x3FB4]  }
0x3d: {  	_ =	shalt  }
0x3e: {  	_ =	shalt  }
0x3f: {  	_ =	shalt  }
0x40: {  	_ =	shalt  }
0x41: {  	_ =	shalt  }
0x42: {  	_ =	shalt  }
0x43: {  	_ =	shalt  }
0x44: {  	_ =	shalt  }
0x45: {  	_ =	shalt  }
0x46: {  	_ =	shalt  }
0x47: {  	_ =	shalt  }
0x48: {  	_ =	shalt  }
0x49: {  	_ =	shalt  }
0x4a: {  	_ =	shalt  }
0x4b: {  	_ =	shalt  }
0x4c: {  	_ =	shalt  }
0x4d: {  	_ =	shalt  }
0x4e: {  	_ =	shalt  }
0x4f: {  	_ =	shalt  }
0x50: {  	_ =	shalt  }
0x51: {  	_ =	shalt  }
0x52: {  	_ =	shalt  }
0x53: {  	_ =	shalt  }
0x54: {  	_ =	shalt  }
0x55: {  	_ =	shalt  }
0x56: {  	_ =	shalt  }
0x57: {  	_ =	shalt  }
0x58: {  	_ =	shalt  }
0x59: {  	_ =	shalt  }
0x5a: {  	_ =	shalt  }
0x5b: {  	_ =	shalt  }
0x5c: {  	_ =	shalt  }
0x5d: {  	_ =	shalt  }
0x5e: {  	_ =	shalt  }
0x5f: {  	_ =	shalt  }
0x60: {  	_ =	shalt  }
0x61: {  	_ =	shalt  }
0x62: {  	_ =	shalt  }
0x63: {  	_ =	shalt  }
0x64: {  	_ =	shalt  }
0x65: {  	_ =	shalt  }
0x66: {  	_ =	shalt  }
0x67: {  	_ =	shalt  }
0x68: {  	_ =	shalt  }
0x69: {  	_ =	shalt  }
0x6a: {  	_ =	shalt  }
0x6b: {  	_ =	shalt  }
0x6c: {  	_ =	shalt  }
0x6d: {  	_ =	shalt  }
0x6e: {  	_ =	shalt  }
0x6f: {  	_ =	shalt  }
0x70: {  	_ =	shalt  }
0x71: {  	_ =	shalt  }
0x72: {  	_ =	shalt  }
0x73: {  	_ =	shalt  }
0x74: {  	_ =	shalt  }
0x75: {  	_ =	shalt  }
0x76: {  	_ =	shalt  }
0x77: {  	_ =	shalt  }
0x78: {  	_ =	shalt  }
0x79: {  	_ =	shalt  }
0x7a: {  	_ =	shalt  }
0x7b: {  	_ =	shalt  }
0x7c: {  	_ =	shalt  }
0x7d: {  	_ =	shalt  }
0x7e: {  	_ =	shalt  }
0x7f: {  	_ =	shalt  }
0x80: {  	_ =	shalt  }
0x81: {  	_ =	shalt  }
0x82: {  	_ =	shalt  }
0x83: {  	_ =	shalt  }
0x84: {  	_ =	shalt  }
0x85: {  	_ =	shalt  }
0x86: {  	_ =	shalt  }
0x87: {  	_ =	shalt  }
.Lfunc_end0:
.L_simem_size_0:
called_computation.2_lowered:
.L_overlay_start_0:
0x88: {  	s2 =	sld [smem:$0x3FD9]  }
0x89: {  	s3 =	sld [smem:$0x3FFE];
	_ =	sdelay $0x1  }
0x8a: {  	s1 =	srdreg.scid  }
0x8b: {  	s0 =	sand.u32 $0x1, s1  }
0x8c: {  	s17 =	sshll.u32 s0, $0xA;
	s2 =	sadd.s32 s3, s2  }
0x8d: {  	s2 =	sadd.s32 s2, s17  }
0x8e: {  	[smem:$0x3FC0] =	sst s2  }
0x8f: {  	_ = 	snop  }
0x90: {  	s2 =	sld [smem:$0x3FD0];
	(tm) =	ssettm $0x1  }
0x91: {  	s18 =	sld [smem:$0x3FFB];
	_ =	sdelay $0x3  }
0x92: {  	_ =	strace s18  }
0x93: {  	s3 =	sld [smem:$0x3FFC];
	_ =	sdelay $0x3  }
0x94: {  	_ =	strace s3  }
0x95: {  	s3 =	sld [smem:$0x3FFD];
	_ =	sdelay $0x3  }
0x96: {  	_ =	strace s3  }
0x97: {  	_ =	strace $0x8FFFFFFF  }
0x98: {  	s19 =	sld [smem:$0x3FDB];
	_ =	sdelay $0x1  }
0x99: {  	s4 =	simm.s32 $_scs_section_size  }
0x9a: {  	s5 =	simm.s32 $_size__tile_overlayer_lowered;
	s6 =	simm.s32 $_tile_overlayer_lowered  }
0x9b: {  	s22 =	simm.s32 $0x1BFF;
	s21 =	sshll.u32 s6, $0x1;
	s3 =	sadd.s32 s4, s19  }
0x9c: {  	s7 =	simm.s32 $0x0;
	s20 =	sshll.u32 s5, $0x1;
	s5 =	sadd.s32 s21, s3  }
0x9d: {  	[timem:s7], [sflag:s22] =	dma.local [hbm:s5], s20  }
0x9e: {  	_ =	swait.ge [sflag:s22], s20  }
0x9f: {  	s4 =	ssub.s32 $0x0, s20;
	[sflag:s22] =	ssyncset.done $0x0  }
0xa0: {  	[sflag:s22] =	ssyncadd.s32 s4;
	_ =	sdelay $0x1  }
0xa1: {  	s23 =	simm.s32 $0x1B8B  }
0xa2: {  	_ =	swait.ge [sflag:s23], $0x1  }
0xa3: {  	[sflag:s23] =	ssyncset.done $0x0  }
0xa4: {  	s25 =	simm.s32 $0x1B8E;
	s24 =	sld [smem:$0x3FFE];
	[sflag:s23] =	ssyncadd.s32 $0xFFFFFFFF  }
0xa5: {  	s26 =	simm.s32 $execute0_lowered;
	[smem:$0x3FD2] =	sst s25  }
0xa6: {  	s5 =	sshll.u32 s26, $0x1;
	_ =	strace $0x8000004C;
	[dreg:$0x1] =	wrdreg $0xFFFFFFFF  }
0xa7: {  	s28 =	simm.s32 $_size_execute0_lowered;
	s3 =	sadd.s32 s3, s5;
	[dreg:$0x0] =	wrdreg $0x0  }
0xa8: {  	s5 =	sshll.u32 s28, $0x1;
	[dreg:$0x2] =	wrdreg s3  }
0xa9: {  	[dreg:$0x3] =	wrdreg s5  }
0xaa: {  	[dreg:$0x4] =	wrdreg $0xC0  }
0xab: {  	_ =	task [dreg:s7], $0x5FFFF  }
0xac: {  	[dreg:$0x1] =	wrdreg $0xFFFFFFFF  }
0xad: {  	[dreg:$0x0] =	wrdreg $0x60  }
0xae: {  	[dreg:$0x2] =	wrdreg s2  }
0xaf: {  	[dreg:$0x3] =	wrdreg s24  }
0xb0: {  	[dreg:$0x4] =	wrdreg $0x90000  }
0xb1: {  	[dreg:$0x5] =	wrdreg $0x9  }
0xb2: {  	_ =	task.clear_ibuf [dreg:s7], $0x6FFFF;
	_ =	strace $0x9000004C  }
0xb3: {  	s29 =	simm.s32 $0x9;
	_ =	strace $0x8000004E  }
0xb4: {  	_ =	swait.ge [sflag:s29], $0x1  }
0xb5: {  	[sflag:s29] =	ssyncadd.s32 $0xFFFFFFFF  }
0xb6: {  	_ =	strace $0x9000004E  }
0xb7: {  	_ =	sfence  }
0xb8: {  	s30 =	sld [smem:$0x0];
	_ =	sdelay $0x2  }
0xb9: {  	s31 =	sshll.u32 s1, $0xD;
	s1 =	sshrl.u32 s1, $0x2  }
0xba: {  	s3 =	sand.u32 $0x4000, s31;
	s1 =	sadd.s32 s1, s30  }
0xbb: {  	s0 =	sor.u32 s3, s0;
	s1 =	sshll.u32 s1, $0x11  }
0xbc: {  	s0 =	sor.u32 s1, s0  }
0xbd: {  	s0 =	sadd.s32 $0x8F2B, s0  }
0xbe: {  	[sflag:s0] =	ssyncadd.remote.s32 $0x1  }
0xbf: {  	_ =	sfence.sel $0xFFFF  }
0xc0: {  	[dreg:$0x0] =	wrdreg $0xFFFFFFFF;
	(pc) =	sbr.abs _section_cstart, $3  }
0xc1: {  	[dreg:$0x1] =	wrdreg $0xFFFFFFFF  }
0xc2: {  	_ =	task.clear_ibuf [dreg:s7], $0x2FFFF;
	_ =	strace $0x9FFFFFFF  }
0xc3: {  	(tm) =	ssettm $0x7FFFFFFF  }
tec
execute0_lowered:
.L_overlay_start_1:
0x0: {  	(tag) =	ssettag $0x1  }
0x1: {  	s2 =	rddreg [dreg:$0x0]  }
0x2: {  	s0 =	rddreg [dreg:$0x1]  }
0x3: {  	s3 =	rddreg [dreg:$0x2]  }
0x4: {  	s10 =	stileid.u32;
	s1 =	srdreg.scid;
	s4 =	simm.s32 $0x0  }
0x5: {  	s11 =	simm.s32 $0x800;
	s12 =	simm.s32 $0x80;
	s13 =	simm.s32 $0x1000  }
0x6: {  	s14 =	simm.s32 $0x1;
	s15 =	simm.s32 $0x5000;
	s16 =	simm.s32 $0x2  }
0x7: {  	s17 =	simm.s32 $0x100;
	s18 =	simm.s32 $0x880;
	s19 =	simm.s32 $0x180  }
0x8: {  	s20 =	simm.s32 $0x900;
	s21 =	simm.s32 $0x200;
	s22 =	simm.s32 $0x980  }
0x9: {  	s23 =	simm.s32 $0x280;
	s24 =	simm.s32 $0xA00;
	s28 =	simm.s32 $0x380  }
0xa: {  	s29 =	simm.s32 $0xB00;
	s30 =	simm.s32 $0x400;
	s31 =	simm.s32 $0xB80  }
0xb: {  	s5 =	smul.u32 $0x3E80, s10;
	s1 =	sand.u32 $0x1, s1;
	[smem:$0x7FF] =	sst s4  }
0xc: {  	s7 =	sshll.u32 s10, $0xC;
	s8 =	smul.u32 $0x7D000, s10;
	p0 =	sgt.u32 s10, $0x9  }
0xd: {  	s6 =	smul.u32 $0x27100, s1;
	_ =	strace $0x8000004D;
	s25 =	ssub.s32 $0x2, s1  }
0xe: {  	s7 =	sadd.s32 s7, s0;
	s1 =	sshll.u32 s1, $0xB;
	s9 =	sshrl.u32 s25, $0x1  }
0xf: {  	s8 =	sshrl.u32 s8, $0x2;
	s1 =	sadd.s32 s1, s7;
	s7 =	simm.s32 $0x0  }
0x10: {  	s6 =	sadd.s32 s5, s6;
	s5 =	sadd.s32 s5, s0;
	s8 =	sadd.s32 s8, s3  }
0x11: {  	s26 =	sadd.s32 $0x3800, s1;
	[dreg:$0xb] =	wrdreg s7;
	s0 =	sadd.s32 s6, s0  }
0x12: {  	s6 =	ssub.s32 s25, s9;
	s5 =	sadd.s32 $0x23800, s5;
	[dreg:$0x4] =	wrdreg s26  }
0x13: {  	s8 =	sshrl.u32 @!p0 s8, $0x3;
	s25 =	simm.s32 $0x300;
	[dreg:$0x6] =	wrdreg s5  }
0x14: {  	s26 =	simm.s32 $0xA80;
	s0 =	sadd.s32 $0x4AA00, s0;
	[dreg:$0xa] =	wrdreg s8  }
0x15: {  	s5 =	sadd.s32 $0x13800, s1;
	s6 =	smax.u32 s6, $0x1;
	[dreg:$0x7] =	wrdreg s0  }
0x16: {  	s1 =	simm.s32 $0xC00;
	[dreg:$0x8] =	wrdreg s6;
	s0 =	sshll.u32 @!p0 s10, $0x6  }
0x17: {  	[dreg:$0x5] =	wrdreg s5;
	s10 =	simm.s32 $0x3;
	s9 =	sor.u32 @!p0 $0x1C03, s0  }
0x18: {  	s5 =	simm.s32 $0xC80;
	s0 =	simm.s32 $0x480;
	[dreg:$0x9] =	wrdreg s9  }
.LBB2_1:
0x19: {  	s6 =	rddreg [dreg:$0x6];
	s7 =	simm.s32 @!p0 $0x3  }
0x1a: {  	[spmem:s8], [sflag:s9] =	dma.local @!p0 [hbm:s6], $0x3E80  }
0x1b: {  	_ =	swait.ge @!p0 [sflag:s7], $0x3E80  }
0x1c: {  	[sflag:s7] =	ssyncset.done @!p0 $0x0  }
0x1d: {  	[sflag:s7] =	ssyncadd.s32 @!p0 $0xFFFFC180  }
0x1e: {  	[bflag:$0x0] =	sbarrier.arrive $0xFFFF  }
0x1f: {  	s8 =	rddreg [dreg:$0x5]  }
0x20: {  	s7 =	sadd.s32 $0x0, s8  }
0x21: {  	[tilespmem:s4], [sflag:$0x3] =	stream.linear.gather [hbm4b:s7+s4], $0x500, $0x38;
	[tilespmem:$0x1C900] =	vst v63  }
0x22: {  	_ =	swait.ge [sflag:s10], $0x500  }
0x23: {  	s9 =	rddreg [dreg:$0x4];
	[sflag:s10] =	ssyncset.done $0x0  }
0x24: {  	[sflag:s10] =	ssyncadd.s32 $0xFFFFFB00;
	s7 =	sadd.s32 $0x0, s9  }
0x25: {  	[tilespmem:s11], [sflag:$0x3] =	stream.linear.gather [hbm4b:s7+s4], $0x500, $0x38;
	[tilespmem:$0x1C900] =	vst v63  }
0x26: {  	_ =	swait.ge [sflag:s10], $0x500  }
0x27: {  	[sflag:s10] =	ssyncset.done $0x0  }
0x28: {  	[sflag:s10] =	ssyncadd.s32 $0xFFFFFB00  }
0x29: {  	[tilespmem:s13], [sflag:$0x1] =	stream.indirect.gather [hbm4b:s2+s12], $0x80, s4, s12, $0xb8;
	[tilespmem:$0x1C900] =	vst v63  }
0x2a: {  	_ =	swait.ge [sflag:s14], $0x4000  }
0x2b: {  	[sflag:s14] =	ssyncset.done $0x0  }
0x2c: {  	[sflag:s14] =	ssyncadd.s32 $0xFFFFC000  }
0x2d: {  	[tilespmem:s15], [sflag:$0x2] =	stream.indirect.gather [hbm4b:s2+s12], $0x80, s12, s12, $0xb8;
	[tilespmem:$0x1C900] =	vst v63  }
0x2e: {  	_ = 	snop  }
0x2f: {  	[spmem:s3] =	stream.indirect.scatter.add.f32 [tilespmem:s13], [sflag:$0x3], $0x80, s11, s12, $0xb8;
	[tilespmem:$0x1C900] =	vst v63  }
0x30: {  	_ =	swait.ge [sflag:s10], $0x4000  }
0x31: {  	[sflag:s10] =	ssyncset.done $0x0  }
0x32: {  	[sflag:s10] =	ssyncadd.s32 $0xFFFFC000  }
0x33: {  	_ =	swait.ge [sflag:s16], $0x4000  }
0x34: {  	[sflag:s16] =	ssyncset.done $0x0  }
0x35: {  	[sflag:s16] =	ssyncadd.s32 $0xFFFFC000  }
0x36: {  	[tilespmem:s13], [sflag:$0x1] =	stream.indirect.gather [hbm4b:s2+s12], $0x80, s17, s12, $0xb8;
	[tilespmem:$0x1C900] =	vst v63  }
0x37: {  	_ = 	snop  }
0x38: {  	[spmem:s3] =	stream.indirect.scatter.add.f32 [tilespmem:s15], [sflag:$0x3], $0x80, s18, s12, $0xb8;
	[tilespmem:$0x1C900] =	vst v63  }
0x39: {  	_ =	swait.ge [sflag:s10], $0x4000  }
0x3a: {  	[sflag:s10] =	ssyncset.done $0x0  }
0x3b: {  	[sflag:s10] =	ssyncadd.s32 $0xFFFFC000  }
0x3c: {  	_ =	swait.ge [sflag:s14], $0x4000  }
0x3d: {  	[sflag:s14] =	ssyncset.done $0x0  }
0x3e: {  	[sflag:s14] =	ssyncadd.s32 $0xFFFFC000  }
0x3f: {  	[tilespmem:s15], [sflag:$0x2] =	stream.indirect.gather [hbm4b:s2+s12], $0x80, s19, s12, $0xb8;
	[tilespmem:$0x1C900] =	vst v63  }
0x40: {  	_ = 	snop  }
0x41: {  	[spmem:s3] =	stream.indirect.scatter.add.f32 [tilespmem:s13], [sflag:$0x3], $0x80, s20, s12, $0xb8;
	[tilespmem:$0x1C900] =	vst v63  }
0x42: {  	_ =	swait.ge [sflag:s10], $0x4000  }
0x43: {  	[sflag:s10] =	ssyncset.done $0x0  }
0x44: {  	[sflag:s10] =	ssyncadd.s32 $0xFFFFC000  }
0x45: {  	_ =	swait.ge [sflag:s16], $0x4000  }
0x46: {  	[sflag:s16] =	ssyncset.done $0x0  }
0x47: {  	[sflag:s16] =	ssyncadd.s32 $0xFFFFC000  }
0x48: {  	[tilespmem:s13], [sflag:$0x1] =	stream.indirect.gather [hbm4b:s2+s12], $0x80, s21, s12, $0xb8;
	[tilespmem:$0x1C900] =	vst v63  }
0x49: {  	_ = 	snop  }
0x4a: {  	[spmem:s3] =	stream.indirect.scatter.add.f32 [tilespmem:s15], [sflag:$0x3], $0x80, s22, s12, $0xb8;
	[tilespmem:$0x1C900] =	vst v63  }
0x4b: {  	_ =	swait.ge [sflag:s10], $0x4000  }
0x4c: {  	[sflag:s10] =	ssyncset.done $0x0  }
0x4d: {  	[sflag:s10] =	ssyncadd.s32 $0xFFFFC000  }
0x4e: {  	_ =	swait.ge [sflag:s14], $0x4000  }
0x4f: {  	[sflag:s14] =	ssyncset.done $0x0  }
0x50: {  	[sflag:s14] =	ssyncadd.s32 $0xFFFFC000  }
0x51: {  	[tilespmem:s15], [sflag:$0x2] =	stream.indirect.gather [hbm4b:s2+s12], $0x80, s23, s12, $0xb8;
	[tilespmem:$0x1C900] =	vst v63  }
0x52: {  	_ = 	snop  }
0x53: {  	[spmem:s3] =	stream.indirect.scatter.add.f32 [tilespmem:s13], [sflag:$0x3], $0x80, s24, s12, $0xb8;
	[tilespmem:$0x1C900] =	vst v63  }
0x54: {  	_ =	swait.ge [sflag:s10], $0x4000  }
0x55: {  	[sflag:s10] =	ssyncset.done $0x0  }
0x56: {  	[sflag:s10] =	ssyncadd.s32 $0xFFFFC000  }
0x57: {  	_ =	swait.ge [sflag:s16], $0x4000  }
0x58: {  	[sflag:s16] =	ssyncset.done $0x0  }
0x59: {  	[sflag:s16] =	ssyncadd.s32 $0xFFFFC000  }
0x5a: {  	[tilespmem:s13], [sflag:$0x1] =	stream.indirect.gather [hbm4b:s2+s12], $0x80, s25, s12, $0xb8;
	[tilespmem:$0x1C900] =	vst v63  }
0x5b: {  	_ = 	snop  }
0x5c: {  	[spmem:s3] =	stream.indirect.scatter.add.f32 [tilespmem:s15], [sflag:$0x3], $0x80, s26, s12, $0xb8;
	[tilespmem:$0x1C900] =	vst v63  }
0x5d: {  	_ =	swait.ge [sflag:s10], $0x4000  }
0x5e: {  	[sflag:s10] =	ssyncset.done $0x0  }
0x5f: {  	[sflag:s10] =	ssyncadd.s32 $0xFFFFC000  }
0x60: {  	_ =	swait.ge [sflag:s14], $0x4000  }
0x61: {  	[sflag:s14] =	ssyncset.done $0x0  }
0x62: {  	[sflag:s14] =	ssyncadd.s32 $0xFFFFC000  }
0x63: {  	[tilespmem:s15], [sflag:$0x2] =	stream.indirect.gather [hbm4b:s2+s12], $0x80, s28, s12, $0xb8;
	[tilespmem:$0x1C900] =	vst v63  }
0x64: {  	_ = 	snop  }
0x65: {  	[spmem:s3] =	stream.indirect.scatter.add.f32 [tilespmem:s13], [sflag:$0x3], $0x80, s29, s12, $0xb8;
	[tilespmem:$0x1C900] =	vst v63  }
0x66: {  	_ =	swait.ge [sflag:s10], $0x4000  }
0x67: {  	[sflag:s10] =	ssyncset.done $0x0  }
0x68: {  	[sflag:s10] =	ssyncadd.s32 $0xFFFFC000  }
0x69: {  	_ =	swait.ge [sflag:s16], $0x4000  }
0x6a: {  	[sflag:s16] =	ssyncset.done $0x0  }
0x6b: {  	[sflag:s16] =	ssyncadd.s32 $0xFFFFC000  }
0x6c: {  	[tilespmem:s13], [sflag:$0x1] =	stream.indirect.gather [hbm4b:s2+s12], $0x80, s30, s12, $0xb8;
	[tilespmem:$0x1C900] =	vst v63  }
0x6d: {  	_ = 	snop  }
0x6e: {  	[spmem:s3] =	stream.indirect.scatter.add.f32 [tilespmem:s15], [sflag:$0x3], $0x80, s31, s12, $0xb8;
	[tilespmem:$0x1C900] =	vst v63  }
0x6f: {  	_ =	swait.ge [sflag:s10], $0x4000  }
0x70: {  	[sflag:s10] =	ssyncset.done $0x0  }
0x71: {  	[sflag:s10] =	ssyncadd.s32 $0xFFFFC000  }
0x72: {  	_ =	swait.ge [sflag:s14], $0x4000  }
0x73: {  	[sflag:s14] =	ssyncset.done $0x0  }
0x74: {  	[sflag:s14] =	ssyncadd.s32 $0xFFFFC000  }
0x75: {  	[tilespmem:s15], [sflag:$0x2] =	stream.indirect.gather [hbm4b:s2+s12], $0x80, s0, s12, $0xb8;
	[tilespmem:$0x1C900] =	vst v63  }
0x76: {  	_ = 	snop  }
0x77: {  	[spmem:s3] =	stream.indirect.scatter.add.f32 [tilespmem:s13], [sflag:$0x3], $0x80, s1, s12, $0xb8;
	[tilespmem:$0x1C900] =	vst v63  }
0x78: {  	_ =	swait.ge [sflag:s10], $0x4000  }
0x79: {  	[sflag:s10] =	ssyncset.done $0x0  }
0x7a: {  	[sflag:s10] =	ssyncadd.s32 $0xFFFFC000  }
0x7b: {  	_ =	swait.ge [sflag:s16], $0x4000  }
0x7c: {  	[sflag:s16] =	ssyncset.done $0x0  }
0x7d: {  	[sflag:s16] =	ssyncadd.s32 $0xFFFFC000  }
0x7e: {  	[spmem:s3] =	stream.indirect.scatter.add.f32 [tilespmem:s15], [sflag:$0x3], $0x80, s5, s12, $0xb8;
	[tilespmem:$0x1C900] =	vst v63  }
0x7f: {  	s8 =	simm.s32 $0x200;
	_ =	swait.ge [sflag:s10], $0x4000  }
0x80: {  	s7 =	simm.s32 $0x100;
	s9 =	rddreg [dreg:$0x5];
	[sflag:s10] =	ssyncset.done $0x0  }
.LBB2_2:
0x81: {  	[sflag:s10] =	ssyncadd.s32 $0xFFFFC000;
	s9 =	sadd.s32 s7, s9  }
0x82: {  	[tilespmem:s4], [sflag:$0x3] =	stream.linear.gather [hbm4b:s9+s4], $0x500, $0x38;
	[tilespmem:$0x1C900] =	vst v63  }
0x83: {  	_ =	swait.ge [sflag:s10], $0x500  }
0x84: {  	s9 =	rddreg [dreg:$0x4];
	[sflag:s10] =	ssyncset.done $0x0  }
0x85: {  	[sflag:s10] =	ssyncadd.s32 $0xFFFFFB00;
	s9 =	sadd.s32 s7, s9  }
0x86: {  	[tilespmem:s11], [sflag:$0x3] =	stream.linear.gather [hbm4b:s9+s4], $0x500, $0x38;
	[tilespmem:$0x1C900] =	vst v63  }
0x87: {  	_ =	swait.ge [sflag:s10], $0x500  }
0x88: {  	[sflag:s10] =	ssyncset.done $0x0  }
0x89: {  	[sflag:s10] =	ssyncadd.s32 $0xFFFFFB00  }
0x8a: {  	[tilespmem:s13], [sflag:$0x1] =	stream.indirect.gather [hbm4b:s2+s12], $0x80, s4, s12, $0xb8;
	[tilespmem:$0x1C900] =	vst v63  }
0x8b: {  	_ =	swait.ge [sflag:s14], $0x4000  }
0x8c: {  	[sflag:s14] =	ssyncset.done $0x0  }
0x8d: {  	[sflag:s14] =	ssyncadd.s32 $0xFFFFC000  }
0x8e: {  	[tilespmem:s15], [sflag:$0x2] =	stream.indirect.gather [hbm4b:s2+s12], $0x80, s12, s12, $0xb8;
	[tilespmem:$0x1C900] =	vst v63  }
0x8f: {  	_ = 	snop  }
0x90: {  	[spmem:s3] =	stream.indirect.scatter.add.f32 [tilespmem:s13], [sflag:$0x3], $0x80, s11, s12, $0xb8;
	[tilespmem:$0x1C900] =	vst v63  }
0x91: {  	_ =	swait.ge [sflag:s10], $0x4000  }
0x92: {  	[sflag:s10] =	ssyncset.done $0x0  }
0x93: {  	[sflag:s10] =	ssyncadd.s32 $0xFFFFC000  }
0x94: {  	_ =	swait.ge [sflag:s16], $0x4000  }
0x95: {  	[sflag:s16] =	ssyncset.done $0x0  }
0x96: {  	[sflag:s16] =	ssyncadd.s32 $0xFFFFC000  }
0x97: {  	[tilespmem:s13], [sflag:$0x1] =	stream.indirect.gather [hbm4b:s2+s12], $0x80, s17, s12, $0xb8;
	[tilespmem:$0x1C900] =	vst v63  }
0x98: {  	_ = 	snop  }
0x99: {  	[spmem:s3] =	stream.indirect.scatter.add.f32 [tilespmem:s15], [sflag:$0x3], $0x80, s18, s12, $0xb8;
	[tilespmem:$0x1C900] =	vst v63  }
0x9a: {  	_ =	swait.ge [sflag:s10], $0x4000  }
0x9b: {  	[sflag:s10] =	ssyncset.done $0x0  }
0x9c: {  	[sflag:s10] =	ssyncadd.s32 $0xFFFFC000  }
0x9d: {  	_ =	swait.ge [sflag:s14], $0x4000  }
0x9e: {  	[sflag:s14] =	ssyncset.done $0x0  }
0x9f: {  	[sflag:s14] =	ssyncadd.s32 $0xFFFFC000  }
0xa0: {  	[tilespmem:s15], [sflag:$0x2] =	stream.indirect.gather [hbm4b:s2+s12], $0x80, s19, s12, $0xb8;
	[tilespmem:$0x1C900] =	vst v63  }
0xa1: {  	_ = 	snop  }
0xa2: {  	[spmem:s3] =	stream.indirect.scatter.add.f32 [tilespmem:s13], [sflag:$0x3], $0x80, s20, s12, $0xb8;
	[tilespmem:$0x1C900] =	vst v63  }
0xa3: {  	_ =	swait.ge [sflag:s10], $0x4000  }
0xa4: {  	[sflag:s10] =	ssyncset.done $0x0  }
0xa5: {  	[sflag:s10] =	ssyncadd.s32 $0xFFFFC000  }
0xa6: {  	_ =	swait.ge [sflag:s16], $0x4000  }
0xa7: {  	[sflag:s16] =	ssyncset.done $0x0  }
0xa8: {  	[sflag:s16] =	ssyncadd.s32 $0xFFFFC000  }
0xa9: {  	[tilespmem:s13], [sflag:$0x1] =	stream.indirect.gather [hbm4b:s2+s12], $0x80, s21, s12, $0xb8;
	[tilespmem:$0x1C900] =	vst v63  }
0xaa: {  	_ = 	snop  }
0xab: {  	[spmem:s3] =	stream.indirect.scatter.add.f32 [tilespmem:s15], [sflag:$0x3], $0x80, s22, s12, $0xb8;
	[tilespmem:$0x1C900] =	vst v63  }
0xac: {  	_ =	swait.ge [sflag:s10], $0x4000  }
0xad: {  	[sflag:s10] =	ssyncset.done $0x0  }
0xae: {  	[sflag:s10] =	ssyncadd.s32 $0xFFFFC000  }
0xaf: {  	_ =	swait.ge [sflag:s14], $0x4000  }
0xb0: {  	[sflag:s14] =	ssyncset.done $0x0  }
0xb1: {  	[sflag:s14] =	ssyncadd.s32 $0xFFFFC000  }
0xb2: {  	[tilespmem:s15], [sflag:$0x2] =	stream.indirect.gather [hbm4b:s2+s12], $0x80, s23, s12, $0xb8;
	[tilespmem:$0x1C900] =	vst v63  }
0xb3: {  	_ = 	snop  }
0xb4: {  	[spmem:s3] =	stream.indirect.scatter.add.f32 [tilespmem:s13], [sflag:$0x3], $0x80, s24, s12, $0xb8;
	[tilespmem:$0x1C900] =	vst v63  }
0xb5: {  	_ =	swait.ge [sflag:s10], $0x4000  }
0xb6: {  	[sflag:s10] =	ssyncset.done $0x0  }
0xb7: {  	[sflag:s10] =	ssyncadd.s32 $0xFFFFC000  }
0xb8: {  	_ =	swait.ge [sflag:s16], $0x4000  }
0xb9: {  	[sflag:s16] =	ssyncset.done $0x0  }
0xba: {  	[sflag:s16] =	ssyncadd.s32 $0xFFFFC000  }
0xbb: {  	[tilespmem:s13], [sflag:$0x1] =	stream.indirect.gather [hbm4b:s2+s12], $0x80, s25, s12, $0xb8;
	[tilespmem:$0x1C900] =	vst v63  }
0xbc: {  	_ = 	snop  }
0xbd: {  	[spmem:s3] =	stream.indirect.scatter.add.f32 [tilespmem:s15], [sflag:$0x3], $0x80, s26, s12, $0xb8;
	[tilespmem:$0x1C900] =	vst v63  }
0xbe: {  	_ =	swait.ge [sflag:s10], $0x4000  }
0xbf: {  	[sflag:s10] =	ssyncset.done $0x0  }
0xc0: {  	[sflag:s10] =	ssyncadd.s32 $0xFFFFC000  }
0xc1: {  	_ =	swait.ge [sflag:s14], $0x4000  }
0xc2: {  	[sflag:s14] =	ssyncset.done $0x0  }
0xc3: {  	[sflag:s14] =	ssyncadd.s32 $0xFFFFC000  }
0xc4: {  	[tilespmem:s15], [sflag:$0x2] =	stream.indirect.gather [hbm4b:s2+s12], $0x80, s28, s12, $0xb8;
	[tilespmem:$0x1C900] =	vst v63  }
0xc5: {  	_ = 	snop  }
0xc6: {  	[spmem:s3] =	stream.indirect.scatter.add.f32 [tilespmem:s13], [sflag:$0x3], $0x80, s29, s12, $0xb8;
	[tilespmem:$0x1C900] =	vst v63  }
0xc7: {  	_ =	swait.ge [sflag:s10], $0x4000  }
0xc8: {  	[sflag:s10] =	ssyncset.done $0x0  }
0xc9: {  	[sflag:s10] =	ssyncadd.s32 $0xFFFFC000  }
0xca: {  	_ =	swait.ge [sflag:s16], $0x4000  }
0xcb: {  	[sflag:s16] =	ssyncset.done $0x0  }
0xcc: {  	[sflag:s16] =	ssyncadd.s32 $0xFFFFC000  }
0xcd: {  	[tilespmem:s13], [sflag:$0x1] =	stream.indirect.gather [hbm4b:s2+s12], $0x80, s30, s12, $0xb8;
	[tilespmem:$0x1C900] =	vst v63  }
0xce: {  	_ = 	snop  }
0xcf: {  	[spmem:s3] =	stream.indirect.scatter.add.f32 [tilespmem:s15], [sflag:$0x3], $0x80, s31, s12, $0xb8;
	[tilespmem:$0x1C900] =	vst v63  }
0xd0: {  	_ =	swait.ge [sflag:s10], $0x4000  }
0xd1: {  	[sflag:s10] =	ssyncset.done $0x0  }
0xd2: {  	[sflag:s10] =	ssyncadd.s32 $0xFFFFC000  }
0xd3: {  	_ =	swait.ge [sflag:s14], $0x4000  }
0xd4: {  	[sflag:s14] =	ssyncset.done $0x0  }
0xd5: {  	[sflag:s14] =	ssyncadd.s32 $0xFFFFC000  }
0xd6: {  	[tilespmem:s15], [sflag:$0x2] =	stream.indirect.gather [hbm4b:s2+s12], $0x80, s0, s12, $0xb8;
	[tilespmem:$0x1C900] =	vst v63  }
0xd7: {  	_ = 	snop  }
0xd8: {  	[spmem:s3] =	stream.indirect.scatter.add.f32 [tilespmem:s13], [sflag:$0x3], $0x80, s1, s12, $0xb8;
	[tilespmem:$0x1C900] =	vst v63  }
0xd9: {  	_ =	swait.ge [sflag:s10], $0x4000  }
0xda: {  	[sflag:s10] =	ssyncset.done $0x0  }
0xdb: {  	[sflag:s10] =	ssyncadd.s32 $0xFFFFC000  }
0xdc: {  	p1 =	sne.s32 s8, $0x700;
	_ =	swait.ge [sflag:s16], $0x4000  }
.Ltmp0:
0xdd: {  	[sflag:s16] =	ssyncset.done $0x0;
	(pc) =	sbr.rel @p1 .LBB2_2-.Ltmp0, $4  }
0xde: {  	[sflag:s16] =	ssyncadd.s32 $0xFFFFC000  }
0xdf: {  	[spmem:s3] =	stream.indirect.scatter.add.f32 [tilespmem:s15], [sflag:$0x3], $0x80, s5, s12, $0xb8;
	[tilespmem:$0x1C900] =	vst v63  }
0xe0: {  	s6 =	smov.u32 s8;
	s8 =	sadd.s32 $0x100, s8;
	_ =	swait.ge [sflag:s10], $0x4000  }
0xe1: {  	s7 =	smov.u32 s6;
	s9 =	rddreg [dreg:$0x5];
	[sflag:s10] =	ssyncset.done $0x0  }
0xe2: {  	[sflag:s10] =	ssyncadd.s32 $0xFFFFC000;
	s6 =	sadd.s32 s7, s9  }
0xe3: {  	[tilespmem:s4], [sflag:$0x3] =	stream.linear.gather [hbm4b:s6+s4], $0x500, $0x38;
	[tilespmem:$0x1C900] =	vst v63  }
0xe4: {  	_ =	swait.ge [sflag:s10], $0x500  }
0xe5: {  	s9 =	rddreg [dreg:$0x4];
	[sflag:s10] =	ssyncset.done $0x0  }
0xe6: {  	s6 =	sadd.s32 s7, s9;
	[sflag:s10] =	ssyncadd.s32 $0xFFFFFB00  }
0xe7: {  	[tilespmem:s11], [sflag:$0x3] =	stream.linear.gather [hbm4b:s6+s4], $0x500, $0x38;
	[tilespmem:$0x1C900] =	vst v63  }
0xe8: {  	_ =	swait.ge [sflag:s10], $0x500  }
0xe9: {  	[sflag:s10] =	ssyncset.done $0x0  }
0xea: {  	[sflag:s10] =	ssyncadd.s32 $0xFFFFFB00  }
0xeb: {  	[tilespmem:s13], [sflag:$0x1] =	stream.indirect.gather [hbm4b:s2+s12], $0x80, s4, s12, $0xb8;
	[tilespmem:$0x1C900] =	vst v63  }
0xec: {  	_ =	swait.ge [sflag:s14], $0x4000  }
0xed: {  	[sflag:s14] =	ssyncset.done $0x0  }
0xee: {  	[sflag:s14] =	ssyncadd.s32 $0xFFFFC000  }
0xef: {  	[tilespmem:s15], [sflag:$0x2] =	stream.indirect.gather [hbm4b:s2+s12], $0x80, s12, s12, $0xb8;
	[tilespmem:$0x1C900] =	vst v63  }
0xf0: {  	_ = 	snop  }
0xf1: {  	[spmem:s3] =	stream.indirect.scatter.add.f32 [tilespmem:s13], [sflag:$0x3], $0x80, s11, s12, $0xb8;
	[tilespmem:$0x1C900] =	vst v63  }
0xf2: {  	_ =	swait.ge [sflag:s10], $0x4000  }
0xf3: {  	[sflag:s10] =	ssyncset.done $0x0  }
0xf4: {  	[sflag:s10] =	ssyncadd.s32 $0xFFFFC000  }
0xf5: {  	_ =	swait.ge [sflag:s16], $0x4000  }
0xf6: {  	[sflag:s16] =	ssyncset.done $0x0  }
0xf7: {  	[sflag:s16] =	ssyncadd.s32 $0xFFFFC000  }
0xf8: {  	[tilespmem:s13], [sflag:$0x1] =	stream.indirect.gather [hbm4b:s2+s12], $0x80, s17, s12, $0xb8;
	[tilespmem:$0x1C900] =	vst v63  }
0xf9: {  	_ = 	snop  }
0xfa: {  	[spmem:s3] =	stream.indirect.scatter.add.f32 [tilespmem:s15], [sflag:$0x3], $0x80, s18, s12, $0xb8;
	[tilespmem:$0x1C900] =	vst v63  }
0xfb: {  	_ =	swait.ge [sflag:s10], $0x4000  }
0xfc: {  	[sflag:s10] =	ssyncset.done $0x0  }
0xfd: {  	[sflag:s10] =	ssyncadd.s32 $0xFFFFC000  }
0xfe: {  	_ =	swait.ge [sflag:s14], $0x4000  }
0xff: {  	[sflag:s14] =	ssyncset.done $0x0  }
0x100: {  	[sflag:s14] =	ssyncadd.s32 $0xFFFFC000  }
0x101: {  	[tilespmem:s15], [sflag:$0x2] =	stream.indirect.gather [hbm4b:s2+s12], $0x80, s19, s12, $0xb8;
	[tilespmem:$0x1C900] =	vst v63  }
0x102: {  	_ = 	snop  }
0x103: {  	[spmem:s3] =	stream.indirect.scatter.add.f32 [tilespmem:s13], [sflag:$0x3], $0x80, s20, s12, $0xb8;
	[tilespmem:$0x1C900] =	vst v63  }
0x104: {  	_ =	swait.ge [sflag:s10], $0x4000  }
0x105: {  	[sflag:s10] =	ssyncset.done $0x0  }
0x106: {  	[sflag:s10] =	ssyncadd.s32 $0xFFFFC000  }
0x107: {  	_ =	swait.ge [sflag:s16], $0x4000  }
0x108: {  	[sflag:s16] =	ssyncset.done $0x0  }
0x109: {  	[sflag:s16] =	ssyncadd.s32 $0xFFFFC000  }
0x10a: {  	[tilespmem:s13], [sflag:$0x1] =	stream.indirect.gather [hbm4b:s2+s12], $0x80, s21, s12, $0xb8;
	[tilespmem:$0x1C900] =	vst v63  }
0x10b: {  	_ = 	snop  }
0x10c: {  	[spmem:s3] =	stream.indirect.scatter.add.f32 [tilespmem:s15], [sflag:$0x3], $0x80, s22, s12, $0xb8;
	[tilespmem:$0x1C900] =	vst v63  }
0x10d: {  	_ =	swait.ge [sflag:s10], $0x4000  }
0x10e: {  	[sflag:s10] =	ssyncset.done $0x0  }
0x10f: {  	[sflag:s10] =	ssyncadd.s32 $0xFFFFC000  }
0x110: {  	_ =	swait.ge [sflag:s14], $0x4000  }
0x111: {  	[sflag:s14] =	ssyncset.done $0x0  }
0x112: {  	[sflag:s14] =	ssyncadd.s32 $0xFFFFC000  }
0x113: {  	[tilespmem:s15], [sflag:$0x2] =	stream.indirect.gather [hbm4b:s2+s12], $0x80, s23, s12, $0xb8;
	[tilespmem:$0x1C900] =	vst v63  }
0x114: {  	_ = 	snop  }
0x115: {  	[spmem:s3] =	stream.indirect.scatter.add.f32 [tilespmem:s13], [sflag:$0x3], $0x80, s24, s12, $0xb8;
	[tilespmem:$0x1C900] =	vst v63  }
0x116: {  	_ =	swait.ge [sflag:s10], $0x4000  }
0x117: {  	[sflag:s10] =	ssyncset.done $0x0  }
0x118: {  	[sflag:s10] =	ssyncadd.s32 $0xFFFFC000  }
0x119: {  	_ =	swait.ge [sflag:s16], $0x4000  }
0x11a: {  	[sflag:s16] =	ssyncset.done $0x0  }
0x11b: {  	[sflag:s16] =	ssyncadd.s32 $0xFFFFC000  }
0x11c: {  	[tilespmem:s13], [sflag:$0x1] =	stream.indirect.gather [hbm4b:s2+s12], $0x80, s25, s12, $0xb8;
	[tilespmem:$0x1C900] =	vst v63  }
0x11d: {  	_ = 	snop  }
0x11e: {  	[spmem:s3] =	stream.indirect.scatter.add.f32 [tilespmem:s15], [sflag:$0x3], $0x80, s26, s12, $0xb8;
	[tilespmem:$0x1C900] =	vst v63  }
0x11f: {  	_ =	swait.ge [sflag:s10], $0x4000  }
0x120: {  	[sflag:s10] =	ssyncset.done $0x0  }
0x121: {  	[sflag:s10] =	ssyncadd.s32 $0xFFFFC000  }
0x122: {  	_ =	swait.ge [sflag:s14], $0x4000  }
0x123: {  	[sflag:s14] =	ssyncset.done $0x0  }
0x124: {  	[sflag:s14] =	ssyncadd.s32 $0xFFFFC000  }
0x125: {  	[tilespmem:s15], [sflag:$0x2] =	stream.indirect.gather [hbm4b:s2+s12], $0x80, s28, s12, $0xb8;
	[tilespmem:$0x1C900] =	vst v63  }
0x126: {  	_ = 	snop  }
0x127: {  	[spmem:s3] =	stream.indirect.scatter.add.f32 [tilespmem:s13], [sflag:$0x3], $0x80, s29, s12, $0xb8;
	[tilespmem:$0x1C900] =	vst v63  }
0x128: {  	_ =	swait.ge [sflag:s10], $0x4000  }
0x129: {  	[sflag:s10] =	ssyncset.done $0x0  }
0x12a: {  	[sflag:s10] =	ssyncadd.s32 $0xFFFFC000  }
0x12b: {  	_ =	swait.ge [sflag:s16], $0x4000  }
0x12c: {  	[sflag:s16] =	ssyncset.done $0x0  }
0x12d: {  	[sflag:s16] =	ssyncadd.s32 $0xFFFFC000  }
0x12e: {  	[tilespmem:s13], [sflag:$0x1] =	stream.indirect.gather [hbm4b:s2+s12], $0x80, s30, s12, $0xb8;
	[tilespmem:$0x1C900] =	vst v63  }
0x12f: {  	_ = 	snop  }
0x130: {  	[spmem:s3] =	stream.indirect.scatter.add.f32 [tilespmem:s15], [sflag:$0x3], $0x80, s31, s12, $0xb8;
	[tilespmem:$0x1C900] =	vst v63  }
0x131: {  	_ =	swait.ge [sflag:s10], $0x4000  }
0x132: {  	[sflag:s10] =	ssyncset.done $0x0  }
0x133: {  	[sflag:s10] =	ssyncadd.s32 $0xFFFFC000  }
0x134: {  	_ =	swait.ge [sflag:s14], $0x4000  }
0x135: {  	[sflag:s14] =	ssyncset.done $0x0  }
0x136: {  	[sflag:s14] =	ssyncadd.s32 $0xFFFFC000  }
0x137: {  	[tilespmem:s15], [sflag:$0x2] =	stream.indirect.gather [hbm4b:s2+s12], $0x80, s0, s12, $0xb8;
	[tilespmem:$0x1C900] =	vst v63  }
0x138: {  	_ = 	snop  }
0x139: {  	[spmem:s3] =	stream.indirect.scatter.add.f32 [tilespmem:s13], [sflag:$0x3], $0x80, s1, s12, $0xb8;
	[tilespmem:$0x1C900] =	vst v63  }
0x13a: {  	_ =	swait.ge [sflag:s10], $0x4000  }
0x13b: {  	[sflag:s10] =	ssyncset.done $0x0  }
0x13c: {  	[sflag:s10] =	ssyncadd.s32 $0xFFFFC000  }
0x13d: {  	_ =	swait.ge [sflag:s16], $0x4000  }
0x13e: {  	[sflag:s16] =	ssyncset.done $0x0  }
0x13f: {  	[sflag:s16] =	ssyncadd.s32 $0xFFFFC000  }
0x140: {  	[spmem:s3] =	stream.indirect.scatter.add.f32 [tilespmem:s15], [sflag:$0x3], $0x80, s5, s12, $0xb8;
	[tilespmem:$0x1C900] =	vst v63  }
0x141: {  	_ =	swait.ge [sflag:s10], $0x4000  }
0x142: {  	[sflag:s10] =	ssyncset.done $0x0  }
0x143: {  	[sflag:s10] =	ssyncadd.s32 $0xFFFFC000  }
0x144: {  	[bflag:$0x0] =	sbarrier.arrive $0xFFFF  }
0x145: {  	s6 =	rddreg [dreg:$0x7]  }
0x146: {  	s9 =	rddreg [dreg:$0x9]  }
0x147: {  	s7 =	simm.s32 @!p0 $0x3;
	s8 =	rddreg [dreg:$0xa]  }
0x148: {  	[hbm:s6], [sflag:s9] =	dma.local @!p0 [spmem:s8], $0x3E80  }
0x149: {  	_ =	swait.ge @!p0 [sflag:s7], $0x3E80  }
0x14a: {  	s6 =	rddreg [dreg:$0xb]  }
0x14b: {  	[sflag:s7] =	ssyncset.done @!p0 $0x0;
	s7 =	rddreg [dreg:$0x8];
	s6 =	sadd.s32 $0x1, s6  }
0x14c: {  	p1 =	sne.s32 s6, s7  }
.Ltmp1:
0x14d: {  	_ = 	snop;
	(pc) =	sbr.rel @p1 .LBB2_1-.Ltmp1, $3  }
0x14e: {  	_ =	sdelay $0x1  }
0x14f: {  	[dreg:$0xb] =	wrdreg s6;
	s6 =	simm.s32 @!p0 $0x3  }
0x150: {  	[sflag:s6] =	ssyncadd.s32 @!p0 $0xFFFFC180  }
0x151: {  	_ =	sfence.sel $0x180000  }
0x152: {  	[bflag:$0x0] =	sbarrier.arrive $0xFFFF  }
0x153: {  	_ =	strace $0x9000004D  }
0x154: {  	s0 =	stileid.u32;
	[bflag:$0x2] =	sbarrier.arrive $0xFFFF  }
0x155: {  	p0 =	sne.s32 s0, $0x0;
	s0 =	rddreg [dreg:$0x3]  }
0x156: {  	s0 =	sadd.s32 @!p0 $0x100000, s0  }
0x157: {  	[sflag:s0] =	ssyncadd.tile.s32 @!p0 $0x1;
	_ =	shalt  }
.Lfunc_end2:
_tile_overlayer_lowered:
.L_overlay_start_2:
0x158: {  	(tag) =	ssettag $0x2  }
0x159: {  	s0 =	rddreg [dreg:$0x0];
	s2 =	stileid.u32  }
0x15a: {  	s1 =	rddreg [dreg:$0x1];
	p0 =	sne.s32 s2, $0x0  }
0x15b: {  	s3 =	rddreg [dreg:$0x2];
	[bflag:$0x3] =	sbarrier.arrive $0xFFFF;
	s2 =	simm.s32 @!p0 $0x1C03  }
0x15c: {  	[timem:s3], [sflag:s2] =	dma.local @!p0 [hbm:s0], s1  }
0x15d: {  	s0 =	simm.s32 @!p0 $0x3  }
0x15e: {  	_ =	swait.ge @!p0 [sflag:s0], s1  }
0x15f: {  	s1 =	ssub.s32 @!p0 $0x0, s1;
	[sflag:s0] =	ssyncset.done @!p0 $0x0  }
0x160: {  	[sflag:s0] =	ssyncadd.s32 @!p0 s1  }
0x161: {  	[bflag:$0x3] =	sbarrier.arrive $0xFFFF  }
0x162: {  	_ =	shalt  }

// kernel: kernel.19.cloned.1.call-start
scs
__scs_entry_jumppad:
0x0: {  	(pc) =	sbr.rel $0x88, $3  }
0x1: {  	(tag) =	ssettag $0x0;
	lr =	simm.s32 $0x1  }
0x2: {  	[smem:$0x3F99] =	sst lr;
	_ =	strace $0xD0000000  }
0x3: {  	_ = 	snop  }
0x4: {  	_ = 	snop  }
0x5: {  	_ = 	snop  }
0x6: {  	_ = 	snop  }
0x7: {  	_ = 	snop  }
__scs_overlays_trampoline_lowered:
0x8: {  	[smem:$0x3FA8] =	sst s0  }
0x9: {  	[smem:$0x3FA9] =	sst s1  }
0xa: {  	[smem:$0x3FAA] =	sst s2  }
0xb: {  	[smem:$0x3FAB] =	sst s3  }
0xc: {  	[smem:$0x3FAC] =	sst s4  }
0xd: {  	[smem:$0x3FAD] =	sst s5  }
0xe: {  	[smem:$0x3FAE] =	sst s6  }
0xf: {  	[smem:$0x3FAF] =	sst s7  }
0x10: {  	[smem:$0x3FB0] =	sst s8  }
0x11: {  	[smem:$0x3FB1] =	sst s9;
	s0 =	simm.s32 @!p0 $0x0  }
0x12: {  	s1 =	sld [smem:$0x3F97];
	s0 =	simm.s32 @p0 $0x1  }
0x13: {  	[smem:$0x3FB2] =	sst s0;
	s0 =	simm.s32 @!p1 $0x0  }
0x14: {  	s2 =	sld [smem:$0x3F96];
	s0 =	simm.s32 @p1 $0x1  }
0x15: {  	[smem:$0x3FB3] =	sst s0;
	s0 =	simm.s32 @!p2 $0x0  }
0x16: {  	s3 =	sld [smem:$0x3FDB];
	s0 =	simm.s32 @p2 $0x1  }
0x17: {  	s4 =	simm.s32 $0x1BF5;
	[smem:$0x3FB5] =	sst s0  }
0x18: {  	s0 =	sld [smem:$0x3F98];
	_ =	swait.ge [sflag:s4], $0x0  }
0x19: {  	s7 =	sld [smem:$0x3F99]  }
0x1a: {  	s8 =	sadd.s32 $0xFFFFE003, lr  }
0x1b: {  	s9 =	sadd.s32 $0xFFFFFEF7, lr;
	s5 =	simm.s32 $0xFFFFFFFF;
	p2 =	slt.u32 s8, $0xFFFFF086  }
0x1c: {  	p1 =	slt.u32 s9, $0xF7A;
	s5 =	simm.s32 @!p2 $0x0  }
0x1d: {  	s5 =	simm.s32 @p1 $0x1;
	p0 =	seq.s32 s7, s2  }
0x1e: {  	s7 =	smul.u32 @!p0 $0xF7A, s2;
	p2 =	seq.s32 @!p0 s5, $0x0  }
0x1f: {  	s9 =	smul.u32 $0xF7A, s1;
	s8 =	simm.s32 @!p0 $0x1BF5;
	p2 =	por !p2, p0  }
0x20: {  	[sflag:s8] =	ssyncset.s32 @!p0 $0xFFFFF086;
	s6 =	sadd.s32 @!p0 s3, s7;
	s7 =	simm.s32 @!p0 $0x108  }
0x21: {  	s3 =	sadd.s32 s3, s9;
	s6 =	sadd.s32 @!p0 $0x88, s6;
	s7 =	simm.s32 @p2 $0x1082  }
0x22: {  	[simem:s7], [sflag:s8] =	dma.local @!p0 [hbm:s6], $0xF7A  }
0x23: {  	s9 =	sor.u32 $0xD0000000, s2;
	s6 =	simm.s32 $0x108;
	_ =	swait.ge @!p0 [sflag:s8], $0x0  }
0x24: {  	s3 =	sadd.s32 $0x88, s3;
	s6 =	simm.s32 @!p1 $0x1082;
	[sflag:s4] =	ssyncset.s32 $0xFFFFF086  }
0x25: {  	[simem:s6], [sflag:s4] =	dma.local [hbm:s3], $0xF7A  }
0x26: {  	[smem:$0x3F99] =	sst s1;
	(tag) =	ssettag s2;
	_ =	strace s9  }
0x27: {  	s1 =	sld [smem:$0x3FA9]  }
0x28: {  	s2 =	sld [smem:$0x3FAA]  }
0x29: {  	s4 =	sld [smem:$0x3FAC]  }
0x2a: {  	p0 =	seq.s32 s5, $0x0;
	s5 =	sld [smem:$0x3FAD]  }
0x2b: {  	s6 =	sld [smem:$0x3FAE]  }
0x2c: {  	s7 =	sld [smem:$0x3FAF]  }
0x2d: {  	s3 =	simm.s32 $0x108;
	s8 =	sld [smem:$0x3FB0]  }
0x2e: {  	s3 =	simm.s32 @!p0 $0x1082;
	s9 =	sld [smem:$0x3FB1]  }
0x2f: {  	lr =	sadd.s32 s0, s3;
	s0 =	sld [smem:$0x3FA8]  }
0x30: {  	s3 =	sld [smem:$0x3FAB]  }
0x31: {  	[smem:$0x3FB4] =	sst s10  }
0x32: {  	s10 =	sld [smem:$0x3FB2];
	_ =	sdelay $0x3  }
0x33: {  	p0 =	seq.s32 s10, $0x1;
	s10 =	sld [smem:$0x3FB4];
	_ =	sdelay $0x3  }
0x34: {  	[smem:$0x3FB4] =	sst s10  }
0x35: {  	s10 =	sld [smem:$0x3FB3];
	_ =	sdelay $0x3  }
0x36: {  	p1 =	seq.s32 s10, $0x1;
	s10 =	sld [smem:$0x3FB4];
	_ =	sdelay $0x3  }
0x37: {  	[smem:$0x3FB4] =	sst s10  }
0x38: {  	s10 =	sld [smem:$0x3FB5]  }
0x39: {  	_ = 	snop;
	(pc) =	sbr.ind lr, $3  }
0x3a: {  	_ = 	snop  }
0x3b: {  	_ = 	snop  }
0x3c: {  	p2 =	seq.s32 s10, $0x1;
	s10 =	sld [smem:$0x3FB4]  }
0x3d: {  	_ =	shalt  }
0x3e: {  	_ =	shalt  }
0x3f: {  	_ =	shalt  }
0x40: {  	_ =	shalt  }
0x41: {  	_ =	shalt  }
0x42: {  	_ =	shalt  }
0x43: {  	_ =	shalt  }
0x44: {  	_ =	shalt  }
0x45: {  	_ =	shalt  }
0x46: {  	_ =	shalt  }
0x47: {  	_ =	shalt  }
0x48: {  	_ =	shalt  }
0x49: {  	_ =	shalt  }
0x4a: {  	_ =	shalt  }
0x4b: {  	_ =	shalt  }
0x4c: {  	_ =	shalt  }
0x4d: {  	_ =	shalt  }
0x4e: {  	_ =	shalt  }
0x4f: {  	_ =	shalt  }
0x50: {  	_ =	shalt  }
0x51: {  	_ =	shalt  }
0x52: {  	_ =	shalt  }
0x53: {  	_ =	shalt  }
0x54: {  	_ =	shalt  }
0x55: {  	_ =	shalt  }
0x56: {  	_ =	shalt  }
0x57: {  	_ =	shalt  }
0x58: {  	_ =	shalt  }
0x59: {  	_ =	shalt  }
0x5a: {  	_ =	shalt  }
0x5b: {  	_ =	shalt  }
0x5c: {  	_ =	shalt  }
0x5d: {  	_ =	shalt  }
0x5e: {  	_ =	shalt  }
0x5f: {  	_ =	shalt  }
0x60: {  	_ =	shalt  }
0x61: {  	_ =	shalt  }
0x62: {  	_ =	shalt  }
0x63: {  	_ =	shalt  }
0x64: {  	_ =	shalt  }
0x65: {  	_ =	shalt  }
0x66: {  	_ =	shalt  }
0x67: {  	_ =	shalt  }
0x68: {  	_ =	shalt  }
0x69: {  	_ =	shalt  }
0x6a: {  	_ =	shalt  }
0x6b: {  	_ =	shalt  }
0x6c: {  	_ =	shalt  }
0x6d: {  	_ =	shalt  }
0x6e: {  	_ =	shalt  }
0x6f: {  	_ =	shalt  }
0x70: {  	_ =	shalt  }
0x71: {  	_ =	shalt  }
0x72: {  	_ =	shalt  }
0x73: {  	_ =	shalt  }
0x74: {  	_ =	shalt  }
0x75: {  	_ =	shalt  }
0x76: {  	_ =	shalt  }
0x77: {  	_ =	shalt  }
0x78: {  	_ =	shalt  }
0x79: {  	_ =	shalt  }
0x7a: {  	_ =	shalt  }
0x7b: {  	_ =	shalt  }
0x7c: {  	_ =	shalt  }
0x7d: {  	_ =	shalt  }
0x7e: {  	_ =	shalt  }
0x7f: {  	_ =	shalt  }
0x80: {  	_ =	shalt  }
0x81: {  	_ =	shalt  }
0x82: {  	_ =	shalt  }
0x83: {  	_ =	shalt  }
0x84: {  	_ =	shalt  }
0x85: {  	_ =	shalt  }
0x86: {  	_ =	shalt  }
0x87: {  	_ =	shalt  }
.Lfunc_end0:
.L_simem_size_0:
called_computation.3_lowered:
.L_overlay_start_0:
0x88: {  	s2 =	sld [smem:$0x3FD9]  }
0x89: {  	s3 =	sld [smem:$0x3FFE];
	_ =	sdelay $0x1  }
0x8a: {  	s1 =	srdreg.scid  }
0x8b: {  	s0 =	sand.u32 $0x1, s1  }
0x8c: {  	s17 =	sshll.u32 s0, $0xA;
	s2 =	sadd.s32 s3, s2  }
0x8d: {  	s2 =	sadd.s32 s2, s17  }
0x8e: {  	[smem:$0x3FC0] =	sst s2  }
0x8f: {  	_ = 	snop  }
0x90: {  	s2 =	sld [smem:$0x3FD0];
	(tm) =	ssettm $0x1  }
0x91: {  	s18 =	sld [smem:$0x3FFB];
	_ =	sdelay $0x3  }
0x92: {  	_ =	strace s18  }
0x93: {  	s3 =	sld [smem:$0x3FFC];
	_ =	sdelay $0x3  }
0x94: {  	_ =	strace s3  }
0x95: {  	s3 =	sld [smem:$0x3FFD];
	_ =	sdelay $0x3  }
0x96: {  	_ =	strace s3  }
0x97: {  	_ =	strace $0x8FFFFFFF  }
0x98: {  	s19 =	sld [smem:$0x3FDB];
	_ =	sdelay $0x1  }
0x99: {  	s4 =	simm.s32 $_scs_section_size  }
0x9a: {  	s5 =	simm.s32 $_size__tile_overlayer_lowered;
	s6 =	simm.s32 $_tile_overlayer_lowered  }
0x9b: {  	s22 =	simm.s32 $0x1BFF;
	s21 =	sshll.u32 s6, $0x1;
	s3 =	sadd.s32 s4, s19  }
0x9c: {  	s7 =	simm.s32 $0x0;
	s20 =	sshll.u32 s5, $0x1;
	s5 =	sadd.s32 s21, s3  }
0x9d: {  	[timem:s7], [sflag:s22] =	dma.local [hbm:s5], s20  }
0x9e: {  	_ =	swait.ge [sflag:s22], s20  }
0x9f: {  	s4 =	ssub.s32 $0x0, s20;
	[sflag:s22] =	ssyncset.done $0x0  }
0xa0: {  	[sflag:s22] =	ssyncadd.s32 s4;
	_ =	sdelay $0x1  }
0xa1: {  	s23 =	simm.s32 $0x1B8B  }
0xa2: {  	_ =	swait.ge [sflag:s23], $0x1  }
0xa3: {  	[sflag:s23] =	ssyncset.done $0x0  }
0xa4: {  	s25 =	simm.s32 $0x1B8E;
	s24 =	sld [smem:$0x3FFE];
	[sflag:s23] =	ssyncadd.s32 $0xFFFFFFFF  }
0xa5: {  	s26 =	simm.s32 $execute0_lowered;
	[smem:$0x3FD2] =	sst s25  }
0xa6: {  	s5 =	sshll.u32 s26, $0x1;
	_ =	strace $0x8000004F;
	[dreg:$0x1] =	wrdreg $0xFFFFFFFF  }
0xa7: {  	s28 =	simm.s32 $_size_execute0_lowered;
	s3 =	sadd.s32 s3, s5;
	[dreg:$0x0] =	wrdreg $0x0  }
0xa8: {  	s5 =	sshll.u32 s28, $0x1;
	[dreg:$0x2] =	wrdreg s3  }
0xa9: {  	[dreg:$0x3] =	wrdreg s5  }
0xaa: {  	[dreg:$0x4] =	wrdreg $0xC0  }
0xab: {  	_ =	task [dreg:s7], $0x5FFFF  }
0xac: {  	[dreg:$0x1] =	wrdreg $0xFFFFFFFF  }
0xad: {  	[dreg:$0x0] =	wrdreg $0x60  }
0xae: {  	[dreg:$0x2] =	wrdreg s2  }
0xaf: {  	[dreg:$0x3] =	wrdreg s24  }
0xb0: {  	[dreg:$0x4] =	wrdreg $0x90000  }
0xb1: {  	[dreg:$0x5] =	wrdreg $0x9  }
0xb2: {  	_ =	task.clear_ibuf [dreg:s7], $0x6FFFF;
	_ =	strace $0x9000004F  }
0xb3: {  	s29 =	simm.s32 $0x9;
	_ =	strace $0x80000051  }
0xb4: {  	_ =	swait.ge [sflag:s29], $0x1  }
0xb5: {  	[sflag:s29] =	ssyncadd.s32 $0xFFFFFFFF  }
0xb6: {  	_ =	strace $0x90000051  }
0xb7: {  	_ =	sfence  }
0xb8: {  	s30 =	sld [smem:$0x0];
	_ =	sdelay $0x2  }
0xb9: {  	s31 =	sshll.u32 s1, $0xD;
	s1 =	sshrl.u32 s1, $0x2  }
0xba: {  	s3 =	sand.u32 $0x4000, s31;
	s1 =	sadd.s32 s1, s30  }
0xbb: {  	s0 =	sor.u32 s3, s0;
	s1 =	sshll.u32 s1, $0x11  }
0xbc: {  	s0 =	sor.u32 s1, s0  }
0xbd: {  	s0 =	sadd.s32 $0x8F2B, s0  }
0xbe: {  	[sflag:s0] =	ssyncadd.remote.s32 $0x1  }
0xbf: {  	_ =	sfence.sel $0xFFFF  }
0xc0: {  	[dreg:$0x0] =	wrdreg $0xFFFFFFFF;
	(pc) =	sbr.abs _section_cstart, $3  }
0xc1: {  	[dreg:$0x1] =	wrdreg $0xFFFFFFFF  }
0xc2: {  	_ =	task.clear_ibuf [dreg:s7], $0x2FFFF;
	_ =	strace $0x9FFFFFFF  }
0xc3: {  	(tm) =	ssettm $0x7FFFFFFF  }
tec
execute0_lowered:
.L_overlay_start_1:
0x0: {  	(tag) =	ssettag $0x1  }
0x1: {  	s2 =	rddreg [dreg:$0x0]  }
0x2: {  	s0 =	rddreg [dreg:$0x1]  }
0x3: {  	s3 =	rddreg [dreg:$0x2]  }
0x4: {  	s10 =	stileid.u32;
	s1 =	srdreg.scid;
	s4 =	simm.s32 $0x0  }
0x5: {  	s11 =	simm.s32 $0x800;
	s12 =	simm.s32 $0x80;
	s13 =	simm.s32 $0x1000  }
0x6: {  	s14 =	simm.s32 $0x1;
	s15 =	simm.s32 $0x5000;
	s16 =	simm.s32 $0x2  }
0x7: {  	s17 =	simm.s32 $0x100;
	s18 =	simm.s32 $0x880;
	s19 =	simm.s32 $0x180  }
0x8: {  	s20 =	simm.s32 $0x900;
	s21 =	simm.s32 $0x200;
	s22 =	simm.s32 $0x980  }
0x9: {  	s23 =	simm.s32 $0x280;
	s24 =	simm.s32 $0xA00;
	s28 =	simm.s32 $0x380  }
0xa: {  	s29 =	simm.s32 $0xB00;
	s30 =	simm.s32 $0x400;
	s31 =	simm.s32 $0xB80  }
0xb: {  	s5 =	smul.u32 $0x3E80, s10;
	s1 =	sand.u32 $0x1, s1;
	[smem:$0x7FF] =	sst s4  }
0xc: {  	s7 =	sshll.u32 s10, $0xC;
	s8 =	smul.u32 $0x7D000, s10;
	p0 =	sgt.u32 s10, $0x9  }
0xd: {  	s6 =	smul.u32 $0x27100, s1;
	_ =	strace $0x80000050;
	s25 =	ssub.s32 $0x2, s1  }
0xe: {  	s7 =	sadd.s32 s7, s0;
	s1 =	sshll.u32 s1, $0xB;
	s9 =	sshrl.u32 s25, $0x1  }
0xf: {  	s8 =	sshrl.u32 s8, $0x2;
	s1 =	sadd.s32 s1, s7;
	s7 =	simm.s32 $0x0  }
0x10: {  	s6 =	sadd.s32 s5, s6;
	s5 =	sadd.s32 s5, s0;
	s8 =	sadd.s32 s8, s3  }
0x11: {  	s26 =	sadd.s32 $0x3800, s1;
	[dreg:$0xb] =	wrdreg s7;
	s0 =	sadd.s32 s6, s0  }
0x12: {  	s6 =	ssub.s32 s25, s9;
	s5 =	sadd.s32 $0x23800, s5;
	[dreg:$0x4] =	wrdreg s26  }
0x13: {  	s8 =	sshrl.u32 @!p0 s8, $0x3;
	s25 =	simm.s32 $0x300;
	[dreg:$0x6] =	wrdreg s5  }
0x14: {  	s26 =	simm.s32 $0xA80;
	s0 =	sadd.s32 $0x4AA00, s0;
	[dreg:$0xa] =	wrdreg s8  }
0x15: {  	s5 =	sadd.s32 $0x13800, s1;
	s6 =	smax.u32 s6, $0x1;
	[dreg:$0x7] =	wrdreg s0  }
0x16: {  	s1 =	simm.s32 $0xC00;
	[dreg:$0x8] =	wrdreg s6;
	s0 =	sshll.u32 @!p0 s10, $0x6  }
0x17: {  	[dreg:$0x5] =	wrdreg s5;
	s10 =	simm.s32 $0x3;
	s9 =	sor.u32 @!p0 $0x1C03, s0  }
0x18: {  	s5 =	simm.s32 $0xC80;
	s0 =	simm.s32 $0x480;
	[dreg:$0x9] =	wrdreg s9  }
.LBB2_1:
0x19: {  	s6 =	rddreg [dreg:$0x6];
	s7 =	simm.s32 @!p0 $0x3  }
0x1a: {  	[spmem:s8], [sflag:s9] =	dma.local @!p0 [hbm:s6], $0x3E80  }
0x1b: {  	_ =	swait.ge @!p0 [sflag:s7], $0x3E80  }
0x1c: {  	[sflag:s7] =	ssyncset.done @!p0 $0x0  }
0x1d: {  	[sflag:s7] =	ssyncadd.s32 @!p0 $0xFFFFC180  }
0x1e: {  	[bflag:$0x0] =	sbarrier.arrive $0xFFFF  }
0x1f: {  	s8 =	rddreg [dreg:$0x5]  }
0x20: {  	s7 =	sadd.s32 $0x0, s8  }
0x21: {  	[tilespmem:s4], [sflag:$0x3] =	stream.linear.gather [hbm4b:s7+s4], $0x500, $0x38;
	[tilespmem:$0x1C900] =	vst v63  }
0x22: {  	_ =	swait.ge [sflag:s10], $0x500  }
0x23: {  	s9 =	rddreg [dreg:$0x4];
	[sflag:s10] =	ssyncset.done $0x0  }
0x24: {  	[sflag:s10] =	ssyncadd.s32 $0xFFFFFB00;
	s7 =	sadd.s32 $0x0, s9  }
0x25: {  	[tilespmem:s11], [sflag:$0x3] =	stream.linear.gather [hbm4b:s7+s4], $0x500, $0x38;
	[tilespmem:$0x1C900] =	vst v63  }
0x26: {  	_ =	swait.ge [sflag:s10], $0x500  }
0x27: {  	[sflag:s10] =	ssyncset.done $0x0  }
0x28: {  	[sflag:s10] =	ssyncadd.s32 $0xFFFFFB00  }
0x29: {  	[tilespmem:s13], [sflag:$0x1] =	stream.indirect.gather [hbm4b:s2+s12], $0x80, s4, s12, $0xb8;
	[tilespmem:$0x1C900] =	vst v63  }
0x2a: {  	_ =	swait.ge [sflag:s14], $0x4000  }
0x2b: {  	[sflag:s14] =	ssyncset.done $0x0  }
0x2c: {  	[sflag:s14] =	ssyncadd.s32 $0xFFFFC000  }
0x2d: {  	[tilespmem:s15], [sflag:$0x2] =	stream.indirect.gather [hbm4b:s2+s12], $0x80, s12, s12, $0xb8;
	[tilespmem:$0x1C900] =	vst v63  }
0x2e: {  	_ = 	snop  }
0x2f: {  	[spmem:s3] =	stream.indirect.scatter.add.f32 [tilespmem:s13], [sflag:$0x3], $0x80, s11, s12, $0xb8;
	[tilespmem:$0x1C900] =	vst v63  }
0x30: {  	_ =	swait.ge [sflag:s10], $0x4000  }
0x31: {  	[sflag:s10] =	ssyncset.done $0x0  }
0x32: {  	[sflag:s10] =	ssyncadd.s32 $0xFFFFC000  }
0x33: {  	_ =	swait.ge [sflag:s16], $0x4000  }
0x34: {  	[sflag:s16] =	ssyncset.done $0x0  }
0x35: {  	[sflag:s16] =	ssyncadd.s32 $0xFFFFC000  }
0x36: {  	[tilespmem:s13], [sflag:$0x1] =	stream.indirect.gather [hbm4b:s2+s12], $0x80, s17, s12, $0xb8;
	[tilespmem:$0x1C900] =	vst v63  }
0x37: {  	_ = 	snop  }
0x38: {  	[spmem:s3] =	stream.indirect.scatter.add.f32 [tilespmem:s15], [sflag:$0x3], $0x80, s18, s12, $0xb8;
	[tilespmem:$0x1C900] =	vst v63  }
0x39: {  	_ =	swait.ge [sflag:s10], $0x4000  }
0x3a: {  	[sflag:s10] =	ssyncset.done $0x0  }
0x3b: {  	[sflag:s10] =	ssyncadd.s32 $0xFFFFC000  }
0x3c: {  	_ =	swait.ge [sflag:s14], $0x4000  }
0x3d: {  	[sflag:s14] =	ssyncset.done $0x0  }
0x3e: {  	[sflag:s14] =	ssyncadd.s32 $0xFFFFC000  }
0x3f: {  	[tilespmem:s15], [sflag:$0x2] =	stream.indirect.gather [hbm4b:s2+s12], $0x80, s19, s12, $0xb8;
	[tilespmem:$0x1C900] =	vst v63  }
0x40: {  	_ = 	snop  }
0x41: {  	[spmem:s3] =	stream.indirect.scatter.add.f32 [tilespmem:s13], [sflag:$0x3], $0x80, s20, s12, $0xb8;
	[tilespmem:$0x1C900] =	vst v63  }
0x42: {  	_ =	swait.ge [sflag:s10], $0x4000  }
0x43: {  	[sflag:s10] =	ssyncset.done $0x0  }
0x44: {  	[sflag:s10] =	ssyncadd.s32 $0xFFFFC000  }
0x45: {  	_ =	swait.ge [sflag:s16], $0x4000  }
0x46: {  	[sflag:s16] =	ssyncset.done $0x0  }
0x47: {  	[sflag:s16] =	ssyncadd.s32 $0xFFFFC000  }
0x48: {  	[tilespmem:s13], [sflag:$0x1] =	stream.indirect.gather [hbm4b:s2+s12], $0x80, s21, s12, $0xb8;
	[tilespmem:$0x1C900] =	vst v63  }
0x49: {  	_ = 	snop  }
0x4a: {  	[spmem:s3] =	stream.indirect.scatter.add.f32 [tilespmem:s15], [sflag:$0x3], $0x80, s22, s12, $0xb8;
	[tilespmem:$0x1C900] =	vst v63  }
0x4b: {  	_ =	swait.ge [sflag:s10], $0x4000  }
0x4c: {  	[sflag:s10] =	ssyncset.done $0x0  }
0x4d: {  	[sflag:s10] =	ssyncadd.s32 $0xFFFFC000  }
0x4e: {  	_ =	swait.ge [sflag:s14], $0x4000  }
0x4f: {  	[sflag:s14] =	ssyncset.done $0x0  }
0x50: {  	[sflag:s14] =	ssyncadd.s32 $0xFFFFC000  }
0x51: {  	[tilespmem:s15], [sflag:$0x2] =	stream.indirect.gather [hbm4b:s2+s12], $0x80, s23, s12, $0xb8;
	[tilespmem:$0x1C900] =	vst v63  }
0x52: {  	_ = 	snop  }
0x53: {  	[spmem:s3] =	stream.indirect.scatter.add.f32 [tilespmem:s13], [sflag:$0x3], $0x80, s24, s12, $0xb8;
	[tilespmem:$0x1C900] =	vst v63  }
0x54: {  	_ =	swait.ge [sflag:s10], $0x4000  }
0x55: {  	[sflag:s10] =	ssyncset.done $0x0  }
0x56: {  	[sflag:s10] =	ssyncadd.s32 $0xFFFFC000  }
0x57: {  	_ =	swait.ge [sflag:s16], $0x4000  }
0x58: {  	[sflag:s16] =	ssyncset.done $0x0  }
0x59: {  	[sflag:s16] =	ssyncadd.s32 $0xFFFFC000  }
0x5a: {  	[tilespmem:s13], [sflag:$0x1] =	stream.indirect.gather [hbm4b:s2+s12], $0x80, s25, s12, $0xb8;
	[tilespmem:$0x1C900] =	vst v63  }
0x5b: {  	_ = 	snop  }
0x5c: {  	[spmem:s3] =	stream.indirect.scatter.add.f32 [tilespmem:s15], [sflag:$0x3], $0x80, s26, s12, $0xb8;
	[tilespmem:$0x1C900] =	vst v63  }
0x5d: {  	_ =	swait.ge [sflag:s10], $0x4000  }
0x5e: {  	[sflag:s10] =	ssyncset.done $0x0  }
0x5f: {  	[sflag:s10] =	ssyncadd.s32 $0xFFFFC000  }
0x60: {  	_ =	swait.ge [sflag:s14], $0x4000  }
0x61: {  	[sflag:s14] =	ssyncset.done $0x0  }
0x62: {  	[sflag:s14] =	ssyncadd.s32 $0xFFFFC000  }
0x63: {  	[tilespmem:s15], [sflag:$0x2] =	stream.indirect.gather [hbm4b:s2+s12], $0x80, s28, s12, $0xb8;
	[tilespmem:$0x1C900] =	vst v63  }
0x64: {  	_ = 	snop  }
0x65: {  	[spmem:s3] =	stream.indirect.scatter.add.f32 [tilespmem:s13], [sflag:$0x3], $0x80, s29, s12, $0xb8;
	[tilespmem:$0x1C900] =	vst v63  }
0x66: {  	_ =	swait.ge [sflag:s10], $0x4000  }
0x67: {  	[sflag:s10] =	ssyncset.done $0x0  }
0x68: {  	[sflag:s10] =	ssyncadd.s32 $0xFFFFC000  }
0x69: {  	_ =	swait.ge [sflag:s16], $0x4000  }
0x6a: {  	[sflag:s16] =	ssyncset.done $0x0  }
0x6b: {  	[sflag:s16] =	ssyncadd.s32 $0xFFFFC000  }
0x6c: {  	[tilespmem:s13], [sflag:$0x1] =	stream.indirect.gather [hbm4b:s2+s12], $0x80, s30, s12, $0xb8;
	[tilespmem:$0x1C900] =	vst v63  }
0x6d: {  	_ = 	snop  }
0x6e: {  	[spmem:s3] =	stream.indirect.scatter.add.f32 [tilespmem:s15], [sflag:$0x3], $0x80, s31, s12, $0xb8;
	[tilespmem:$0x1C900] =	vst v63  }
0x6f: {  	_ =	swait.ge [sflag:s10], $0x4000  }
0x70: {  	[sflag:s10] =	ssyncset.done $0x0  }
0x71: {  	[sflag:s10] =	ssyncadd.s32 $0xFFFFC000  }
0x72: {  	_ =	swait.ge [sflag:s14], $0x4000  }
0x73: {  	[sflag:s14] =	ssyncset.done $0x0  }
0x74: {  	[sflag:s14] =	ssyncadd.s32 $0xFFFFC000  }
0x75: {  	[tilespmem:s15], [sflag:$0x2] =	stream.indirect.gather [hbm4b:s2+s12], $0x80, s0, s12, $0xb8;
	[tilespmem:$0x1C900] =	vst v63  }
0x76: {  	_ = 	snop  }
0x77: {  	[spmem:s3] =	stream.indirect.scatter.add.f32 [tilespmem:s13], [sflag:$0x3], $0x80, s1, s12, $0xb8;
	[tilespmem:$0x1C900] =	vst v63  }
0x78: {  	_ =	swait.ge [sflag:s10], $0x4000  }
0x79: {  	[sflag:s10] =	ssyncset.done $0x0  }
0x7a: {  	[sflag:s10] =	ssyncadd.s32 $0xFFFFC000  }
0x7b: {  	_ =	swait.ge [sflag:s16], $0x4000  }
0x7c: {  	[sflag:s16] =	ssyncset.done $0x0  }
0x7d: {  	[sflag:s16] =	ssyncadd.s32 $0xFFFFC000  }
0x7e: {  	[spmem:s3] =	stream.indirect.scatter.add.f32 [tilespmem:s15], [sflag:$0x3], $0x80, s5, s12, $0xb8;
	[tilespmem:$0x1C900] =	vst v63  }
0x7f: {  	s8 =	simm.s32 $0x200;
	_ =	swait.ge [sflag:s10], $0x4000  }
0x80: {  	s7 =	simm.s32 $0x100;
	s9 =	rddreg [dreg:$0x5];
	[sflag:s10] =	ssyncset.done $0x0  }
.LBB2_2:
0x81: {  	[sflag:s10] =	ssyncadd.s32 $0xFFFFC000;
	s9 =	sadd.s32 s7, s9  }
0x82: {  	[tilespmem:s4], [sflag:$0x3] =	stream.linear.gather [hbm4b:s9+s4], $0x500, $0x38;
	[tilespmem:$0x1C900] =	vst v63  }
0x83: {  	_ =	swait.ge [sflag:s10], $0x500  }
0x84: {  	s9 =	rddreg [dreg:$0x4];
	[sflag:s10] =	ssyncset.done $0x0  }
0x85: {  	[sflag:s10] =	ssyncadd.s32 $0xFFFFFB00;
	s9 =	sadd.s32 s7, s9  }
0x86: {  	[tilespmem:s11], [sflag:$0x3] =	stream.linear.gather [hbm4b:s9+s4], $0x500, $0x38;
	[tilespmem:$0x1C900] =	vst v63  }
0x87: {  	_ =	swait.ge [sflag:s10], $0x500  }
0x88: {  	[sflag:s10] =	ssyncset.done $0x0  }
0x89: {  	[sflag:s10] =	ssyncadd.s32 $0xFFFFFB00  }
0x8a: {  	[tilespmem:s13], [sflag:$0x1] =	stream.indirect.gather [hbm4b:s2+s12], $0x80, s4, s12, $0xb8;
	[tilespmem:$0x1C900] =	vst v63  }
0x8b: {  	_ =	swait.ge [sflag:s14], $0x4000  }
0x8c: {  	[sflag:s14] =	ssyncset.done $0x0  }
0x8d: {  	[sflag:s14] =	ssyncadd.s32 $0xFFFFC000  }
0x8e: {  	[tilespmem:s15], [sflag:$0x2] =	stream.indirect.gather [hbm4b:s2+s12], $0x80, s12, s12, $0xb8;
	[tilespmem:$0x1C900] =	vst v63  }
0x8f: {  	_ = 	snop  }
0x90: {  	[spmem:s3] =	stream.indirect.scatter.add.f32 [tilespmem:s13], [sflag:$0x3], $0x80, s11, s12, $0xb8;
	[tilespmem:$0x1C900] =	vst v63  }
0x91: {  	_ =	swait.ge [sflag:s10], $0x4000  }
0x92: {  	[sflag:s10] =	ssyncset.done $0x0  }
0x93: {  	[sflag:s10] =	ssyncadd.s32 $0xFFFFC000  }
0x94: {  	_ =	swait.ge [sflag:s16], $0x4000  }
0x95: {  	[sflag:s16] =	ssyncset.done $0x0  }
0x96: {  	[sflag:s16] =	ssyncadd.s32 $0xFFFFC000  }
0x97: {  	[tilespmem:s13], [sflag:$0x1] =	stream.indirect.gather [hbm4b:s2+s12], $0x80, s17, s12, $0xb8;
	[tilespmem:$0x1C900] =	vst v63  }
0x98: {  	_ = 	snop  }
0x99: {  	[spmem:s3] =	stream.indirect.scatter.add.f32 [tilespmem:s15], [sflag:$0x3], $0x80, s18, s12, $0xb8;
	[tilespmem:$0x1C900] =	vst v63  }
0x9a: {  	_ =	swait.ge [sflag:s10], $0x4000  }
0x9b: {  	[sflag:s10] =	ssyncset.done $0x0  }
0x9c: {  	[sflag:s10] =	ssyncadd.s32 $0xFFFFC000  }
0x9d: {  	_ =	swait.ge [sflag:s14], $0x4000  }
0x9e: {  	[sflag:s14] =	ssyncset.done $0x0  }
0x9f: {  	[sflag:s14] =	ssyncadd.s32 $0xFFFFC000  }
0xa0: {  	[tilespmem:s15], [sflag:$0x2] =	stream.indirect.gather [hbm4b:s2+s12], $0x80, s19, s12, $0xb8;
	[tilespmem:$0x1C900] =	vst v63  }
0xa1: {  	_ = 	snop  }
0xa2: {  	[spmem:s3] =	stream.indirect.scatter.add.f32 [tilespmem:s13], [sflag:$0x3], $0x80, s20, s12, $0xb8;
	[tilespmem:$0x1C900] =	vst v63  }
0xa3: {  	_ =	swait.ge [sflag:s10], $0x4000  }
0xa4: {  	[sflag:s10] =	ssyncset.done $0x0  }
0xa5: {  	[sflag:s10] =	ssyncadd.s32 $0xFFFFC000  }
0xa6: {  	_ =	swait.ge [sflag:s16], $0x4000  }
0xa7: {  	[sflag:s16] =	ssyncset.done $0x0  }
0xa8: {  	[sflag:s16] =	ssyncadd.s32 $0xFFFFC000  }
0xa9: {  	[tilespmem:s13], [sflag:$0x1] =	stream.indirect.gather [hbm4b:s2+s12], $0x80, s21, s12, $0xb8;
	[tilespmem:$0x1C900] =	vst v63  }
0xaa: {  	_ = 	snop  }
0xab: {  	[spmem:s3] =	stream.indirect.scatter.add.f32 [tilespmem:s15], [sflag:$0x3], $0x80, s22, s12, $0xb8;
	[tilespmem:$0x1C900] =	vst v63  }
0xac: {  	_ =	swait.ge [sflag:s10], $0x4000  }
0xad: {  	[sflag:s10] =	ssyncset.done $0x0  }
0xae: {  	[sflag:s10] =	ssyncadd.s32 $0xFFFFC000  }
0xaf: {  	_ =	swait.ge [sflag:s14], $0x4000  }
0xb0: {  	[sflag:s14] =	ssyncset.done $0x0  }
0xb1: {  	[sflag:s14] =	ssyncadd.s32 $0xFFFFC000  }
0xb2: {  	[tilespmem:s15], [sflag:$0x2] =	stream.indirect.gather [hbm4b:s2+s12], $0x80, s23, s12, $0xb8;
	[tilespmem:$0x1C900] =	vst v63  }
0xb3: {  	_ = 	snop  }
0xb4: {  	[spmem:s3] =	stream.indirect.scatter.add.f32 [tilespmem:s13], [sflag:$0x3], $0x80, s24, s12, $0xb8;
	[tilespmem:$0x1C900] =	vst v63  }
0xb5: {  	_ =	swait.ge [sflag:s10], $0x4000  }
0xb6: {  	[sflag:s10] =	ssyncset.done $0x0  }
0xb7: {  	[sflag:s10] =	ssyncadd.s32 $0xFFFFC000  }
0xb8: {  	_ =	swait.ge [sflag:s16], $0x4000  }
0xb9: {  	[sflag:s16] =	ssyncset.done $0x0  }
0xba: {  	[sflag:s16] =	ssyncadd.s32 $0xFFFFC000  }
0xbb: {  	[tilespmem:s13], [sflag:$0x1] =	stream.indirect.gather [hbm4b:s2+s12], $0x80, s25, s12, $0xb8;
	[tilespmem:$0x1C900] =	vst v63  }
0xbc: {  	_ = 	snop  }
0xbd: {  	[spmem:s3] =	stream.indirect.scatter.add.f32 [tilespmem:s15], [sflag:$0x3], $0x80, s26, s12, $0xb8;
	[tilespmem:$0x1C900] =	vst v63  }
0xbe: {  	_ =	swait.ge [sflag:s10], $0x4000  }
0xbf: {  	[sflag:s10] =	ssyncset.done $0x0  }
0xc0: {  	[sflag:s10] =	ssyncadd.s32 $0xFFFFC000  }
0xc1: {  	_ =	swait.ge [sflag:s14], $0x4000  }
0xc2: {  	[sflag:s14] =	ssyncset.done $0x0  }
0xc3: {  	[sflag:s14] =	ssyncadd.s32 $0xFFFFC000  }
0xc4: {  	[tilespmem:s15], [sflag:$0x2] =	stream.indirect.gather [hbm4b:s2+s12], $0x80, s28, s12, $0xb8;
	[tilespmem:$0x1C900] =	vst v63  }
0xc5: {  	_ = 	snop  }
0xc6: {  	[spmem:s3] =	stream.indirect.scatter.add.f32 [tilespmem:s13], [sflag:$0x3], $0x80, s29, s12, $0xb8;
	[tilespmem:$0x1C900] =	vst v63  }
0xc7: {  	_ =	swait.ge [sflag:s10], $0x4000  }
0xc8: {  	[sflag:s10] =	ssyncset.done $0x0  }
0xc9: {  	[sflag:s10] =	ssyncadd.s32 $0xFFFFC000  }
0xca: {  	_ =	swait.ge [sflag:s16], $0x4000  }
0xcb: {  	[sflag:s16] =	ssyncset.done $0x0  }
0xcc: {  	[sflag:s16] =	ssyncadd.s32 $0xFFFFC000  }
0xcd: {  	[tilespmem:s13], [sflag:$0x1] =	stream.indirect.gather [hbm4b:s2+s12], $0x80, s30, s12, $0xb8;
	[tilespmem:$0x1C900] =	vst v63  }
0xce: {  	_ = 	snop  }
0xcf: {  	[spmem:s3] =	stream.indirect.scatter.add.f32 [tilespmem:s15], [sflag:$0x3], $0x80, s31, s12, $0xb8;
	[tilespmem:$0x1C900] =	vst v63  }
0xd0: {  	_ =	swait.ge [sflag:s10], $0x4000  }
0xd1: {  	[sflag:s10] =	ssyncset.done $0x0  }
0xd2: {  	[sflag:s10] =	ssyncadd.s32 $0xFFFFC000  }
0xd3: {  	_ =	swait.ge [sflag:s14], $0x4000  }
0xd4: {  	[sflag:s14] =	ssyncset.done $0x0  }
0xd5: {  	[sflag:s14] =	ssyncadd.s32 $0xFFFFC000  }
0xd6: {  	[tilespmem:s15], [sflag:$0x2] =	stream.indirect.gather [hbm4b:s2+s12], $0x80, s0, s12, $0xb8;
	[tilespmem:$0x1C900] =	vst v63  }
0xd7: {  	_ = 	snop  }
0xd8: {  	[spmem:s3] =	stream.indirect.scatter.add.f32 [tilespmem:s13], [sflag:$0x3], $0x80, s1, s12, $0xb8;
	[tilespmem:$0x1C900] =	vst v63  }
0xd9: {  	_ =	swait.ge [sflag:s10], $0x4000  }
0xda: {  	[sflag:s10] =	ssyncset.done $0x0  }
0xdb: {  	[sflag:s10] =	ssyncadd.s32 $0xFFFFC000  }
0xdc: {  	p1 =	sne.s32 s8, $0x700;
	_ =	swait.ge [sflag:s16], $0x4000  }
.Ltmp0:
0xdd: {  	[sflag:s16] =	ssyncset.done $0x0;
	(pc) =	sbr.rel @p1 .LBB2_2-.Ltmp0, $4  }
0xde: {  	[sflag:s16] =	ssyncadd.s32 $0xFFFFC000  }
0xdf: {  	[spmem:s3] =	stream.indirect.scatter.add.f32 [tilespmem:s15], [sflag:$0x3], $0x80, s5, s12, $0xb8;
	[tilespmem:$0x1C900] =	vst v63  }
0xe0: {  	s6 =	smov.u32 s8;
	s8 =	sadd.s32 $0x100, s8;
	_ =	swait.ge [sflag:s10], $0x4000  }
0xe1: {  	s7 =	smov.u32 s6;
	s9 =	rddreg [dreg:$0x5];
	[sflag:s10] =	ssyncset.done $0x0  }
0xe2: {  	[sflag:s10] =	ssyncadd.s32 $0xFFFFC000;
	s6 =	sadd.s32 s7, s9  }
0xe3: {  	[tilespmem:s4], [sflag:$0x3] =	stream.linear.gather [hbm4b:s6+s4], $0x500, $0x38;
	[tilespmem:$0x1C900] =	vst v63  }
0xe4: {  	_ =	swait.ge [sflag:s10], $0x500  }
0xe5: {  	s9 =	rddreg [dreg:$0x4];
	[sflag:s10] =	ssyncset.done $0x0  }
0xe6: {  	s6 =	sadd.s32 s7, s9;
	[sflag:s10] =	ssyncadd.s32 $0xFFFFFB00  }
0xe7: {  	[tilespmem:s11], [sflag:$0x3] =	stream.linear.gather [hbm4b:s6+s4], $0x500, $0x38;
	[tilespmem:$0x1C900] =	vst v63  }
0xe8: {  	_ =	swait.ge [sflag:s10], $0x500  }
0xe9: {  	[sflag:s10] =	ssyncset.done $0x0  }
0xea: {  	[sflag:s10] =	ssyncadd.s32 $0xFFFFFB00  }
0xeb: {  	[tilespmem:s13], [sflag:$0x1] =	stream.indirect.gather [hbm4b:s2+s12], $0x80, s4, s12, $0xb8;
	[tilespmem:$0x1C900] =	vst v63  }
0xec: {  	_ =	swait.ge [sflag:s14], $0x4000  }
0xed: {  	[sflag:s14] =	ssyncset.done $0x0  }
0xee: {  	[sflag:s14] =	ssyncadd.s32 $0xFFFFC000  }
0xef: {  	[tilespmem:s15], [sflag:$0x2] =	stream.indirect.gather [hbm4b:s2+s12], $0x80, s12, s12, $0xb8;
	[tilespmem:$0x1C900] =	vst v63  }
0xf0: {  	_ = 	snop  }
0xf1: {  	[spmem:s3] =	stream.indirect.scatter.add.f32 [tilespmem:s13], [sflag:$0x3], $0x80, s11, s12, $0xb8;
	[tilespmem:$0x1C900] =	vst v63  }
0xf2: {  	_ =	swait.ge [sflag:s10], $0x4000  }
0xf3: {  	[sflag:s10] =	ssyncset.done $0x0  }
0xf4: {  	[sflag:s10] =	ssyncadd.s32 $0xFFFFC000  }
0xf5: {  	_ =	swait.ge [sflag:s16], $0x4000  }
0xf6: {  	[sflag:s16] =	ssyncset.done $0x0  }
0xf7: {  	[sflag:s16] =	ssyncadd.s32 $0xFFFFC000  }
0xf8: {  	[tilespmem:s13], [sflag:$0x1] =	stream.indirect.gather [hbm4b:s2+s12], $0x80, s17, s12, $0xb8;
	[tilespmem:$0x1C900] =	vst v63  }
0xf9: {  	_ = 	snop  }
0xfa: {  	[spmem:s3] =	stream.indirect.scatter.add.f32 [tilespmem:s15], [sflag:$0x3], $0x80, s18, s12, $0xb8;
	[tilespmem:$0x1C900] =	vst v63  }
0xfb: {  	_ =	swait.ge [sflag:s10], $0x4000  }
0xfc: {  	[sflag:s10] =	ssyncset.done $0x0  }
0xfd: {  	[sflag:s10] =	ssyncadd.s32 $0xFFFFC000  }
0xfe: {  	_ =	swait.ge [sflag:s14], $0x4000  }
0xff: {  	[sflag:s14] =	ssyncset.done $0x0  }
0x100: {  	[sflag:s14] =	ssyncadd.s32 $0xFFFFC000  }
0x101: {  	[tilespmem:s15], [sflag:$0x2] =	stream.indirect.gather [hbm4b:s2+s12], $0x80, s19, s12, $0xb8;
	[tilespmem:$0x1C900] =	vst v63  }
0x102: {  	_ = 	snop  }
0x103: {  	[spmem:s3] =	stream.indirect.scatter.add.f32 [tilespmem:s13], [sflag:$0x3], $0x80, s20, s12, $0xb8;
	[tilespmem:$0x1C900] =	vst v63  }
0x104: {  	_ =	swait.ge [sflag:s10], $0x4000  }
0x105: {  	[sflag:s10] =	ssyncset.done $0x0  }
0x106: {  	[sflag:s10] =	ssyncadd.s32 $0xFFFFC000  }
0x107: {  	_ =	swait.ge [sflag:s16], $0x4000  }
0x108: {  	[sflag:s16] =	ssyncset.done $0x0  }
0x109: {  	[sflag:s16] =	ssyncadd.s32 $0xFFFFC000  }
0x10a: {  	[tilespmem:s13], [sflag:$0x1] =	stream.indirect.gather [hbm4b:s2+s12], $0x80, s21, s12, $0xb8;
	[tilespmem:$0x1C900] =	vst v63  }
0x10b: {  	_ = 	snop  }
0x10c: {  	[spmem:s3] =	stream.indirect.scatter.add.f32 [tilespmem:s15], [sflag:$0x3], $0x80, s22, s12, $0xb8;
	[tilespmem:$0x1C900] =	vst v63  }
0x10d: {  	_ =	swait.ge [sflag:s10], $0x4000  }
0x10e: {  	[sflag:s10] =	ssyncset.done $0x0  }
0x10f: {  	[sflag:s10] =	ssyncadd.s32 $0xFFFFC000  }
0x110: {  	_ =	swait.ge [sflag:s14], $0x4000  }
0x111: {  	[sflag:s14] =	ssyncset.done $0x0  }
0x112: {  	[sflag:s14] =	ssyncadd.s32 $0xFFFFC000  }
0x113: {  	[tilespmem:s15], [sflag:$0x2] =	stream.indirect.gather [hbm4b:s2+s12], $0x80, s23, s12, $0xb8;
	[tilespmem:$0x1C900] =	vst v63  }
0x114: {  	_ = 	snop  }
0x115: {  	[spmem:s3] =	stream.indirect.scatter.add.f32 [tilespmem:s13], [sflag:$0x3], $0x80, s24, s12, $0xb8;
	[tilespmem:$0x1C900] =	vst v63  }
0x116: {  	_ =	swait.ge [sflag:s10], $0x4000  }
0x117: {  	[sflag:s10] =	ssyncset.done $0x0  }
0x118: {  	[sflag:s10] =	ssyncadd.s32 $0xFFFFC000  }
0x119: {  	_ =	swait.ge [sflag:s16], $0x4000  }
0x11a: {  	[sflag:s16] =	ssyncset.done $0x0  }
0x11b: {  	[sflag:s16] =	ssyncadd.s32 $0xFFFFC000  }
0x11c: {  	[tilespmem:s13], [sflag:$0x1] =	stream.indirect.gather [hbm4b:s2+s12], $0x80, s25, s12, $0xb8;
	[tilespmem:$0x1C900] =	vst v63  }
0x11d: {  	_ = 	snop  }
0x11e: {  	[spmem:s3] =	stream.indirect.scatter.add.f32 [tilespmem:s15], [sflag:$0x3], $0x80, s26, s12, $0xb8;
	[tilespmem:$0x1C900] =	vst v63  }
0x11f: {  	_ =	swait.ge [sflag:s10], $0x4000  }
0x120: {  	[sflag:s10] =	ssyncset.done $0x0  }
0x121: {  	[sflag:s10] =	ssyncadd.s32 $0xFFFFC000  }
0x122: {  	_ =	swait.ge [sflag:s14], $0x4000  }
0x123: {  	[sflag:s14] =	ssyncset.done $0x0  }
0x124: {  	[sflag:s14] =	ssyncadd.s32 $0xFFFFC000  }
0x125: {  	[tilespmem:s15], [sflag:$0x2] =	stream.indirect.gather [hbm4b:s2+s12], $0x80, s28, s12, $0xb8;
	[tilespmem:$0x1C900] =	vst v63  }
0x126: {  	_ = 	snop  }
0x127: {  	[spmem:s3] =	stream.indirect.scatter.add.f32 [tilespmem:s13], [sflag:$0x3], $0x80, s29, s12, $0xb8;
	[tilespmem:$0x1C900] =	vst v63  }
0x128: {  	_ =	swait.ge [sflag:s10], $0x4000  }
0x129: {  	[sflag:s10] =	ssyncset.done $0x0  }
0x12a: {  	[sflag:s10] =	ssyncadd.s32 $0xFFFFC000  }
0x12b: {  	_ =	swait.ge [sflag:s16], $0x4000  }
0x12c: {  	[sflag:s16] =	ssyncset.done $0x0  }
0x12d: {  	[sflag:s16] =	ssyncadd.s32 $0xFFFFC000  }
0x12e: {  	[tilespmem:s13], [sflag:$0x1] =	stream.indirect.gather [hbm4b:s2+s12], $0x80, s30, s12, $0xb8;
	[tilespmem:$0x1C900] =	vst v63  }
0x12f: {  	_ = 	snop  }
0x130: {  	[spmem:s3] =	stream.indirect.scatter.add.f32 [tilespmem:s15], [sflag:$0x3], $0x80, s31, s12, $0xb8;
	[tilespmem:$0x1C900] =	vst v63  }
0x131: {  	_ =	swait.ge [sflag:s10], $0x4000  }
0x132: {  	[sflag:s10] =	ssyncset.done $0x0  }
0x133: {  	[sflag:s10] =	ssyncadd.s32 $0xFFFFC000  }
0x134: {  	_ =	swait.ge [sflag:s14], $0x4000  }
0x135: {  	[sflag:s14] =	ssyncset.done $0x0  }
0x136: {  	[sflag:s14] =	ssyncadd.s32 $0xFFFFC000  }
0x137: {  	[tilespmem:s15], [sflag:$0x2] =	stream.indirect.gather [hbm4b:s2+s12], $0x80, s0, s12, $0xb8;
	[tilespmem:$0x1C900] =	vst v63  }
0x138: {  	_ = 	snop  }
0x139: {  	[spmem:s3] =	stream.indirect.scatter.add.f32 [tilespmem:s13], [sflag:$0x3], $0x80, s1, s12, $0xb8;
	[tilespmem:$0x1C900] =	vst v63  }
0x13a: {  	_ =	swait.ge [sflag:s10], $0x4000  }
0x13b: {  	[sflag:s10] =	ssyncset.done $0x0  }
0x13c: {  	[sflag:s10] =	ssyncadd.s32 $0xFFFFC000  }
0x13d: {  	_ =	swait.ge [sflag:s16], $0x4000  }
0x13e: {  	[sflag:s16] =	ssyncset.done $0x0  }
0x13f: {  	[sflag:s16] =	ssyncadd.s32 $0xFFFFC000  }
0x140: {  	[spmem:s3] =	stream.indirect.scatter.add.f32 [tilespmem:s15], [sflag:$0x3], $0x80, s5, s12, $0xb8;
	[tilespmem:$0x1C900] =	vst v63  }
0x141: {  	_ =	swait.ge [sflag:s10], $0x4000  }
0x142: {  	[sflag:s10] =	ssyncset.done $0x0  }
0x143: {  	[sflag:s10] =	ssyncadd.s32 $0xFFFFC000  }
0x144: {  	[bflag:$0x0] =	sbarrier.arrive $0xFFFF  }
0x145: {  	s6 =	rddreg [dreg:$0x7]  }
0x146: {  	s9 =	rddreg [dreg:$0x9]  }
0x147: {  	s7 =	simm.s32 @!p0 $0x3;
	s8 =	rddreg [dreg:$0xa]  }
0x148: {  	[hbm:s6], [sflag:s9] =	dma.local @!p0 [spmem:s8], $0x3E80  }
0x149: {  	_ =	swait.ge @!p0 [sflag:s7], $0x3E80  }
0x14a: {  	s6 =	rddreg [dreg:$0xb]  }
0x14b: {  	[sflag:s7] =	ssyncset.done @!p0 $0x0;
	s7 =	rddreg [dreg:$0x8];
	s6 =	sadd.s32 $0x1, s6  }
0x14c: {  	p1 =	sne.s32 s6, s7  }
.Ltmp1:
0x14d: {  	_ = 	snop;
	(pc) =	sbr.rel @p1 .LBB2_1-.Ltmp1, $3  }
0x14e: {  	_ =	sdelay $0x1  }
0x14f: {  	[dreg:$0xb] =	wrdreg s6;
	s6 =	simm.s32 @!p0 $0x3  }
0x150: {  	[sflag:s6] =	ssyncadd.s32 @!p0 $0xFFFFC180  }
0x151: {  	_ =	sfence.sel $0x180000  }
0x152: {  	[bflag:$0x0] =	sbarrier.arrive $0xFFFF  }
0x153: {  	_ =	strace $0x90000050  }
0x154: {  	s0 =	stileid.u32;
	[bflag:$0x2] =	sbarrier.arrive $0xFFFF  }
0x155: {  	p0 =	sne.s32 s0, $0x0;
	s0 =	rddreg [dreg:$0x3]  }
0x156: {  	s0 =	sadd.s32 @!p0 $0x100000, s0  }
0x157: {  	[sflag:s0] =	ssyncadd.tile.s32 @!p0 $0x1;
	_ =	shalt  }
.Lfunc_end2:
_tile_overlayer_lowered:
.L_overlay_start_2:
0x158: {  	(tag) =	ssettag $0x2  }
0x159: {  	s0 =	rddreg [dreg:$0x0];
	s2 =	stileid.u32  }
0x15a: {  	s1 =	rddreg [dreg:$0x1];
	p0 =	sne.s32 s2, $0x0  }
0x15b: {  	s3 =	rddreg [dreg:$0x2];
	[bflag:$0x3] =	sbarrier.arrive $0xFFFF;
	s2 =	simm.s32 @!p0 $0x1C03  }
0x15c: {  	[timem:s3], [sflag:s2] =	dma.local @!p0 [hbm:s0], s1  }
0x15d: {  	s0 =	simm.s32 @!p0 $0x3  }
0x15e: {  	_ =	swait.ge @!p0 [sflag:s0], s1  }
0x15f: {  	s1 =	ssub.s32 @!p0 $0x0, s1;
	[sflag:s0] =	ssyncset.done @!p0 $0x0  }
0x160: {  	[sflag:s0] =	ssyncadd.s32 @!p0 s1  }
0x161: {  	[bflag:$0x3] =	sbarrier.arrive $0xFFFF  }
0x162: {  	_ =	shalt  }

</sc_bundles>
